<compile_context>
chip_gen: v7x
topology: tpu7x:2x2x1
jax: 0.10.2.dev20260603
libtpu: 0.0.44.dev20260713+nightly
codegen_flags: <defaults>
</compile_context>

<pallas_src>
import functools

import jax
import jax.numpy as jnp
from jax import lax
from jax.experimental import pallas as pl
from jax.experimental.pallas import tpu as pltpu
from jax.experimental.pallas import tpu_sc as plsc

_BN_EPS = 1e-5
_NC = 2
_NS = 16
_BATCH = 128
_BROWS = 1000
_ZR = 25


def _mm_packed_body(xt_ref, xb_ref, w_ref, o_ref):
    f = w_ref.shape[1]
    o_ref[:, :f] = jnp.dot(xt_ref[...], w_ref[...],
                           preferred_element_type=jnp.float32
                           ).astype(jnp.bfloat16)
    o_ref[:, f:] = jnp.dot(xb_ref[...], w_ref[...],
                           preferred_element_type=jnp.float32
                           ).astype(jnp.bfloat16)


def _linear_packed_tc(x, W):
    M, K = x.shape
    F = W.shape[1]
    half = M // 2
    grid = half // _BROWS
    return pl.pallas_call(
        _mm_packed_body,
        grid=(grid,),
        in_specs=[
            pl.BlockSpec((_BROWS, K), lambda i: (i, 0)),
            pl.BlockSpec((_BROWS, K), lambda i, g=grid: (i + g, 0)),
            pl.BlockSpec((K, F), lambda i: (0, 0)),
        ],
        out_specs=pl.BlockSpec((_BROWS, 2 * F), lambda i: (i, 0)),
        out_shape=jax.ShapeDtypeStruct((half, 2 * F), jnp.bfloat16),
    )(x, x, W)


def _segment_sum_sc(y, eidx, n_pad, feat):
    rows_per_tile = n_pad // _NS
    nbat = eidx.shape[1]
    nw = _NC * _NS
    q, rem = divmod(nbat, nw)

    def body(y_hbm, eidx_hbm, out_hbm, src_v, dst_v, rows0_v,
             rows1_v, zbuf_v, y_sh, acc_sh, sem0, sem1, semz, semy):
        c = lax.axis_index("c")
        s = lax.axis_index("s")
        wid = s * _NC + c
        for r in range(_ZR):
            for qq in range(feat // 32):
                zbuf_v[r, pl.ds(qq * 32, 32)] = jnp.zeros((32,), jnp.bfloat16)
        base = s * rows_per_tile
        nz = rows_per_tile // _ZR
        for i in range(nz):
            pltpu.async_copy(zbuf_v, acc_sh.at[pl.ds(base + i * _ZR, _ZR)],
                             semz)
        pltpu.async_copy(y_hbm.at[pl.ds(base, rows_per_tile)],
                         y_sh.at[pl.ds(base, rows_per_tile)], semy)
        extra = (wid < rem).astype(jnp.int32)
        nb_w = q + extra
        base_b = wid * q + jnp.minimum(wid, rem)
        pltpu.async_copy(eidx_hbm.at[0, pl.ds(base_b, q)],
                         src_v.at[pl.ds(0, q)], sem0)
        pltpu.async_copy(eidx_hbm.at[1, pl.ds(base_b, q)],
                         dst_v.at[pl.ds(0, q)], sem1)

        @pl.when(extra == 1)
        def _():
            pltpu.async_copy(eidx_hbm.at[0, pl.ds(base_b + q, 1)],
                             src_v.at[pl.ds(q, 1)], sem0)
            pltpu.async_copy(eidx_hbm.at[1, pl.ds(base_b + q, 1)],
                             dst_v.at[pl.ds(q, 1)], sem1)

        for i in range(nz):
            pltpu.make_async_copy(
                zbuf_v, acc_sh.at[pl.ds(base + i * _ZR, _ZR)], semz).wait()
        pltpu.make_async_copy(
            y_hbm.at[pl.ds(base, rows_per_tile)],
            y_sh.at[pl.ds(base, rows_per_tile)], semy).wait()
        pltpu.make_async_copy(eidx_hbm.at[0, pl.ds(base_b, q)],
                              src_v.at[pl.ds(0, q)], sem0).wait()
        pltpu.make_async_copy(eidx_hbm.at[1, pl.ds(base_b, q)],
                              dst_v.at[pl.ds(0, q)], sem1).wait()

        @pl.when(extra == 1)
        def _():
            pltpu.make_async_copy(eidx_hbm.at[0, pl.ds(base_b + q, 1)],
                                  src_v.at[pl.ds(q, 1)], sem0).wait()
            pltpu.make_async_copy(eidx_hbm.at[1, pl.ds(base_b + q, 1)],
                                  dst_v.at[pl.ds(q, 1)], sem1).wait()

        plsc.subcore_barrier()

        def fire(j, buf, sem):
            pltpu.async_copy(y_sh.at[src_v.at[j]], buf, sem)

        def drain(j, buf, sem):
            pltpu.make_async_copy(y_sh.at[src_v.at[j]], buf, sem).wait()

        def scat(j, buf):
            pltpu.sync_copy(buf, acc_sh.at[dst_v.at[j]], add=True)

        def step(j, buf, sem, obuf, osem):
            @pl.when(j + 1 < nb_w)
            def _():
                fire(j + 1, obuf, osem)

            drain(j, buf, sem)
            scat(j, buf)

        fire(0, rows0_v, sem0)

        def eloop2(p, carry):
            j = 2 * p
            step(j, rows0_v, sem0, rows1_v, sem1)
            step(j + 1, rows1_v, sem1, rows0_v, sem0)
            return carry

        lax.fori_loop(0, nb_w // 2, eloop2, 0)

        @pl.when(nb_w % 2 == 1)
        def _():
            step(nb_w - 1, rows0_v, sem0, rows1_v, sem1)

        plsc.subcore_barrier()
        pltpu.sync_copy(acc_sh.at[pl.ds(base, rows_per_tile)],
                        out_hbm.at[c, pl.ds(base, rows_per_tile)])

    k = pl.kernel(
        body,
        out_type=jax.ShapeDtypeStruct((_NC, n_pad, feat), jnp.bfloat16),
        mesh=plsc.VectorSubcoreMesh(core_axis_name="c", subcore_axis_name="s"),
        scratch_types=[
            pltpu.VMEM((q + 1, _BATCH), jnp.int32),
            pltpu.VMEM((q + 1, _BATCH), jnp.int32),
            pltpu.VMEM((_BATCH, feat), jnp.bfloat16),
            pltpu.VMEM((_BATCH, feat), jnp.bfloat16),
            pltpu.VMEM((_ZR, feat), jnp.bfloat16),
            pltpu.VMEM_SHARED((n_pad, feat), jnp.bfloat16),
            pltpu.VMEM_SHARED((n_pad, feat), jnp.bfloat16),
            pltpu.SemaphoreType.DMA,
            pltpu.SemaphoreType.DMA,
            pltpu.SemaphoreType.DMA,
            pltpu.SemaphoreType.DMA,
        ],
        compiler_params=pltpu.CompilerParams(use_tc_tiling_on_sc=False),
    )
    return k(y, eidx)


def _block_packed_body(y_ref, a_ref, em_ref, b1_ref, w2_ref, b2_ref,
                       g_ref, be_ref, m1_ref, m2_ref, o_ref):
    agg = a_ref[0].astype(jnp.float32) + a_ref[1].astype(jnp.float32)
    z = em_ref[...] * y_ref[...].astype(jnp.float32) + agg + b1_ref[...]
    z = jnp.maximum(z, 0.0)
    t = jnp.dot(z, w2_ref[...], preferred_element_type=jnp.float32) + b2_ref[...]
    h = jnp.maximum(g_ref[...] * t + be_ref[...], 0.0)
    half = h.shape[0] // 2
    o_ref[...] = (jnp.dot(h[:half], m1_ref[...],
                          preferred_element_type=jnp.float32)
                  + jnp.dot(h[half:], m2_ref[...],
                            preferred_element_type=jnp.float32)
                  ).astype(jnp.bfloat16)


def _mlp_packed_tc(y, acc, em, b1, W2bd, b2, g, be, M1, M2):
    R, P = y.shape
    whole3 = lambda i: (0, 0, 0)
    one = lambda i: (0, 0)
    return pl.pallas_call(
        _block_packed_body,
        grid=(1,),
        in_specs=[
            pl.BlockSpec((R, P), one),
            pl.BlockSpec((2, R, P), whole3),
            pl.BlockSpec((1, P), one),
            pl.BlockSpec((1, P), one),
            pl.BlockSpec((P, P), one),
            pl.BlockSpec((1, P), one),
            pl.BlockSpec((1, P), one),
            pl.BlockSpec((1, P), one),
            pl.BlockSpec((P, P), one),
            pl.BlockSpec((P, P), one),
        ],
        out_specs=pl.BlockSpec((R // 2, P), one),
        out_shape=jax.ShapeDtypeStruct((R // 2, P), jnp.bfloat16),
    )(y, acc, em, b1, W2bd, b2, g, be, M1, M2)


def _final_packed_body(n_real, nf, y_ref, a_ref, em_ref, b1_ref,
                       w2_ref, b2_ref, g_ref, be_ref, o_ref):
    agg = a_ref[0].astype(jnp.float32) + a_ref[1].astype(jnp.float32)
    z = em_ref[...] * y_ref[...].astype(jnp.float32) + agg + b1_ref[...]
    z = jnp.maximum(z, 0.0)
    s = jnp.sum(z, axis=0, keepdims=True)
    s32 = (s[:, :nf] + s[:, nf:2 * nf] + s[:, 2 * nf:3 * nf]
           + s[:, 3 * nf:]) * (1.0 / n_real)
    t = jnp.dot(s32, w2_ref[...], preferred_element_type=jnp.float32)
    o_ref[...] = g_ref[...] * (t + b2_ref[...]) + be_ref[...]


def _final_packed_tc(y, acc, em, b1, W2, b2, g, be, n_real):
    R, P = y.shape
    nf = P // 4
    whole3 = lambda i: (0, 0, 0)
    one = lambda i: (0, 0)
    return pl.pallas_call(
        functools.partial(_final_packed_body, n_real, nf),
        grid=(1,),
        in_specs=[
            pl.BlockSpec((R, P), one),
            pl.BlockSpec((2, R, P), whole3),
            pl.BlockSpec((1, P), one),
            pl.BlockSpec((1, P), one),
            pl.BlockSpec((nf, nf), one),
            pl.BlockSpec((1, nf), one),
            pl.BlockSpec((1, nf), one),
            pl.BlockSpec((1, nf), one),
        ],
        out_specs=pl.BlockSpec((1, nf), one),
        out_shape=jax.ShapeDtypeStruct((1, nf), jnp.float32),
    )(y, acc, em, b1, W2, b2, g, be)


def _round_up(v, m):
    return (v + m - 1) // m * m


def kernel(x, edge_index, W1_0, b1_0, W2_0, b2_0, eps0, gamma0, beta0,
           W1_1, b1_1, W2_1, b2_1, eps1, gamma1, beta1):
    N, _ = x.shape
    H = W1_0.shape[1]
    OUT = W1_1.shape[1]
    E = edge_index.shape[1]

    assert N % 4 == 0 and (N // _NS) % _ZR == 0 and (N // 2) % _BROWS == 0
    assert E % _BATCH == 0, "edge count must divide the 128-edge batch"
    h2 = N // 2
    q4 = N // 4

    e = edge_index
    p0 = jnp.where(e < h2, 2 * e, 2 * (e - h2) + 1)
    p1 = 4 * (e % q4) + e // q4
    eidx0 = p0.reshape(2, E // _BATCH, _BATCH)
    eidx1 = p1.reshape(2, E // _BATCH, _BATCH)

    bn_scale = 1.0 / jnp.sqrt(1.0 + _BN_EPS)
    em0 = (1.0 + eps0) * jnp.ones((1, 2 * H), jnp.float32)
    em1 = (1.0 + eps1) * jnp.ones((1, 4 * OUT), jnp.float32)
    b1_0p = jnp.tile(b1_0, 2).reshape(1, 2 * H)
    b2_0p = jnp.tile(b2_0, 2).reshape(1, 2 * H)
    g0p = jnp.tile(gamma0 * bn_scale, 2).reshape(1, 2 * H)
    be0p = jnp.tile(beta0, 2).reshape(1, 2 * H)
    b1_1p = jnp.tile(b1_1, 4).reshape(1, 4 * OUT)
    g1 = (gamma1 * bn_scale).reshape(1, OUT)
    zH = jnp.zeros((H, H), jnp.float32)
    W2bd = jnp.block([[W2_0, zH], [zH, W2_0]])
    zHO = jnp.zeros((H, OUT), jnp.float32)
    M1 = jnp.block([[W1_1, zHO, zHO, zHO], [zHO, zHO, W1_1, zHO]])
    M2 = jnp.block([[zHO, W1_1, zHO, zHO], [zHO, zHO, zHO, W1_1]])

    y0p = _linear_packed_tc(x, W1_0)
    acc0 = _segment_sum_sc(jnp.reshape(y0p, (N, H)), eidx0, N, H)
    acc0p = jnp.reshape(acc0, (2, h2, 2 * H))
    y1p = _mlp_packed_tc(y0p, acc0p, em0, b1_0p, W2bd, b2_0p, g0p, be0p,
                         M1, M2)
    acc1 = _segment_sum_sc(jnp.reshape(y1p, (N, OUT)), eidx1, N, OUT)
    acc1p = jnp.reshape(acc1, (2, q4, 4 * OUT))
    return _final_packed_tc(y1p, acc1p, em1, b1_1p, W2_1,
                            b2_1.reshape(1, OUT), g1, beta1.reshape(1, OUT),
                            N)

# --- scband reference (transcript-rebuilt; emitter-appended) ---
"""Pipeline reference for scband-ginencoder-25933012533384 (READ-ONLY COPY).

The authoritative reference and input builder live on the scoring server;
editing this copy changes nothing except your own understanding.
"""

import jax, jax.numpy as jnp
import numpy as np

N = 10000
E = 320000
IN = 128
H = 64
OUT = 32
BN_EPS = 1e-5


def setup_inputs(seed: int = 0) -> dict:
    key = jax.random.key(seed)
    ks = jax.random.split(key, 20)
    x = jax.random.normal(ks[0], (N, IN), dtype=jnp.float32)
    edge_index = jax.random.randint(ks[1], (2, E), 0, N, dtype=jnp.int32)
    s = 0.05
    inp = {
        "x": x,
        "edge_index": edge_index,
        # layer 0: Linear(IN->H), Linear(H->H), eps, BatchNorm(H)
        "W1_0": jax.random.normal(ks[2], (IN, H), jnp.float32) * s,
        "b1_0": jnp.zeros((H,), jnp.float32),
        "W2_0": jax.random.normal(ks[3], (H, H), jnp.float32) * s,
        "b2_0": jnp.zeros((H,), jnp.float32),
        "eps0": jnp.zeros((), jnp.float32),
        "gamma0": jnp.ones((H,), jnp.float32),
        "beta0": jnp.zeros((H,), jnp.float32),
        # layer 1: Linear(H->OUT), Linear(OUT->OUT), eps, BatchNorm(OUT)
        "W1_1": jax.random.normal(ks[4], (H, OUT), jnp.float32) * s,
        "b1_1": jnp.zeros((OUT,), jnp.float32),
        "W2_1": jax.random.normal(ks[5], (OUT, OUT), jnp.float32) * s,
        "b2_1": jnp.zeros((OUT,), jnp.float32),
        "eps1": jnp.zeros((), jnp.float32),
        "gamma1": jnp.ones((OUT,), jnp.float32),
        "beta1": jnp.zeros((OUT,), jnp.float32),
    }
    return inp


def _gin_layer(h, src, dst, W1, b1, W2, b2, eps, gamma, beta):
    # GINConv with sum aggregation: (1+eps)*h + sum_{j in N(i)} h_j
    agg = jnp.zeros_like(h).at[dst].add(h[src])
    z = (1.0 + eps) * h + agg
    # MLP: Linear -> ReLU -> Linear
    z = jnp.maximum(jnp.dot(z, W1) + b1, 0.0)
    z = jnp.dot(z, W2) + b2
    # BatchNorm1d in eval mode (running_mean=0, running_var=1)
    z = gamma * (z - 0.0) / jnp.sqrt(1.0 + BN_EPS) + beta
    return z


def reference(x, edge_index, W1_0, b1_0, W2_0, b2_0, eps0, gamma0, beta0,
              W1_1, b1_1, W2_1, b2_1, eps1, gamma1, beta1):
    src = edge_index[0]
    dst = edge_index[1]
    h = x
    # layer 0 (+ relu, dropout is identity in eval)
    h = _gin_layer(h, src, dst, W1_0, b1_0, W2_0, b2_0, eps0, gamma0, beta0)
    h = jnp.maximum(h, 0.0)
    # layer 1 (final, no relu)
    h = _gin_layer(h, src, dst, W1_1, b1_1, W2_1, b2_1, eps1, gamma1, beta1)
    # dgl.mean_nodes over a single graph -> [1, OUT]
    return jnp.mean(h, axis=0, keepdims=True)

if __name__ == "__main__":
    import jax
    _d = setup_inputs()
    print(jax.jit(kernel)(*tuple(_d.values())))

</pallas_src>

<mosaic_0001>
#map = affine_map<(d0, d1) -> (0, 0)>
#map1 = affine_map<(d0, d1) -> (0, 0, 0)>
module attributes {stable_mosaic.version = 14 : i64} {
  func.func @body(%arg0: i32, %arg1: i32, %arg2: memref<10000x32xbf16, #tpu.memory_space<hbm>>, %arg3: memref<2x2500x128xi32, #tpu.memory_space<hbm>>, %arg4: memref<2x10000x32xbf16, #tpu.memory_space<hbm>>, %arg5: memref<79x128xi32, #tpu.memory_space<vmem>>, %arg6: memref<79x128xi32, #tpu.memory_space<vmem>>, %arg7: memref<128x32xbf16, #tpu.memory_space<vmem>>, %arg8: memref<128x32xbf16, #tpu.memory_space<vmem>>, %arg9: memref<25x32xbf16, #tpu.memory_space<vmem>>, %arg10: memref<10000x32xbf16, #tpu.memory_space<vmem_shared>>, %arg11: memref<10000x32xbf16, #tpu.memory_space<vmem_shared>>, %arg12: memref<!tpu.dma_semaphore, #tpu.memory_space<semaphore_mem>>, %arg13: memref<!tpu.dma_semaphore, #tpu.memory_space<semaphore_mem>>, %arg14: memref<!tpu.dma_semaphore, #tpu.memory_space<semaphore_mem>>, %arg15: memref<!tpu.dma_semaphore, #tpu.memory_space<semaphore_mem>>) attributes {dimension_semantics = [#tpu.dimension_semantics<core_parallel>, #tpu.dimension_semantics<subcore_parallel>], iteration_bounds = array<i64: 2, 16>, scalar_prefetch = 0 : i64, scratch_operands = 11 : i64, tpu.core_type = #tpu.core_type<sc_vector_subcore>, window_params = [{transform_indices = #map}, {transform_indices = #map1}, {transform_indices = #map1}]} {
    %mul3A = arith.constant 2 : i32
    %mul3A_0 = arith.muli %arg1, %mul3A : i32
    %add3A = arith.addi %mul3A_0, %arg0 : i32
    %broadcast_in_dim3A = arith.constant 0.000000e+00 : bf16
    %broadcast_in_dim3A_1 = vector.broadcast %broadcast_in_dim3A : bf16 to vector<32xbf16>
    %swap3A = arith.constant 0 : i32
    %swap3A_2 = arith.index_cast %swap3A : i32 to index
    %swap3A_3 = arith.constant 0 : index
    %swap3A_4 = tpu.vector_load %arg9[%swap3A_2, %swap3A_3] {strides = array<i32>} : memref<25x32xbf16, #tpu.memory_space<vmem>>, vector<1x32xbf16>,
    %swap3A_5 = vector.shape_cast %swap3A_4 : vector<1x32xbf16> to vector<32xbf16>
    %swap3A_6 = vector.shape_cast %broadcast_in_dim3A_1 : vector<32xbf16> to vector<1x32xbf16>
    tpu.vector_store %arg9[%swap3A_2, %swap3A_3], %swap3A_6 {strides = array<i32>} : memref<25x32xbf16, #tpu.memory_space<vmem>>, vector<1x32xbf16>,
    %broadcast_in_dim3A_7 = arith.constant 0.000000e+00 : bf16
    %broadcast_in_dim3A_8 = vector.broadcast %broadcast_in_dim3A_7 : bf16 to vector<32xbf16>
    %swap3A_9 = arith.constant 1 : i32
    %swap3A_10 = arith.index_cast %swap3A_9 : i32 to index
    %swap3A_11 = arith.constant 0 : index
    %swap3A_12 = tpu.vector_load %arg9[%swap3A_10, %swap3A_11] {strides = array<i32>} : memref<25x32xbf16, #tpu.memory_space<vmem>>, vector<1x32xbf16>,
    %swap3A_13 = vector.shape_cast %swap3A_12 : vector<1x32xbf16> to vector<32xbf16>
    %swap3A_14 = vector.shape_cast %broadcast_in_dim3A_8 : vector<32xbf16> to vector<1x32xbf16>
    tpu.vector_store %arg9[%swap3A_10, %swap3A_11], %swap3A_14 {strides = array<i32>} : memref<25x32xbf16, #tpu.memory_space<vmem>>, vector<1x32xbf16>,
    %broadcast_in_dim3A_15 = arith.constant 0.000000e+00 : bf16
    %broadcast_in_dim3A_16 = vector.broadcast %broadcast_in_dim3A_15 : bf16 to vector<32xbf16>
    %swap3A_17 = arith.constant 2 : i32
    %swap3A_18 = arith.index_cast %swap3A_17 : i32 to index
    %swap3A_19 = arith.constant 0 : index
    %swap3A_20 = tpu.vector_load %arg9[%swap3A_18, %swap3A_19] {strides = array<i32>} : memref<25x32xbf16, #tpu.memory_space<vmem>>, vector<1x32xbf16>,
    %swap3A_21 = vector.shape_cast %swap3A_20 : vector<1x32xbf16> to vector<32xbf16>
    %swap3A_22 = vector.shape_cast %broadcast_in_dim3A_16 : vector<32xbf16> to vector<1x32xbf16>
    tpu.vector_store %arg9[%swap3A_18, %swap3A_19], %swap3A_22 {strides = array<i32>} : memref<25x32xbf16, #tpu.memory_space<vmem>>, vector<1x32xbf16>,
    %broadcast_in_dim3A_23 = arith.constant 0.000000e+00 : bf16
    %broadcast_in_dim3A_24 = vector.broadcast %broadcast_in_dim3A_23 : bf16 to vector<32xbf16>
    %swap3A_25 = arith.constant 3 : i32
    %swap3A_26 = arith.index_cast %swap3A_25 : i32 to index
    %swap3A_27 = arith.constant 0 : index
    %swap3A_28 = tpu.vector_load %arg9[%swap3A_26, %swap3A_27] {strides = array<i32>} : memref<25x32xbf16, #tpu.memory_space<vmem>>, vector<1x32xbf16>,
    %swap3A_29 = vector.shape_cast %swap3A_28 : vector<1x32xbf16> to vector<32xbf16>
    %swap3A_30 = vector.shape_cast %broadcast_in_dim3A_24 : vector<32xbf16> to vector<1x32xbf16>
    tpu.vector_store %arg9[%swap3A_26, %swap3A_27], %swap3A_30 {strides = array<i32>} : memref<25x32xbf16, #tpu.memory_space<vmem>>, vector<1x32xbf16>,
    %broadcast_in_dim3A_31 = arith.constant 0.000000e+00 : bf16
    %broadcast_in_dim3A_32 = vector.broadcast %broadcast_in_dim3A_31 : bf16 to vector<32xbf16>
    %swap3A_33 = arith.constant 4 : i32
    %swap3A_34 = arith.index_cast %swap3A_33 : i32 to index
    %swap3A_35 = arith.constant 0 : index
    %swap3A_36 = tpu.vector_load %arg9[%swap3A_34, %swap3A_35] {strides = array<i32>} : memref<25x32xbf16, #tpu.memory_space<vmem>>, vector<1x32xbf16>,
    %swap3A_37 = vector.shape_cast %swap3A_36 : vector<1x32xbf16> to vector<32xbf16>
    %swap3A_38 = vector.shape_cast %broadcast_in_dim3A_32 : vector<32xbf16> to vector<1x32xbf16>
    tpu.vector_store %arg9[%swap3A_34, %swap3A_35], %swap3A_38 {strides = array<i32>} : memref<25x32xbf16, #tpu.memory_space<vmem>>, vector<1x32xbf16>,
    %broadcast_in_dim3A_39 = arith.constant 0.000000e+00 : bf16
    %broadcast_in_dim3A_40 = vector.broadcast %broadcast_in_dim3A_39 : bf16 to vector<32xbf16>
    %swap3A_41 = arith.constant 5 : i32
    %swap3A_42 = arith.index_cast %swap3A_41 : i32 to index
    %swap3A_43 = arith.constant 0 : index
    %swap3A_44 = tpu.vector_load %arg9[%swap3A_42, %swap3A_43] {strides = array<i32>} : memref<25x32xbf16, #tpu.memory_space<vmem>>, vector<1x32xbf16>,
    %swap3A_45 = vector.shape_cast %swap3A_44 : vector<1x32xbf16> to vector<32xbf16>
    %swap3A_46 = vector.shape_cast %broadcast_in_dim3A_40 : vector<32xbf16> to vector<1x32xbf16>
    tpu.vector_store %arg9[%swap3A_42, %swap3A_43], %swap3A_46 {strides = array<i32>} : memref<25x32xbf16, #tpu.memory_space<vmem>>, vector<1x32xbf16>,
    %broadcast_in_dim3A_47 = arith.constant 0.000000e+00 : bf16
    %broadcast_in_dim3A_48 = vector.broadcast %broadcast_in_dim3A_47 : bf16 to vector<32xbf16>
    %swap3A_49 = arith.constant 6 : i32
    %swap3A_50 = arith.index_cast %swap3A_49 : i32 to index
    %swap3A_51 = arith.constant 0 : index
    %swap3A_52 = tpu.vector_load %arg9[%swap3A_50, %swap3A_51] {strides = array<i32>} : memref<25x32xbf16, #tpu.memory_space<vmem>>, vector<1x32xbf16>,
    %swap3A_53 = vector.shape_cast %swap3A_52 : vector<1x32xbf16> to vector<32xbf16>
    %swap3A_54 = vector.shape_cast %broadcast_in_dim3A_48 : vector<32xbf16> to vector<1x32xbf16>
    tpu.vector_store %arg9[%swap3A_50, %swap3A_51], %swap3A_54 {strides = array<i32>} : memref<25x32xbf16, #tpu.memory_space<vmem>>, vector<1x32xbf16>,
    %broadcast_in_dim3A_55 = arith.constant 0.000000e+00 : bf16
    %broadcast_in_dim3A_56 = vector.broadcast %broadcast_in_dim3A_55 : bf16 to vector<32xbf16>
    %swap3A_57 = arith.constant 7 : i32
    %swap3A_58 = arith.index_cast %swap3A_57 : i32 to index
    %swap3A_59 = arith.constant 0 : index
    %swap3A_60 = tpu.vector_load %arg9[%swap3A_58, %swap3A_59] {strides = array<i32>} : memref<25x32xbf16, #tpu.memory_space<vmem>>, vector<1x32xbf16>,
    %swap3A_61 = vector.shape_cast %swap3A_60 : vector<1x32xbf16> to vector<32xbf16>
    %swap3A_62 = vector.shape_cast %broadcast_in_dim3A_56 : vector<32xbf16> to vector<1x32xbf16>
    tpu.vector_store %arg9[%swap3A_58, %swap3A_59], %swap3A_62 {strides = array<i32>} : memref<25x32xbf16, #tpu.memory_space<vmem>>, vector<1x32xbf16>,
    %broadcast_in_dim3A_63 = arith.constant 0.000000e+00 : bf16
    %broadcast_in_dim3A_64 = vector.broadcast %broadcast_in_dim3A_63 : bf16 to vector<32xbf16>
    %swap3A_65 = arith.constant 8 : i32
    %swap3A_66 = arith.index_cast %swap3A_65 : i32 to index
    %swap3A_67 = arith.constant 0 : index
    %swap3A_68 = tpu.vector_load %arg9[%swap3A_66, %swap3A_67] {strides = array<i32>} : memref<25x32xbf16, #tpu.memory_space<vmem>>, vector<1x32xbf16>,
    %swap3A_69 = vector.shape_cast %swap3A_68 : vector<1x32xbf16> to vector<32xbf16>
    %swap3A_70 = vector.shape_cast %broadcast_in_dim3A_64 : vector<32xbf16> to vector<1x32xbf16>
    tpu.vector_store %arg9[%swap3A_66, %swap3A_67], %swap3A_70 {strides = array<i32>} : memref<25x32xbf16, #tpu.memory_space<vmem>>, vector<1x32xbf16>,
    %broadcast_in_dim3A_71 = arith.constant 0.000000e+00 : bf16
    %broadcast_in_dim3A_72 = vector.broadcast %broadcast_in_dim3A_71 : bf16 to vector<32xbf16>
    %swap3A_73 = arith.constant 9 : i32
    %swap3A_74 = arith.index_cast %swap3A_73 : i32 to index
    %swap3A_75 = arith.constant 0 : index
    %swap3A_76 = tpu.vector_load %arg9[%swap3A_74, %swap3A_75] {strides = array<i32>} : memref<25x32xbf16, #tpu.memory_space<vmem>>, vector<1x32xbf16>,
    %swap3A_77 = vector.shape_cast %swap3A_76 : vector<1x32xbf16> to vector<32xbf16>
    %swap3A_78 = vector.shape_cast %broadcast_in_dim3A_72 : vector<32xbf16> to vector<1x32xbf16>
    tpu.vector_store %arg9[%swap3A_74, %swap3A_75], %swap3A_78 {strides = array<i32>} : memref<25x32xbf16, #tpu.memory_space<vmem>>, vector<1x32xbf16>,
    %broadcast_in_dim3A_79 = arith.constant 0.000000e+00 : bf16
    %broadcast_in_dim3A_80 = vector.broadcast %broadcast_in_dim3A_79 : bf16 to vector<32xbf16>
    %swap3A_81 = arith.constant 10 : i32
    %swap3A_82 = arith.index_cast %swap3A_81 : i32 to index
    %swap3A_83 = arith.constant 0 : index
    %swap3A_84 = tpu.vector_load %arg9[%swap3A_82, %swap3A_83] {strides = array<i32>} : memref<25x32xbf16, #tpu.memory_space<vmem>>, vector<1x32xbf16>,
    %swap3A_85 = vector.shape_cast %swap3A_84 : vector<1x32xbf16> to vector<32xbf16>
    %swap3A_86 = vector.shape_cast %broadcast_in_dim3A_80 : vector<32xbf16> to vector<1x32xbf16>
    tpu.vector_store %arg9[%swap3A_82, %swap3A_83], %swap3A_86 {strides = array<i32>} : memref<25x32xbf16, #tpu.memory_space<vmem>>, vector<1x32xbf16>,
    %broadcast_in_dim3A_87 = arith.constant 0.000000e+00 : bf16
    %broadcast_in_dim3A_88 = vector.broadcast %broadcast_in_dim3A_87 : bf16 to vector<32xbf16>
    %swap3A_89 = arith.constant 11 : i32
    %swap3A_90 = arith.index_cast %swap3A_89 : i32 to index
    %swap3A_91 = arith.constant 0 : index
    %swap3A_92 = tpu.vector_load %arg9[%swap3A_90, %swap3A_91] {strides = array<i32>} : memref<25x32xbf16, #tpu.memory_space<vmem>>, vector<1x32xbf16>,
    %swap3A_93 = vector.shape_cast %swap3A_92 : vector<1x32xbf16> to vector<32xbf16>
    %swap3A_94 = vector.shape_cast %broadcast_in_dim3A_88 : vector<32xbf16> to vector<1x32xbf16>
    tpu.vector_store %arg9[%swap3A_90, %swap3A_91], %swap3A_94 {strides = array<i32>} : memref<25x32xbf16, #tpu.memory_space<vmem>>, vector<1x32xbf16>,
    %broadcast_in_dim3A_95 = arith.constant 0.000000e+00 : bf16
    %broadcast_in_dim3A_96 = vector.broadcast %broadcast_in_dim3A_95 : bf16 to vector<32xbf16>
    %swap3A_97 = arith.constant 12 : i32
    %swap3A_98 = arith.index_cast %swap3A_97 : i32 to index
    %swap3A_99 = arith.constant 0 : index
    %swap3A_100 = tpu.vector_load %arg9[%swap3A_98, %swap3A_99] {strides = array<i32>} : memref<25x32xbf16, #tpu.memory_space<vmem>>, vector<1x32xbf16>,
    %swap3A_101 = vector.shape_cast %swap3A_100 : vector<1x32xbf16> to vector<32xbf16>
    %swap3A_102 = vector.shape_cast %broadcast_in_dim3A_96 : vector<32xbf16> to vector<1x32xbf16>
    tpu.vector_store %arg9[%swap3A_98, %swap3A_99], %swap3A_102 {strides = array<i32>} : memref<25x32xbf16, #tpu.memory_space<vmem>>, vector<1x32xbf16>,
    %broadcast_in_dim3A_103 = arith.constant 0.000000e+00 : bf16
    %broadcast_in_dim3A_104 = vector.broadcast %broadcast_in_dim3A_103 : bf16 to vector<32xbf16>
    %swap3A_105 = arith.constant 13 : i32
    %swap3A_106 = arith.index_cast %swap3A_105 : i32 to index
    %swap3A_107 = arith.constant 0 : index
    %swap3A_108 = tpu.vector_load %arg9[%swap3A_106, %swap3A_107] {strides = array<i32>} : memref<25x32xbf16, #tpu.memory_space<vmem>>, vector<1x32xbf16>,
    %swap3A_109 = vector.shape_cast %swap3A_108 : vector<1x32xbf16> to vector<32xbf16>
    %swap3A_110 = vector.shape_cast %broadcast_in_dim3A_104 : vector<32xbf16> to vector<1x32xbf16>
    tpu.vector_store %arg9[%swap3A_106, %swap3A_107], %swap3A_110 {strides = array<i32>} : memref<25x32xbf16, #tpu.memory_space<vmem>>, vector<1x32xbf16>,
    %broadcast_in_dim3A_111 = arith.constant 0.000000e+00 : bf16
    %broadcast_in_dim3A_112 = vector.broadcast %broadcast_in_dim3A_111 : bf16 to vector<32xbf16>
    %swap3A_113 = arith.constant 14 : i32
    %swap3A_114 = arith.index_cast %swap3A_113 : i32 to index
    %swap3A_115 = arith.constant 0 : index
    %swap3A_116 = tpu.vector_load %arg9[%swap3A_114, %swap3A_115] {strides = array<i32>} : memref<25x32xbf16, #tpu.memory_space<vmem>>, vector<1x32xbf16>,
    %swap3A_117 = vector.shape_cast %swap3A_116 : vector<1x32xbf16> to vector<32xbf16>
    %swap3A_118 = vector.shape_cast %broadcast_in_dim3A_112 : vector<32xbf16> to vector<1x32xbf16>
    tpu.vector_store %arg9[%swap3A_114, %swap3A_115], %swap3A_118 {strides = array<i32>} : memref<25x32xbf16, #tpu.memory_space<vmem>>, vector<1x32xbf16>,
    %broadcast_in_dim3A_119 = arith.constant 0.000000e+00 : bf16
    %broadcast_in_dim3A_120 = vector.broadcast %broadcast_in_dim3A_119 : bf16 to vector<32xbf16>
    %swap3A_121 = arith.constant 15 : i32
    %swap3A_122 = arith.index_cast %swap3A_121 : i32 to index
    %swap3A_123 = arith.constant 0 : index
    %swap3A_124 = tpu.vector_load %arg9[%swap3A_122, %swap3A_123] {strides = array<i32>} : memref<25x32xbf16, #tpu.memory_space<vmem>>, vector<1x32xbf16>,
    %swap3A_125 = vector.shape_cast %swap3A_124 : vector<1x32xbf16> to vector<32xbf16>
    %swap3A_126 = vector.shape_cast %broadcast_in_dim3A_120 : vector<32xbf16> to vector<1x32xbf16>
    tpu.vector_store %arg9[%swap3A_122, %swap3A_123], %swap3A_126 {strides = array<i32>} : memref<25x32xbf16, #tpu.memory_space<vmem>>, vector<1x32xbf16>,
    %broadcast_in_dim3A_127 = arith.constant 0.000000e+00 : bf16
    %broadcast_in_dim3A_128 = vector.broadcast %broadcast_in_dim3A_127 : bf16 to vector<32xbf16>
    %swap3A_129 = arith.constant 16 : i32
    %swap3A_130 = arith.index_cast %swap3A_129 : i32 to index
    %swap3A_131 = arith.constant 0 : index
    %swap3A_132 = tpu.vector_load %arg9[%swap3A_130, %swap3A_131] {strides = array<i32>} : memref<25x32xbf16, #tpu.memory_space<vmem>>, vector<1x32xbf16>,
    %swap3A_133 = vector.shape_cast %swap3A_132 : vector<1x32xbf16> to vector<32xbf16>
    %swap3A_134 = vector.shape_cast %broadcast_in_dim3A_128 : vector<32xbf16> to vector<1x32xbf16>
    tpu.vector_store %arg9[%swap3A_130, %swap3A_131], %swap3A_134 {strides = array<i32>} : memref<25x32xbf16, #tpu.memory_space<vmem>>, vector<1x32xbf16>,
    %broadcast_in_dim3A_135 = arith.constant 0.000000e+00 : bf16
    %broadcast_in_dim3A_136 = vector.broadcast %broadcast_in_dim3A_135 : bf16 to vector<32xbf16>
    %swap3A_137 = arith.constant 17 : i32
    %swap3A_138 = arith.index_cast %swap3A_137 : i32 to index
    %swap3A_139 = arith.constant 0 : index
    %swap3A_140 = tpu.vector_load %arg9[%swap3A_138, %swap3A_139] {strides = array<i32>} : memref<25x32xbf16, #tpu.memory_space<vmem>>, vector<1x32xbf16>,
    %swap3A_141 = vector.shape_cast %swap3A_140 : vector<1x32xbf16> to vector<32xbf16>
    %swap3A_142 = vector.shape_cast %broadcast_in_dim3A_136 : vector<32xbf16> to vector<1x32xbf16>
    tpu.vector_store %arg9[%swap3A_138, %swap3A_139], %swap3A_142 {strides = array<i32>} : memref<25x32xbf16, #tpu.memory_space<vmem>>, vector<1x32xbf16>,
    %broadcast_in_dim3A_143 = arith.constant 0.000000e+00 : bf16
    %broadcast_in_dim3A_144 = vector.broadcast %broadcast_in_dim3A_143 : bf16 to vector<32xbf16>
    %swap3A_145 = arith.constant 18 : i32
    %swap3A_146 = arith.index_cast %swap3A_145 : i32 to index
    %swap3A_147 = arith.constant 0 : index
    %swap3A_148 = tpu.vector_load %arg9[%swap3A_146, %swap3A_147] {strides = array<i32>} : memref<25x32xbf16, #tpu.memory_space<vmem>>, vector<1x32xbf16>,
    %swap3A_149 = vector.shape_cast %swap3A_148 : vector<1x32xbf16> to vector<32xbf16>
    %swap3A_150 = vector.shape_cast %broadcast_in_dim3A_144 : vector<32xbf16> to vector<1x32xbf16>
    tpu.vector_store %arg9[%swap3A_146, %swap3A_147], %swap3A_150 {strides = array<i32>} : memref<25x32xbf16, #tpu.memory_space<vmem>>, vector<1x32xbf16>,
    %broadcast_in_dim3A_151 = arith.constant 0.000000e+00 : bf16
    %broadcast_in_dim3A_152 = vector.broadcast %broadcast_in_dim3A_151 : bf16 to vector<32xbf16>
    %swap3A_153 = arith.constant 19 : i32
    %swap3A_154 = arith.index_cast %swap3A_153 : i32 to index
    %swap3A_155 = arith.constant 0 : index
    %swap3A_156 = tpu.vector_load %arg9[%swap3A_154, %swap3A_155] {strides = array<i32>} : memref<25x32xbf16, #tpu.memory_space<vmem>>, vector<1x32xbf16>,
    %swap3A_157 = vector.shape_cast %swap3A_156 : vector<1x32xbf16> to vector<32xbf16>
    %swap3A_158 = vector.shape_cast %broadcast_in_dim3A_152 : vector<32xbf16> to vector<1x32xbf16>
    tpu.vector_store %arg9[%swap3A_154, %swap3A_155], %swap3A_158 {strides = array<i32>} : memref<25x32xbf16, #tpu.memory_space<vmem>>, vector<1x32xbf16>,
    %broadcast_in_dim3A_159 = arith.constant 0.000000e+00 : bf16
    %broadcast_in_dim3A_160 = vector.broadcast %broadcast_in_dim3A_159 : bf16 to vector<32xbf16>
    %swap3A_161 = arith.constant 20 : i32
    %swap3A_162 = arith.index_cast %swap3A_161 : i32 to index
    %swap3A_163 = arith.constant 0 : index
    %swap3A_164 = tpu.vector_load %arg9[%swap3A_162, %swap3A_163] {strides = array<i32>} : memref<25x32xbf16, #tpu.memory_space<vmem>>, vector<1x32xbf16>,
    %swap3A_165 = vector.shape_cast %swap3A_164 : vector<1x32xbf16> to vector<32xbf16>
    %swap3A_166 = vector.shape_cast %broadcast_in_dim3A_160 : vector<32xbf16> to vector<1x32xbf16>
    tpu.vector_store %arg9[%swap3A_162, %swap3A_163], %swap3A_166 {strides = array<i32>} : memref<25x32xbf16, #tpu.memory_space<vmem>>, vector<1x32xbf16>,
    %broadcast_in_dim3A_167 = arith.constant 0.000000e+00 : bf16
    %broadcast_in_dim3A_168 = vector.broadcast %broadcast_in_dim3A_167 : bf16 to vector<32xbf16>
    %swap3A_169 = arith.constant 21 : i32
    %swap3A_170 = arith.index_cast %swap3A_169 : i32 to index
    %swap3A_171 = arith.constant 0 : index
    %swap3A_172 = tpu.vector_load %arg9[%swap3A_170, %swap3A_171] {strides = array<i32>} : memref<25x32xbf16, #tpu.memory_space<vmem>>, vector<1x32xbf16>,
    %swap3A_173 = vector.shape_cast %swap3A_172 : vector<1x32xbf16> to vector<32xbf16>
    %swap3A_174 = vector.shape_cast %broadcast_in_dim3A_168 : vector<32xbf16> to vector<1x32xbf16>
    tpu.vector_store %arg9[%swap3A_170, %swap3A_171], %swap3A_174 {strides = array<i32>} : memref<25x32xbf16, #tpu.memory_space<vmem>>, vector<1x32xbf16>,
    %broadcast_in_dim3A_175 = arith.constant 0.000000e+00 : bf16
    %broadcast_in_dim3A_176 = vector.broadcast %broadcast_in_dim3A_175 : bf16 to vector<32xbf16>
    %swap3A_177 = arith.constant 22 : i32
    %swap3A_178 = arith.index_cast %swap3A_177 : i32 to index
    %swap3A_179 = arith.constant 0 : index
    %swap3A_180 = tpu.vector_load %arg9[%swap3A_178, %swap3A_179] {strides = array<i32>} : memref<25x32xbf16, #tpu.memory_space<vmem>>, vector<1x32xbf16>,
    %swap3A_181 = vector.shape_cast %swap3A_180 : vector<1x32xbf16> to vector<32xbf16>
    %swap3A_182 = vector.shape_cast %broadcast_in_dim3A_176 : vector<32xbf16> to vector<1x32xbf16>
    tpu.vector_store %arg9[%swap3A_178, %swap3A_179], %swap3A_182 {strides = array<i32>} : memref<25x32xbf16, #tpu.memory_space<vmem>>, vector<1x32xbf16>,
    %broadcast_in_dim3A_183 = arith.constant 0.000000e+00 : bf16
    %broadcast_in_dim3A_184 = vector.broadcast %broadcast_in_dim3A_183 : bf16 to vector<32xbf16>
    %swap3A_185 = arith.constant 23 : i32
    %swap3A_186 = arith.index_cast %swap3A_185 : i32 to index
    %swap3A_187 = arith.constant 0 : index
    %swap3A_188 = tpu.vector_load %arg9[%swap3A_186, %swap3A_187] {strides = array<i32>} : memref<25x32xbf16, #tpu.memory_space<vmem>>, vector<1x32xbf16>,
    %swap3A_189 = vector.shape_cast %swap3A_188 : vector<1x32xbf16> to vector<32xbf16>
    %swap3A_190 = vector.shape_cast %broadcast_in_dim3A_184 : vector<32xbf16> to vector<1x32xbf16>
    tpu.vector_store %arg9[%swap3A_186, %swap3A_187], %swap3A_190 {strides = array<i32>} : memref<25x32xbf16, #tpu.memory_space<vmem>>, vector<1x32xbf16>,
    %broadcast_in_dim3A_191 = arith.constant 0.000000e+00 : bf16
    %broadcast_in_dim3A_192 = vector.broadcast %broadcast_in_dim3A_191 : bf16 to vector<32xbf16>
    %swap3A_193 = arith.constant 24 : i32
    %swap3A_194 = arith.index_cast %swap3A_193 : i32 to index
    %swap3A_195 = arith.constant 0 : index
    %swap3A_196 = tpu.vector_load %arg9[%swap3A_194, %swap3A_195] {strides = array<i32>} : memref<25x32xbf16, #tpu.memory_space<vmem>>, vector<1x32xbf16>,
    %swap3A_197 = vector.shape_cast %swap3A_196 : vector<1x32xbf16> to vector<32xbf16>
    %swap3A_198 = vector.shape_cast %broadcast_in_dim3A_192 : vector<32xbf16> to vector<1x32xbf16>
    tpu.vector_store %arg9[%swap3A_194, %swap3A_195], %swap3A_198 {strides = array<i32>} : memref<25x32xbf16, #tpu.memory_space<vmem>>, vector<1x32xbf16>,
    %mul3A_199 = arith.constant 625 : i32
    %mul3A_200 = arith.muli %arg1, %mul3A_199 : i32
    %add3A_201 = arith.constant 0 : i32
    %add3A_202 = arith.addi %mul3A_200, %add3A_201 : i32
    %dma_start3A = arith.constant 0 : i32
    %dma_start3A_203 = tpu.memref_slice %arg11[%add3A_202, %dma_start3A] : memref<10000x32xbf16, #tpu.memory_space<vmem_shared>> -> memref<25x32xbf16, #tpu.memory_space<vmem_shared>>
    %dma_start3A_204 = arith.constant 0 : i32
    %dma_start3A_205 = tpu.memref_slice %arg11[%add3A_202, %dma_start3A_204] : memref<10000x32xbf16, #tpu.memory_space<vmem_shared>> -> memref<25x32xbf16, #tpu.memory_space<vmem_shared>>
    tpu.enqueue_dma source(%arg9 : memref<25x32xbf16, #tpu.memory_space<vmem>>) target(%dma_start3A_205 : memref<25x32xbf16, #tpu.memory_space<vmem_shared>>) target_semaphore(%arg14 : memref<!tpu.dma_semaphore, #tpu.memory_space<semaphore_mem>>)
    %add3A_206 = arith.constant 25 : i32
    %add3A_207 = arith.addi %mul3A_200, %add3A_206 : i32
    %dma_start3A_208 = arith.constant 0 : i32
    %dma_start3A_209 = tpu.memref_slice %arg11[%add3A_207, %dma_start3A_208] : memref<10000x32xbf16, #tpu.memory_space<vmem_shared>> -> memref<25x32xbf16, #tpu.memory_space<vmem_shared>>
    %dma_start3A_210 = arith.constant 0 : i32
    %dma_start3A_211 = tpu.memref_slice %arg11[%add3A_207, %dma_start3A_210] : memref<10000x32xbf16, #tpu.memory_space<vmem_shared>> -> memref<25x32xbf16, #tpu.memory_space<vmem_shared>>
    tpu.enqueue_dma source(%arg9 : memref<25x32xbf16, #tpu.memory_space<vmem>>) target(%dma_start3A_211 : memref<25x32xbf16, #tpu.memory_space<vmem_shared>>) target_semaphore(%arg14 : memref<!tpu.dma_semaphore, #tpu.memory_space<semaphore_mem>>)
    %add3A_212 = arith.constant 50 : i32
    %add3A_213 = arith.addi %mul3A_200, %add3A_212 : i32
    %dma_start3A_214 = arith.constant 0 : i32
    %dma_start3A_215 = tpu.memref_slice %arg11[%add3A_213, %dma_start3A_214] : memref<10000x32xbf16, #tpu.memory_space<vmem_shared>> -> memref<25x32xbf16, #tpu.memory_space<vmem_shared>>
    %dma_start3A_216 = arith.constant 0 : i32
    %dma_start3A_217 = tpu.memref_slice %arg11[%add3A_213, %dma_start3A_216] : memref<10000x32xbf16, #tpu.memory_space<vmem_shared>> -> memref<25x32xbf16, #tpu.memory_space<vmem_shared>>
    tpu.enqueue_dma source(%arg9 : memref<25x32xbf16, #tpu.memory_space<vmem>>) target(%dma_start3A_217 : memref<25x32xbf16, #tpu.memory_space<vmem_shared>>) target_semaphore(%arg14 : memref<!tpu.dma_semaphore, #tpu.memory_space<semaphore_mem>>)
    %add3A_218 = arith.constant 75 : i32
    %add3A_219 = arith.addi %mul3A_200, %add3A_218 : i32
    %dma_start3A_220 = arith.constant 0 : i32
    %dma_start3A_221 = tpu.memref_slice %arg11[%add3A_219, %dma_start3A_220] : memref<10000x32xbf16, #tpu.memory_space<vmem_shared>> -> memref<25x32xbf16, #tpu.memory_space<vmem_shared>>
    %dma_start3A_222 = arith.constant 0 : i32
    %dma_start3A_223 = tpu.memref_slice %arg11[%add3A_219, %dma_start3A_222] : memref<10000x32xbf16, #tpu.memory_space<vmem_shared>> -> memref<25x32xbf16, #tpu.memory_space<vmem_shared>>
    tpu.enqueue_dma source(%arg9 : memref<25x32xbf16, #tpu.memory_space<vmem>>) target(%dma_start3A_223 : memref<25x32xbf16, #tpu.memory_space<vmem_shared>>) target_semaphore(%arg14 : memref<!tpu.dma_semaphore, #tpu.memory_space<semaphore_mem>>)
    %add3A_224 = arith.constant 100 : i32
    %add3A_225 = arith.addi %mul3A_200, %add3A_224 : i32
    %dma_start3A_226 = arith.constant 0 : i32
    %dma_start3A_227 = tpu.memref_slice %arg11[%add3A_225, %dma_start3A_226] : memref<10000x32xbf16, #tpu.memory_space<vmem_shared>> -> memref<25x32xbf16, #tpu.memory_space<vmem_shared>>
    %dma_start3A_228 = arith.constant 0 : i32
    %dma_start3A_229 = tpu.memref_slice %arg11[%add3A_225, %dma_start3A_228] : memref<10000x32xbf16, #tpu.memory_space<vmem_shared>> -> memref<25x32xbf16, #tpu.memory_space<vmem_shared>>
    tpu.enqueue_dma source(%arg9 : memref<25x32xbf16, #tpu.memory_space<vmem>>) target(%dma_start3A_229 : memref<25x32xbf16, #tpu.memory_space<vmem_shared>>) target_semaphore(%arg14 : memref<!tpu.dma_semaphore, #tpu.memory_space<semaphore_mem>>)
    %add3A_230 = arith.constant 125 : i32
    %add3A_231 = arith.addi %mul3A_200, %add3A_230 : i32
    %dma_start3A_232 = arith.constant 0 : i32
    %dma_start3A_233 = tpu.memref_slice %arg11[%add3A_231, %dma_start3A_232] : memref<10000x32xbf16, #tpu.memory_space<vmem_shared>> -> memref<25x32xbf16, #tpu.memory_space<vmem_shared>>
    %dma_start3A_234 = arith.constant 0 : i32
    %dma_start3A_235 = tpu.memref_slice %arg11[%add3A_231, %dma_start3A_234] : memref<10000x32xbf16, #tpu.memory_space<vmem_shared>> -> memref<25x32xbf16, #tpu.memory_space<vmem_shared>>
    tpu.enqueue_dma source(%arg9 : memref<25x32xbf16, #tpu.memory_space<vmem>>) target(%dma_start3A_235 : memref<25x32xbf16, #tpu.memory_space<vmem_shared>>) target_semaphore(%arg14 : memref<!tpu.dma_semaphore, #tpu.memory_space<semaphore_mem>>)
    %add3A_236 = arith.constant 150 : i32
    %add3A_237 = arith.addi %mul3A_200, %add3A_236 : i32
    %dma_start3A_238 = arith.constant 0 : i32
    %dma_start3A_239 = tpu.memref_slice %arg11[%add3A_237, %dma_start3A_238] : memref<10000x32xbf16, #tpu.memory_space<vmem_shared>> -> memref<25x32xbf16, #tpu.memory_space<vmem_shared>>
    %dma_start3A_240 = arith.constant 0 : i32
    %dma_start3A_241 = tpu.memref_slice %arg11[%add3A_237, %dma_start3A_240] : memref<10000x32xbf16, #tpu.memory_space<vmem_shared>> -> memref<25x32xbf16, #tpu.memory_space<vmem_shared>>
    tpu.enqueue_dma source(%arg9 : memref<25x32xbf16, #tpu.memory_space<vmem>>) target(%dma_start3A_241 : memref<25x32xbf16, #tpu.memory_space<vmem_shared>>) target_semaphore(%arg14 : memref<!tpu.dma_semaphore, #tpu.memory_space<semaphore_mem>>)
    %add3A_242 = arith.constant 175 : i32
    %add3A_243 = arith.addi %mul3A_200, %add3A_242 : i32
    %dma_start3A_244 = arith.constant 0 : i32
    %dma_start3A_245 = tpu.memref_slice %arg11[%add3A_243, %dma_start3A_244] : memref<10000x32xbf16, #tpu.memory_space<vmem_shared>> -> memref<25x32xbf16, #tpu.memory_space<vmem_shared>>
    %dma_start3A_246 = arith.constant 0 : i32
    %dma_start3A_247 = tpu.memref_slice %arg11[%add3A_243, %dma_start3A_246] : memref<10000x32xbf16, #tpu.memory_space<vmem_shared>> -> memref<25x32xbf16, #tpu.memory_space<vmem_shared>>
    tpu.enqueue_dma source(%arg9 : memref<25x32xbf16, #tpu.memory_space<vmem>>) target(%dma_start3A_247 : memref<25x32xbf16, #tpu.memory_space<vmem_shared>>) target_semaphore(%arg14 : memref<!tpu.dma_semaphore, #tpu.memory_space<semaphore_mem>>)
    %add3A_248 = arith.constant 200 : i32
    %add3A_249 = arith.addi %mul3A_200, %add3A_248 : i32
    %dma_start3A_250 = arith.constant 0 : i32
    %dma_start3A_251 = tpu.memref_slice %arg11[%add3A_249, %dma_start3A_250] : memref<10000x32xbf16, #tpu.memory_space<vmem_shared>> -> memref<25x32xbf16, #tpu.memory_space<vmem_shared>>
    %dma_start3A_252 = arith.constant 0 : i32
    %dma_start3A_253 = tpu.memref_slice %arg11[%add3A_249, %dma_start3A_252] : memref<10000x32xbf16, #tpu.memory_space<vmem_shared>> -> memref<25x32xbf16, #tpu.memory_space<vmem_shared>>
    tpu.enqueue_dma source(%arg9 : memref<25x32xbf16, #tpu.memory_space<vmem>>) target(%dma_start3A_253 : memref<25x32xbf16, #tpu.memory_space<vmem_shared>>) target_semaphore(%arg14 : memref<!tpu.dma_semaphore, #tpu.memory_space<semaphore_mem>>)
    %add3A_254 = arith.constant 225 : i32
    %add3A_255 = arith.addi %mul3A_200, %add3A_254 : i32
    %dma_start3A_256 = arith.constant 0 : i32
    %dma_start3A_257 = tpu.memref_slice %arg11[%add3A_255, %dma_start3A_256] : memref<10000x32xbf16, #tpu.memory_space<vmem_shared>> -> memref<25x32xbf16, #tpu.memory_space<vmem_shared>>
    %dma_start3A_258 = arith.constant 0 : i32
    %dma_start3A_259 = tpu.memref_slice %arg11[%add3A_255, %dma_start3A_258] : memref<10000x32xbf16, #tpu.memory_space<vmem_shared>> -> memref<25x32xbf16, #tpu.memory_space<vmem_shared>>
    tpu.enqueue_dma source(%arg9 : memref<25x32xbf16, #tpu.memory_space<vmem>>) target(%dma_start3A_259 : memref<25x32xbf16, #tpu.memory_space<vmem_shared>>) target_semaphore(%arg14 : memref<!tpu.dma_semaphore, #tpu.memory_space<semaphore_mem>>)
    %add3A_260 = arith.constant 250 : i32
    %add3A_261 = arith.addi %mul3A_200, %add3A_260 : i32
    %dma_start3A_262 = arith.constant 0 : i32
    %dma_start3A_263 = tpu.memref_slice %arg11[%add3A_261, %dma_start3A_262] : memref<10000x32xbf16, #tpu.memory_space<vmem_shared>> -> memref<25x32xbf16, #tpu.memory_space<vmem_shared>>
    %dma_start3A_264 = arith.constant 0 : i32
    %dma_start3A_265 = tpu.memref_slice %arg11[%add3A_261, %dma_start3A_264] : memref<10000x32xbf16, #tpu.memory_space<vmem_shared>> -> memref<25x32xbf16, #tpu.memory_space<vmem_shared>>
    tpu.enqueue_dma source(%arg9 : memref<25x32xbf16, #tpu.memory_space<vmem>>) target(%dma_start3A_265 : memref<25x32xbf16, #tpu.memory_space<vmem_shared>>) target_semaphore(%arg14 : memref<!tpu.dma_semaphore, #tpu.memory_space<semaphore_mem>>)
    %add3A_266 = arith.constant 275 : i32
    %add3A_267 = arith.addi %mul3A_200, %add3A_266 : i32
    %dma_start3A_268 = arith.constant 0 : i32
    %dma_start3A_269 = tpu.memref_slice %arg11[%add3A_267, %dma_start3A_268] : memref<10000x32xbf16, #tpu.memory_space<vmem_shared>> -> memref<25x32xbf16, #tpu.memory_space<vmem_shared>>
    %dma_start3A_270 = arith.constant 0 : i32
    %dma_start3A_271 = tpu.memref_slice %arg11[%add3A_267, %dma_start3A_270] : memref<10000x32xbf16, #tpu.memory_space<vmem_shared>> -> memref<25x32xbf16, #tpu.memory_space<vmem_shared>>
    tpu.enqueue_dma source(%arg9 : memref<25x32xbf16, #tpu.memory_space<vmem>>) target(%dma_start3A_271 : memref<25x32xbf16, #tpu.memory_space<vmem_shared>>) target_semaphore(%arg14 : memref<!tpu.dma_semaphore, #tpu.memory_space<semaphore_mem>>)
    %add3A_272 = arith.constant 300 : i32
    %add3A_273 = arith.addi %mul3A_200, %add3A_272 : i32
    %dma_start3A_274 = arith.constant 0 : i32
    %dma_start3A_275 = tpu.memref_slice %arg11[%add3A_273, %dma_start3A_274] : memref<10000x32xbf16, #tpu.memory_space<vmem_shared>> -> memref<25x32xbf16, #tpu.memory_space<vmem_shared>>
    %dma_start3A_276 = arith.constant 0 : i32
    %dma_start3A_277 = tpu.memref_slice %arg11[%add3A_273, %dma_start3A_276] : memref<10000x32xbf16, #tpu.memory_space<vmem_shared>> -> memref<25x32xbf16, #tpu.memory_space<vmem_shared>>
    tpu.enqueue_dma source(%arg9 : memref<25x32xbf16, #tpu.memory_space<vmem>>) target(%dma_start3A_277 : memref<25x32xbf16, #tpu.memory_space<vmem_shared>>) target_semaphore(%arg14 : memref<!tpu.dma_semaphore, #tpu.memory_space<semaphore_mem>>)
    %add3A_278 = arith.constant 325 : i32
    %add3A_279 = arith.addi %mul3A_200, %add3A_278 : i32
    %dma_start3A_280 = arith.constant 0 : i32
    %dma_start3A_281 = tpu.memref_slice %arg11[%add3A_279, %dma_start3A_280] : memref<10000x32xbf16, #tpu.memory_space<vmem_shared>> -> memref<25x32xbf16, #tpu.memory_space<vmem_shared>>
    %dma_start3A_282 = arith.constant 0 : i32
    %dma_start3A_283 = tpu.memref_slice %arg11[%add3A_279, %dma_start3A_282] : memref<10000x32xbf16, #tpu.memory_space<vmem_shared>> -> memref<25x32xbf16, #tpu.memory_space<vmem_shared>>
    tpu.enqueue_dma source(%arg9 : memref<25x32xbf16, #tpu.memory_space<vmem>>) target(%dma_start3A_283 : memref<25x32xbf16, #tpu.memory_space<vmem_shared>>) target_semaphore(%arg14 : memref<!tpu.dma_semaphore, #tpu.memory_space<semaphore_mem>>)
    %add3A_284 = arith.constant 350 : i32
    %add3A_285 = arith.addi %mul3A_200, %add3A_284 : i32
    %dma_start3A_286 = arith.constant 0 : i32
    %dma_start3A_287 = tpu.memref_slice %arg11[%add3A_285, %dma_start3A_286] : memref<10000x32xbf16, #tpu.memory_space<vmem_shared>> -> memref<25x32xbf16, #tpu.memory_space<vmem_shared>>
    %dma_start3A_288 = arith.constant 0 : i32
    %dma_start3A_289 = tpu.memref_slice %arg11[%add3A_285, %dma_start3A_288] : memref<10000x32xbf16, #tpu.memory_space<vmem_shared>> -> memref<25x32xbf16, #tpu.memory_space<vmem_shared>>
    tpu.enqueue_dma source(%arg9 : memref<25x32xbf16, #tpu.memory_space<vmem>>) target(%dma_start3A_289 : memref<25x32xbf16, #tpu.memory_space<vmem_shared>>) target_semaphore(%arg14 : memref<!tpu.dma_semaphore, #tpu.memory_space<semaphore_mem>>)
    %add3A_290 = arith.constant 375 : i32
    %add3A_291 = arith.addi %mul3A_200, %add3A_290 : i32
    %dma_start3A_292 = arith.constant 0 : i32
    %dma_start3A_293 = tpu.memref_slice %arg11[%add3A_291, %dma_start3A_292] : memref<10000x32xbf16, #tpu.memory_space<vmem_shared>> -> memref<25x32xbf16, #tpu.memory_space<vmem_shared>>
    %dma_start3A_294 = arith.constant 0 : i32
    %dma_start3A_295 = tpu.memref_slice %arg11[%add3A_291, %dma_start3A_294] : memref<10000x32xbf16, #tpu.memory_space<vmem_shared>> -> memref<25x32xbf16, #tpu.memory_space<vmem_shared>>
    tpu.enqueue_dma source(%arg9 : memref<25x32xbf16, #tpu.memory_space<vmem>>) target(%dma_start3A_295 : memref<25x32xbf16, #tpu.memory_space<vmem_shared>>) target_semaphore(%arg14 : memref<!tpu.dma_semaphore, #tpu.memory_space<semaphore_mem>>)
    %add3A_296 = arith.constant 400 : i32
    %add3A_297 = arith.addi %mul3A_200, %add3A_296 : i32
    %dma_start3A_298 = arith.constant 0 : i32
    %dma_start3A_299 = tpu.memref_slice %arg11[%add3A_297, %dma_start3A_298] : memref<10000x32xbf16, #tpu.memory_space<vmem_shared>> -> memref<25x32xbf16, #tpu.memory_space<vmem_shared>>
    %dma_start3A_300 = arith.constant 0 : i32
    %dma_start3A_301 = tpu.memref_slice %arg11[%add3A_297, %dma_start3A_300] : memref<10000x32xbf16, #tpu.memory_space<vmem_shared>> -> memref<25x32xbf16, #tpu.memory_space<vmem_shared>>
    tpu.enqueue_dma source(%arg9 : memref<25x32xbf16, #tpu.memory_space<vmem>>) target(%dma_start3A_301 : memref<25x32xbf16, #tpu.memory_space<vmem_shared>>) target_semaphore(%arg14 : memref<!tpu.dma_semaphore, #tpu.memory_space<semaphore_mem>>)
    %add3A_302 = arith.constant 425 : i32
    %add3A_303 = arith.addi %mul3A_200, %add3A_302 : i32
    %dma_start3A_304 = arith.constant 0 : i32
    %dma_start3A_305 = tpu.memref_slice %arg11[%add3A_303, %dma_start3A_304] : memref<10000x32xbf16, #tpu.memory_space<vmem_shared>> -> memref<25x32xbf16, #tpu.memory_space<vmem_shared>>
    %dma_start3A_306 = arith.constant 0 : i32
    %dma_start3A_307 = tpu.memref_slice %arg11[%add3A_303, %dma_start3A_306] : memref<10000x32xbf16, #tpu.memory_space<vmem_shared>> -> memref<25x32xbf16, #tpu.memory_space<vmem_shared>>
    tpu.enqueue_dma source(%arg9 : memref<25x32xbf16, #tpu.memory_space<vmem>>) target(%dma_start3A_307 : memref<25x32xbf16, #tpu.memory_space<vmem_shared>>) target_semaphore(%arg14 : memref<!tpu.dma_semaphore, #tpu.memory_space<semaphore_mem>>)
    %add3A_308 = arith.constant 450 : i32
    %add3A_309 = arith.addi %mul3A_200, %add3A_308 : i32
    %dma_start3A_310 = arith.constant 0 : i32
    %dma_start3A_311 = tpu.memref_slice %arg11[%add3A_309, %dma_start3A_310] : memref<10000x32xbf16, #tpu.memory_space<vmem_shared>> -> memref<25x32xbf16, #tpu.memory_space<vmem_shared>>
    %dma_start3A_312 = arith.constant 0 : i32
    %dma_start3A_313 = tpu.memref_slice %arg11[%add3A_309, %dma_start3A_312] : memref<10000x32xbf16, #tpu.memory_space<vmem_shared>> -> memref<25x32xbf16, #tpu.memory_space<vmem_shared>>
    tpu.enqueue_dma source(%arg9 : memref<25x32xbf16, #tpu.memory_space<vmem>>) target(%dma_start3A_313 : memref<25x32xbf16, #tpu.memory_space<vmem_shared>>) target_semaphore(%arg14 : memref<!tpu.dma_semaphore, #tpu.memory_space<semaphore_mem>>)
    %add3A_314 = arith.constant 475 : i32
    %add3A_315 = arith.addi %mul3A_200, %add3A_314 : i32
    %dma_start3A_316 = arith.constant 0 : i32
    %dma_start3A_317 = tpu.memref_slice %arg11[%add3A_315, %dma_start3A_316] : memref<10000x32xbf16, #tpu.memory_space<vmem_shared>> -> memref<25x32xbf16, #tpu.memory_space<vmem_shared>>
    %dma_start3A_318 = arith.constant 0 : i32
    %dma_start3A_319 = tpu.memref_slice %arg11[%add3A_315, %dma_start3A_318] : memref<10000x32xbf16, #tpu.memory_space<vmem_shared>> -> memref<25x32xbf16, #tpu.memory_space<vmem_shared>>
    tpu.enqueue_dma source(%arg9 : memref<25x32xbf16, #tpu.memory_space<vmem>>) target(%dma_start3A_319 : memref<25x32xbf16, #tpu.memory_space<vmem_shared>>) target_semaphore(%arg14 : memref<!tpu.dma_semaphore, #tpu.memory_space<semaphore_mem>>)
    %add3A_320 = arith.constant 500 : i32
    %add3A_321 = arith.addi %mul3A_200, %add3A_320 : i32
    %dma_start3A_322 = arith.constant 0 : i32
    %dma_start3A_323 = tpu.memref_slice %arg11[%add3A_321, %dma_start3A_322] : memref<10000x32xbf16, #tpu.memory_space<vmem_shared>> -> memref<25x32xbf16, #tpu.memory_space<vmem_shared>>
    %dma_start3A_324 = arith.constant 0 : i32
    %dma_start3A_325 = tpu.memref_slice %arg11[%add3A_321, %dma_start3A_324] : memref<10000x32xbf16, #tpu.memory_space<vmem_shared>> -> memref<25x32xbf16, #tpu.memory_space<vmem_shared>>
    tpu.enqueue_dma source(%arg9 : memref<25x32xbf16, #tpu.memory_space<vmem>>) target(%dma_start3A_325 : memref<25x32xbf16, #tpu.memory_space<vmem_shared>>) target_semaphore(%arg14 : memref<!tpu.dma_semaphore, #tpu.memory_space<semaphore_mem>>)
    %add3A_326 = arith.constant 525 : i32
    %add3A_327 = arith.addi %mul3A_200, %add3A_326 : i32
    %dma_start3A_328 = arith.constant 0 : i32
    %dma_start3A_329 = tpu.memref_slice %arg11[%add3A_327, %dma_start3A_328] : memref<10000x32xbf16, #tpu.memory_space<vmem_shared>> -> memref<25x32xbf16, #tpu.memory_space<vmem_shared>>
    %dma_start3A_330 = arith.constant 0 : i32
    %dma_start3A_331 = tpu.memref_slice %arg11[%add3A_327, %dma_start3A_330] : memref<10000x32xbf16, #tpu.memory_space<vmem_shared>> -> memref<25x32xbf16, #tpu.memory_space<vmem_shared>>
    tpu.enqueue_dma source(%arg9 : memref<25x32xbf16, #tpu.memory_space<vmem>>) target(%dma_start3A_331 : memref<25x32xbf16, #tpu.memory_space<vmem_shared>>) target_semaphore(%arg14 : memref<!tpu.dma_semaphore, #tpu.memory_space<semaphore_mem>>)
    %add3A_332 = arith.constant 550 : i32
    %add3A_333 = arith.addi %mul3A_200, %add3A_332 : i32
    %dma_start3A_334 = arith.constant 0 : i32
    %dma_start3A_335 = tpu.memref_slice %arg11[%add3A_333, %dma_start3A_334] : memref<10000x32xbf16, #tpu.memory_space<vmem_shared>> -> memref<25x32xbf16, #tpu.memory_space<vmem_shared>>
    %dma_start3A_336 = arith.constant 0 : i32
    %dma_start3A_337 = tpu.memref_slice %arg11[%add3A_333, %dma_start3A_336] : memref<10000x32xbf16, #tpu.memory_space<vmem_shared>> -> memref<25x32xbf16, #tpu.memory_space<vmem_shared>>
    tpu.enqueue_dma source(%arg9 : memref<25x32xbf16, #tpu.memory_space<vmem>>) target(%dma_start3A_337 : memref<25x32xbf16, #tpu.memory_space<vmem_shared>>) target_semaphore(%arg14 : memref<!tpu.dma_semaphore, #tpu.memory_space<semaphore_mem>>)
    %add3A_338 = arith.constant 575 : i32
    %add3A_339 = arith.addi %mul3A_200, %add3A_338 : i32
    %dma_start3A_340 = arith.constant 0 : i32
    %dma_start3A_341 = tpu.memref_slice %arg11[%add3A_339, %dma_start3A_340] : memref<10000x32xbf16, #tpu.memory_space<vmem_shared>> -> memref<25x32xbf16, #tpu.memory_space<vmem_shared>>
    %dma_start3A_342 = arith.constant 0 : i32
    %dma_start3A_343 = tpu.memref_slice %arg11[%add3A_339, %dma_start3A_342] : memref<10000x32xbf16, #tpu.memory_space<vmem_shared>> -> memref<25x32xbf16, #tpu.memory_space<vmem_shared>>
    tpu.enqueue_dma source(%arg9 : memref<25x32xbf16, #tpu.memory_space<vmem>>) target(%dma_start3A_343 : memref<25x32xbf16, #tpu.memory_space<vmem_shared>>) target_semaphore(%arg14 : memref<!tpu.dma_semaphore, #tpu.memory_space<semaphore_mem>>)
    %add3A_344 = arith.constant 600 : i32
    %add3A_345 = arith.addi %mul3A_200, %add3A_344 : i32
    %dma_start3A_346 = arith.constant 0 : i32
    %dma_start3A_347 = tpu.memref_slice %arg11[%add3A_345, %dma_start3A_346] : memref<10000x32xbf16, #tpu.memory_space<vmem_shared>> -> memref<25x32xbf16, #tpu.memory_space<vmem_shared>>
    %dma_start3A_348 = arith.constant 0 : i32
    %dma_start3A_349 = tpu.memref_slice %arg11[%add3A_345, %dma_start3A_348] : memref<10000x32xbf16, #tpu.memory_space<vmem_shared>> -> memref<25x32xbf16, #tpu.memory_space<vmem_shared>>
    tpu.enqueue_dma source(%arg9 : memref<25x32xbf16, #tpu.memory_space<vmem>>) target(%dma_start3A_349 : memref<25x32xbf16, #tpu.memory_space<vmem_shared>>) target_semaphore(%arg14 : memref<!tpu.dma_semaphore, #tpu.memory_space<semaphore_mem>>)
    %dma_start3A_350 = arith.constant 0 : i32
    %dma_start3A_351 = tpu.memref_slice %arg10[%mul3A_200, %dma_start3A_350] : memref<10000x32xbf16, #tpu.memory_space<vmem_shared>> -> memref<625x32xbf16, #tpu.memory_space<vmem_shared>>
    %dma_start3A_352 = arith.constant 0 : i32
    %dma_start3A_353 = tpu.memref_slice %arg2[%mul3A_200, %dma_start3A_352] : memref<10000x32xbf16, #tpu.memory_space<hbm>> -> memref<625x32xbf16, #tpu.memory_space<hbm>>
    tpu.enqueue_dma source(%dma_start3A_353 : memref<625x32xbf16, #tpu.memory_space<hbm>>) target(%dma_start3A_351 : memref<625x32xbf16, #tpu.memory_space<vmem_shared>>) target_semaphore(%arg15 : memref<!tpu.dma_semaphore, #tpu.memory_space<semaphore_mem>>)
    %lt3A = arith.constant 4 : i32
    %lt3A_354 = arith.cmpi slt, %add3A, %lt3A : i32
    %convert_element_type3A = arith.extui %lt3A_354 : i1 to i32
    %add3A_355 = arith.constant 78 : i32
    %add3A_356 = arith.addi %add3A_355, %convert_element_type3A : i32
    %mul3A_357 = arith.constant 78 : i32
    %mul3A_358 = arith.muli %add3A, %mul3A_357 : i32
    %min3A = arith.constant 4 : i32
    %min3A_359 = arith.minsi %add3A, %min3A : i32
    %add3A_360 = arith.addi %mul3A_358, %min3A_359 : i32
    %dma_start3A_361 = arith.constant 0 : i32
    %dma_start3A_362 = arith.constant 0 : i32
    %dma_start3A_363 = arith.constant 0 : i32
    %dma_start3A_364 = tpu.memref_slice %arg5[%dma_start3A_362, %dma_start3A_363] : memref<79x128xi32, #tpu.memory_space<vmem>> -> memref<78x128xi32, #tpu.memory_space<vmem>>
    %dma_start3A_365 = arith.constant 0 : i32
    %dma_start3A_366 = tpu.memref_slice %arg3[%dma_start3A_361, %add3A_360, %dma_start3A_365] : memref<2x2500x128xi32, #tpu.memory_space<hbm>> -> memref<1x78x128xi32, #tpu.memory_space<hbm>>
    %dma_start3A_367 = tpu.memref_squeeze %dma_start3A_366 : memref<1x78x128xi32, #tpu.memory_space<hbm>> -> memref<78x128xi32, #tpu.memory_space<hbm>>
    %dma_start3A_368 = arith.constant 0 : i32
    %dma_start3A_369 = arith.constant 0 : i32
    %dma_start3A_370 = tpu.memref_slice %arg5[%dma_start3A_368, %dma_start3A_369] : memref<79x128xi32, #tpu.memory_space<vmem>> -> memref<78x128xi32, #tpu.memory_space<vmem>>
    %dma_start3A_371 = arith.constant 0 : i32
    %dma_start3A_372 = tpu.memref_slice %arg3[%dma_start3A_361, %add3A_360, %dma_start3A_371] : memref<2x2500x128xi32, #tpu.memory_space<hbm>> -> memref<1x78x128xi32, #tpu.memory_space<hbm>>
    %dma_start3A_373 = tpu.memref_squeeze %dma_start3A_372 : memref<1x78x128xi32, #tpu.memory_space<hbm>> -> memref<78x128xi32, #tpu.memory_space<hbm>>
    tpu.enqueue_dma source(%dma_start3A_373 : memref<78x128xi32, #tpu.memory_space<hbm>>) target(%dma_start3A_370 : memref<78x128xi32, #tpu.memory_space<vmem>>) target_semaphore(%arg12 : memref<!tpu.dma_semaphore, #tpu.memory_space<semaphore_mem>>)
    %dma_start3A_374 = arith.constant 1 : i32
    %dma_start3A_375 = arith.constant 0 : i32
    %dma_start3A_376 = arith.constant 0 : i32
    %dma_start3A_377 = tpu.memref_slice %arg6[%dma_start3A_375, %dma_start3A_376] : memref<79x128xi32, #tpu.memory_space<vmem>> -> memref<78x128xi32, #tpu.memory_space<vmem>>
    %dma_start3A_378 = arith.constant 0 : i32
    %dma_start3A_379 = tpu.memref_slice %arg3[%dma_start3A_374, %add3A_360, %dma_start3A_378] : memref<2x2500x128xi32, #tpu.memory_space<hbm>> -> memref<1x78x128xi32, #tpu.memory_space<hbm>>
    %dma_start3A_380 = tpu.memref_squeeze %dma_start3A_379 : memref<1x78x128xi32, #tpu.memory_space<hbm>> -> memref<78x128xi32, #tpu.memory_space<hbm>>
    %dma_start3A_381 = arith.constant 0 : i32
    %dma_start3A_382 = arith.constant 0 : i32
    %dma_start3A_383 = tpu.memref_slice %arg6[%dma_start3A_381, %dma_start3A_382] : memref<79x128xi32, #tpu.memory_space<vmem>> -> memref<78x128xi32, #tpu.memory_space<vmem>>
    %dma_start3A_384 = arith.constant 0 : i32
    %dma_start3A_385 = tpu.memref_slice %arg3[%dma_start3A_374, %add3A_360, %dma_start3A_384] : memref<2x2500x128xi32, #tpu.memory_space<hbm>> -> memref<1x78x128xi32, #tpu.memory_space<hbm>>
    %dma_start3A_386 = tpu.memref_squeeze %dma_start3A_385 : memref<1x78x128xi32, #tpu.memory_space<hbm>> -> memref<78x128xi32, #tpu.memory_space<hbm>>
    tpu.enqueue_dma source(%dma_start3A_386 : memref<78x128xi32, #tpu.memory_space<hbm>>) target(%dma_start3A_383 : memref<78x128xi32, #tpu.memory_space<vmem>>) target_semaphore(%arg13 : memref<!tpu.dma_semaphore, #tpu.memory_space<semaphore_mem>>)
    %eq3A = arith.constant 1 : i32
    %eq3A_387 = arith.cmpi eq, %convert_element_type3A, %eq3A : i32
    %convert_element_type3A_388 = arith.extui %eq3A_387 : i1 to i32
    %cond3A = arith.constant 0 : i32
    %cond3A_389 = arith.cmpi ne, %convert_element_type3A_388, %cond3A : i32
    scf.if %cond3A_389 {
      %add3A_628 = arith.constant 78 : i32
      %add3A_629 = arith.addi %add3A_360, %add3A_628 : i32
      %dma_start3A_630 = arith.constant 0 : i32
      %dma_start3A_631 = arith.constant 78 : i32
      %dma_start3A_632 = arith.constant 0 : i32
      %dma_start3A_633 = tpu.memref_slice %arg5[%dma_start3A_631, %dma_start3A_632] : memref<79x128xi32, #tpu.memory_space<vmem>> -> memref<1x128xi32, #tpu.memory_space<vmem>>
      %dma_start3A_634 = arith.constant 0 : i32
      %dma_start3A_635 = tpu.memref_slice %arg3[%dma_start3A_630, %add3A_629, %dma_start3A_634] : memref<2x2500x128xi32, #tpu.memory_space<hbm>> -> memref<1x1x128xi32, #tpu.memory_space<hbm>>
      %dma_start3A_636 = tpu.memref_squeeze %dma_start3A_635 : memref<1x1x128xi32, #tpu.memory_space<hbm>> -> memref<1x128xi32, #tpu.memory_space<hbm>>
      %dma_start3A_637 = arith.constant 78 : i32
      %dma_start3A_638 = arith.constant 0 : i32
      %dma_start3A_639 = tpu.memref_slice %arg5[%dma_start3A_637, %dma_start3A_638] : memref<79x128xi32, #tpu.memory_space<vmem>> -> memref<1x128xi32, #tpu.memory_space<vmem>>
      %dma_start3A_640 = arith.constant 0 : i32
      %dma_start3A_641 = tpu.memref_slice %arg3[%dma_start3A_630, %add3A_629, %dma_start3A_640] : memref<2x2500x128xi32, #tpu.memory_space<hbm>> -> memref<1x1x128xi32, #tpu.memory_space<hbm>>
      %dma_start3A_642 = tpu.memref_squeeze %dma_start3A_641 : memref<1x1x128xi32, #tpu.memory_space<hbm>> -> memref<1x128xi32, #tpu.memory_space<hbm>>
      tpu.enqueue_dma source(%dma_start3A_642 : memref<1x128xi32, #tpu.memory_space<hbm>>) target(%dma_start3A_639 : memref<1x128xi32, #tpu.memory_space<vmem>>) target_semaphore(%arg12 : memref<!tpu.dma_semaphore, #tpu.memory_space<semaphore_mem>>)
      %add3A_643 = arith.constant 78 : i32
      %add3A_644 = arith.addi %add3A_360, %add3A_643 : i32
      %dma_start3A_645 = arith.constant 1 : i32
      %dma_start3A_646 = arith.constant 78 : i32
      %dma_start3A_647 = arith.constant 0 : i32
      %dma_start3A_648 = tpu.memref_slice %arg6[%dma_start3A_646, %dma_start3A_647] : memref<79x128xi32, #tpu.memory_space<vmem>> -> memref<1x128xi32, #tpu.memory_space<vmem>>
      %dma_start3A_649 = arith.constant 0 : i32
      %dma_start3A_650 = tpu.memref_slice %arg3[%dma_start3A_645, %add3A_644, %dma_start3A_649] : memref<2x2500x128xi32, #tpu.memory_space<hbm>> -> memref<1x1x128xi32, #tpu.memory_space<hbm>>
      %dma_start3A_651 = tpu.memref_squeeze %dma_start3A_650 : memref<1x1x128xi32, #tpu.memory_space<hbm>> -> memref<1x128xi32, #tpu.memory_space<hbm>>
      %dma_start3A_652 = arith.constant 78 : i32
      %dma_start3A_653 = arith.constant 0 : i32
      %dma_start3A_654 = tpu.memref_slice %arg6[%dma_start3A_652, %dma_start3A_653] : memref<79x128xi32, #tpu.memory_space<vmem>> -> memref<1x128xi32, #tpu.memory_space<vmem>>
      %dma_start3A_655 = arith.constant 0 : i32
      %dma_start3A_656 = tpu.memref_slice %arg3[%dma_start3A_645, %add3A_644, %dma_start3A_655] : memref<2x2500x128xi32, #tpu.memory_space<hbm>> -> memref<1x1x128xi32, #tpu.memory_space<hbm>>
      %dma_start3A_657 = tpu.memref_squeeze %dma_start3A_656 : memref<1x1x128xi32, #tpu.memory_space<hbm>> -> memref<1x128xi32, #tpu.memory_space<hbm>>
      tpu.enqueue_dma source(%dma_start3A_657 : memref<1x128xi32, #tpu.memory_space<hbm>>) target(%dma_start3A_654 : memref<1x128xi32, #tpu.memory_space<vmem>>) target_semaphore(%arg13 : memref<!tpu.dma_semaphore, #tpu.memory_space<semaphore_mem>>)
    } else {
    }
    %add3A_390 = arith.constant 0 : i32
    %add3A_391 = arith.addi %mul3A_200, %add3A_390 : i32
    %dma_wait3A = arith.constant 0 : i32
    %dma_wait3A_392 = tpu.memref_slice %arg11[%add3A_391, %dma_wait3A] : memref<10000x32xbf16, #tpu.memory_space<vmem_shared>> -> memref<25x32xbf16, #tpu.memory_space<vmem_shared>>
    %dma_wait3A_393 = arith.constant 0 : i32
    %dma_wait3A_394 = tpu.memref_slice %arg11[%add3A_391, %dma_wait3A_393] : memref<10000x32xbf16, #tpu.memory_space<vmem_shared>> -> memref<25x32xbf16, #tpu.memory_space<vmem_shared>>
    tpu.wait_dma2 semaphore(%arg14 : memref<!tpu.dma_semaphore, #tpu.memory_space<semaphore_mem>>) src(%arg9 : memref<25x32xbf16, #tpu.memory_space<vmem>>) dst(%dma_wait3A_394 : memref<25x32xbf16, #tpu.memory_space<vmem_shared>>)
    %add3A_395 = arith.constant 25 : i32
    %add3A_396 = arith.addi %mul3A_200, %add3A_395 : i32
    %dma_wait3A_397 = arith.constant 0 : i32
    %dma_wait3A_398 = tpu.memref_slice %arg11[%add3A_396, %dma_wait3A_397] : memref<10000x32xbf16, #tpu.memory_space<vmem_shared>> -> memref<25x32xbf16, #tpu.memory_space<vmem_shared>>
    %dma_wait3A_399 = arith.constant 0 : i32
    %dma_wait3A_400 = tpu.memref_slice %arg11[%add3A_396, %dma_wait3A_399] : memref<10000x32xbf16, #tpu.memory_space<vmem_shared>> -> memref<25x32xbf16, #tpu.memory_space<vmem_shared>>
    tpu.wait_dma2 semaphore(%arg14 : memref<!tpu.dma_semaphore, #tpu.memory_space<semaphore_mem>>) src(%arg9 : memref<25x32xbf16, #tpu.memory_space<vmem>>) dst(%dma_wait3A_400 : memref<25x32xbf16, #tpu.memory_space<vmem_shared>>)
    %add3A_401 = arith.constant 50 : i32
    %add3A_402 = arith.addi %mul3A_200, %add3A_401 : i32
    %dma_wait3A_403 = arith.constant 0 : i32
    %dma_wait3A_404 = tpu.memref_slice %arg11[%add3A_402, %dma_wait3A_403] : memref<10000x32xbf16, #tpu.memory_space<vmem_shared>> -> memref<25x32xbf16, #tpu.memory_space<vmem_shared>>
    %dma_wait3A_405 = arith.constant 0 : i32
    %dma_wait3A_406 = tpu.memref_slice %arg11[%add3A_402, %dma_wait3A_405] : memref<10000x32xbf16, #tpu.memory_space<vmem_shared>> -> memref<25x32xbf16, #tpu.memory_space<vmem_shared>>
    tpu.wait_dma2 semaphore(%arg14 : memref<!tpu.dma_semaphore, #tpu.memory_space<semaphore_mem>>) src(%arg9 : memref<25x32xbf16, #tpu.memory_space<vmem>>) dst(%dma_wait3A_406 : memref<25x32xbf16, #tpu.memory_space<vmem_shared>>)
    %add3A_407 = arith.constant 75 : i32
    %add3A_408 = arith.addi %mul3A_200, %add3A_407 : i32
    %dma_wait3A_409 = arith.constant 0 : i32
    %dma_wait3A_410 = tpu.memref_slice %arg11[%add3A_408, %dma_wait3A_409] : memref<10000x32xbf16, #tpu.memory_space<vmem_shared>> -> memref<25x32xbf16, #tpu.memory_space<vmem_shared>>
    %dma_wait3A_411 = arith.constant 0 : i32
    %dma_wait3A_412 = tpu.memref_slice %arg11[%add3A_408, %dma_wait3A_411] : memref<10000x32xbf16, #tpu.memory_space<vmem_shared>> -> memref<25x32xbf16, #tpu.memory_space<vmem_shared>>
    tpu.wait_dma2 semaphore(%arg14 : memref<!tpu.dma_semaphore, #tpu.memory_space<semaphore_mem>>) src(%arg9 : memref<25x32xbf16, #tpu.memory_space<vmem>>) dst(%dma_wait3A_412 : memref<25x32xbf16, #tpu.memory_space<vmem_shared>>)
    %add3A_413 = arith.constant 100 : i32
    %add3A_414 = arith.addi %mul3A_200, %add3A_413 : i32
    %dma_wait3A_415 = arith.constant 0 : i32
    %dma_wait3A_416 = tpu.memref_slice %arg11[%add3A_414, %dma_wait3A_415] : memref<10000x32xbf16, #tpu.memory_space<vmem_shared>> -> memref<25x32xbf16, #tpu.memory_space<vmem_shared>>
    %dma_wait3A_417 = arith.constant 0 : i32
    %dma_wait3A_418 = tpu.memref_slice %arg11[%add3A_414, %dma_wait3A_417] : memref<10000x32xbf16, #tpu.memory_space<vmem_shared>> -> memref<25x32xbf16, #tpu.memory_space<vmem_shared>>
    tpu.wait_dma2 semaphore(%arg14 : memref<!tpu.dma_semaphore, #tpu.memory_space<semaphore_mem>>) src(%arg9 : memref<25x32xbf16, #tpu.memory_space<vmem>>) dst(%dma_wait3A_418 : memref<25x32xbf16, #tpu.memory_space<vmem_shared>>)
    %add3A_419 = arith.constant 125 : i32
    %add3A_420 = arith.addi %mul3A_200, %add3A_419 : i32
    %dma_wait3A_421 = arith.constant 0 : i32
    %dma_wait3A_422 = tpu.memref_slice %arg11[%add3A_420, %dma_wait3A_421] : memref<10000x32xbf16, #tpu.memory_space<vmem_shared>> -> memref<25x32xbf16, #tpu.memory_space<vmem_shared>>
    %dma_wait3A_423 = arith.constant 0 : i32
    %dma_wait3A_424 = tpu.memref_slice %arg11[%add3A_420, %dma_wait3A_423] : memref<10000x32xbf16, #tpu.memory_space<vmem_shared>> -> memref<25x32xbf16, #tpu.memory_space<vmem_shared>>
    tpu.wait_dma2 semaphore(%arg14 : memref<!tpu.dma_semaphore, #tpu.memory_space<semaphore_mem>>) src(%arg9 : memref<25x32xbf16, #tpu.memory_space<vmem>>) dst(%dma_wait3A_424 : memref<25x32xbf16, #tpu.memory_space<vmem_shared>>)
    %add3A_425 = arith.constant 150 : i32
    %add3A_426 = arith.addi %mul3A_200, %add3A_425 : i32
    %dma_wait3A_427 = arith.constant 0 : i32
    %dma_wait3A_428 = tpu.memref_slice %arg11[%add3A_426, %dma_wait3A_427] : memref<10000x32xbf16, #tpu.memory_space<vmem_shared>> -> memref<25x32xbf16, #tpu.memory_space<vmem_shared>>
    %dma_wait3A_429 = arith.constant 0 : i32
    %dma_wait3A_430 = tpu.memref_slice %arg11[%add3A_426, %dma_wait3A_429] : memref<10000x32xbf16, #tpu.memory_space<vmem_shared>> -> memref<25x32xbf16, #tpu.memory_space<vmem_shared>>
    tpu.wait_dma2 semaphore(%arg14 : memref<!tpu.dma_semaphore, #tpu.memory_space<semaphore_mem>>) src(%arg9 : memref<25x32xbf16, #tpu.memory_space<vmem>>) dst(%dma_wait3A_430 : memref<25x32xbf16, #tpu.memory_space<vmem_shared>>)
    %add3A_431 = arith.constant 175 : i32
    %add3A_432 = arith.addi %mul3A_200, %add3A_431 : i32
    %dma_wait3A_433 = arith.constant 0 : i32
    %dma_wait3A_434 = tpu.memref_slice %arg11[%add3A_432, %dma_wait3A_433] : memref<10000x32xbf16, #tpu.memory_space<vmem_shared>> -> memref<25x32xbf16, #tpu.memory_space<vmem_shared>>
    %dma_wait3A_435 = arith.constant 0 : i32
    %dma_wait3A_436 = tpu.memref_slice %arg11[%add3A_432, %dma_wait3A_435] : memref<10000x32xbf16, #tpu.memory_space<vmem_shared>> -> memref<25x32xbf16, #tpu.memory_space<vmem_shared>>
    tpu.wait_dma2 semaphore(%arg14 : memref<!tpu.dma_semaphore, #tpu.memory_space<semaphore_mem>>) src(%arg9 : memref<25x32xbf16, #tpu.memory_space<vmem>>) dst(%dma_wait3A_436 : memref<25x32xbf16, #tpu.memory_space<vmem_shared>>)
    %add3A_437 = arith.constant 200 : i32
    %add3A_438 = arith.addi %mul3A_200, %add3A_437 : i32
    %dma_wait3A_439 = arith.constant 0 : i32
    %dma_wait3A_440 = tpu.memref_slice %arg11[%add3A_438, %dma_wait3A_439] : memref<10000x32xbf16, #tpu.memory_space<vmem_shared>> -> memref<25x32xbf16, #tpu.memory_space<vmem_shared>>
    %dma_wait3A_441 = arith.constant 0 : i32
    %dma_wait3A_442 = tpu.memref_slice %arg11[%add3A_438, %dma_wait3A_441] : memref<10000x32xbf16, #tpu.memory_space<vmem_shared>> -> memref<25x32xbf16, #tpu.memory_space<vmem_shared>>
    tpu.wait_dma2 semaphore(%arg14 : memref<!tpu.dma_semaphore, #tpu.memory_space<semaphore_mem>>) src(%arg9 : memref<25x32xbf16, #tpu.memory_space<vmem>>) dst(%dma_wait3A_442 : memref<25x32xbf16, #tpu.memory_space<vmem_shared>>)
    %add3A_443 = arith.constant 225 : i32
    %add3A_444 = arith.addi %mul3A_200, %add3A_443 : i32
    %dma_wait3A_445 = arith.constant 0 : i32
    %dma_wait3A_446 = tpu.memref_slice %arg11[%add3A_444, %dma_wait3A_445] : memref<10000x32xbf16, #tpu.memory_space<vmem_shared>> -> memref<25x32xbf16, #tpu.memory_space<vmem_shared>>
    %dma_wait3A_447 = arith.constant 0 : i32
    %dma_wait3A_448 = tpu.memref_slice %arg11[%add3A_444, %dma_wait3A_447] : memref<10000x32xbf16, #tpu.memory_space<vmem_shared>> -> memref<25x32xbf16, #tpu.memory_space<vmem_shared>>
    tpu.wait_dma2 semaphore(%arg14 : memref<!tpu.dma_semaphore, #tpu.memory_space<semaphore_mem>>) src(%arg9 : memref<25x32xbf16, #tpu.memory_space<vmem>>) dst(%dma_wait3A_448 : memref<25x32xbf16, #tpu.memory_space<vmem_shared>>)
    %add3A_449 = arith.constant 250 : i32
    %add3A_450 = arith.addi %mul3A_200, %add3A_449 : i32
    %dma_wait3A_451 = arith.constant 0 : i32
    %dma_wait3A_452 = tpu.memref_slice %arg11[%add3A_450, %dma_wait3A_451] : memref<10000x32xbf16, #tpu.memory_space<vmem_shared>> -> memref<25x32xbf16, #tpu.memory_space<vmem_shared>>
    %dma_wait3A_453 = arith.constant 0 : i32
    %dma_wait3A_454 = tpu.memref_slice %arg11[%add3A_450, %dma_wait3A_453] : memref<10000x32xbf16, #tpu.memory_space<vmem_shared>> -> memref<25x32xbf16, #tpu.memory_space<vmem_shared>>
    tpu.wait_dma2 semaphore(%arg14 : memref<!tpu.dma_semaphore, #tpu.memory_space<semaphore_mem>>) src(%arg9 : memref<25x32xbf16, #tpu.memory_space<vmem>>) dst(%dma_wait3A_454 : memref<25x32xbf16, #tpu.memory_space<vmem_shared>>)
    %add3A_455 = arith.constant 275 : i32
    %add3A_456 = arith.addi %mul3A_200, %add3A_455 : i32
    %dma_wait3A_457 = arith.constant 0 : i32
    %dma_wait3A_458 = tpu.memref_slice %arg11[%add3A_456, %dma_wait3A_457] : memref<10000x32xbf16, #tpu.memory_space<vmem_shared>> -> memref<25x32xbf16, #tpu.memory_space<vmem_shared>>
    %dma_wait3A_459 = arith.constant 0 : i32
    %dma_wait3A_460 = tpu.memref_slice %arg11[%add3A_456, %dma_wait3A_459] : memref<10000x32xbf16, #tpu.memory_space<vmem_shared>> -> memref<25x32xbf16, #tpu.memory_space<vmem_shared>>
    tpu.wait_dma2 semaphore(%arg14 : memref<!tpu.dma_semaphore, #tpu.memory_space<semaphore_mem>>) src(%arg9 : memref<25x32xbf16, #tpu.memory_space<vmem>>) dst(%dma_wait3A_460 : memref<25x32xbf16, #tpu.memory_space<vmem_shared>>)
    %add3A_461 = arith.constant 300 : i32
    %add3A_462 = arith.addi %mul3A_200, %add3A_461 : i32
    %dma_wait3A_463 = arith.constant 0 : i32
    %dma_wait3A_464 = tpu.memref_slice %arg11[%add3A_462, %dma_wait3A_463] : memref<10000x32xbf16, #tpu.memory_space<vmem_shared>> -> memref<25x32xbf16, #tpu.memory_space<vmem_shared>>
    %dma_wait3A_465 = arith.constant 0 : i32
    %dma_wait3A_466 = tpu.memref_slice %arg11[%add3A_462, %dma_wait3A_465] : memref<10000x32xbf16, #tpu.memory_space<vmem_shared>> -> memref<25x32xbf16, #tpu.memory_space<vmem_shared>>
    tpu.wait_dma2 semaphore(%arg14 : memref<!tpu.dma_semaphore, #tpu.memory_space<semaphore_mem>>) src(%arg9 : memref<25x32xbf16, #tpu.memory_space<vmem>>) dst(%dma_wait3A_466 : memref<25x32xbf16, #tpu.memory_space<vmem_shared>>)
    %add3A_467 = arith.constant 325 : i32
    %add3A_468 = arith.addi %mul3A_200, %add3A_467 : i32
    %dma_wait3A_469 = arith.constant 0 : i32
    %dma_wait3A_470 = tpu.memref_slice %arg11[%add3A_468, %dma_wait3A_469] : memref<10000x32xbf16, #tpu.memory_space<vmem_shared>> -> memref<25x32xbf16, #tpu.memory_space<vmem_shared>>
    %dma_wait3A_471 = arith.constant 0 : i32
    %dma_wait3A_472 = tpu.memref_slice %arg11[%add3A_468, %dma_wait3A_471] : memref<10000x32xbf16, #tpu.memory_space<vmem_shared>> -> memref<25x32xbf16, #tpu.memory_space<vmem_shared>>
    tpu.wait_dma2 semaphore(%arg14 : memref<!tpu.dma_semaphore, #tpu.memory_space<semaphore_mem>>) src(%arg9 : memref<25x32xbf16, #tpu.memory_space<vmem>>) dst(%dma_wait3A_472 : memref<25x32xbf16, #tpu.memory_space<vmem_shared>>)
    %add3A_473 = arith.constant 350 : i32
    %add3A_474 = arith.addi %mul3A_200, %add3A_473 : i32
    %dma_wait3A_475 = arith.constant 0 : i32
    %dma_wait3A_476 = tpu.memref_slice %arg11[%add3A_474, %dma_wait3A_475] : memref<10000x32xbf16, #tpu.memory_space<vmem_shared>> -> memref<25x32xbf16, #tpu.memory_space<vmem_shared>>
    %dma_wait3A_477 = arith.constant 0 : i32
    %dma_wait3A_478 = tpu.memref_slice %arg11[%add3A_474, %dma_wait3A_477] : memref<10000x32xbf16, #tpu.memory_space<vmem_shared>> -> memref<25x32xbf16, #tpu.memory_space<vmem_shared>>
    tpu.wait_dma2 semaphore(%arg14 : memref<!tpu.dma_semaphore, #tpu.memory_space<semaphore_mem>>) src(%arg9 : memref<25x32xbf16, #tpu.memory_space<vmem>>) dst(%dma_wait3A_478 : memref<25x32xbf16, #tpu.memory_space<vmem_shared>>)
    %add3A_479 = arith.constant 375 : i32
    %add3A_480 = arith.addi %mul3A_200, %add3A_479 : i32
    %dma_wait3A_481 = arith.constant 0 : i32
    %dma_wait3A_482 = tpu.memref_slice %arg11[%add3A_480, %dma_wait3A_481] : memref<10000x32xbf16, #tpu.memory_space<vmem_shared>> -> memref<25x32xbf16, #tpu.memory_space<vmem_shared>>
    %dma_wait3A_483 = arith.constant 0 : i32
    %dma_wait3A_484 = tpu.memref_slice %arg11[%add3A_480, %dma_wait3A_483] : memref<10000x32xbf16, #tpu.memory_space<vmem_shared>> -> memref<25x32xbf16, #tpu.memory_space<vmem_shared>>
    tpu.wait_dma2 semaphore(%arg14 : memref<!tpu.dma_semaphore, #tpu.memory_space<semaphore_mem>>) src(%arg9 : memref<25x32xbf16, #tpu.memory_space<vmem>>) dst(%dma_wait3A_484 : memref<25x32xbf16, #tpu.memory_space<vmem_shared>>)
    %add3A_485 = arith.constant 400 : i32
    %add3A_486 = arith.addi %mul3A_200, %add3A_485 : i32
    %dma_wait3A_487 = arith.constant 0 : i32
    %dma_wait3A_488 = tpu.memref_slice %arg11[%add3A_486, %dma_wait3A_487] : memref<10000x32xbf16, #tpu.memory_space<vmem_shared>> -> memref<25x32xbf16, #tpu.memory_space<vmem_shared>>
    %dma_wait3A_489 = arith.constant 0 : i32
    %dma_wait3A_490 = tpu.memref_slice %arg11[%add3A_486, %dma_wait3A_489] : memref<10000x32xbf16, #tpu.memory_space<vmem_shared>> -> memref<25x32xbf16, #tpu.memory_space<vmem_shared>>
    tpu.wait_dma2 semaphore(%arg14 : memref<!tpu.dma_semaphore, #tpu.memory_space<semaphore_mem>>) src(%arg9 : memref<25x32xbf16, #tpu.memory_space<vmem>>) dst(%dma_wait3A_490 : memref<25x32xbf16, #tpu.memory_space<vmem_shared>>)
    %add3A_491 = arith.constant 425 : i32
    %add3A_492 = arith.addi %mul3A_200, %add3A_491 : i32
    %dma_wait3A_493 = arith.constant 0 : i32
    %dma_wait3A_494 = tpu.memref_slice %arg11[%add3A_492, %dma_wait3A_493] : memref<10000x32xbf16, #tpu.memory_space<vmem_shared>> -> memref<25x32xbf16, #tpu.memory_space<vmem_shared>>
    %dma_wait3A_495 = arith.constant 0 : i32
    %dma_wait3A_496 = tpu.memref_slice %arg11[%add3A_492, %dma_wait3A_495] : memref<10000x32xbf16, #tpu.memory_space<vmem_shared>> -> memref<25x32xbf16, #tpu.memory_space<vmem_shared>>
    tpu.wait_dma2 semaphore(%arg14 : memref<!tpu.dma_semaphore, #tpu.memory_space<semaphore_mem>>) src(%arg9 : memref<25x32xbf16, #tpu.memory_space<vmem>>) dst(%dma_wait3A_496 : memref<25x32xbf16, #tpu.memory_space<vmem_shared>>)
    %add3A_497 = arith.constant 450 : i32
    %add3A_498 = arith.addi %mul3A_200, %add3A_497 : i32
    %dma_wait3A_499 = arith.constant 0 : i32
    %dma_wait3A_500 = tpu.memref_slice %arg11[%add3A_498, %dma_wait3A_499] : memref<10000x32xbf16, #tpu.memory_space<vmem_shared>> -> memref<25x32xbf16, #tpu.memory_space<vmem_shared>>
    %dma_wait3A_501 = arith.constant 0 : i32
    %dma_wait3A_502 = tpu.memref_slice %arg11[%add3A_498, %dma_wait3A_501] : memref<10000x32xbf16, #tpu.memory_space<vmem_shared>> -> memref<25x32xbf16, #tpu.memory_space<vmem_shared>>
    tpu.wait_dma2 semaphore(%arg14 : memref<!tpu.dma_semaphore, #tpu.memory_space<semaphore_mem>>) src(%arg9 : memref<25x32xbf16, #tpu.memory_space<vmem>>) dst(%dma_wait3A_502 : memref<25x32xbf16, #tpu.memory_space<vmem_shared>>)
    %add3A_503 = arith.constant 475 : i32
    %add3A_504 = arith.addi %mul3A_200, %add3A_503 : i32
    %dma_wait3A_505 = arith.constant 0 : i32
    %dma_wait3A_506 = tpu.memref_slice %arg11[%add3A_504, %dma_wait3A_505] : memref<10000x32xbf16, #tpu.memory_space<vmem_shared>> -> memref<25x32xbf16, #tpu.memory_space<vmem_shared>>
    %dma_wait3A_507 = arith.constant 0 : i32
    %dma_wait3A_508 = tpu.memref_slice %arg11[%add3A_504, %dma_wait3A_507] : memref<10000x32xbf16, #tpu.memory_space<vmem_shared>> -> memref<25x32xbf16, #tpu.memory_space<vmem_shared>>
    tpu.wait_dma2 semaphore(%arg14 : memref<!tpu.dma_semaphore, #tpu.memory_space<semaphore_mem>>) src(%arg9 : memref<25x32xbf16, #tpu.memory_space<vmem>>) dst(%dma_wait3A_508 : memref<25x32xbf16, #tpu.memory_space<vmem_shared>>)
    %add3A_509 = arith.constant 500 : i32
    %add3A_510 = arith.addi %mul3A_200, %add3A_509 : i32
    %dma_wait3A_511 = arith.constant 0 : i32
    %dma_wait3A_512 = tpu.memref_slice %arg11[%add3A_510, %dma_wait3A_511] : memref<10000x32xbf16, #tpu.memory_space<vmem_shared>> -> memref<25x32xbf16, #tpu.memory_space<vmem_shared>>
    %dma_wait3A_513 = arith.constant 0 : i32
    %dma_wait3A_514 = tpu.memref_slice %arg11[%add3A_510, %dma_wait3A_513] : memref<10000x32xbf16, #tpu.memory_space<vmem_shared>> -> memref<25x32xbf16, #tpu.memory_space<vmem_shared>>
    tpu.wait_dma2 semaphore(%arg14 : memref<!tpu.dma_semaphore, #tpu.memory_space<semaphore_mem>>) src(%arg9 : memref<25x32xbf16, #tpu.memory_space<vmem>>) dst(%dma_wait3A_514 : memref<25x32xbf16, #tpu.memory_space<vmem_shared>>)
    %add3A_515 = arith.constant 525 : i32
    %add3A_516 = arith.addi %mul3A_200, %add3A_515 : i32
    %dma_wait3A_517 = arith.constant 0 : i32
    %dma_wait3A_518 = tpu.memref_slice %arg11[%add3A_516, %dma_wait3A_517] : memref<10000x32xbf16, #tpu.memory_space<vmem_shared>> -> memref<25x32xbf16, #tpu.memory_space<vmem_shared>>
    %dma_wait3A_519 = arith.constant 0 : i32
    %dma_wait3A_520 = tpu.memref_slice %arg11[%add3A_516, %dma_wait3A_519] : memref<10000x32xbf16, #tpu.memory_space<vmem_shared>> -> memref<25x32xbf16, #tpu.memory_space<vmem_shared>>
    tpu.wait_dma2 semaphore(%arg14 : memref<!tpu.dma_semaphore, #tpu.memory_space<semaphore_mem>>) src(%arg9 : memref<25x32xbf16, #tpu.memory_space<vmem>>) dst(%dma_wait3A_520 : memref<25x32xbf16, #tpu.memory_space<vmem_shared>>)
    %add3A_521 = arith.constant 550 : i32
    %add3A_522 = arith.addi %mul3A_200, %add3A_521 : i32
    %dma_wait3A_523 = arith.constant 0 : i32
    %dma_wait3A_524 = tpu.memref_slice %arg11[%add3A_522, %dma_wait3A_523] : memref<10000x32xbf16, #tpu.memory_space<vmem_shared>> -> memref<25x32xbf16, #tpu.memory_space<vmem_shared>>
    %dma_wait3A_525 = arith.constant 0 : i32
    %dma_wait3A_526 = tpu.memref_slice %arg11[%add3A_522, %dma_wait3A_525] : memref<10000x32xbf16, #tpu.memory_space<vmem_shared>> -> memref<25x32xbf16, #tpu.memory_space<vmem_shared>>
    tpu.wait_dma2 semaphore(%arg14 : memref<!tpu.dma_semaphore, #tpu.memory_space<semaphore_mem>>) src(%arg9 : memref<25x32xbf16, #tpu.memory_space<vmem>>) dst(%dma_wait3A_526 : memref<25x32xbf16, #tpu.memory_space<vmem_shared>>)
    %add3A_527 = arith.constant 575 : i32
    %add3A_528 = arith.addi %mul3A_200, %add3A_527 : i32
    %dma_wait3A_529 = arith.constant 0 : i32
    %dma_wait3A_530 = tpu.memref_slice %arg11[%add3A_528, %dma_wait3A_529] : memref<10000x32xbf16, #tpu.memory_space<vmem_shared>> -> memref<25x32xbf16, #tpu.memory_space<vmem_shared>>
    %dma_wait3A_531 = arith.constant 0 : i32
    %dma_wait3A_532 = tpu.memref_slice %arg11[%add3A_528, %dma_wait3A_531] : memref<10000x32xbf16, #tpu.memory_space<vmem_shared>> -> memref<25x32xbf16, #tpu.memory_space<vmem_shared>>
    tpu.wait_dma2 semaphore(%arg14 : memref<!tpu.dma_semaphore, #tpu.memory_space<semaphore_mem>>) src(%arg9 : memref<25x32xbf16, #tpu.memory_space<vmem>>) dst(%dma_wait3A_532 : memref<25x32xbf16, #tpu.memory_space<vmem_shared>>)
    %add3A_533 = arith.constant 600 : i32
    %add3A_534 = arith.addi %mul3A_200, %add3A_533 : i32
    %dma_wait3A_535 = arith.constant 0 : i32
    %dma_wait3A_536 = tpu.memref_slice %arg11[%add3A_534, %dma_wait3A_535] : memref<10000x32xbf16, #tpu.memory_space<vmem_shared>> -> memref<25x32xbf16, #tpu.memory_space<vmem_shared>>
    %dma_wait3A_537 = arith.constant 0 : i32
    %dma_wait3A_538 = tpu.memref_slice %arg11[%add3A_534, %dma_wait3A_537] : memref<10000x32xbf16, #tpu.memory_space<vmem_shared>> -> memref<25x32xbf16, #tpu.memory_space<vmem_shared>>
    tpu.wait_dma2 semaphore(%arg14 : memref<!tpu.dma_semaphore, #tpu.memory_space<semaphore_mem>>) src(%arg9 : memref<25x32xbf16, #tpu.memory_space<vmem>>) dst(%dma_wait3A_538 : memref<25x32xbf16, #tpu.memory_space<vmem_shared>>)
    %dma_wait3A_539 = arith.constant 0 : i32
    %dma_wait3A_540 = tpu.memref_slice %arg10[%mul3A_200, %dma_wait3A_539] : memref<10000x32xbf16, #tpu.memory_space<vmem_shared>> -> memref<625x32xbf16, #tpu.memory_space<vmem_shared>>
    %dma_wait3A_541 = arith.constant 0 : i32
    %dma_wait3A_542 = tpu.memref_slice %arg2[%mul3A_200, %dma_wait3A_541] : memref<10000x32xbf16, #tpu.memory_space<hbm>> -> memref<625x32xbf16, #tpu.memory_space<hbm>>
    tpu.wait_dma2 semaphore(%arg15 : memref<!tpu.dma_semaphore, #tpu.memory_space<semaphore_mem>>) src(%dma_wait3A_542 : memref<625x32xbf16, #tpu.memory_space<hbm>>) dst(%dma_wait3A_540 : memref<625x32xbf16, #tpu.memory_space<vmem_shared>>)
    %dma_wait3A_543 = arith.constant 0 : i32
    %dma_wait3A_544 = arith.constant 0 : i32
    %dma_wait3A_545 = arith.constant 0 : i32
    %dma_wait3A_546 = tpu.memref_slice %arg5[%dma_wait3A_544, %dma_wait3A_545] : memref<79x128xi32, #tpu.memory_space<vmem>> -> memref<78x128xi32, #tpu.memory_space<vmem>>
    %dma_wait3A_547 = arith.constant 0 : i32
    %dma_wait3A_548 = tpu.memref_slice %arg3[%dma_wait3A_543, %add3A_360, %dma_wait3A_547] : memref<2x2500x128xi32, #tpu.memory_space<hbm>> -> memref<1x78x128xi32, #tpu.memory_space<hbm>>
    %dma_wait3A_549 = tpu.memref_squeeze %dma_wait3A_548 : memref<1x78x128xi32, #tpu.memory_space<hbm>> -> memref<78x128xi32, #tpu.memory_space<hbm>>
    %dma_wait3A_550 = arith.constant 0 : i32
    %dma_wait3A_551 = arith.constant 0 : i32
    %dma_wait3A_552 = tpu.memref_slice %arg5[%dma_wait3A_550, %dma_wait3A_551] : memref<79x128xi32, #tpu.memory_space<vmem>> -> memref<78x128xi32, #tpu.memory_space<vmem>>
    %dma_wait3A_553 = arith.constant 0 : i32
    %dma_wait3A_554 = tpu.memref_slice %arg3[%dma_wait3A_543, %add3A_360, %dma_wait3A_553] : memref<2x2500x128xi32, #tpu.memory_space<hbm>> -> memref<1x78x128xi32, #tpu.memory_space<hbm>>
    %dma_wait3A_555 = tpu.memref_squeeze %dma_wait3A_554 : memref<1x78x128xi32, #tpu.memory_space<hbm>> -> memref<78x128xi32, #tpu.memory_space<hbm>>
    tpu.wait_dma2 semaphore(%arg12 : memref<!tpu.dma_semaphore, #tpu.memory_space<semaphore_mem>>) src(%dma_wait3A_555 : memref<78x128xi32, #tpu.memory_space<hbm>>) dst(%dma_wait3A_552 : memref<78x128xi32, #tpu.memory_space<vmem>>)
    %dma_wait3A_556 = arith.constant 1 : i32
    %dma_wait3A_557 = arith.constant 0 : i32
    %dma_wait3A_558 = arith.constant 0 : i32
    %dma_wait3A_559 = tpu.memref_slice %arg6[%dma_wait3A_557, %dma_wait3A_558] : memref<79x128xi32, #tpu.memory_space<vmem>> -> memref<78x128xi32, #tpu.memory_space<vmem>>
    %dma_wait3A_560 = arith.constant 0 : i32
    %dma_wait3A_561 = tpu.memref_slice %arg3[%dma_wait3A_556, %add3A_360, %dma_wait3A_560] : memref<2x2500x128xi32, #tpu.memory_space<hbm>> -> memref<1x78x128xi32, #tpu.memory_space<hbm>>
    %dma_wait3A_562 = tpu.memref_squeeze %dma_wait3A_561 : memref<1x78x128xi32, #tpu.memory_space<hbm>> -> memref<78x128xi32, #tpu.memory_space<hbm>>
    %dma_wait3A_563 = arith.constant 0 : i32
    %dma_wait3A_564 = arith.constant 0 : i32
    %dma_wait3A_565 = tpu.memref_slice %arg6[%dma_wait3A_563, %dma_wait3A_564] : memref<79x128xi32, #tpu.memory_space<vmem>> -> memref<78x128xi32, #tpu.memory_space<vmem>>
    %dma_wait3A_566 = arith.constant 0 : i32
    %dma_wait3A_567 = tpu.memref_slice %arg3[%dma_wait3A_556, %add3A_360, %dma_wait3A_566] : memref<2x2500x128xi32, #tpu.memory_space<hbm>> -> memref<1x78x128xi32, #tpu.memory_space<hbm>>
    %dma_wait3A_568 = tpu.memref_squeeze %dma_wait3A_567 : memref<1x78x128xi32, #tpu.memory_space<hbm>> -> memref<78x128xi32, #tpu.memory_space<hbm>>
    tpu.wait_dma2 semaphore(%arg13 : memref<!tpu.dma_semaphore, #tpu.memory_space<semaphore_mem>>) src(%dma_wait3A_568 : memref<78x128xi32, #tpu.memory_space<hbm>>) dst(%dma_wait3A_565 : memref<78x128xi32, #tpu.memory_space<vmem>>)
    %eq3A_569 = arith.constant 1 : i32
    %eq3A_570 = arith.cmpi eq, %convert_element_type3A, %eq3A_569 : i32
    %convert_element_type3A_571 = arith.extui %eq3A_570 : i1 to i32
    %cond3A_572 = arith.constant 0 : i32
    %cond3A_573 = arith.cmpi ne, %convert_element_type3A_571, %cond3A_572 : i32
    scf.if %cond3A_573 {
      %add3A_628 = arith.constant 78 : i32
      %add3A_629 = arith.addi %add3A_360, %add3A_628 : i32
      %dma_wait3A_630 = arith.constant 0 : i32
      %dma_wait3A_631 = arith.constant 78 : i32
      %dma_wait3A_632 = arith.constant 0 : i32
      %dma_wait3A_633 = tpu.memref_slice %arg5[%dma_wait3A_631, %dma_wait3A_632] : memref<79x128xi32, #tpu.memory_space<vmem>> -> memref<1x128xi32, #tpu.memory_space<vmem>>
      %dma_wait3A_634 = arith.constant 0 : i32
      %dma_wait3A_635 = tpu.memref_slice %arg3[%dma_wait3A_630, %add3A_629, %dma_wait3A_634] : memref<2x2500x128xi32, #tpu.memory_space<hbm>> -> memref<1x1x128xi32, #tpu.memory_space<hbm>>
      %dma_wait3A_636 = tpu.memref_squeeze %dma_wait3A_635 : memref<1x1x128xi32, #tpu.memory_space<hbm>> -> memref<1x128xi32, #tpu.memory_space<hbm>>
      %dma_wait3A_637 = arith.constant 78 : i32
      %dma_wait3A_638 = arith.constant 0 : i32
      %dma_wait3A_639 = tpu.memref_slice %arg5[%dma_wait3A_637, %dma_wait3A_638] : memref<79x128xi32, #tpu.memory_space<vmem>> -> memref<1x128xi32, #tpu.memory_space<vmem>>
      %dma_wait3A_640 = arith.constant 0 : i32
      %dma_wait3A_641 = tpu.memref_slice %arg3[%dma_wait3A_630, %add3A_629, %dma_wait3A_640] : memref<2x2500x128xi32, #tpu.memory_space<hbm>> -> memref<1x1x128xi32, #tpu.memory_space<hbm>>
      %dma_wait3A_642 = tpu.memref_squeeze %dma_wait3A_641 : memref<1x1x128xi32, #tpu.memory_space<hbm>> -> memref<1x128xi32, #tpu.memory_space<hbm>>
      tpu.wait_dma2 semaphore(%arg12 : memref<!tpu.dma_semaphore, #tpu.memory_space<semaphore_mem>>) src(%dma_wait3A_642 : memref<1x128xi32, #tpu.memory_space<hbm>>) dst(%dma_wait3A_639 : memref<1x128xi32, #tpu.memory_space<vmem>>)
      %add3A_643 = arith.constant 78 : i32
      %add3A_644 = arith.addi %add3A_360, %add3A_643 : i32
      %dma_wait3A_645 = arith.constant 1 : i32
      %dma_wait3A_646 = arith.constant 78 : i32
      %dma_wait3A_647 = arith.constant 0 : i32
      %dma_wait3A_648 = tpu.memref_slice %arg6[%dma_wait3A_646, %dma_wait3A_647] : memref<79x128xi32, #tpu.memory_space<vmem>> -> memref<1x128xi32, #tpu.memory_space<vmem>>
      %dma_wait3A_649 = arith.constant 0 : i32
      %dma_wait3A_650 = tpu.memref_slice %arg3[%dma_wait3A_645, %add3A_644, %dma_wait3A_649] : memref<2x2500x128xi32, #tpu.memory_space<hbm>> -> memref<1x1x128xi32, #tpu.memory_space<hbm>>
      %dma_wait3A_651 = tpu.memref_squeeze %dma_wait3A_650 : memref<1x1x128xi32, #tpu.memory_space<hbm>> -> memref<1x128xi32, #tpu.memory_space<hbm>>
      %dma_wait3A_652 = arith.constant 78 : i32
      %dma_wait3A_653 = arith.constant 0 : i32
      %dma_wait3A_654 = tpu.memref_slice %arg6[%dma_wait3A_652, %dma_wait3A_653] : memref<79x128xi32, #tpu.memory_space<vmem>> -> memref<1x128xi32, #tpu.memory_space<vmem>>
      %dma_wait3A_655 = arith.constant 0 : i32
      %dma_wait3A_656 = tpu.memref_slice %arg3[%dma_wait3A_645, %add3A_644, %dma_wait3A_655] : memref<2x2500x128xi32, #tpu.memory_space<hbm>> -> memref<1x1x128xi32, #tpu.memory_space<hbm>>
      %dma_wait3A_657 = tpu.memref_squeeze %dma_wait3A_656 : memref<1x1x128xi32, #tpu.memory_space<hbm>> -> memref<1x128xi32, #tpu.memory_space<hbm>>
      tpu.wait_dma2 semaphore(%arg13 : memref<!tpu.dma_semaphore, #tpu.memory_space<semaphore_mem>>) src(%dma_wait3A_657 : memref<1x128xi32, #tpu.memory_space<hbm>>) dst(%dma_wait3A_654 : memref<1x128xi32, #tpu.memory_space<vmem>>)
    } else {
    }
    %barrier3A = arith.constant 0 : index
    tpu.barrier barrier_id(%barrier3A)
    %dma_start3A_574 = arith.constant 0 : i32
    %dma_start3A_575 = arith.constant 0 : i32
    %dma_start3A_576 = tpu.memref_slice %arg5[%dma_start3A_574, %dma_start3A_575] : memref<79x128xi32, #tpu.memory_space<vmem>> -> memref<1x128xi32, #tpu.memory_space<vmem>>
    %dma_start3A_577 = tpu.memref_squeeze %dma_start3A_576 : memref<1x128xi32, #tpu.memory_space<vmem>> -> memref<128xi32, #tpu.memory_space<vmem>>
    %dma_start3A_578 = arith.constant 0 : i32
    %dma_start3A_579 = arith.constant 0 : i32
    %dma_start3A_580 = tpu.memref_slice %arg10[%dma_start3A_578, %dma_start3A_579] : memref<10000x32xbf16, #tpu.memory_space<vmem_shared>> -> memref<10000x32xbf16, #tpu.memory_space<vmem_shared>>
    tpu.enqueue_indirect_dma source(%dma_start3A_580 : memref<10000x32xbf16, #tpu.memory_space<vmem_shared>>) target(%arg7 : memref<128x32xbf16, #tpu.memory_space<vmem>>) offsets(%dma_start3A_577 : memref<128xi32, #tpu.memory_space<vmem>>) semaphore(%arg12 : memref<!tpu.dma_semaphore, #tpu.memory_space<semaphore_mem>>)
    %jit3A = arith.constant 2 : i32
    %div3A = arith.divsi %add3A_356, %jit3A : i32
    %sign3A = arith.constant 0 : i32
    %sign3A_581 = arith.cmpi sgt, %add3A_356, %sign3A : i32
    %sign3A_582 = arith.extui %sign3A_581 : i1 to i32
    %sign3A_583 = arith.constant 0 : i32
    %sign3A_584 = arith.cmpi slt, %add3A_356, %sign3A_583 : i32
    %sign3A_585 = arith.extui %sign3A_584 : i1 to i32
    %sign3A_586 = arith.subi %sign3A_582, %sign3A_585 : i32
    %sign3A_587 = arith.constant 0 : i32
    %sign3A_588 = arith.cmpi sgt, %jit3A, %sign3A_587 : i32
    %sign3A_589 = arith.extui %sign3A_588 : i1 to i32
    %sign3A_590 = arith.constant 0 : i32
    %sign3A_591 = arith.cmpi slt, %jit3A, %sign3A_590 : i32
    %sign3A_592 = arith.extui %sign3A_591 : i1 to i32
    %sign3A_593 = arith.subi %sign3A_589, %sign3A_592 : i32
    %ne3A = arith.cmpi ne, %sign3A_586, %sign3A_593 : i32
    %rem3A = arith.remsi %add3A_356, %jit3A : i32
    %ne3A_594 = arith.constant 0 : i32
    %ne3A_595 = arith.cmpi ne, %rem3A, %ne3A_594 : i32
    %and3A = arith.andi %ne3A, %ne3A_595 : i1
    %sub3A = arith.constant 1 : i32
    %sub3A_596 = arith.subi %div3A, %sub3A : i32
    %select_n3A = arith.select %and3A, %sub3A_596, %div3A : i32
    %while3A = arith.constant 0 : i32
    %while3A_597 = arith.constant 0 : i32
    %while3A_598 = arith.subi %select_n3A, %while3A_597 : i32
    %while3A_599 = arith.addi %while3A_597, %while3A_598 : i32
    %while3A_600 = arith.constant 1 : i32
    %while3A_601 = arith.divsi %while3A_598, %while3A_600 : i32
    %while3A_602 = arith.muli %while3A_601, %while3A_600 : i32
    %while3A_603 = arith.addi %while3A_597, %while3A_602 : i32
    %while3A_604 = arith.constant 1 : i32
    scf.for %while3A_628 = %while3A_597 to %while3A_603 step %while3A_604  : i32 {
      %mul3A_629 = arith.constant 2 : i32
      %mul3A_630 = arith.muli %mul3A_629, %while3A_628 : i32
      %add3A_631 = arith.constant 1 : i32
      %add3A_632 = arith.addi %mul3A_630, %add3A_631 : i32
      %lt3A_633 = arith.cmpi slt, %add3A_632, %add3A_356 : i32
      %convert_element_type3A_634 = arith.extui %lt3A_633 : i1 to i32
      %cond3A_635 = arith.constant 0 : i32
      %cond3A_636 = arith.cmpi ne, %convert_element_type3A_634, %cond3A_635 : i32
      scf.if %cond3A_636 {
        %add3A_657 = arith.constant 1 : i32
        %add3A_658 = arith.addi %mul3A_630, %add3A_657 : i32
        %dma_start3A_659 = arith.constant 0 : i32
        %dma_start3A_660 = tpu.memref_slice %arg5[%add3A_658, %dma_start3A_659] : memref<79x128xi32, #tpu.memory_space<vmem>> -> memref<1x128xi32, #tpu.memory_space<vmem>>
        %dma_start3A_661 = tpu.memref_squeeze %dma_start3A_660 : memref<1x128xi32, #tpu.memory_space<vmem>> -> memref<128xi32, #tpu.memory_space<vmem>>
        %dma_start3A_662 = arith.constant 0 : i32
        %dma_start3A_663 = arith.constant 0 : i32
        %dma_start3A_664 = tpu.memref_slice %arg10[%dma_start3A_662, %dma_start3A_663] : memref<10000x32xbf16, #tpu.memory_space<vmem_shared>> -> memref<10000x32xbf16, #tpu.memory_space<vmem_shared>>
        tpu.enqueue_indirect_dma source(%dma_start3A_664 : memref<10000x32xbf16, #tpu.memory_space<vmem_shared>>) target(%arg8 : memref<128x32xbf16, #tpu.memory_space<vmem>>) offsets(%dma_start3A_661 : memref<128xi32, #tpu.memory_space<vmem>>) semaphore(%arg13 : memref<!tpu.dma_semaphore, #tpu.memory_space<semaphore_mem>>)
      } else {
      }
      %dma_wait3A_637 = arith.constant 0 : i32
      %dma_wait3A_638 = tpu.memref_slice %arg5[%mul3A_630, %dma_wait3A_637] : memref<79x128xi32, #tpu.memory_space<vmem>> -> memref<1x128xi32, #tpu.memory_space<vmem>>
      %dma_wait3A_639 = tpu.memref_squeeze %dma_wait3A_638 : memref<1x128xi32, #tpu.memory_space<vmem>> -> memref<128xi32, #tpu.memory_space<vmem>>
      %dma_wait3A_640 = arith.constant 0 : i32
      %dma_wait3A_641 = arith.constant 0 : i32
      %dma_wait3A_642 = tpu.memref_slice %arg10[%dma_wait3A_640, %dma_wait3A_641] : memref<10000x32xbf16, #tpu.memory_space<vmem_shared>> -> memref<10000x32xbf16, #tpu.memory_space<vmem_shared>>
      tpu.wait_indirect_dma semaphore(%arg12 : memref<!tpu.dma_semaphore, #tpu.memory_space<semaphore_mem>>) src(%dma_wait3A_642 : memref<10000x32xbf16, #tpu.memory_space<vmem_shared>>) dst(%arg7 : memref<128x32xbf16, #tpu.memory_space<vmem>>)
      "tpu.region"() ({
        %run_scoped3A = tpu.sem_alloc : memref<!tpu.dma_semaphore, #tpu.memory_space<semaphore_mem>>
        %dma_start3A_657 = arith.constant 0 : i32
        %dma_start3A_658 = tpu.memref_slice %arg6[%mul3A_630, %dma_start3A_657] : memref<79x128xi32, #tpu.memory_space<vmem>> -> memref<1x128xi32, #tpu.memory_space<vmem>>
        %dma_start3A_659 = tpu.memref_squeeze %dma_start3A_658 : memref<1x128xi32, #tpu.memory_space<vmem>> -> memref<128xi32, #tpu.memory_space<vmem>>
        %dma_start3A_660 = arith.constant 0 : i32
        %dma_start3A_661 = arith.constant 0 : i32
        %dma_start3A_662 = tpu.memref_slice %arg11[%dma_start3A_660, %dma_start3A_661] : memref<10000x32xbf16, #tpu.memory_space<vmem_shared>> -> memref<10000x32xbf16, #tpu.memory_space<vmem_shared>>
        tpu.enqueue_indirect_dma source(%arg7 : memref<128x32xbf16, #tpu.memory_space<vmem>>) target(%dma_start3A_662 : memref<10000x32xbf16, #tpu.memory_space<vmem_shared>>) offsets(%dma_start3A_659 : memref<128xi32, #tpu.memory_space<vmem>>) semaphore(%run_scoped3A : memref<!tpu.dma_semaphore, #tpu.memory_space<semaphore_mem>>) {add = true}
        %dma_wait3A_663 = arith.constant 0 : i32
        %dma_wait3A_664 = tpu.memref_slice %arg6[%mul3A_630, %dma_wait3A_663] : memref<79x128xi32, #tpu.memory_space<vmem>> -> memref<1x128xi32, #tpu.memory_space<vmem>>
        %dma_wait3A_665 = tpu.memref_squeeze %dma_wait3A_664 : memref<1x128xi32, #tpu.memory_space<vmem>> -> memref<128xi32, #tpu.memory_space<vmem>>
        %dma_wait3A_666 = arith.constant 0 : i32
        %dma_wait3A_667 = arith.constant 0 : i32
        %dma_wait3A_668 = tpu.memref_slice %arg11[%dma_wait3A_666, %dma_wait3A_667] : memref<10000x32xbf16, #tpu.memory_space<vmem_shared>> -> memref<10000x32xbf16, #tpu.memory_space<vmem_shared>>
        tpu.wait_indirect_dma semaphore(%run_scoped3A : memref<!tpu.dma_semaphore, #tpu.memory_space<semaphore_mem>>) src(%arg7 : memref<128x32xbf16, #tpu.memory_space<vmem>>) dst(%dma_wait3A_668 : memref<10000x32xbf16, #tpu.memory_space<vmem_shared>>)
        tpu.yield
      }) : () -> ()
      %add3A_643 = arith.constant 1 : i32
      %add3A_644 = arith.addi %mul3A_630, %add3A_643 : i32
      %add3A_645 = arith.constant 1 : i32
      %add3A_646 = arith.addi %add3A_644, %add3A_645 : i32
      %lt3A_647 = arith.cmpi slt, %add3A_646, %add3A_356 : i32
      %convert_element_type3A_648 = arith.extui %lt3A_647 : i1 to i32
      %cond3A_649 = arith.constant 0 : i32
      %cond3A_650 = arith.cmpi ne, %convert_element_type3A_648, %cond3A_649 : i32
      scf.if %cond3A_650 {
        %add3A_657 = arith.constant 1 : i32
        %add3A_658 = arith.addi %add3A_644, %add3A_657 : i32
        %dma_start3A_659 = arith.constant 0 : i32
        %dma_start3A_660 = tpu.memref_slice %arg5[%add3A_658, %dma_start3A_659] : memref<79x128xi32, #tpu.memory_space<vmem>> -> memref<1x128xi32, #tpu.memory_space<vmem>>
        %dma_start3A_661 = tpu.memref_squeeze %dma_start3A_660 : memref<1x128xi32, #tpu.memory_space<vmem>> -> memref<128xi32, #tpu.memory_space<vmem>>
        %dma_start3A_662 = arith.constant 0 : i32
        %dma_start3A_663 = arith.constant 0 : i32
        %dma_start3A_664 = tpu.memref_slice %arg10[%dma_start3A_662, %dma_start3A_663] : memref<10000x32xbf16, #tpu.memory_space<vmem_shared>> -> memref<10000x32xbf16, #tpu.memory_space<vmem_shared>>
        tpu.enqueue_indirect_dma source(%dma_start3A_664 : memref<10000x32xbf16, #tpu.memory_space<vmem_shared>>) target(%arg7 : memref<128x32xbf16, #tpu.memory_space<vmem>>) offsets(%dma_start3A_661 : memref<128xi32, #tpu.memory_space<vmem>>) semaphore(%arg12 : memref<!tpu.dma_semaphore, #tpu.memory_space<semaphore_mem>>)
      } else {
      }
      %dma_wait3A_651 = arith.constant 0 : i32
      %dma_wait3A_652 = tpu.memref_slice %arg5[%add3A_644, %dma_wait3A_651] : memref<79x128xi32, #tpu.memory_space<vmem>> -> memref<1x128xi32, #tpu.memory_space<vmem>>
      %dma_wait3A_653 = tpu.memref_squeeze %dma_wait3A_652 : memref<1x128xi32, #tpu.memory_space<vmem>> -> memref<128xi32, #tpu.memory_space<vmem>>
      %dma_wait3A_654 = arith.constant 0 : i32
      %dma_wait3A_655 = arith.constant 0 : i32
      %dma_wait3A_656 = tpu.memref_slice %arg10[%dma_wait3A_654, %dma_wait3A_655] : memref<10000x32xbf16, #tpu.memory_space<vmem_shared>> -> memref<10000x32xbf16, #tpu.memory_space<vmem_shared>>
      tpu.wait_indirect_dma semaphore(%arg13 : memref<!tpu.dma_semaphore, #tpu.memory_space<semaphore_mem>>) src(%dma_wait3A_656 : memref<10000x32xbf16, #tpu.memory_space<vmem_shared>>) dst(%arg8 : memref<128x32xbf16, #tpu.memory_space<vmem>>)
      "tpu.region"() ({
        %run_scoped3A = tpu.sem_alloc : memref<!tpu.dma_semaphore, #tpu.memory_space<semaphore_mem>>
        %dma_start3A_657 = arith.constant 0 : i32
        %dma_start3A_658 = tpu.memref_slice %arg6[%add3A_644, %dma_start3A_657] : memref<79x128xi32, #tpu.memory_space<vmem>> -> memref<1x128xi32, #tpu.memory_space<vmem>>
        %dma_start3A_659 = tpu.memref_squeeze %dma_start3A_658 : memref<1x128xi32, #tpu.memory_space<vmem>> -> memref<128xi32, #tpu.memory_space<vmem>>
        %dma_start3A_660 = arith.constant 0 : i32
        %dma_start3A_661 = arith.constant 0 : i32
        %dma_start3A_662 = tpu.memref_slice %arg11[%dma_start3A_660, %dma_start3A_661] : memref<10000x32xbf16, #tpu.memory_space<vmem_shared>> -> memref<10000x32xbf16, #tpu.memory_space<vmem_shared>>
        tpu.enqueue_indirect_dma source(%arg8 : memref<128x32xbf16, #tpu.memory_space<vmem>>) target(%dma_start3A_662 : memref<10000x32xbf16, #tpu.memory_space<vmem_shared>>) offsets(%dma_start3A_659 : memref<128xi32, #tpu.memory_space<vmem>>) semaphore(%run_scoped3A : memref<!tpu.dma_semaphore, #tpu.memory_space<semaphore_mem>>) {add = true}
        %dma_wait3A_663 = arith.constant 0 : i32
        %dma_wait3A_664 = tpu.memref_slice %arg6[%add3A_644, %dma_wait3A_663] : memref<79x128xi32, #tpu.memory_space<vmem>> -> memref<1x128xi32, #tpu.memory_space<vmem>>
        %dma_wait3A_665 = tpu.memref_squeeze %dma_wait3A_664 : memref<1x128xi32, #tpu.memory_space<vmem>> -> memref<128xi32, #tpu.memory_space<vmem>>
        %dma_wait3A_666 = arith.constant 0 : i32
        %dma_wait3A_667 = arith.constant 0 : i32
        %dma_wait3A_668 = tpu.memref_slice %arg11[%dma_wait3A_666, %dma_wait3A_667] : memref<10000x32xbf16, #tpu.memory_space<vmem_shared>> -> memref<10000x32xbf16, #tpu.memory_space<vmem_shared>>
        tpu.wait_indirect_dma semaphore(%run_scoped3A : memref<!tpu.dma_semaphore, #tpu.memory_space<semaphore_mem>>) src(%arg8 : memref<128x32xbf16, #tpu.memory_space<vmem>>) dst(%dma_wait3A_668 : memref<10000x32xbf16, #tpu.memory_space<vmem_shared>>)
        tpu.yield
      }) : () -> ()
    }
    %while3A_605 = arith.constant 1 : i32
    scf.for %while3A_628 = %while3A_603 to %while3A_599 step %while3A_605  : i32 {
      %mul3A_629 = arith.constant 2 : i32
      %mul3A_630 = arith.muli %mul3A_629, %while3A_628 : i32
      %add3A_631 = arith.constant 1 : i32
      %add3A_632 = arith.addi %mul3A_630, %add3A_631 : i32
      %lt3A_633 = arith.cmpi slt, %add3A_632, %add3A_356 : i32
      %convert_element_type3A_634 = arith.extui %lt3A_633 : i1 to i32
      %cond3A_635 = arith.constant 0 : i32
      %cond3A_636 = arith.cmpi ne, %convert_element_type3A_634, %cond3A_635 : i32
      scf.if %cond3A_636 {
        %add3A_657 = arith.constant 1 : i32
        %add3A_658 = arith.addi %mul3A_630, %add3A_657 : i32
        %dma_start3A_659 = arith.constant 0 : i32
        %dma_start3A_660 = tpu.memref_slice %arg5[%add3A_658, %dma_start3A_659] : memref<79x128xi32, #tpu.memory_space<vmem>> -> memref<1x128xi32, #tpu.memory_space<vmem>>
        %dma_start3A_661 = tpu.memref_squeeze %dma_start3A_660 : memref<1x128xi32, #tpu.memory_space<vmem>> -> memref<128xi32, #tpu.memory_space<vmem>>
        %dma_start3A_662 = arith.constant 0 : i32
        %dma_start3A_663 = arith.constant 0 : i32
        %dma_start3A_664 = tpu.memref_slice %arg10[%dma_start3A_662, %dma_start3A_663] : memref<10000x32xbf16, #tpu.memory_space<vmem_shared>> -> memref<10000x32xbf16, #tpu.memory_space<vmem_shared>>
        tpu.enqueue_indirect_dma source(%dma_start3A_664 : memref<10000x32xbf16, #tpu.memory_space<vmem_shared>>) target(%arg8 : memref<128x32xbf16, #tpu.memory_space<vmem>>) offsets(%dma_start3A_661 : memref<128xi32, #tpu.memory_space<vmem>>) semaphore(%arg13 : memref<!tpu.dma_semaphore, #tpu.memory_space<semaphore_mem>>)
      } else {
      }
      %dma_wait3A_637 = arith.constant 0 : i32
      %dma_wait3A_638 = tpu.memref_slice %arg5[%mul3A_630, %dma_wait3A_637] : memref<79x128xi32, #tpu.memory_space<vmem>> -> memref<1x128xi32, #tpu.memory_space<vmem>>
      %dma_wait3A_639 = tpu.memref_squeeze %dma_wait3A_638 : memref<1x128xi32, #tpu.memory_space<vmem>> -> memref<128xi32, #tpu.memory_space<vmem>>
      %dma_wait3A_640 = arith.constant 0 : i32
      %dma_wait3A_641 = arith.constant 0 : i32
      %dma_wait3A_642 = tpu.memref_slice %arg10[%dma_wait3A_640, %dma_wait3A_641] : memref<10000x32xbf16, #tpu.memory_space<vmem_shared>> -> memref<10000x32xbf16, #tpu.memory_space<vmem_shared>>
      tpu.wait_indirect_dma semaphore(%arg12 : memref<!tpu.dma_semaphore, #tpu.memory_space<semaphore_mem>>) src(%dma_wait3A_642 : memref<10000x32xbf16, #tpu.memory_space<vmem_shared>>) dst(%arg7 : memref<128x32xbf16, #tpu.memory_space<vmem>>)
      "tpu.region"() ({
        %run_scoped3A = tpu.sem_alloc : memref<!tpu.dma_semaphore, #tpu.memory_space<semaphore_mem>>
        %dma_start3A_657 = arith.constant 0 : i32
        %dma_start3A_658 = tpu.memref_slice %arg6[%mul3A_630, %dma_start3A_657] : memref<79x128xi32, #tpu.memory_space<vmem>> -> memref<1x128xi32, #tpu.memory_space<vmem>>
        %dma_start3A_659 = tpu.memref_squeeze %dma_start3A_658 : memref<1x128xi32, #tpu.memory_space<vmem>> -> memref<128xi32, #tpu.memory_space<vmem>>
        %dma_start3A_660 = arith.constant 0 : i32
        %dma_start3A_661 = arith.constant 0 : i32
        %dma_start3A_662 = tpu.memref_slice %arg11[%dma_start3A_660, %dma_start3A_661] : memref<10000x32xbf16, #tpu.memory_space<vmem_shared>> -> memref<10000x32xbf16, #tpu.memory_space<vmem_shared>>
        tpu.enqueue_indirect_dma source(%arg7 : memref<128x32xbf16, #tpu.memory_space<vmem>>) target(%dma_start3A_662 : memref<10000x32xbf16, #tpu.memory_space<vmem_shared>>) offsets(%dma_start3A_659 : memref<128xi32, #tpu.memory_space<vmem>>) semaphore(%run_scoped3A : memref<!tpu.dma_semaphore, #tpu.memory_space<semaphore_mem>>) {add = true}
        %dma_wait3A_663 = arith.constant 0 : i32
        %dma_wait3A_664 = tpu.memref_slice %arg6[%mul3A_630, %dma_wait3A_663] : memref<79x128xi32, #tpu.memory_space<vmem>> -> memref<1x128xi32, #tpu.memory_space<vmem>>
        %dma_wait3A_665 = tpu.memref_squeeze %dma_wait3A_664 : memref<1x128xi32, #tpu.memory_space<vmem>> -> memref<128xi32, #tpu.memory_space<vmem>>
        %dma_wait3A_666 = arith.constant 0 : i32
        %dma_wait3A_667 = arith.constant 0 : i32
        %dma_wait3A_668 = tpu.memref_slice %arg11[%dma_wait3A_666, %dma_wait3A_667] : memref<10000x32xbf16, #tpu.memory_space<vmem_shared>> -> memref<10000x32xbf16, #tpu.memory_space<vmem_shared>>
        tpu.wait_indirect_dma semaphore(%run_scoped3A : memref<!tpu.dma_semaphore, #tpu.memory_space<semaphore_mem>>) src(%arg7 : memref<128x32xbf16, #tpu.memory_space<vmem>>) dst(%dma_wait3A_668 : memref<10000x32xbf16, #tpu.memory_space<vmem_shared>>)
        tpu.yield
      }) : () -> ()
      %add3A_643 = arith.constant 1 : i32
      %add3A_644 = arith.addi %mul3A_630, %add3A_643 : i32
      %add3A_645 = arith.constant 1 : i32
      %add3A_646 = arith.addi %add3A_644, %add3A_645 : i32
      %lt3A_647 = arith.cmpi slt, %add3A_646, %add3A_356 : i32
      %convert_element_type3A_648 = arith.extui %lt3A_647 : i1 to i32
      %cond3A_649 = arith.constant 0 : i32
      %cond3A_650 = arith.cmpi ne, %convert_element_type3A_648, %cond3A_649 : i32
      scf.if %cond3A_650 {
        %add3A_657 = arith.constant 1 : i32
        %add3A_658 = arith.addi %add3A_644, %add3A_657 : i32
        %dma_start3A_659 = arith.constant 0 : i32
        %dma_start3A_660 = tpu.memref_slice %arg5[%add3A_658, %dma_start3A_659] : memref<79x128xi32, #tpu.memory_space<vmem>> -> memref<1x128xi32, #tpu.memory_space<vmem>>
        %dma_start3A_661 = tpu.memref_squeeze %dma_start3A_660 : memref<1x128xi32, #tpu.memory_space<vmem>> -> memref<128xi32, #tpu.memory_space<vmem>>
        %dma_start3A_662 = arith.constant 0 : i32
        %dma_start3A_663 = arith.constant 0 : i32
        %dma_start3A_664 = tpu.memref_slice %arg10[%dma_start3A_662, %dma_start3A_663] : memref<10000x32xbf16, #tpu.memory_space<vmem_shared>> -> memref<10000x32xbf16, #tpu.memory_space<vmem_shared>>
        tpu.enqueue_indirect_dma source(%dma_start3A_664 : memref<10000x32xbf16, #tpu.memory_space<vmem_shared>>) target(%arg7 : memref<128x32xbf16, #tpu.memory_space<vmem>>) offsets(%dma_start3A_661 : memref<128xi32, #tpu.memory_space<vmem>>) semaphore(%arg12 : memref<!tpu.dma_semaphore, #tpu.memory_space<semaphore_mem>>)
      } else {
      }
      %dma_wait3A_651 = arith.constant 0 : i32
      %dma_wait3A_652 = tpu.memref_slice %arg5[%add3A_644, %dma_wait3A_651] : memref<79x128xi32, #tpu.memory_space<vmem>> -> memref<1x128xi32, #tpu.memory_space<vmem>>
      %dma_wait3A_653 = tpu.memref_squeeze %dma_wait3A_652 : memref<1x128xi32, #tpu.memory_space<vmem>> -> memref<128xi32, #tpu.memory_space<vmem>>
      %dma_wait3A_654 = arith.constant 0 : i32
      %dma_wait3A_655 = arith.constant 0 : i32
      %dma_wait3A_656 = tpu.memref_slice %arg10[%dma_wait3A_654, %dma_wait3A_655] : memref<10000x32xbf16, #tpu.memory_space<vmem_shared>> -> memref<10000x32xbf16, #tpu.memory_space<vmem_shared>>
      tpu.wait_indirect_dma semaphore(%arg13 : memref<!tpu.dma_semaphore, #tpu.memory_space<semaphore_mem>>) src(%dma_wait3A_656 : memref<10000x32xbf16, #tpu.memory_space<vmem_shared>>) dst(%arg8 : memref<128x32xbf16, #tpu.memory_space<vmem>>)
      "tpu.region"() ({
        %run_scoped3A = tpu.sem_alloc : memref<!tpu.dma_semaphore, #tpu.memory_space<semaphore_mem>>
        %dma_start3A_657 = arith.constant 0 : i32
        %dma_start3A_658 = tpu.memref_slice %arg6[%add3A_644, %dma_start3A_657] : memref<79x128xi32, #tpu.memory_space<vmem>> -> memref<1x128xi32, #tpu.memory_space<vmem>>
        %dma_start3A_659 = tpu.memref_squeeze %dma_start3A_658 : memref<1x128xi32, #tpu.memory_space<vmem>> -> memref<128xi32, #tpu.memory_space<vmem>>
        %dma_start3A_660 = arith.constant 0 : i32
        %dma_start3A_661 = arith.constant 0 : i32
        %dma_start3A_662 = tpu.memref_slice %arg11[%dma_start3A_660, %dma_start3A_661] : memref<10000x32xbf16, #tpu.memory_space<vmem_shared>> -> memref<10000x32xbf16, #tpu.memory_space<vmem_shared>>
        tpu.enqueue_indirect_dma source(%arg8 : memref<128x32xbf16, #tpu.memory_space<vmem>>) target(%dma_start3A_662 : memref<10000x32xbf16, #tpu.memory_space<vmem_shared>>) offsets(%dma_start3A_659 : memref<128xi32, #tpu.memory_space<vmem>>) semaphore(%run_scoped3A : memref<!tpu.dma_semaphore, #tpu.memory_space<semaphore_mem>>) {add = true}
        %dma_wait3A_663 = arith.constant 0 : i32
        %dma_wait3A_664 = tpu.memref_slice %arg6[%add3A_644, %dma_wait3A_663] : memref<79x128xi32, #tpu.memory_space<vmem>> -> memref<1x128xi32, #tpu.memory_space<vmem>>
        %dma_wait3A_665 = tpu.memref_squeeze %dma_wait3A_664 : memref<1x128xi32, #tpu.memory_space<vmem>> -> memref<128xi32, #tpu.memory_space<vmem>>
        %dma_wait3A_666 = arith.constant 0 : i32
        %dma_wait3A_667 = arith.constant 0 : i32
        %dma_wait3A_668 = tpu.memref_slice %arg11[%dma_wait3A_666, %dma_wait3A_667] : memref<10000x32xbf16, #tpu.memory_space<vmem_shared>> -> memref<10000x32xbf16, #tpu.memory_space<vmem_shared>>
        tpu.wait_indirect_dma semaphore(%run_scoped3A : memref<!tpu.dma_semaphore, #tpu.memory_space<semaphore_mem>>) src(%arg8 : memref<128x32xbf16, #tpu.memory_space<vmem>>) dst(%dma_wait3A_668 : memref<10000x32xbf16, #tpu.memory_space<vmem_shared>>)
        tpu.yield
      }) : () -> ()
    }
    %jit3A_606 = arith.constant 2 : i32
    %eq3A_607 = arith.constant 0 : i32
    %eq3A_608 = arith.cmpi eq, %jit3A_606, %eq3A_607 : i32
    %jit3A_609 = arith.constant 1 : i32
    %select_n3A_610 = arith.select %eq3A_608, %jit3A_609, %jit3A_606 : i32
    %rem3A_611 = arith.remsi %add3A_356, %select_n3A_610 : i32
    %ne3A_612 = arith.constant 0 : i32
    %ne3A_613 = arith.cmpi ne, %rem3A_611, %ne3A_612 : i32
    %lt3A_614 = arith.constant 0 : i32
    %lt3A_615 = arith.cmpi slt, %rem3A_611, %lt3A_614 : i32
    %lt3A_616 = arith.constant 0 : i32
    %lt3A_617 = arith.cmpi slt, %select_n3A_610, %lt3A_616 : i32
    %ne3A_618 = arith.xori %lt3A_615, %lt3A_617 : i1
    %and3A_619 = arith.andi %ne3A_618, %ne3A_613 : i1
    %add3A_620 = arith.addi %rem3A_611, %select_n3A_610 : i32
    %select_n3A_621 = arith.select %and3A_619, %add3A_620, %rem3A_611 : i32
    %eq3A_622 = arith.constant 1 : i32
    %eq3A_623 = arith.cmpi eq, %select_n3A_621, %eq3A_622 : i32
    %convert_element_type3A_624 = arith.extui %eq3A_623 : i1 to i32
    %cond3A_625 = arith.constant 0 : i32
    %cond3A_626 = arith.cmpi ne, %convert_element_type3A_624, %cond3A_625 : i32
    scf.if %cond3A_626 {
      %sub3A_628 = arith.constant 1 : i32
      %sub3A_629 = arith.subi %add3A_356, %sub3A_628 : i32
      %add3A_630 = arith.constant 1 : i32
      %add3A_631 = arith.addi %sub3A_629, %add3A_630 : i32
      %lt3A_632 = arith.cmpi slt, %add3A_631, %add3A_356 : i32
      %convert_element_type3A_633 = arith.extui %lt3A_632 : i1 to i32
      %cond3A_634 = arith.constant 0 : i32
      %cond3A_635 = arith.cmpi ne, %convert_element_type3A_633, %cond3A_634 : i32
      scf.if %cond3A_635 {
        %add3A_642 = arith.constant 1 : i32
        %add3A_643 = arith.addi %sub3A_629, %add3A_642 : i32
        %dma_start3A_644 = arith.constant 0 : i32
        %dma_start3A_645 = tpu.memref_slice %arg5[%add3A_643, %dma_start3A_644] : memref<79x128xi32, #tpu.memory_space<vmem>> -> memref<1x128xi32, #tpu.memory_space<vmem>>
        %dma_start3A_646 = tpu.memref_squeeze %dma_start3A_645 : memref<1x128xi32, #tpu.memory_space<vmem>> -> memref<128xi32, #tpu.memory_space<vmem>>
        %dma_start3A_647 = arith.constant 0 : i32
        %dma_start3A_648 = arith.constant 0 : i32
        %dma_start3A_649 = tpu.memref_slice %arg10[%dma_start3A_647, %dma_start3A_648] : memref<10000x32xbf16, #tpu.memory_space<vmem_shared>> -> memref<10000x32xbf16, #tpu.memory_space<vmem_shared>>
        tpu.enqueue_indirect_dma source(%dma_start3A_649 : memref<10000x32xbf16, #tpu.memory_space<vmem_shared>>) target(%arg8 : memref<128x32xbf16, #tpu.memory_space<vmem>>) offsets(%dma_start3A_646 : memref<128xi32, #tpu.memory_space<vmem>>) semaphore(%arg13 : memref<!tpu.dma_semaphore, #tpu.memory_space<semaphore_mem>>)
      } else {
      }
      %dma_wait3A_636 = arith.constant 0 : i32
      %dma_wait3A_637 = tpu.memref_slice %arg5[%sub3A_629, %dma_wait3A_636] : memref<79x128xi32, #tpu.memory_space<vmem>> -> memref<1x128xi32, #tpu.memory_space<vmem>>
      %dma_wait3A_638 = tpu.memref_squeeze %dma_wait3A_637 : memref<1x128xi32, #tpu.memory_space<vmem>> -> memref<128xi32, #tpu.memory_space<vmem>>
      %dma_wait3A_639 = arith.constant 0 : i32
      %dma_wait3A_640 = arith.constant 0 : i32
      %dma_wait3A_641 = tpu.memref_slice %arg10[%dma_wait3A_639, %dma_wait3A_640] : memref<10000x32xbf16, #tpu.memory_space<vmem_shared>> -> memref<10000x32xbf16, #tpu.memory_space<vmem_shared>>
      tpu.wait_indirect_dma semaphore(%arg12 : memref<!tpu.dma_semaphore, #tpu.memory_space<semaphore_mem>>) src(%dma_wait3A_641 : memref<10000x32xbf16, #tpu.memory_space<vmem_shared>>) dst(%arg7 : memref<128x32xbf16, #tpu.memory_space<vmem>>)
      "tpu.region"() ({
        %run_scoped3A = tpu.sem_alloc : memref<!tpu.dma_semaphore, #tpu.memory_space<semaphore_mem>>
        %dma_start3A_642 = arith.constant 0 : i32
        %dma_start3A_643 = tpu.memref_slice %arg6[%sub3A_629, %dma_start3A_642] : memref<79x128xi32, #tpu.memory_space<vmem>> -> memref<1x128xi32, #tpu.memory_space<vmem>>
        %dma_start3A_644 = tpu.memref_squeeze %dma_start3A_643 : memref<1x128xi32, #tpu.memory_space<vmem>> -> memref<128xi32, #tpu.memory_space<vmem>>
        %dma_start3A_645 = arith.constant 0 : i32
        %dma_start3A_646 = arith.constant 0 : i32
        %dma_start3A_647 = tpu.memref_slice %arg11[%dma_start3A_645, %dma_start3A_646] : memref<10000x32xbf16, #tpu.memory_space<vmem_shared>> -> memref<10000x32xbf16, #tpu.memory_space<vmem_shared>>
        tpu.enqueue_indirect_dma source(%arg7 : memref<128x32xbf16, #tpu.memory_space<vmem>>) target(%dma_start3A_647 : memref<10000x32xbf16, #tpu.memory_space<vmem_shared>>) offsets(%dma_start3A_644 : memref<128xi32, #tpu.memory_space<vmem>>) semaphore(%run_scoped3A : memref<!tpu.dma_semaphore, #tpu.memory_space<semaphore_mem>>) {add = true}
        %dma_wait3A_648 = arith.constant 0 : i32
        %dma_wait3A_649 = tpu.memref_slice %arg6[%sub3A_629, %dma_wait3A_648] : memref<79x128xi32, #tpu.memory_space<vmem>> -> memref<1x128xi32, #tpu.memory_space<vmem>>
        %dma_wait3A_650 = tpu.memref_squeeze %dma_wait3A_649 : memref<1x128xi32, #tpu.memory_space<vmem>> -> memref<128xi32, #tpu.memory_space<vmem>>
        %dma_wait3A_651 = arith.constant 0 : i32
        %dma_wait3A_652 = arith.constant 0 : i32
        %dma_wait3A_653 = tpu.memref_slice %arg11[%dma_wait3A_651, %dma_wait3A_652] : memref<10000x32xbf16, #tpu.memory_space<vmem_shared>> -> memref<10000x32xbf16, #tpu.memory_space<vmem_shared>>
        tpu.wait_indirect_dma semaphore(%run_scoped3A : memref<!tpu.dma_semaphore, #tpu.memory_space<semaphore_mem>>) src(%arg7 : memref<128x32xbf16, #tpu.memory_space<vmem>>) dst(%dma_wait3A_653 : memref<10000x32xbf16, #tpu.memory_space<vmem_shared>>)
        tpu.yield
      }) : () -> ()
    } else {
    }
    %barrier3A_627 = arith.constant 0 : index
    tpu.barrier barrier_id(%barrier3A_627)
    "tpu.region"() ({
      %run_scoped3A = tpu.sem_alloc : memref<!tpu.dma_semaphore, #tpu.memory_space<semaphore_mem>>
      %dma_start3A_628 = arith.constant 0 : i32
      %dma_start3A_629 = tpu.memref_slice %arg4[%arg0, %mul3A_200, %dma_start3A_628] : memref<2x10000x32xbf16, #tpu.memory_space<hbm>> -> memref<1x625x32xbf16, #tpu.memory_space<hbm>>
      %dma_start3A_630 = tpu.memref_squeeze %dma_start3A_629 : memref<1x625x32xbf16, #tpu.memory_space<hbm>> -> memref<625x32xbf16, #tpu.memory_space<hbm>>
      %dma_start3A_631 = arith.constant 0 : i32
      %dma_start3A_632 = tpu.memref_slice %arg11[%mul3A_200, %dma_start3A_631] : memref<10000x32xbf16, #tpu.memory_space<vmem_shared>> -> memref<625x32xbf16, #tpu.memory_space<vmem_shared>>
      tpu.enqueue_dma source(%dma_start3A_632 : memref<625x32xbf16, #tpu.memory_space<vmem_shared>>) target(%dma_start3A_630 : memref<625x32xbf16, #tpu.memory_space<hbm>>) target_semaphore(%run_scoped3A : memref<!tpu.dma_semaphore, #tpu.memory_space<semaphore_mem>>)
      %dma_wait3A_633 = arith.constant 0 : i32
      %dma_wait3A_634 = tpu.memref_slice %arg4[%arg0, %mul3A_200, %dma_wait3A_633] : memref<2x10000x32xbf16, #tpu.memory_space<hbm>> -> memref<1x625x32xbf16, #tpu.memory_space<hbm>>
      %dma_wait3A_635 = tpu.memref_squeeze %dma_wait3A_634 : memref<1x625x32xbf16, #tpu.memory_space<hbm>> -> memref<625x32xbf16, #tpu.memory_space<hbm>>
      %dma_wait3A_636 = arith.constant 0 : i32
      %dma_wait3A_637 = tpu.memref_slice %arg11[%mul3A_200, %dma_wait3A_636] : memref<10000x32xbf16, #tpu.memory_space<vmem_shared>> -> memref<625x32xbf16, #tpu.memory_space<vmem_shared>>
      tpu.wait_dma2 semaphore(%run_scoped3A : memref<!tpu.dma_semaphore, #tpu.memory_space<semaphore_mem>>) src(%dma_wait3A_637 : memref<625x32xbf16, #tpu.memory_space<vmem_shared>>) dst(%dma_wait3A_635 : memref<625x32xbf16, #tpu.memory_space<hbm>>)
      tpu.yield
    }) : () -> ()
    return
  }
}

#map = affine_map<(d0, d1) -> (0, 0)>
#map1 = affine_map<(d0, d1) -> (0, 0, 0)>
module attributes {stable_mosaic.version = 14 : i64} {
  func.func @body(%arg0: i32, %arg1: i32, %arg2: memref<10000x64xbf16, #tpu.memory_space<hbm>>, %arg3: memref<2x2500x128xi32, #tpu.memory_space<hbm>>, %arg4: memref<2x10000x64xbf16, #tpu.memory_space<hbm>>, %arg5: memref<79x128xi32, #tpu.memory_space<vmem>>, %arg6: memref<79x128xi32, #tpu.memory_space<vmem>>, %arg7: memref<128x64xbf16, #tpu.memory_space<vmem>>, %arg8: memref<128x64xbf16, #tpu.memory_space<vmem>>, %arg9: memref<25x64xbf16, #tpu.memory_space<vmem>>, %arg10: memref<10000x64xbf16, #tpu.memory_space<vmem_shared>>, %arg11: memref<10000x64xbf16, #tpu.memory_space<vmem_shared>>, %arg12: memref<!tpu.dma_semaphore, #tpu.memory_space<semaphore_mem>>, %arg13: memref<!tpu.dma_semaphore, #tpu.memory_space<semaphore_mem>>, %arg14: memref<!tpu.dma_semaphore, #tpu.memory_space<semaphore_mem>>, %arg15: memref<!tpu.dma_semaphore, #tpu.memory_space<semaphore_mem>>) attributes {dimension_semantics = [#tpu.dimension_semantics<core_parallel>, #tpu.dimension_semantics<subcore_parallel>], iteration_bounds = array<i64: 2, 16>, scalar_prefetch = 0 : i64, scratch_operands = 11 : i64, tpu.core_type = #tpu.core_type<sc_vector_subcore>, window_params = [{transform_indices = #map}, {transform_indices = #map1}, {transform_indices = #map1}]} {
    %mul3A = arith.constant 2 : i32
    %mul3A_0 = arith.muli %arg1, %mul3A : i32
    %add3A = arith.addi %mul3A_0, %arg0 : i32
    %broadcast_in_dim3A = arith.constant 0.000000e+00 : bf16
    %broadcast_in_dim3A_1 = vector.broadcast %broadcast_in_dim3A : bf16 to vector<32xbf16>
    %swap3A = arith.constant 0 : i32
    %swap3A_2 = arith.index_cast %swap3A : i32 to index
    %swap3A_3 = arith.constant 0 : index
    %swap3A_4 = tpu.vector_load %arg9[%swap3A_2, %swap3A_3] {strides = array<i32>} : memref<25x64xbf16, #tpu.memory_space<vmem>>, vector<1x32xbf16>,
    %swap3A_5 = vector.shape_cast %swap3A_4 : vector<1x32xbf16> to vector<32xbf16>
    %swap3A_6 = vector.shape_cast %broadcast_in_dim3A_1 : vector<32xbf16> to vector<1x32xbf16>
    tpu.vector_store %arg9[%swap3A_2, %swap3A_3], %swap3A_6 {strides = array<i32>} : memref<25x64xbf16, #tpu.memory_space<vmem>>, vector<1x32xbf16>,
    %broadcast_in_dim3A_7 = arith.constant 0.000000e+00 : bf16
    %broadcast_in_dim3A_8 = vector.broadcast %broadcast_in_dim3A_7 : bf16 to vector<32xbf16>
    %swap3A_9 = arith.constant 0 : i32
    %swap3A_10 = arith.index_cast %swap3A_9 : i32 to index
    %swap3A_11 = arith.constant 32 : index
    %swap3A_12 = tpu.vector_load %arg9[%swap3A_10, %swap3A_11] {strides = array<i32>} : memref<25x64xbf16, #tpu.memory_space<vmem>>, vector<1x32xbf16>,
    %swap3A_13 = vector.shape_cast %swap3A_12 : vector<1x32xbf16> to vector<32xbf16>
    %swap3A_14 = vector.shape_cast %broadcast_in_dim3A_8 : vector<32xbf16> to vector<1x32xbf16>
    tpu.vector_store %arg9[%swap3A_10, %swap3A_11], %swap3A_14 {strides = array<i32>} : memref<25x64xbf16, #tpu.memory_space<vmem>>, vector<1x32xbf16>,
    %broadcast_in_dim3A_15 = arith.constant 0.000000e+00 : bf16
    %broadcast_in_dim3A_16 = vector.broadcast %broadcast_in_dim3A_15 : bf16 to vector<32xbf16>
    %swap3A_17 = arith.constant 1 : i32
    %swap3A_18 = arith.index_cast %swap3A_17 : i32 to index
    %swap3A_19 = arith.constant 0 : index
    %swap3A_20 = tpu.vector_load %arg9[%swap3A_18, %swap3A_19] {strides = array<i32>} : memref<25x64xbf16, #tpu.memory_space<vmem>>, vector<1x32xbf16>,
    %swap3A_21 = vector.shape_cast %swap3A_20 : vector<1x32xbf16> to vector<32xbf16>
    %swap3A_22 = vector.shape_cast %broadcast_in_dim3A_16 : vector<32xbf16> to vector<1x32xbf16>
    tpu.vector_store %arg9[%swap3A_18, %swap3A_19], %swap3A_22 {strides = array<i32>} : memref<25x64xbf16, #tpu.memory_space<vmem>>, vector<1x32xbf16>,
    %broadcast_in_dim3A_23 = arith.constant 0.000000e+00 : bf16
    %broadcast_in_dim3A_24 = vector.broadcast %broadcast_in_dim3A_23 : bf16 to vector<32xbf16>
    %swap3A_25 = arith.constant 1 : i32
    %swap3A_26 = arith.index_cast %swap3A_25 : i32 to index
    %swap3A_27 = arith.constant 32 : index
    %swap3A_28 = tpu.vector_load %arg9[%swap3A_26, %swap3A_27] {strides = array<i32>} : memref<25x64xbf16, #tpu.memory_space<vmem>>, vector<1x32xbf16>,
    %swap3A_29 = vector.shape_cast %swap3A_28 : vector<1x32xbf16> to vector<32xbf16>
    %swap3A_30 = vector.shape_cast %broadcast_in_dim3A_24 : vector<32xbf16> to vector<1x32xbf16>
    tpu.vector_store %arg9[%swap3A_26, %swap3A_27], %swap3A_30 {strides = array<i32>} : memref<25x64xbf16, #tpu.memory_space<vmem>>, vector<1x32xbf16>,
    %broadcast_in_dim3A_31 = arith.constant 0.000000e+00 : bf16
    %broadcast_in_dim3A_32 = vector.broadcast %broadcast_in_dim3A_31 : bf16 to vector<32xbf16>
    %swap3A_33 = arith.constant 2 : i32
    %swap3A_34 = arith.index_cast %swap3A_33 : i32 to index
    %swap3A_35 = arith.constant 0 : index
    %swap3A_36 = tpu.vector_load %arg9[%swap3A_34, %swap3A_35] {strides = array<i32>} : memref<25x64xbf16, #tpu.memory_space<vmem>>, vector<1x32xbf16>,
    %swap3A_37 = vector.shape_cast %swap3A_36 : vector<1x32xbf16> to vector<32xbf16>
    %swap3A_38 = vector.shape_cast %broadcast_in_dim3A_32 : vector<32xbf16> to vector<1x32xbf16>
    tpu.vector_store %arg9[%swap3A_34, %swap3A_35], %swap3A_38 {strides = array<i32>} : memref<25x64xbf16, #tpu.memory_space<vmem>>, vector<1x32xbf16>,
    %broadcast_in_dim3A_39 = arith.constant 0.000000e+00 : bf16
    %broadcast_in_dim3A_40 = vector.broadcast %broadcast_in_dim3A_39 : bf16 to vector<32xbf16>
    %swap3A_41 = arith.constant 2 : i32
    %swap3A_42 = arith.index_cast %swap3A_41 : i32 to index
    %swap3A_43 = arith.constant 32 : index
    %swap3A_44 = tpu.vector_load %arg9[%swap3A_42, %swap3A_43] {strides = array<i32>} : memref<25x64xbf16, #tpu.memory_space<vmem>>, vector<1x32xbf16>,
    %swap3A_45 = vector.shape_cast %swap3A_44 : vector<1x32xbf16> to vector<32xbf16>
    %swap3A_46 = vector.shape_cast %broadcast_in_dim3A_40 : vector<32xbf16> to vector<1x32xbf16>
    tpu.vector_store %arg9[%swap3A_42, %swap3A_43], %swap3A_46 {strides = array<i32>} : memref<25x64xbf16, #tpu.memory_space<vmem>>, vector<1x32xbf16>,
    %broadcast_in_dim3A_47 = arith.constant 0.000000e+00 : bf16
    %broadcast_in_dim3A_48 = vector.broadcast %broadcast_in_dim3A_47 : bf16 to vector<32xbf16>
    %swap3A_49 = arith.constant 3 : i32
    %swap3A_50 = arith.index_cast %swap3A_49 : i32 to index
    %swap3A_51 = arith.constant 0 : index
    %swap3A_52 = tpu.vector_load %arg9[%swap3A_50, %swap3A_51] {strides = array<i32>} : memref<25x64xbf16, #tpu.memory_space<vmem>>, vector<1x32xbf16>,
    %swap3A_53 = vector.shape_cast %swap3A_52 : vector<1x32xbf16> to vector<32xbf16>
    %swap3A_54 = vector.shape_cast %broadcast_in_dim3A_48 : vector<32xbf16> to vector<1x32xbf16>
    tpu.vector_store %arg9[%swap3A_50, %swap3A_51], %swap3A_54 {strides = array<i32>} : memref<25x64xbf16, #tpu.memory_space<vmem>>, vector<1x32xbf16>,
    %broadcast_in_dim3A_55 = arith.constant 0.000000e+00 : bf16
    %broadcast_in_dim3A_56 = vector.broadcast %broadcast_in_dim3A_55 : bf16 to vector<32xbf16>
    %swap3A_57 = arith.constant 3 : i32
    %swap3A_58 = arith.index_cast %swap3A_57 : i32 to index
    %swap3A_59 = arith.constant 32 : index
    %swap3A_60 = tpu.vector_load %arg9[%swap3A_58, %swap3A_59] {strides = array<i32>} : memref<25x64xbf16, #tpu.memory_space<vmem>>, vector<1x32xbf16>,
    %swap3A_61 = vector.shape_cast %swap3A_60 : vector<1x32xbf16> to vector<32xbf16>
    %swap3A_62 = vector.shape_cast %broadcast_in_dim3A_56 : vector<32xbf16> to vector<1x32xbf16>
    tpu.vector_store %arg9[%swap3A_58, %swap3A_59], %swap3A_62 {strides = array<i32>} : memref<25x64xbf16, #tpu.memory_space<vmem>>, vector<1x32xbf16>,
    %broadcast_in_dim3A_63 = arith.constant 0.000000e+00 : bf16
    %broadcast_in_dim3A_64 = vector.broadcast %broadcast_in_dim3A_63 : bf16 to vector<32xbf16>
    %swap3A_65 = arith.constant 4 : i32
    %swap3A_66 = arith.index_cast %swap3A_65 : i32 to index
    %swap3A_67 = arith.constant 0 : index
    %swap3A_68 = tpu.vector_load %arg9[%swap3A_66, %swap3A_67] {strides = array<i32>} : memref<25x64xbf16, #tpu.memory_space<vmem>>, vector<1x32xbf16>,
    %swap3A_69 = vector.shape_cast %swap3A_68 : vector<1x32xbf16> to vector<32xbf16>
    %swap3A_70 = vector.shape_cast %broadcast_in_dim3A_64 : vector<32xbf16> to vector<1x32xbf16>
    tpu.vector_store %arg9[%swap3A_66, %swap3A_67], %swap3A_70 {strides = array<i32>} : memref<25x64xbf16, #tpu.memory_space<vmem>>, vector<1x32xbf16>,
    %broadcast_in_dim3A_71 = arith.constant 0.000000e+00 : bf16
    %broadcast_in_dim3A_72 = vector.broadcast %broadcast_in_dim3A_71 : bf16 to vector<32xbf16>
    %swap3A_73 = arith.constant 4 : i32
    %swap3A_74 = arith.index_cast %swap3A_73 : i32 to index
    %swap3A_75 = arith.constant 32 : index
    %swap3A_76 = tpu.vector_load %arg9[%swap3A_74, %swap3A_75] {strides = array<i32>} : memref<25x64xbf16, #tpu.memory_space<vmem>>, vector<1x32xbf16>,
    %swap3A_77 = vector.shape_cast %swap3A_76 : vector<1x32xbf16> to vector<32xbf16>
    %swap3A_78 = vector.shape_cast %broadcast_in_dim3A_72 : vector<32xbf16> to vector<1x32xbf16>
    tpu.vector_store %arg9[%swap3A_74, %swap3A_75], %swap3A_78 {strides = array<i32>} : memref<25x64xbf16, #tpu.memory_space<vmem>>, vector<1x32xbf16>,
    %broadcast_in_dim3A_79 = arith.constant 0.000000e+00 : bf16
    %broadcast_in_dim3A_80 = vector.broadcast %broadcast_in_dim3A_79 : bf16 to vector<32xbf16>
    %swap3A_81 = arith.constant 5 : i32
    %swap3A_82 = arith.index_cast %swap3A_81 : i32 to index
    %swap3A_83 = arith.constant 0 : index
    %swap3A_84 = tpu.vector_load %arg9[%swap3A_82, %swap3A_83] {strides = array<i32>} : memref<25x64xbf16, #tpu.memory_space<vmem>>, vector<1x32xbf16>,
    %swap3A_85 = vector.shape_cast %swap3A_84 : vector<1x32xbf16> to vector<32xbf16>
    %swap3A_86 = vector.shape_cast %broadcast_in_dim3A_80 : vector<32xbf16> to vector<1x32xbf16>
    tpu.vector_store %arg9[%swap3A_82, %swap3A_83], %swap3A_86 {strides = array<i32>} : memref<25x64xbf16, #tpu.memory_space<vmem>>, vector<1x32xbf16>,
    %broadcast_in_dim3A_87 = arith.constant 0.000000e+00 : bf16
    %broadcast_in_dim3A_88 = vector.broadcast %broadcast_in_dim3A_87 : bf16 to vector<32xbf16>
    %swap3A_89 = arith.constant 5 : i32
    %swap3A_90 = arith.index_cast %swap3A_89 : i32 to index
    %swap3A_91 = arith.constant 32 : index
    %swap3A_92 = tpu.vector_load %arg9[%swap3A_90, %swap3A_91] {strides = array<i32>} : memref<25x64xbf16, #tpu.memory_space<vmem>>, vector<1x32xbf16>,
    %swap3A_93 = vector.shape_cast %swap3A_92 : vector<1x32xbf16> to vector<32xbf16>
    %swap3A_94 = vector.shape_cast %broadcast_in_dim3A_88 : vector<32xbf16> to vector<1x32xbf16>
    tpu.vector_store %arg9[%swap3A_90, %swap3A_91], %swap3A_94 {strides = array<i32>} : memref<25x64xbf16, #tpu.memory_space<vmem>>, vector<1x32xbf16>,
    %broadcast_in_dim3A_95 = arith.constant 0.000000e+00 : bf16
    %broadcast_in_dim3A_96 = vector.broadcast %broadcast_in_dim3A_95 : bf16 to vector<32xbf16>
    %swap3A_97 = arith.constant 6 : i32
    %swap3A_98 = arith.index_cast %swap3A_97 : i32 to index
    %swap3A_99 = arith.constant 0 : index
    %swap3A_100 = tpu.vector_load %arg9[%swap3A_98, %swap3A_99] {strides = array<i32>} : memref<25x64xbf16, #tpu.memory_space<vmem>>, vector<1x32xbf16>,
    %swap3A_101 = vector.shape_cast %swap3A_100 : vector<1x32xbf16> to vector<32xbf16>
    %swap3A_102 = vector.shape_cast %broadcast_in_dim3A_96 : vector<32xbf16> to vector<1x32xbf16>
    tpu.vector_store %arg9[%swap3A_98, %swap3A_99], %swap3A_102 {strides = array<i32>} : memref<25x64xbf16, #tpu.memory_space<vmem>>, vector<1x32xbf16>,
    %broadcast_in_dim3A_103 = arith.constant 0.000000e+00 : bf16
    %broadcast_in_dim3A_104 = vector.broadcast %broadcast_in_dim3A_103 : bf16 to vector<32xbf16>
    %swap3A_105 = arith.constant 6 : i32
    %swap3A_106 = arith.index_cast %swap3A_105 : i32 to index
    %swap3A_107 = arith.constant 32 : index
    %swap3A_108 = tpu.vector_load %arg9[%swap3A_106, %swap3A_107] {strides = array<i32>} : memref<25x64xbf16, #tpu.memory_space<vmem>>, vector<1x32xbf16>,
    %swap3A_109 = vector.shape_cast %swap3A_108 : vector<1x32xbf16> to vector<32xbf16>
    %swap3A_110 = vector.shape_cast %broadcast_in_dim3A_104 : vector<32xbf16> to vector<1x32xbf16>
    tpu.vector_store %arg9[%swap3A_106, %swap3A_107], %swap3A_110 {strides = array<i32>} : memref<25x64xbf16, #tpu.memory_space<vmem>>, vector<1x32xbf16>,
    %broadcast_in_dim3A_111 = arith.constant 0.000000e+00 : bf16
    %broadcast_in_dim3A_112 = vector.broadcast %broadcast_in_dim3A_111 : bf16 to vector<32xbf16>
    %swap3A_113 = arith.constant 7 : i32
    %swap3A_114 = arith.index_cast %swap3A_113 : i32 to index
    %swap3A_115 = arith.constant 0 : index
    %swap3A_116 = tpu.vector_load %arg9[%swap3A_114, %swap3A_115] {strides = array<i32>} : memref<25x64xbf16, #tpu.memory_space<vmem>>, vector<1x32xbf16>,
    %swap3A_117 = vector.shape_cast %swap3A_116 : vector<1x32xbf16> to vector<32xbf16>
    %swap3A_118 = vector.shape_cast %broadcast_in_dim3A_112 : vector<32xbf16> to vector<1x32xbf16>
    tpu.vector_store %arg9[%swap3A_114, %swap3A_115], %swap3A_118 {strides = array<i32>} : memref<25x64xbf16, #tpu.memory_space<vmem>>, vector<1x32xbf16>,
    %broadcast_in_dim3A_119 = arith.constant 0.000000e+00 : bf16
    %broadcast_in_dim3A_120 = vector.broadcast %broadcast_in_dim3A_119 : bf16 to vector<32xbf16>
    %swap3A_121 = arith.constant 7 : i32
    %swap3A_122 = arith.index_cast %swap3A_121 : i32 to index
    %swap3A_123 = arith.constant 32 : index
    %swap3A_124 = tpu.vector_load %arg9[%swap3A_122, %swap3A_123] {strides = array<i32>} : memref<25x64xbf16, #tpu.memory_space<vmem>>, vector<1x32xbf16>,
    %swap3A_125 = vector.shape_cast %swap3A_124 : vector<1x32xbf16> to vector<32xbf16>
    %swap3A_126 = vector.shape_cast %broadcast_in_dim3A_120 : vector<32xbf16> to vector<1x32xbf16>
    tpu.vector_store %arg9[%swap3A_122, %swap3A_123], %swap3A_126 {strides = array<i32>} : memref<25x64xbf16, #tpu.memory_space<vmem>>, vector<1x32xbf16>,
    %broadcast_in_dim3A_127 = arith.constant 0.000000e+00 : bf16
    %broadcast_in_dim3A_128 = vector.broadcast %broadcast_in_dim3A_127 : bf16 to vector<32xbf16>
    %swap3A_129 = arith.constant 8 : i32
    %swap3A_130 = arith.index_cast %swap3A_129 : i32 to index
    %swap3A_131 = arith.constant 0 : index
    %swap3A_132 = tpu.vector_load %arg9[%swap3A_130, %swap3A_131] {strides = array<i32>} : memref<25x64xbf16, #tpu.memory_space<vmem>>, vector<1x32xbf16>,
    %swap3A_133 = vector.shape_cast %swap3A_132 : vector<1x32xbf16> to vector<32xbf16>
    %swap3A_134 = vector.shape_cast %broadcast_in_dim3A_128 : vector<32xbf16> to vector<1x32xbf16>
    tpu.vector_store %arg9[%swap3A_130, %swap3A_131], %swap3A_134 {strides = array<i32>} : memref<25x64xbf16, #tpu.memory_space<vmem>>, vector<1x32xbf16>,
    %broadcast_in_dim3A_135 = arith.constant 0.000000e+00 : bf16
    %broadcast_in_dim3A_136 = vector.broadcast %broadcast_in_dim3A_135 : bf16 to vector<32xbf16>
    %swap3A_137 = arith.constant 8 : i32
    %swap3A_138 = arith.index_cast %swap3A_137 : i32 to index
    %swap3A_139 = arith.constant 32 : index
    %swap3A_140 = tpu.vector_load %arg9[%swap3A_138, %swap3A_139] {strides = array<i32>} : memref<25x64xbf16, #tpu.memory_space<vmem>>, vector<1x32xbf16>,
    %swap3A_141 = vector.shape_cast %swap3A_140 : vector<1x32xbf16> to vector<32xbf16>
    %swap3A_142 = vector.shape_cast %broadcast_in_dim3A_136 : vector<32xbf16> to vector<1x32xbf16>
    tpu.vector_store %arg9[%swap3A_138, %swap3A_139], %swap3A_142 {strides = array<i32>} : memref<25x64xbf16, #tpu.memory_space<vmem>>, vector<1x32xbf16>,
    %broadcast_in_dim3A_143 = arith.constant 0.000000e+00 : bf16
    %broadcast_in_dim3A_144 = vector.broadcast %broadcast_in_dim3A_143 : bf16 to vector<32xbf16>
    %swap3A_145 = arith.constant 9 : i32
    %swap3A_146 = arith.index_cast %swap3A_145 : i32 to index
    %swap3A_147 = arith.constant 0 : index
    %swap3A_148 = tpu.vector_load %arg9[%swap3A_146, %swap3A_147] {strides = array<i32>} : memref<25x64xbf16, #tpu.memory_space<vmem>>, vector<1x32xbf16>,
    %swap3A_149 = vector.shape_cast %swap3A_148 : vector<1x32xbf16> to vector<32xbf16>
    %swap3A_150 = vector.shape_cast %broadcast_in_dim3A_144 : vector<32xbf16> to vector<1x32xbf16>
    tpu.vector_store %arg9[%swap3A_146, %swap3A_147], %swap3A_150 {strides = array<i32>} : memref<25x64xbf16, #tpu.memory_space<vmem>>, vector<1x32xbf16>,
    %broadcast_in_dim3A_151 = arith.constant 0.000000e+00 : bf16
    %broadcast_in_dim3A_152 = vector.broadcast %broadcast_in_dim3A_151 : bf16 to vector<32xbf16>
    %swap3A_153 = arith.constant 9 : i32
    %swap3A_154 = arith.index_cast %swap3A_153 : i32 to index
    %swap3A_155 = arith.constant 32 : index
    %swap3A_156 = tpu.vector_load %arg9[%swap3A_154, %swap3A_155] {strides = array<i32>} : memref<25x64xbf16, #tpu.memory_space<vmem>>, vector<1x32xbf16>,
    %swap3A_157 = vector.shape_cast %swap3A_156 : vector<1x32xbf16> to vector<32xbf16>
    %swap3A_158 = vector.shape_cast %broadcast_in_dim3A_152 : vector<32xbf16> to vector<1x32xbf16>
    tpu.vector_store %arg9[%swap3A_154, %swap3A_155], %swap3A_158 {strides = array<i32>} : memref<25x64xbf16, #tpu.memory_space<vmem>>, vector<1x32xbf16>,
    %broadcast_in_dim3A_159 = arith.constant 0.000000e+00 : bf16
    %broadcast_in_dim3A_160 = vector.broadcast %broadcast_in_dim3A_159 : bf16 to vector<32xbf16>
    %swap3A_161 = arith.constant 10 : i32
    %swap3A_162 = arith.index_cast %swap3A_161 : i32 to index
    %swap3A_163 = arith.constant 0 : index
    %swap3A_164 = tpu.vector_load %arg9[%swap3A_162, %swap3A_163] {strides = array<i32>} : memref<25x64xbf16, #tpu.memory_space<vmem>>, vector<1x32xbf16>,
    %swap3A_165 = vector.shape_cast %swap3A_164 : vector<1x32xbf16> to vector<32xbf16>
    %swap3A_166 = vector.shape_cast %broadcast_in_dim3A_160 : vector<32xbf16> to vector<1x32xbf16>
    tpu.vector_store %arg9[%swap3A_162, %swap3A_163], %swap3A_166 {strides = array<i32>} : memref<25x64xbf16, #tpu.memory_space<vmem>>, vector<1x32xbf16>,
    %broadcast_in_dim3A_167 = arith.constant 0.000000e+00 : bf16
    %broadcast_in_dim3A_168 = vector.broadcast %broadcast_in_dim3A_167 : bf16 to vector<32xbf16>
    %swap3A_169 = arith.constant 10 : i32
    %swap3A_170 = arith.index_cast %swap3A_169 : i32 to index
    %swap3A_171 = arith.constant 32 : index
    %swap3A_172 = tpu.vector_load %arg9[%swap3A_170, %swap3A_171] {strides = array<i32>} : memref<25x64xbf16, #tpu.memory_space<vmem>>, vector<1x32xbf16>,
    %swap3A_173 = vector.shape_cast %swap3A_172 : vector<1x32xbf16> to vector<32xbf16>
    %swap3A_174 = vector.shape_cast %broadcast_in_dim3A_168 : vector<32xbf16> to vector<1x32xbf16>
    tpu.vector_store %arg9[%swap3A_170, %swap3A_171], %swap3A_174 {strides = array<i32>} : memref<25x64xbf16, #tpu.memory_space<vmem>>, vector<1x32xbf16>,
    %broadcast_in_dim3A_175 = arith.constant 0.000000e+00 : bf16
    %broadcast_in_dim3A_176 = vector.broadcast %broadcast_in_dim3A_175 : bf16 to vector<32xbf16>
    %swap3A_177 = arith.constant 11 : i32
    %swap3A_178 = arith.index_cast %swap3A_177 : i32 to index
    %swap3A_179 = arith.constant 0 : index
    %swap3A_180 = tpu.vector_load %arg9[%swap3A_178, %swap3A_179] {strides = array<i32>} : memref<25x64xbf16, #tpu.memory_space<vmem>>, vector<1x32xbf16>,
    %swap3A_181 = vector.shape_cast %swap3A_180 : vector<1x32xbf16> to vector<32xbf16>
    %swap3A_182 = vector.shape_cast %broadcast_in_dim3A_176 : vector<32xbf16> to vector<1x32xbf16>
    tpu.vector_store %arg9[%swap3A_178, %swap3A_179], %swap3A_182 {strides = array<i32>} : memref<25x64xbf16, #tpu.memory_space<vmem>>, vector<1x32xbf16>,
    %broadcast_in_dim3A_183 = arith.constant 0.000000e+00 : bf16
    %broadcast_in_dim3A_184 = vector.broadcast %broadcast_in_dim3A_183 : bf16 to vector<32xbf16>
    %swap3A_185 = arith.constant 11 : i32
    %swap3A_186 = arith.index_cast %swap3A_185 : i32 to index
    %swap3A_187 = arith.constant 32 : index
    %swap3A_188 = tpu.vector_load %arg9[%swap3A_186, %swap3A_187] {strides = array<i32>} : memref<25x64xbf16, #tpu.memory_space<vmem>>, vector<1x32xbf16>,
    %swap3A_189 = vector.shape_cast %swap3A_188 : vector<1x32xbf16> to vector<32xbf16>
    %swap3A_190 = vector.shape_cast %broadcast_in_dim3A_184 : vector<32xbf16> to vector<1x32xbf16>
    tpu.vector_store %arg9[%swap3A_186, %swap3A_187], %swap3A_190 {strides = array<i32>} : memref<25x64xbf16, #tpu.memory_space<vmem>>, vector<1x32xbf16>,
    %broadcast_in_dim3A_191 = arith.constant 0.000000e+00 : bf16
    %broadcast_in_dim3A_192 = vector.broadcast %broadcast_in_dim3A_191 : bf16 to vector<32xbf16>
    %swap3A_193 = arith.constant 12 : i32
    %swap3A_194 = arith.index_cast %swap3A_193 : i32 to index
    %swap3A_195 = arith.constant 0 : index
    %swap3A_196 = tpu.vector_load %arg9[%swap3A_194, %swap3A_195] {strides = array<i32>} : memref<25x64xbf16, #tpu.memory_space<vmem>>, vector<1x32xbf16>,
    %swap3A_197 = vector.shape_cast %swap3A_196 : vector<1x32xbf16> to vector<32xbf16>
    %swap3A_198 = vector.shape_cast %broadcast_in_dim3A_192 : vector<32xbf16> to vector<1x32xbf16>
    tpu.vector_store %arg9[%swap3A_194, %swap3A_195], %swap3A_198 {strides = array<i32>} : memref<25x64xbf16, #tpu.memory_space<vmem>>, vector<1x32xbf16>,
    %broadcast_in_dim3A_199 = arith.constant 0.000000e+00 : bf16
    %broadcast_in_dim3A_200 = vector.broadcast %broadcast_in_dim3A_199 : bf16 to vector<32xbf16>
    %swap3A_201 = arith.constant 12 : i32
    %swap3A_202 = arith.index_cast %swap3A_201 : i32 to index
    %swap3A_203 = arith.constant 32 : index
    %swap3A_204 = tpu.vector_load %arg9[%swap3A_202, %swap3A_203] {strides = array<i32>} : memref<25x64xbf16, #tpu.memory_space<vmem>>, vector<1x32xbf16>,
    %swap3A_205 = vector.shape_cast %swap3A_204 : vector<1x32xbf16> to vector<32xbf16>
    %swap3A_206 = vector.shape_cast %broadcast_in_dim3A_200 : vector<32xbf16> to vector<1x32xbf16>
    tpu.vector_store %arg9[%swap3A_202, %swap3A_203], %swap3A_206 {strides = array<i32>} : memref<25x64xbf16, #tpu.memory_space<vmem>>, vector<1x32xbf16>,
    %broadcast_in_dim3A_207 = arith.constant 0.000000e+00 : bf16
    %broadcast_in_dim3A_208 = vector.broadcast %broadcast_in_dim3A_207 : bf16 to vector<32xbf16>
    %swap3A_209 = arith.constant 13 : i32
    %swap3A_210 = arith.index_cast %swap3A_209 : i32 to index
    %swap3A_211 = arith.constant 0 : index
    %swap3A_212 = tpu.vector_load %arg9[%swap3A_210, %swap3A_211] {strides = array<i32>} : memref<25x64xbf16, #tpu.memory_space<vmem>>, vector<1x32xbf16>,
    %swap3A_213 = vector.shape_cast %swap3A_212 : vector<1x32xbf16> to vector<32xbf16>
    %swap3A_214 = vector.shape_cast %broadcast_in_dim3A_208 : vector<32xbf16> to vector<1x32xbf16>
    tpu.vector_store %arg9[%swap3A_210, %swap3A_211], %swap3A_214 {strides = array<i32>} : memref<25x64xbf16, #tpu.memory_space<vmem>>, vector<1x32xbf16>,
    %broadcast_in_dim3A_215 = arith.constant 0.000000e+00 : bf16
    %broadcast_in_dim3A_216 = vector.broadcast %broadcast_in_dim3A_215 : bf16 to vector<32xbf16>
    %swap3A_217 = arith.constant 13 : i32
    %swap3A_218 = arith.index_cast %swap3A_217 : i32 to index
    %swap3A_219 = arith.constant 32 : index
    %swap3A_220 = tpu.vector_load %arg9[%swap3A_218, %swap3A_219] {strides = array<i32>} : memref<25x64xbf16, #tpu.memory_space<vmem>>, vector<1x32xbf16>,
    %swap3A_221 = vector.shape_cast %swap3A_220 : vector<1x32xbf16> to vector<32xbf16>
    %swap3A_222 = vector.shape_cast %broadcast_in_dim3A_216 : vector<32xbf16> to vector<1x32xbf16>
    tpu.vector_store %arg9[%swap3A_218, %swap3A_219], %swap3A_222 {strides = array<i32>} : memref<25x64xbf16, #tpu.memory_space<vmem>>, vector<1x32xbf16>,
    %broadcast_in_dim3A_223 = arith.constant 0.000000e+00 : bf16
    %broadcast_in_dim3A_224 = vector.broadcast %broadcast_in_dim3A_223 : bf16 to vector<32xbf16>
    %swap3A_225 = arith.constant 14 : i32
    %swap3A_226 = arith.index_cast %swap3A_225 : i32 to index
    %swap3A_227 = arith.constant 0 : index
    %swap3A_228 = tpu.vector_load %arg9[%swap3A_226, %swap3A_227] {strides = array<i32>} : memref<25x64xbf16, #tpu.memory_space<vmem>>, vector<1x32xbf16>,
    %swap3A_229 = vector.shape_cast %swap3A_228 : vector<1x32xbf16> to vector<32xbf16>
    %swap3A_230 = vector.shape_cast %broadcast_in_dim3A_224 : vector<32xbf16> to vector<1x32xbf16>
    tpu.vector_store %arg9[%swap3A_226, %swap3A_227], %swap3A_230 {strides = array<i32>} : memref<25x64xbf16, #tpu.memory_space<vmem>>, vector<1x32xbf16>,
    %broadcast_in_dim3A_231 = arith.constant 0.000000e+00 : bf16
    %broadcast_in_dim3A_232 = vector.broadcast %broadcast_in_dim3A_231 : bf16 to vector<32xbf16>
    %swap3A_233 = arith.constant 14 : i32
    %swap3A_234 = arith.index_cast %swap3A_233 : i32 to index
    %swap3A_235 = arith.constant 32 : index
    %swap3A_236 = tpu.vector_load %arg9[%swap3A_234, %swap3A_235] {strides = array<i32>} : memref<25x64xbf16, #tpu.memory_space<vmem>>, vector<1x32xbf16>,
    %swap3A_237 = vector.shape_cast %swap3A_236 : vector<1x32xbf16> to vector<32xbf16>
    %swap3A_238 = vector.shape_cast %broadcast_in_dim3A_232 : vector<32xbf16> to vector<1x32xbf16>
    tpu.vector_store %arg9[%swap3A_234, %swap3A_235], %swap3A_238 {strides = array<i32>} : memref<25x64xbf16, #tpu.memory_space<vmem>>, vector<1x32xbf16>,
    %broadcast_in_dim3A_239 = arith.constant 0.000000e+00 : bf16
    %broadcast_in_dim3A_240 = vector.broadcast %broadcast_in_dim3A_239 : bf16 to vector<32xbf16>
    %swap3A_241 = arith.constant 15 : i32
    %swap3A_242 = arith.index_cast %swap3A_241 : i32 to index
    %swap3A_243 = arith.constant 0 : index
    %swap3A_244 = tpu.vector_load %arg9[%swap3A_242, %swap3A_243] {strides = array<i32>} : memref<25x64xbf16, #tpu.memory_space<vmem>>, vector<1x32xbf16>,
    %swap3A_245 = vector.shape_cast %swap3A_244 : vector<1x32xbf16> to vector<32xbf16>
    %swap3A_246 = vector.shape_cast %broadcast_in_dim3A_240 : vector<32xbf16> to vector<1x32xbf16>
    tpu.vector_store %arg9[%swap3A_242, %swap3A_243], %swap3A_246 {strides = array<i32>} : memref<25x64xbf16, #tpu.memory_space<vmem>>, vector<1x32xbf16>,
    %broadcast_in_dim3A_247 = arith.constant 0.000000e+00 : bf16
    %broadcast_in_dim3A_248 = vector.broadcast %broadcast_in_dim3A_247 : bf16 to vector<32xbf16>
    %swap3A_249 = arith.constant 15 : i32
    %swap3A_250 = arith.index_cast %swap3A_249 : i32 to index
    %swap3A_251 = arith.constant 32 : index
    %swap3A_252 = tpu.vector_load %arg9[%swap3A_250, %swap3A_251] {strides = array<i32>} : memref<25x64xbf16, #tpu.memory_space<vmem>>, vector<1x32xbf16>,
    %swap3A_253 = vector.shape_cast %swap3A_252 : vector<1x32xbf16> to vector<32xbf16>
    %swap3A_254 = vector.shape_cast %broadcast_in_dim3A_248 : vector<32xbf16> to vector<1x32xbf16>
    tpu.vector_store %arg9[%swap3A_250, %swap3A_251], %swap3A_254 {strides = array<i32>} : memref<25x64xbf16, #tpu.memory_space<vmem>>, vector<1x32xbf16>,
    %broadcast_in_dim3A_255 = arith.constant 0.000000e+00 : bf16
    %broadcast_in_dim3A_256 = vector.broadcast %broadcast_in_dim3A_255 : bf16 to vector<32xbf16>
    %swap3A_257 = arith.constant 16 : i32
    %swap3A_258 = arith.index_cast %swap3A_257 : i32 to index
    %swap3A_259 = arith.constant 0 : index
    %swap3A_260 = tpu.vector_load %arg9[%swap3A_258, %swap3A_259] {strides = array<i32>} : memref<25x64xbf16, #tpu.memory_space<vmem>>, vector<1x32xbf16>,
    %swap3A_261 = vector.shape_cast %swap3A_260 : vector<1x32xbf16> to vector<32xbf16>
    %swap3A_262 = vector.shape_cast %broadcast_in_dim3A_256 : vector<32xbf16> to vector<1x32xbf16>
    tpu.vector_store %arg9[%swap3A_258, %swap3A_259], %swap3A_262 {strides = array<i32>} : memref<25x64xbf16, #tpu.memory_space<vmem>>, vector<1x32xbf16>,
    %broadcast_in_dim3A_263 = arith.constant 0.000000e+00 : bf16
    %broadcast_in_dim3A_264 = vector.broadcast %broadcast_in_dim3A_263 : bf16 to vector<32xbf16>
    %swap3A_265 = arith.constant 16 : i32
    %swap3A_266 = arith.index_cast %swap3A_265 : i32 to index
    %swap3A_267 = arith.constant 32 : index
    %swap3A_268 = tpu.vector_load %arg9[%swap3A_266, %swap3A_267] {strides = array<i32>} : memref<25x64xbf16, #tpu.memory_space<vmem>>, vector<1x32xbf16>,
    %swap3A_269 = vector.shape_cast %swap3A_268 : vector<1x32xbf16> to vector<32xbf16>
    %swap3A_270 = vector.shape_cast %broadcast_in_dim3A_264 : vector<32xbf16> to vector<1x32xbf16>
    tpu.vector_store %arg9[%swap3A_266, %swap3A_267], %swap3A_270 {strides = array<i32>} : memref<25x64xbf16, #tpu.memory_space<vmem>>, vector<1x32xbf16>,
    %broadcast_in_dim3A_271 = arith.constant 0.000000e+00 : bf16
    %broadcast_in_dim3A_272 = vector.broadcast %broadcast_in_dim3A_271 : bf16 to vector<32xbf16>
    %swap3A_273 = arith.constant 17 : i32
    %swap3A_274 = arith.index_cast %swap3A_273 : i32 to index
    %swap3A_275 = arith.constant 0 : index
    %swap3A_276 = tpu.vector_load %arg9[%swap3A_274, %swap3A_275] {strides = array<i32>} : memref<25x64xbf16, #tpu.memory_space<vmem>>, vector<1x32xbf16>,
    %swap3A_277 = vector.shape_cast %swap3A_276 : vector<1x32xbf16> to vector<32xbf16>
    %swap3A_278 = vector.shape_cast %broadcast_in_dim3A_272 : vector<32xbf16> to vector<1x32xbf16>
    tpu.vector_store %arg9[%swap3A_274, %swap3A_275], %swap3A_278 {strides = array<i32>} : memref<25x64xbf16, #tpu.memory_space<vmem>>, vector<1x32xbf16>,
    %broadcast_in_dim3A_279 = arith.constant 0.000000e+00 : bf16
    %broadcast_in_dim3A_280 = vector.broadcast %broadcast_in_dim3A_279 : bf16 to vector<32xbf16>
    %swap3A_281 = arith.constant 17 : i32
    %swap3A_282 = arith.index_cast %swap3A_281 : i32 to index
    %swap3A_283 = arith.constant 32 : index
    %swap3A_284 = tpu.vector_load %arg9[%swap3A_282, %swap3A_283] {strides = array<i32>} : memref<25x64xbf16, #tpu.memory_space<vmem>>, vector<1x32xbf16>,
    %swap3A_285 = vector.shape_cast %swap3A_284 : vector<1x32xbf16> to vector<32xbf16>
    %swap3A_286 = vector.shape_cast %broadcast_in_dim3A_280 : vector<32xbf16> to vector<1x32xbf16>
    tpu.vector_store %arg9[%swap3A_282, %swap3A_283], %swap3A_286 {strides = array<i32>} : memref<25x64xbf16, #tpu.memory_space<vmem>>, vector<1x32xbf16>,
    %broadcast_in_dim3A_287 = arith.constant 0.000000e+00 : bf16
    %broadcast_in_dim3A_288 = vector.broadcast %broadcast_in_dim3A_287 : bf16 to vector<32xbf16>
    %swap3A_289 = arith.constant 18 : i32
    %swap3A_290 = arith.index_cast %swap3A_289 : i32 to index
    %swap3A_291 = arith.constant 0 : index
    %swap3A_292 = tpu.vector_load %arg9[%swap3A_290, %swap3A_291] {strides = array<i32>} : memref<25x64xbf16, #tpu.memory_space<vmem>>, vector<1x32xbf16>,
    %swap3A_293 = vector.shape_cast %swap3A_292 : vector<1x32xbf16> to vector<32xbf16>
    %swap3A_294 = vector.shape_cast %broadcast_in_dim3A_288 : vector<32xbf16> to vector<1x32xbf16>
    tpu.vector_store %arg9[%swap3A_290, %swap3A_291], %swap3A_294 {strides = array<i32>} : memref<25x64xbf16, #tpu.memory_space<vmem>>, vector<1x32xbf16>,
    %broadcast_in_dim3A_295 = arith.constant 0.000000e+00 : bf16
    %broadcast_in_dim3A_296 = vector.broadcast %broadcast_in_dim3A_295 : bf16 to vector<32xbf16>
    %swap3A_297 = arith.constant 18 : i32
    %swap3A_298 = arith.index_cast %swap3A_297 : i32 to index
    %swap3A_299 = arith.constant 32 : index
    %swap3A_300 = tpu.vector_load %arg9[%swap3A_298, %swap3A_299] {strides = array<i32>} : memref<25x64xbf16, #tpu.memory_space<vmem>>, vector<1x32xbf16>,
    %swap3A_301 = vector.shape_cast %swap3A_300 : vector<1x32xbf16> to vector<32xbf16>
    %swap3A_302 = vector.shape_cast %broadcast_in_dim3A_296 : vector<32xbf16> to vector<1x32xbf16>
    tpu.vector_store %arg9[%swap3A_298, %swap3A_299], %swap3A_302 {strides = array<i32>} : memref<25x64xbf16, #tpu.memory_space<vmem>>, vector<1x32xbf16>,
    %broadcast_in_dim3A_303 = arith.constant 0.000000e+00 : bf16
    %broadcast_in_dim3A_304 = vector.broadcast %broadcast_in_dim3A_303 : bf16 to vector<32xbf16>
    %swap3A_305 = arith.constant 19 : i32
    %swap3A_306 = arith.index_cast %swap3A_305 : i32 to index
    %swap3A_307 = arith.constant 0 : index
    %swap3A_308 = tpu.vector_load %arg9[%swap3A_306, %swap3A_307] {strides = array<i32>} : memref<25x64xbf16, #tpu.memory_space<vmem>>, vector<1x32xbf16>,
    %swap3A_309 = vector.shape_cast %swap3A_308 : vector<1x32xbf16> to vector<32xbf16>
    %swap3A_310 = vector.shape_cast %broadcast_in_dim3A_304 : vector<32xbf16> to vector<1x32xbf16>
    tpu.vector_store %arg9[%swap3A_306, %swap3A_307], %swap3A_310 {strides = array<i32>} : memref<25x64xbf16, #tpu.memory_space<vmem>>, vector<1x32xbf16>,
    %broadcast_in_dim3A_311 = arith.constant 0.000000e+00 : bf16
    %broadcast_in_dim3A_312 = vector.broadcast %broadcast_in_dim3A_311 : bf16 to vector<32xbf16>
    %swap3A_313 = arith.constant 19 : i32
    %swap3A_314 = arith.index_cast %swap3A_313 : i32 to index
    %swap3A_315 = arith.constant 32 : index
    %swap3A_316 = tpu.vector_load %arg9[%swap3A_314, %swap3A_315] {strides = array<i32>} : memref<25x64xbf16, #tpu.memory_space<vmem>>, vector<1x32xbf16>,
    %swap3A_317 = vector.shape_cast %swap3A_316 : vector<1x32xbf16> to vector<32xbf16>
    %swap3A_318 = vector.shape_cast %broadcast_in_dim3A_312 : vector<32xbf16> to vector<1x32xbf16>
    tpu.vector_store %arg9[%swap3A_314, %swap3A_315], %swap3A_318 {strides = array<i32>} : memref<25x64xbf16, #tpu.memory_space<vmem>>, vector<1x32xbf16>,
    %broadcast_in_dim3A_319 = arith.constant 0.000000e+00 : bf16
    %broadcast_in_dim3A_320 = vector.broadcast %broadcast_in_dim3A_319 : bf16 to vector<32xbf16>
    %swap3A_321 = arith.constant 20 : i32
    %swap3A_322 = arith.index_cast %swap3A_321 : i32 to index
    %swap3A_323 = arith.constant 0 : index
    %swap3A_324 = tpu.vector_load %arg9[%swap3A_322, %swap3A_323] {strides = array<i32>} : memref<25x64xbf16, #tpu.memory_space<vmem>>, vector<1x32xbf16>,
    %swap3A_325 = vector.shape_cast %swap3A_324 : vector<1x32xbf16> to vector<32xbf16>
    %swap3A_326 = vector.shape_cast %broadcast_in_dim3A_320 : vector<32xbf16> to vector<1x32xbf16>
    tpu.vector_store %arg9[%swap3A_322, %swap3A_323], %swap3A_326 {strides = array<i32>} : memref<25x64xbf16, #tpu.memory_space<vmem>>, vector<1x32xbf16>,
    %broadcast_in_dim3A_327 = arith.constant 0.000000e+00 : bf16
    %broadcast_in_dim3A_328 = vector.broadcast %broadcast_in_dim3A_327 : bf16 to vector<32xbf16>
    %swap3A_329 = arith.constant 20 : i32
    %swap3A_330 = arith.index_cast %swap3A_329 : i32 to index
    %swap3A_331 = arith.constant 32 : index
    %swap3A_332 = tpu.vector_load %arg9[%swap3A_330, %swap3A_331] {strides = array<i32>} : memref<25x64xbf16, #tpu.memory_space<vmem>>, vector<1x32xbf16>,
    %swap3A_333 = vector.shape_cast %swap3A_332 : vector<1x32xbf16> to vector<32xbf16>
    %swap3A_334 = vector.shape_cast %broadcast_in_dim3A_328 : vector<32xbf16> to vector<1x32xbf16>
    tpu.vector_store %arg9[%swap3A_330, %swap3A_331], %swap3A_334 {strides = array<i32>} : memref<25x64xbf16, #tpu.memory_space<vmem>>, vector<1x32xbf16>,
    %broadcast_in_dim3A_335 = arith.constant 0.000000e+00 : bf16
    %broadcast_in_dim3A_336 = vector.broadcast %broadcast_in_dim3A_335 : bf16 to vector<32xbf16>
    %swap3A_337 = arith.constant 21 : i32
    %swap3A_338 = arith.index_cast %swap3A_337 : i32 to index
    %swap3A_339 = arith.constant 0 : index
    %swap3A_340 = tpu.vector_load %arg9[%swap3A_338, %swap3A_339] {strides = array<i32>} : memref<25x64xbf16, #tpu.memory_space<vmem>>, vector<1x32xbf16>,
    %swap3A_341 = vector.shape_cast %swap3A_340 : vector<1x32xbf16> to vector<32xbf16>
    %swap3A_342 = vector.shape_cast %broadcast_in_dim3A_336 : vector<32xbf16> to vector<1x32xbf16>
    tpu.vector_store %arg9[%swap3A_338, %swap3A_339], %swap3A_342 {strides = array<i32>} : memref<25x64xbf16, #tpu.memory_space<vmem>>, vector<1x32xbf16>,
    %broadcast_in_dim3A_343 = arith.constant 0.000000e+00 : bf16
    %broadcast_in_dim3A_344 = vector.broadcast %broadcast_in_dim3A_343 : bf16 to vector<32xbf16>
    %swap3A_345 = arith.constant 21 : i32
    %swap3A_346 = arith.index_cast %swap3A_345 : i32 to index
    %swap3A_347 = arith.constant 32 : index
    %swap3A_348 = tpu.vector_load %arg9[%swap3A_346, %swap3A_347] {strides = array<i32>} : memref<25x64xbf16, #tpu.memory_space<vmem>>, vector<1x32xbf16>,
    %swap3A_349 = vector.shape_cast %swap3A_348 : vector<1x32xbf16> to vector<32xbf16>
    %swap3A_350 = vector.shape_cast %broadcast_in_dim3A_344 : vector<32xbf16> to vector<1x32xbf16>
    tpu.vector_store %arg9[%swap3A_346, %swap3A_347], %swap3A_350 {strides = array<i32>} : memref<25x64xbf16, #tpu.memory_space<vmem>>, vector<1x32xbf16>,
    %broadcast_in_dim3A_351 = arith.constant 0.000000e+00 : bf16
    %broadcast_in_dim3A_352 = vector.broadcast %broadcast_in_dim3A_351 : bf16 to vector<32xbf16>
    %swap3A_353 = arith.constant 22 : i32
    %swap3A_354 = arith.index_cast %swap3A_353 : i32 to index
    %swap3A_355 = arith.constant 0 : index
    %swap3A_356 = tpu.vector_load %arg9[%swap3A_354, %swap3A_355] {strides = array<i32>} : memref<25x64xbf16, #tpu.memory_space<vmem>>, vector<1x32xbf16>,
    %swap3A_357 = vector.shape_cast %swap3A_356 : vector<1x32xbf16> to vector<32xbf16>
    %swap3A_358 = vector.shape_cast %broadcast_in_dim3A_352 : vector<32xbf16> to vector<1x32xbf16>
    tpu.vector_store %arg9[%swap3A_354, %swap3A_355], %swap3A_358 {strides = array<i32>} : memref<25x64xbf16, #tpu.memory_space<vmem>>, vector<1x32xbf16>,
    %broadcast_in_dim3A_359 = arith.constant 0.000000e+00 : bf16
    %broadcast_in_dim3A_360 = vector.broadcast %broadcast_in_dim3A_359 : bf16 to vector<32xbf16>
    %swap3A_361 = arith.constant 22 : i32
    %swap3A_362 = arith.index_cast %swap3A_361 : i32 to index
    %swap3A_363 = arith.constant 32 : index
    %swap3A_364 = tpu.vector_load %arg9[%swap3A_362, %swap3A_363] {strides = array<i32>} : memref<25x64xbf16, #tpu.memory_space<vmem>>, vector<1x32xbf16>,
    %swap3A_365 = vector.shape_cast %swap3A_364 : vector<1x32xbf16> to vector<32xbf16>
    %swap3A_366 = vector.shape_cast %broadcast_in_dim3A_360 : vector<32xbf16> to vector<1x32xbf16>
    tpu.vector_store %arg9[%swap3A_362, %swap3A_363], %swap3A_366 {strides = array<i32>} : memref<25x64xbf16, #tpu.memory_space<vmem>>, vector<1x32xbf16>,
    %broadcast_in_dim3A_367 = arith.constant 0.000000e+00 : bf16
    %broadcast_in_dim3A_368 = vector.broadcast %broadcast_in_dim3A_367 : bf16 to vector<32xbf16>
    %swap3A_369 = arith.constant 23 : i32
    %swap3A_370 = arith.index_cast %swap3A_369 : i32 to index
    %swap3A_371 = arith.constant 0 : index
    %swap3A_372 = tpu.vector_load %arg9[%swap3A_370, %swap3A_371] {strides = array<i32>} : memref<25x64xbf16, #tpu.memory_space<vmem>>, vector<1x32xbf16>,
    %swap3A_373 = vector.shape_cast %swap3A_372 : vector<1x32xbf16> to vector<32xbf16>
    %swap3A_374 = vector.shape_cast %broadcast_in_dim3A_368 : vector<32xbf16> to vector<1x32xbf16>
    tpu.vector_store %arg9[%swap3A_370, %swap3A_371], %swap3A_374 {strides = array<i32>} : memref<25x64xbf16, #tpu.memory_space<vmem>>, vector<1x32xbf16>,
    %broadcast_in_dim3A_375 = arith.constant 0.000000e+00 : bf16
    %broadcast_in_dim3A_376 = vector.broadcast %broadcast_in_dim3A_375 : bf16 to vector<32xbf16>
    %swap3A_377 = arith.constant 23 : i32
    %swap3A_378 = arith.index_cast %swap3A_377 : i32 to index
    %swap3A_379 = arith.constant 32 : index
    %swap3A_380 = tpu.vector_load %arg9[%swap3A_378, %swap3A_379] {strides = array<i32>} : memref<25x64xbf16, #tpu.memory_space<vmem>>, vector<1x32xbf16>,
    %swap3A_381 = vector.shape_cast %swap3A_380 : vector<1x32xbf16> to vector<32xbf16>
    %swap3A_382 = vector.shape_cast %broadcast_in_dim3A_376 : vector<32xbf16> to vector<1x32xbf16>
    tpu.vector_store %arg9[%swap3A_378, %swap3A_379], %swap3A_382 {strides = array<i32>} : memref<25x64xbf16, #tpu.memory_space<vmem>>, vector<1x32xbf16>,
    %broadcast_in_dim3A_383 = arith.constant 0.000000e+00 : bf16
    %broadcast_in_dim3A_384 = vector.broadcast %broadcast_in_dim3A_383 : bf16 to vector<32xbf16>
    %swap3A_385 = arith.constant 24 : i32
    %swap3A_386 = arith.index_cast %swap3A_385 : i32 to index
    %swap3A_387 = arith.constant 0 : index
    %swap3A_388 = tpu.vector_load %arg9[%swap3A_386, %swap3A_387] {strides = array<i32>} : memref<25x64xbf16, #tpu.memory_space<vmem>>, vector<1x32xbf16>,
    %swap3A_389 = vector.shape_cast %swap3A_388 : vector<1x32xbf16> to vector<32xbf16>
    %swap3A_390 = vector.shape_cast %broadcast_in_dim3A_384 : vector<32xbf16> to vector<1x32xbf16>
    tpu.vector_store %arg9[%swap3A_386, %swap3A_387], %swap3A_390 {strides = array<i32>} : memref<25x64xbf16, #tpu.memory_space<vmem>>, vector<1x32xbf16>,
    %broadcast_in_dim3A_391 = arith.constant 0.000000e+00 : bf16
    %broadcast_in_dim3A_392 = vector.broadcast %broadcast_in_dim3A_391 : bf16 to vector<32xbf16>
    %swap3A_393 = arith.constant 24 : i32
    %swap3A_394 = arith.index_cast %swap3A_393 : i32 to index
    %swap3A_395 = arith.constant 32 : index
    %swap3A_396 = tpu.vector_load %arg9[%swap3A_394, %swap3A_395] {strides = array<i32>} : memref<25x64xbf16, #tpu.memory_space<vmem>>, vector<1x32xbf16>,
    %swap3A_397 = vector.shape_cast %swap3A_396 : vector<1x32xbf16> to vector<32xbf16>
    %swap3A_398 = vector.shape_cast %broadcast_in_dim3A_392 : vector<32xbf16> to vector<1x32xbf16>
    tpu.vector_store %arg9[%swap3A_394, %swap3A_395], %swap3A_398 {strides = array<i32>} : memref<25x64xbf16, #tpu.memory_space<vmem>>, vector<1x32xbf16>,
    %mul3A_399 = arith.constant 625 : i32
    %mul3A_400 = arith.muli %arg1, %mul3A_399 : i32
    %add3A_401 = arith.constant 0 : i32
    %add3A_402 = arith.addi %mul3A_400, %add3A_401 : i32
    %dma_start3A = arith.constant 0 : i32
    %dma_start3A_403 = tpu.memref_slice %arg11[%add3A_402, %dma_start3A] : memref<10000x64xbf16, #tpu.memory_space<vmem_shared>> -> memref<25x64xbf16, #tpu.memory_space<vmem_shared>>
    %dma_start3A_404 = arith.constant 0 : i32
    %dma_start3A_405 = tpu.memref_slice %arg11[%add3A_402, %dma_start3A_404] : memref<10000x64xbf16, #tpu.memory_space<vmem_shared>> -> memref<25x64xbf16, #tpu.memory_space<vmem_shared>>
    tpu.enqueue_dma source(%arg9 : memref<25x64xbf16, #tpu.memory_space<vmem>>) target(%dma_start3A_405 : memref<25x64xbf16, #tpu.memory_space<vmem_shared>>) target_semaphore(%arg14 : memref<!tpu.dma_semaphore, #tpu.memory_space<semaphore_mem>>)
    %add3A_406 = arith.constant 25 : i32
    %add3A_407 = arith.addi %mul3A_400, %add3A_406 : i32
    %dma_start3A_408 = arith.constant 0 : i32
    %dma_start3A_409 = tpu.memref_slice %arg11[%add3A_407, %dma_start3A_408] : memref<10000x64xbf16, #tpu.memory_space<vmem_shared>> -> memref<25x64xbf16, #tpu.memory_space<vmem_shared>>
    %dma_start3A_410 = arith.constant 0 : i32
    %dma_start3A_411 = tpu.memref_slice %arg11[%add3A_407, %dma_start3A_410] : memref<10000x64xbf16, #tpu.memory_space<vmem_shared>> -> memref<25x64xbf16, #tpu.memory_space<vmem_shared>>
    tpu.enqueue_dma source(%arg9 : memref<25x64xbf16, #tpu.memory_space<vmem>>) target(%dma_start3A_411 : memref<25x64xbf16, #tpu.memory_space<vmem_shared>>) target_semaphore(%arg14 : memref<!tpu.dma_semaphore, #tpu.memory_space<semaphore_mem>>)
    %add3A_412 = arith.constant 50 : i32
    %add3A_413 = arith.addi %mul3A_400, %add3A_412 : i32
    %dma_start3A_414 = arith.constant 0 : i32
    %dma_start3A_415 = tpu.memref_slice %arg11[%add3A_413, %dma_start3A_414] : memref<10000x64xbf16, #tpu.memory_space<vmem_shared>> -> memref<25x64xbf16, #tpu.memory_space<vmem_shared>>
    %dma_start3A_416 = arith.constant 0 : i32
    %dma_start3A_417 = tpu.memref_slice %arg11[%add3A_413, %dma_start3A_416] : memref<10000x64xbf16, #tpu.memory_space<vmem_shared>> -> memref<25x64xbf16, #tpu.memory_space<vmem_shared>>
    tpu.enqueue_dma source(%arg9 : memref<25x64xbf16, #tpu.memory_space<vmem>>) target(%dma_start3A_417 : memref<25x64xbf16, #tpu.memory_space<vmem_shared>>) target_semaphore(%arg14 : memref<!tpu.dma_semaphore, #tpu.memory_space<semaphore_mem>>)
    %add3A_418 = arith.constant 75 : i32
    %add3A_419 = arith.addi %mul3A_400, %add3A_418 : i32
    %dma_start3A_420 = arith.constant 0 : i32
    %dma_start3A_421 = tpu.memref_slice %arg11[%add3A_419, %dma_start3A_420] : memref<10000x64xbf16, #tpu.memory_space<vmem_shared>> -> memref<25x64xbf16, #tpu.memory_space<vmem_shared>>
    %dma_start3A_422 = arith.constant 0 : i32
    %dma_start3A_423 = tpu.memref_slice %arg11[%add3A_419, %dma_start3A_422] : memref<10000x64xbf16, #tpu.memory_space<vmem_shared>> -> memref<25x64xbf16, #tpu.memory_space<vmem_shared>>
    tpu.enqueue_dma source(%arg9 : memref<25x64xbf16, #tpu.memory_space<vmem>>) target(%dma_start3A_423 : memref<25x64xbf16, #tpu.memory_space<vmem_shared>>) target_semaphore(%arg14 : memref<!tpu.dma_semaphore, #tpu.memory_space<semaphore_mem>>)
    %add3A_424 = arith.constant 100 : i32
    %add3A_425 = arith.addi %mul3A_400, %add3A_424 : i32
    %dma_start3A_426 = arith.constant 0 : i32
    %dma_start3A_427 = tpu.memref_slice %arg11[%add3A_425, %dma_start3A_426] : memref<10000x64xbf16, #tpu.memory_space<vmem_shared>> -> memref<25x64xbf16, #tpu.memory_space<vmem_shared>>
    %dma_start3A_428 = arith.constant 0 : i32
    %dma_start3A_429 = tpu.memref_slice %arg11[%add3A_425, %dma_start3A_428] : memref<10000x64xbf16, #tpu.memory_space<vmem_shared>> -> memref<25x64xbf16, #tpu.memory_space<vmem_shared>>
    tpu.enqueue_dma source(%arg9 : memref<25x64xbf16, #tpu.memory_space<vmem>>) target(%dma_start3A_429 : memref<25x64xbf16, #tpu.memory_space<vmem_shared>>) target_semaphore(%arg14 : memref<!tpu.dma_semaphore, #tpu.memory_space<semaphore_mem>>)
    %add3A_430 = arith.constant 125 : i32
    %add3A_431 = arith.addi %mul3A_400, %add3A_430 : i32
    %dma_start3A_432 = arith.constant 0 : i32
    %dma_start3A_433 = tpu.memref_slice %arg11[%add3A_431, %dma_start3A_432] : memref<10000x64xbf16, #tpu.memory_space<vmem_shared>> -> memref<25x64xbf16, #tpu.memory_space<vmem_shared>>
    %dma_start3A_434 = arith.constant 0 : i32
    %dma_start3A_435 = tpu.memref_slice %arg11[%add3A_431, %dma_start3A_434] : memref<10000x64xbf16, #tpu.memory_space<vmem_shared>> -> memref<25x64xbf16, #tpu.memory_space<vmem_shared>>
    tpu.enqueue_dma source(%arg9 : memref<25x64xbf16, #tpu.memory_space<vmem>>) target(%dma_start3A_435 : memref<25x64xbf16, #tpu.memory_space<vmem_shared>>) target_semaphore(%arg14 : memref<!tpu.dma_semaphore, #tpu.memory_space<semaphore_mem>>)
    %add3A_436 = arith.constant 150 : i32
    %add3A_437 = arith.addi %mul3A_400, %add3A_436 : i32
    %dma_start3A_438 = arith.constant 0 : i32
    %dma_start3A_439 = tpu.memref_slice %arg11[%add3A_437, %dma_start3A_438] : memref<10000x64xbf16, #tpu.memory_space<vmem_shared>> -> memref<25x64xbf16, #tpu.memory_space<vmem_shared>>
    %dma_start3A_440 = arith.constant 0 : i32
    %dma_start3A_441 = tpu.memref_slice %arg11[%add3A_437, %dma_start3A_440] : memref<10000x64xbf16, #tpu.memory_space<vmem_shared>> -> memref<25x64xbf16, #tpu.memory_space<vmem_shared>>
    tpu.enqueue_dma source(%arg9 : memref<25x64xbf16, #tpu.memory_space<vmem>>) target(%dma_start3A_441 : memref<25x64xbf16, #tpu.memory_space<vmem_shared>>) target_semaphore(%arg14 : memref<!tpu.dma_semaphore, #tpu.memory_space<semaphore_mem>>)
    %add3A_442 = arith.constant 175 : i32
    %add3A_443 = arith.addi %mul3A_400, %add3A_442 : i32
    %dma_start3A_444 = arith.constant 0 : i32
    %dma_start3A_445 = tpu.memref_slice %arg11[%add3A_443, %dma_start3A_444] : memref<10000x64xbf16, #tpu.memory_space<vmem_shared>> -> memref<25x64xbf16, #tpu.memory_space<vmem_shared>>
    %dma_start3A_446 = arith.constant 0 : i32
    %dma_start3A_447 = tpu.memref_slice %arg11[%add3A_443, %dma_start3A_446] : memref<10000x64xbf16, #tpu.memory_space<vmem_shared>> -> memref<25x64xbf16, #tpu.memory_space<vmem_shared>>
    tpu.enqueue_dma source(%arg9 : memref<25x64xbf16, #tpu.memory_space<vmem>>) target(%dma_start3A_447 : memref<25x64xbf16, #tpu.memory_space<vmem_shared>>) target_semaphore(%arg14 : memref<!tpu.dma_semaphore, #tpu.memory_space<semaphore_mem>>)
    %add3A_448 = arith.constant 200 : i32
    %add3A_449 = arith.addi %mul3A_400, %add3A_448 : i32
    %dma_start3A_450 = arith.constant 0 : i32
    %dma_start3A_451 = tpu.memref_slice %arg11[%add3A_449, %dma_start3A_450] : memref<10000x64xbf16, #tpu.memory_space<vmem_shared>> -> memref<25x64xbf16, #tpu.memory_space<vmem_shared>>
    %dma_start3A_452 = arith.constant 0 : i32
    %dma_start3A_453 = tpu.memref_slice %arg11[%add3A_449, %dma_start3A_452] : memref<10000x64xbf16, #tpu.memory_space<vmem_shared>> -> memref<25x64xbf16, #tpu.memory_space<vmem_shared>>
    tpu.enqueue_dma source(%arg9 : memref<25x64xbf16, #tpu.memory_space<vmem>>) target(%dma_start3A_453 : memref<25x64xbf16, #tpu.memory_space<vmem_shared>>) target_semaphore(%arg14 : memref<!tpu.dma_semaphore, #tpu.memory_space<semaphore_mem>>)
    %add3A_454 = arith.constant 225 : i32
    %add3A_455 = arith.addi %mul3A_400, %add3A_454 : i32
    %dma_start3A_456 = arith.constant 0 : i32
    %dma_start3A_457 = tpu.memref_slice %arg11[%add3A_455, %dma_start3A_456] : memref<10000x64xbf16, #tpu.memory_space<vmem_shared>> -> memref<25x64xbf16, #tpu.memory_space<vmem_shared>>
    %dma_start3A_458 = arith.constant 0 : i32
    %dma_start3A_459 = tpu.memref_slice %arg11[%add3A_455, %dma_start3A_458] : memref<10000x64xbf16, #tpu.memory_space<vmem_shared>> -> memref<25x64xbf16, #tpu.memory_space<vmem_shared>>
    tpu.enqueue_dma source(%arg9 : memref<25x64xbf16, #tpu.memory_space<vmem>>) target(%dma_start3A_459 : memref<25x64xbf16, #tpu.memory_space<vmem_shared>>) target_semaphore(%arg14 : memref<!tpu.dma_semaphore, #tpu.memory_space<semaphore_mem>>)
    %add3A_460 = arith.constant 250 : i32
    %add3A_461 = arith.addi %mul3A_400, %add3A_460 : i32
    %dma_start3A_462 = arith.constant 0 : i32
    %dma_start3A_463 = tpu.memref_slice %arg11[%add3A_461, %dma_start3A_462] : memref<10000x64xbf16, #tpu.memory_space<vmem_shared>> -> memref<25x64xbf16, #tpu.memory_space<vmem_shared>>
    %dma_start3A_464 = arith.constant 0 : i32
    %dma_start3A_465 = tpu.memref_slice %arg11[%add3A_461, %dma_start3A_464] : memref<10000x64xbf16, #tpu.memory_space<vmem_shared>> -> memref<25x64xbf16, #tpu.memory_space<vmem_shared>>
    tpu.enqueue_dma source(%arg9 : memref<25x64xbf16, #tpu.memory_space<vmem>>) target(%dma_start3A_465 : memref<25x64xbf16, #tpu.memory_space<vmem_shared>>) target_semaphore(%arg14 : memref<!tpu.dma_semaphore, #tpu.memory_space<semaphore_mem>>)
    %add3A_466 = arith.constant 275 : i32
    %add3A_467 = arith.addi %mul3A_400, %add3A_466 : i32
    %dma_start3A_468 = arith.constant 0 : i32
    %dma_start3A_469 = tpu.memref_slice %arg11[%add3A_467, %dma_start3A_468] : memref<10000x64xbf16, #tpu.memory_space<vmem_shared>> -> memref<25x64xbf16, #tpu.memory_space<vmem_shared>>
    %dma_start3A_470 = arith.constant 0 : i32
    %dma_start3A_471 = tpu.memref_slice %arg11[%add3A_467, %dma_start3A_470] : memref<10000x64xbf16, #tpu.memory_space<vmem_shared>> -> memref<25x64xbf16, #tpu.memory_space<vmem_shared>>
    tpu.enqueue_dma source(%arg9 : memref<25x64xbf16, #tpu.memory_space<vmem>>) target(%dma_start3A_471 : memref<25x64xbf16, #tpu.memory_space<vmem_shared>>) target_semaphore(%arg14 : memref<!tpu.dma_semaphore, #tpu.memory_space<semaphore_mem>>)
    %add3A_472 = arith.constant 300 : i32
    %add3A_473 = arith.addi %mul3A_400, %add3A_472 : i32
    %dma_start3A_474 = arith.constant 0 : i32
    %dma_start3A_475 = tpu.memref_slice %arg11[%add3A_473, %dma_start3A_474] : memref<10000x64xbf16, #tpu.memory_space<vmem_shared>> -> memref<25x64xbf16, #tpu.memory_space<vmem_shared>>
    %dma_start3A_476 = arith.constant 0 : i32
    %dma_start3A_477 = tpu.memref_slice %arg11[%add3A_473, %dma_start3A_476] : memref<10000x64xbf16, #tpu.memory_space<vmem_shared>> -> memref<25x64xbf16, #tpu.memory_space<vmem_shared>>
    tpu.enqueue_dma source(%arg9 : memref<25x64xbf16, #tpu.memory_space<vmem>>) target(%dma_start3A_477 : memref<25x64xbf16, #tpu.memory_space<vmem_shared>>) target_semaphore(%arg14 : memref<!tpu.dma_semaphore, #tpu.memory_space<semaphore_mem>>)
    %add3A_478 = arith.constant 325 : i32
    %add3A_479 = arith.addi %mul3A_400, %add3A_478 : i32
    %dma_start3A_480 = arith.constant 0 : i32
    %dma_start3A_481 = tpu.memref_slice %arg11[%add3A_479, %dma_start3A_480] : memref<10000x64xbf16, #tpu.memory_space<vmem_shared>> -> memref<25x64xbf16, #tpu.memory_space<vmem_shared>>
    %dma_start3A_482 = arith.constant 0 : i32
    %dma_start3A_483 = tpu.memref_slice %arg11[%add3A_479, %dma_start3A_482] : memref<10000x64xbf16, #tpu.memory_space<vmem_shared>> -> memref<25x64xbf16, #tpu.memory_space<vmem_shared>>
    tpu.enqueue_dma source(%arg9 : memref<25x64xbf16, #tpu.memory_space<vmem>>) target(%dma_start3A_483 : memref<25x64xbf16, #tpu.memory_space<vmem_shared>>) target_semaphore(%arg14 : memref<!tpu.dma_semaphore, #tpu.memory_space<semaphore_mem>>)
    %add3A_484 = arith.constant 350 : i32
    %add3A_485 = arith.addi %mul3A_400, %add3A_484 : i32
    %dma_start3A_486 = arith.constant 0 : i32
    %dma_start3A_487 = tpu.memref_slice %arg11[%add3A_485, %dma_start3A_486] : memref<10000x64xbf16, #tpu.memory_space<vmem_shared>> -> memref<25x64xbf16, #tpu.memory_space<vmem_shared>>
    %dma_start3A_488 = arith.constant 0 : i32
    %dma_start3A_489 = tpu.memref_slice %arg11[%add3A_485, %dma_start3A_488] : memref<10000x64xbf16, #tpu.memory_space<vmem_shared>> -> memref<25x64xbf16, #tpu.memory_space<vmem_shared>>
    tpu.enqueue_dma source(%arg9 : memref<25x64xbf16, #tpu.memory_space<vmem>>) target(%dma_start3A_489 : memref<25x64xbf16, #tpu.memory_space<vmem_shared>>) target_semaphore(%arg14 : memref<!tpu.dma_semaphore, #tpu.memory_space<semaphore_mem>>)
    %add3A_490 = arith.constant 375 : i32
    %add3A_491 = arith.addi %mul3A_400, %add3A_490 : i32
    %dma_start3A_492 = arith.constant 0 : i32
    %dma_start3A_493 = tpu.memref_slice %arg11[%add3A_491, %dma_start3A_492] : memref<10000x64xbf16, #tpu.memory_space<vmem_shared>> -> memref<25x64xbf16, #tpu.memory_space<vmem_shared>>
    %dma_start3A_494 = arith.constant 0 : i32
    %dma_start3A_495 = tpu.memref_slice %arg11[%add3A_491, %dma_start3A_494] : memref<10000x64xbf16, #tpu.memory_space<vmem_shared>> -> memref<25x64xbf16, #tpu.memory_space<vmem_shared>>
    tpu.enqueue_dma source(%arg9 : memref<25x64xbf16, #tpu.memory_space<vmem>>) target(%dma_start3A_495 : memref<25x64xbf16, #tpu.memory_space<vmem_shared>>) target_semaphore(%arg14 : memref<!tpu.dma_semaphore, #tpu.memory_space<semaphore_mem>>)
    %add3A_496 = arith.constant 400 : i32
    %add3A_497 = arith.addi %mul3A_400, %add3A_496 : i32
    %dma_start3A_498 = arith.constant 0 : i32
    %dma_start3A_499 = tpu.memref_slice %arg11[%add3A_497, %dma_start3A_498] : memref<10000x64xbf16, #tpu.memory_space<vmem_shared>> -> memref<25x64xbf16, #tpu.memory_space<vmem_shared>>
    %dma_start3A_500 = arith.constant 0 : i32
    %dma_start3A_501 = tpu.memref_slice %arg11[%add3A_497, %dma_start3A_500] : memref<10000x64xbf16, #tpu.memory_space<vmem_shared>> -> memref<25x64xbf16, #tpu.memory_space<vmem_shared>>
    tpu.enqueue_dma source(%arg9 : memref<25x64xbf16, #tpu.memory_space<vmem>>) target(%dma_start3A_501 : memref<25x64xbf16, #tpu.memory_space<vmem_shared>>) target_semaphore(%arg14 : memref<!tpu.dma_semaphore, #tpu.memory_space<semaphore_mem>>)
    %add3A_502 = arith.constant 425 : i32
    %add3A_503 = arith.addi %mul3A_400, %add3A_502 : i32
    %dma_start3A_504 = arith.constant 0 : i32
    %dma_start3A_505 = tpu.memref_slice %arg11[%add3A_503, %dma_start3A_504] : memref<10000x64xbf16, #tpu.memory_space<vmem_shared>> -> memref<25x64xbf16, #tpu.memory_space<vmem_shared>>
    %dma_start3A_506 = arith.constant 0 : i32
    %dma_start3A_507 = tpu.memref_slice %arg11[%add3A_503, %dma_start3A_506] : memref<10000x64xbf16, #tpu.memory_space<vmem_shared>> -> memref<25x64xbf16, #tpu.memory_space<vmem_shared>>
    tpu.enqueue_dma source(%arg9 : memref<25x64xbf16, #tpu.memory_space<vmem>>) target(%dma_start3A_507 : memref<25x64xbf16, #tpu.memory_space<vmem_shared>>) target_semaphore(%arg14 : memref<!tpu.dma_semaphore, #tpu.memory_space<semaphore_mem>>)
    %add3A_508 = arith.constant 450 : i32
    %add3A_509 = arith.addi %mul3A_400, %add3A_508 : i32
    %dma_start3A_510 = arith.constant 0 : i32
    %dma_start3A_511 = tpu.memref_slice %arg11[%add3A_509, %dma_start3A_510] : memref<10000x64xbf16, #tpu.memory_space<vmem_shared>> -> memref<25x64xbf16, #tpu.memory_space<vmem_shared>>
    %dma_start3A_512 = arith.constant 0 : i32
    %dma_start3A_513 = tpu.memref_slice %arg11[%add3A_509, %dma_start3A_512] : memref<10000x64xbf16, #tpu.memory_space<vmem_shared>> -> memref<25x64xbf16, #tpu.memory_space<vmem_shared>>
    tpu.enqueue_dma source(%arg9 : memref<25x64xbf16, #tpu.memory_space<vmem>>) target(%dma_start3A_513 : memref<25x64xbf16, #tpu.memory_space<vmem_shared>>) target_semaphore(%arg14 : memref<!tpu.dma_semaphore, #tpu.memory_space<semaphore_mem>>)
    %add3A_514 = arith.constant 475 : i32
    %add3A_515 = arith.addi %mul3A_400, %add3A_514 : i32
    %dma_start3A_516 = arith.constant 0 : i32
    %dma_start3A_517 = tpu.memref_slice %arg11[%add3A_515, %dma_start3A_516] : memref<10000x64xbf16, #tpu.memory_space<vmem_shared>> -> memref<25x64xbf16, #tpu.memory_space<vmem_shared>>
    %dma_start3A_518 = arith.constant 0 : i32
    %dma_start3A_519 = tpu.memref_slice %arg11[%add3A_515, %dma_start3A_518] : memref<10000x64xbf16, #tpu.memory_space<vmem_shared>> -> memref<25x64xbf16, #tpu.memory_space<vmem_shared>>
    tpu.enqueue_dma source(%arg9 : memref<25x64xbf16, #tpu.memory_space<vmem>>) target(%dma_start3A_519 : memref<25x64xbf16, #tpu.memory_space<vmem_shared>>) target_semaphore(%arg14 : memref<!tpu.dma_semaphore, #tpu.memory_space<semaphore_mem>>)
    %add3A_520 = arith.constant 500 : i32
    %add3A_521 = arith.addi %mul3A_400, %add3A_520 : i32
    %dma_start3A_522 = arith.constant 0 : i32
    %dma_start3A_523 = tpu.memref_slice %arg11[%add3A_521, %dma_start3A_522] : memref<10000x64xbf16, #tpu.memory_space<vmem_shared>> -> memref<25x64xbf16, #tpu.memory_space<vmem_shared>>
    %dma_start3A_524 = arith.constant 0 : i32
    %dma_start3A_525 = tpu.memref_slice %arg11[%add3A_521, %dma_start3A_524] : memref<10000x64xbf16, #tpu.memory_space<vmem_shared>> -> memref<25x64xbf16, #tpu.memory_space<vmem_shared>>
    tpu.enqueue_dma source(%arg9 : memref<25x64xbf16, #tpu.memory_space<vmem>>) target(%dma_start3A_525 : memref<25x64xbf16, #tpu.memory_space<vmem_shared>>) target_semaphore(%arg14 : memref<!tpu.dma_semaphore, #tpu.memory_space<semaphore_mem>>)
    %add3A_526 = arith.constant 525 : i32
    %add3A_527 = arith.addi %mul3A_400, %add3A_526 : i32
    %dma_start3A_528 = arith.constant 0 : i32
    %dma_start3A_529 = tpu.memref_slice %arg11[%add3A_527, %dma_start3A_528] : memref<10000x64xbf16, #tpu.memory_space<vmem_shared>> -> memref<25x64xbf16, #tpu.memory_space<vmem_shared>>
    %dma_start3A_530 = arith.constant 0 : i32
    %dma_start3A_531 = tpu.memref_slice %arg11[%add3A_527, %dma_start3A_530] : memref<10000x64xbf16, #tpu.memory_space<vmem_shared>> -> memref<25x64xbf16, #tpu.memory_space<vmem_shared>>
    tpu.enqueue_dma source(%arg9 : memref<25x64xbf16, #tpu.memory_space<vmem>>) target(%dma_start3A_531 : memref<25x64xbf16, #tpu.memory_space<vmem_shared>>) target_semaphore(%arg14 : memref<!tpu.dma_semaphore, #tpu.memory_space<semaphore_mem>>)
    %add3A_532 = arith.constant 550 : i32
    %add3A_533 = arith.addi %mul3A_400, %add3A_532 : i32
    %dma_start3A_534 = arith.constant 0 : i32
    %dma_start3A_535 = tpu.memref_slice %arg11[%add3A_533, %dma_start3A_534] : memref<10000x64xbf16, #tpu.memory_space<vmem_shared>> -> memref<25x64xbf16, #tpu.memory_space<vmem_shared>>
    %dma_start3A_536 = arith.constant 0 : i32
    %dma_start3A_537 = tpu.memref_slice %arg11[%add3A_533, %dma_start3A_536] : memref<10000x64xbf16, #tpu.memory_space<vmem_shared>> -> memref<25x64xbf16, #tpu.memory_space<vmem_shared>>
    tpu.enqueue_dma source(%arg9 : memref<25x64xbf16, #tpu.memory_space<vmem>>) target(%dma_start3A_537 : memref<25x64xbf16, #tpu.memory_space<vmem_shared>>) target_semaphore(%arg14 : memref<!tpu.dma_semaphore, #tpu.memory_space<semaphore_mem>>)
    %add3A_538 = arith.constant 575 : i32
    %add3A_539 = arith.addi %mul3A_400, %add3A_538 : i32
    %dma_start3A_540 = arith.constant 0 : i32
    %dma_start3A_541 = tpu.memref_slice %arg11[%add3A_539, %dma_start3A_540] : memref<10000x64xbf16, #tpu.memory_space<vmem_shared>> -> memref<25x64xbf16, #tpu.memory_space<vmem_shared>>
    %dma_start3A_542 = arith.constant 0 : i32
    %dma_start3A_543 = tpu.memref_slice %arg11[%add3A_539, %dma_start3A_542] : memref<10000x64xbf16, #tpu.memory_space<vmem_shared>> -> memref<25x64xbf16, #tpu.memory_space<vmem_shared>>
    tpu.enqueue_dma source(%arg9 : memref<25x64xbf16, #tpu.memory_space<vmem>>) target(%dma_start3A_543 : memref<25x64xbf16, #tpu.memory_space<vmem_shared>>) target_semaphore(%arg14 : memref<!tpu.dma_semaphore, #tpu.memory_space<semaphore_mem>>)
    %add3A_544 = arith.constant 600 : i32
    %add3A_545 = arith.addi %mul3A_400, %add3A_544 : i32
    %dma_start3A_546 = arith.constant 0 : i32
    %dma_start3A_547 = tpu.memref_slice %arg11[%add3A_545, %dma_start3A_546] : memref<10000x64xbf16, #tpu.memory_space<vmem_shared>> -> memref<25x64xbf16, #tpu.memory_space<vmem_shared>>
    %dma_start3A_548 = arith.constant 0 : i32
    %dma_start3A_549 = tpu.memref_slice %arg11[%add3A_545, %dma_start3A_548] : memref<10000x64xbf16, #tpu.memory_space<vmem_shared>> -> memref<25x64xbf16, #tpu.memory_space<vmem_shared>>
    tpu.enqueue_dma source(%arg9 : memref<25x64xbf16, #tpu.memory_space<vmem>>) target(%dma_start3A_549 : memref<25x64xbf16, #tpu.memory_space<vmem_shared>>) target_semaphore(%arg14 : memref<!tpu.dma_semaphore, #tpu.memory_space<semaphore_mem>>)
    %dma_start3A_550 = arith.constant 0 : i32
    %dma_start3A_551 = tpu.memref_slice %arg10[%mul3A_400, %dma_start3A_550] : memref<10000x64xbf16, #tpu.memory_space<vmem_shared>> -> memref<625x64xbf16, #tpu.memory_space<vmem_shared>>
    %dma_start3A_552 = arith.constant 0 : i32
    %dma_start3A_553 = tpu.memref_slice %arg2[%mul3A_400, %dma_start3A_552] : memref<10000x64xbf16, #tpu.memory_space<hbm>> -> memref<625x64xbf16, #tpu.memory_space<hbm>>
    tpu.enqueue_dma source(%dma_start3A_553 : memref<625x64xbf16, #tpu.memory_space<hbm>>) target(%dma_start3A_551 : memref<625x64xbf16, #tpu.memory_space<vmem_shared>>) target_semaphore(%arg15 : memref<!tpu.dma_semaphore, #tpu.memory_space<semaphore_mem>>)
    %lt3A = arith.constant 4 : i32
    %lt3A_554 = arith.cmpi slt, %add3A, %lt3A : i32
    %convert_element_type3A = arith.extui %lt3A_554 : i1 to i32
    %add3A_555 = arith.constant 78 : i32
    %add3A_556 = arith.addi %add3A_555, %convert_element_type3A : i32
    %mul3A_557 = arith.constant 78 : i32
    %mul3A_558 = arith.muli %add3A, %mul3A_557 : i32
    %min3A = arith.constant 4 : i32
    %min3A_559 = arith.minsi %add3A, %min3A : i32
    %add3A_560 = arith.addi %mul3A_558, %min3A_559 : i32
    %dma_start3A_561 = arith.constant 0 : i32
    %dma_start3A_562 = arith.constant 0 : i32
    %dma_start3A_563 = arith.constant 0 : i32
    %dma_start3A_564 = tpu.memref_slice %arg5[%dma_start3A_562, %dma_start3A_563] : memref<79x128xi32, #tpu.memory_space<vmem>> -> memref<78x128xi32, #tpu.memory_space<vmem>>
    %dma_start3A_565 = arith.constant 0 : i32
    %dma_start3A_566 = tpu.memref_slice %arg3[%dma_start3A_561, %add3A_560, %dma_start3A_565] : memref<2x2500x128xi32, #tpu.memory_space<hbm>> -> memref<1x78x128xi32, #tpu.memory_space<hbm>>
    %dma_start3A_567 = tpu.memref_squeeze %dma_start3A_566 : memref<1x78x128xi32, #tpu.memory_space<hbm>> -> memref<78x128xi32, #tpu.memory_space<hbm>>
    %dma_start3A_568 = arith.constant 0 : i32
    %dma_start3A_569 = arith.constant 0 : i32
    %dma_start3A_570 = tpu.memref_slice %arg5[%dma_start3A_568, %dma_start3A_569] : memref<79x128xi32, #tpu.memory_space<vmem>> -> memref<78x128xi32, #tpu.memory_space<vmem>>
    %dma_start3A_571 = arith.constant 0 : i32
    %dma_start3A_572 = tpu.memref_slice %arg3[%dma_start3A_561, %add3A_560, %dma_start3A_571] : memref<2x2500x128xi32, #tpu.memory_space<hbm>> -> memref<1x78x128xi32, #tpu.memory_space<hbm>>
    %dma_start3A_573 = tpu.memref_squeeze %dma_start3A_572 : memref<1x78x128xi32, #tpu.memory_space<hbm>> -> memref<78x128xi32, #tpu.memory_space<hbm>>
    tpu.enqueue_dma source(%dma_start3A_573 : memref<78x128xi32, #tpu.memory_space<hbm>>) target(%dma_start3A_570 : memref<78x128xi32, #tpu.memory_space<vmem>>) target_semaphore(%arg12 : memref<!tpu.dma_semaphore, #tpu.memory_space<semaphore_mem>>)
    %dma_start3A_574 = arith.constant 1 : i32
    %dma_start3A_575 = arith.constant 0 : i32
    %dma_start3A_576 = arith.constant 0 : i32
    %dma_start3A_577 = tpu.memref_slice %arg6[%dma_start3A_575, %dma_start3A_576] : memref<79x128xi32, #tpu.memory_space<vmem>> -> memref<78x128xi32, #tpu.memory_space<vmem>>
    %dma_start3A_578 = arith.constant 0 : i32
    %dma_start3A_579 = tpu.memref_slice %arg3[%dma_start3A_574, %add3A_560, %dma_start3A_578] : memref<2x2500x128xi32, #tpu.memory_space<hbm>> -> memref<1x78x128xi32, #tpu.memory_space<hbm>>
    %dma_start3A_580 = tpu.memref_squeeze %dma_start3A_579 : memref<1x78x128xi32, #tpu.memory_space<hbm>> -> memref<78x128xi32, #tpu.memory_space<hbm>>
    %dma_start3A_581 = arith.constant 0 : i32
    %dma_start3A_582 = arith.constant 0 : i32
    %dma_start3A_583 = tpu.memref_slice %arg6[%dma_start3A_581, %dma_start3A_582] : memref<79x128xi32, #tpu.memory_space<vmem>> -> memref<78x128xi32, #tpu.memory_space<vmem>>
    %dma_start3A_584 = arith.constant 0 : i32
    %dma_start3A_585 = tpu.memref_slice %arg3[%dma_start3A_574, %add3A_560, %dma_start3A_584] : memref<2x2500x128xi32, #tpu.memory_space<hbm>> -> memref<1x78x128xi32, #tpu.memory_space<hbm>>
    %dma_start3A_586 = tpu.memref_squeeze %dma_start3A_585 : memref<1x78x128xi32, #tpu.memory_space<hbm>> -> memref<78x128xi32, #tpu.memory_space<hbm>>
    tpu.enqueue_dma source(%dma_start3A_586 : memref<78x128xi32, #tpu.memory_space<hbm>>) target(%dma_start3A_583 : memref<78x128xi32, #tpu.memory_space<vmem>>) target_semaphore(%arg13 : memref<!tpu.dma_semaphore, #tpu.memory_space<semaphore_mem>>)
    %eq3A = arith.constant 1 : i32
    %eq3A_587 = arith.cmpi eq, %convert_element_type3A, %eq3A : i32
    %convert_element_type3A_588 = arith.extui %eq3A_587 : i1 to i32
    %cond3A = arith.constant 0 : i32
    %cond3A_589 = arith.cmpi ne, %convert_element_type3A_588, %cond3A : i32
    scf.if %cond3A_589 {
      %add3A_828 = arith.constant 78 : i32
      %add3A_829 = arith.addi %add3A_560, %add3A_828 : i32
      %dma_start3A_830 = arith.constant 0 : i32
      %dma_start3A_831 = arith.constant 78 : i32
      %dma_start3A_832 = arith.constant 0 : i32
      %dma_start3A_833 = tpu.memref_slice %arg5[%dma_start3A_831, %dma_start3A_832] : memref<79x128xi32, #tpu.memory_space<vmem>> -> memref<1x128xi32, #tpu.memory_space<vmem>>
      %dma_start3A_834 = arith.constant 0 : i32
      %dma_start3A_835 = tpu.memref_slice %arg3[%dma_start3A_830, %add3A_829, %dma_start3A_834] : memref<2x2500x128xi32, #tpu.memory_space<hbm>> -> memref<1x1x128xi32, #tpu.memory_space<hbm>>
      %dma_start3A_836 = tpu.memref_squeeze %dma_start3A_835 : memref<1x1x128xi32, #tpu.memory_space<hbm>> -> memref<1x128xi32, #tpu.memory_space<hbm>>
      %dma_start3A_837 = arith.constant 78 : i32
      %dma_start3A_838 = arith.constant 0 : i32
      %dma_start3A_839 = tpu.memref_slice %arg5[%dma_start3A_837, %dma_start3A_838] : memref<79x128xi32, #tpu.memory_space<vmem>> -> memref<1x128xi32, #tpu.memory_space<vmem>>
      %dma_start3A_840 = arith.constant 0 : i32
      %dma_start3A_841 = tpu.memref_slice %arg3[%dma_start3A_830, %add3A_829, %dma_start3A_840] : memref<2x2500x128xi32, #tpu.memory_space<hbm>> -> memref<1x1x128xi32, #tpu.memory_space<hbm>>
      %dma_start3A_842 = tpu.memref_squeeze %dma_start3A_841 : memref<1x1x128xi32, #tpu.memory_space<hbm>> -> memref<1x128xi32, #tpu.memory_space<hbm>>
      tpu.enqueue_dma source(%dma_start3A_842 : memref<1x128xi32, #tpu.memory_space<hbm>>) target(%dma_start3A_839 : memref<1x128xi32, #tpu.memory_space<vmem>>) target_semaphore(%arg12 : memref<!tpu.dma_semaphore, #tpu.memory_space<semaphore_mem>>)
      %add3A_843 = arith.constant 78 : i32
      %add3A_844 = arith.addi %add3A_560, %add3A_843 : i32
      %dma_start3A_845 = arith.constant 1 : i32
      %dma_start3A_846 = arith.constant 78 : i32
      %dma_start3A_847 = arith.constant 0 : i32
      %dma_start3A_848 = tpu.memref_slice %arg6[%dma_start3A_846, %dma_start3A_847] : memref<79x128xi32, #tpu.memory_space<vmem>> -> memref<1x128xi32, #tpu.memory_space<vmem>>
      %dma_start3A_849 = arith.constant 0 : i32
      %dma_start3A_850 = tpu.memref_slice %arg3[%dma_start3A_845, %add3A_844, %dma_start3A_849] : memref<2x2500x128xi32, #tpu.memory_space<hbm>> -> memref<1x1x128xi32, #tpu.memory_space<hbm>>
      %dma_start3A_851 = tpu.memref_squeeze %dma_start3A_850 : memref<1x1x128xi32, #tpu.memory_space<hbm>> -> memref<1x128xi32, #tpu.memory_space<hbm>>
      %dma_start3A_852 = arith.constant 78 : i32
      %dma_start3A_853 = arith.constant 0 : i32
      %dma_start3A_854 = tpu.memref_slice %arg6[%dma_start3A_852, %dma_start3A_853] : memref<79x128xi32, #tpu.memory_space<vmem>> -> memref<1x128xi32, #tpu.memory_space<vmem>>
      %dma_start3A_855 = arith.constant 0 : i32
      %dma_start3A_856 = tpu.memref_slice %arg3[%dma_start3A_845, %add3A_844, %dma_start3A_855] : memref<2x2500x128xi32, #tpu.memory_space<hbm>> -> memref<1x1x128xi32, #tpu.memory_space<hbm>>
      %dma_start3A_857 = tpu.memref_squeeze %dma_start3A_856 : memref<1x1x128xi32, #tpu.memory_space<hbm>> -> memref<1x128xi32, #tpu.memory_space<hbm>>
      tpu.enqueue_dma source(%dma_start3A_857 : memref<1x128xi32, #tpu.memory_space<hbm>>) target(%dma_start3A_854 : memref<1x128xi32, #tpu.memory_space<vmem>>) target_semaphore(%arg13 : memref<!tpu.dma_semaphore, #tpu.memory_space<semaphore_mem>>)
    } else {
    }
    %add3A_590 = arith.constant 0 : i32
    %add3A_591 = arith.addi %mul3A_400, %add3A_590 : i32
    %dma_wait3A = arith.constant 0 : i32
    %dma_wait3A_592 = tpu.memref_slice %arg11[%add3A_591, %dma_wait3A] : memref<10000x64xbf16, #tpu.memory_space<vmem_shared>> -> memref<25x64xbf16, #tpu.memory_space<vmem_shared>>
    %dma_wait3A_593 = arith.constant 0 : i32
    %dma_wait3A_594 = tpu.memref_slice %arg11[%add3A_591, %dma_wait3A_593] : memref<10000x64xbf16, #tpu.memory_space<vmem_shared>> -> memref<25x64xbf16, #tpu.memory_space<vmem_shared>>
    tpu.wait_dma2 semaphore(%arg14 : memref<!tpu.dma_semaphore, #tpu.memory_space<semaphore_mem>>) src(%arg9 : memref<25x64xbf16, #tpu.memory_space<vmem>>) dst(%dma_wait3A_594 : memref<25x64xbf16, #tpu.memory_space<vmem_shared>>)
    %add3A_595 = arith.constant 25 : i32
    %add3A_596 = arith.addi %mul3A_400, %add3A_595 : i32
    %dma_wait3A_597 = arith.constant 0 : i32
    %dma_wait3A_598 = tpu.memref_slice %arg11[%add3A_596, %dma_wait3A_597] : memref<10000x64xbf16, #tpu.memory_space<vmem_shared>> -> memref<25x64xbf16, #tpu.memory_space<vmem_shared>>
    %dma_wait3A_599 = arith.constant 0 : i32
    %dma_wait3A_600 = tpu.memref_slice %arg11[%add3A_596, %dma_wait3A_599] : memref<10000x64xbf16, #tpu.memory_space<vmem_shared>> -> memref<25x64xbf16, #tpu.memory_space<vmem_shared>>
    tpu.wait_dma2 semaphore(%arg14 : memref<!tpu.dma_semaphore, #tpu.memory_space<semaphore_mem>>) src(%arg9 : memref<25x64xbf16, #tpu.memory_space<vmem>>) dst(%dma_wait3A_600 : memref<25x64xbf16, #tpu.memory_space<vmem_shared>>)
    %add3A_601 = arith.constant 50 : i32
    %add3A_602 = arith.addi %mul3A_400, %add3A_601 : i32
    %dma_wait3A_603 = arith.constant 0 : i32
    %dma_wait3A_604 = tpu.memref_slice %arg11[%add3A_602, %dma_wait3A_603] : memref<10000x64xbf16, #tpu.memory_space<vmem_shared>> -> memref<25x64xbf16, #tpu.memory_space<vmem_shared>>
    %dma_wait3A_605 = arith.constant 0 : i32
    %dma_wait3A_606 = tpu.memref_slice %arg11[%add3A_602, %dma_wait3A_605] : memref<10000x64xbf16, #tpu.memory_space<vmem_shared>> -> memref<25x64xbf16, #tpu.memory_space<vmem_shared>>
    tpu.wait_dma2 semaphore(%arg14 : memref<!tpu.dma_semaphore, #tpu.memory_space<semaphore_mem>>) src(%arg9 : memref<25x64xbf16, #tpu.memory_space<vmem>>) dst(%dma_wait3A_606 : memref<25x64xbf16, #tpu.memory_space<vmem_shared>>)
    %add3A_607 = arith.constant 75 : i32
    %add3A_608 = arith.addi %mul3A_400, %add3A_607 : i32
    %dma_wait3A_609 = arith.constant 0 : i32
    %dma_wait3A_610 = tpu.memref_slice %arg11[%add3A_608, %dma_wait3A_609] : memref<10000x64xbf16, #tpu.memory_space<vmem_shared>> -> memref<25x64xbf16, #tpu.memory_space<vmem_shared>>
    %dma_wait3A_611 = arith.constant 0 : i32
    %dma_wait3A_612 = tpu.memref_slice %arg11[%add3A_608, %dma_wait3A_611] : memref<10000x64xbf16, #tpu.memory_space<vmem_shared>> -> memref<25x64xbf16, #tpu.memory_space<vmem_shared>>
    tpu.wait_dma2 semaphore(%arg14 : memref<!tpu.dma_semaphore, #tpu.memory_space<semaphore_mem>>) src(%arg9 : memref<25x64xbf16, #tpu.memory_space<vmem>>) dst(%dma_wait3A_612 : memref<25x64xbf16, #tpu.memory_space<vmem_shared>>)
    %add3A_613 = arith.constant 100 : i32
    %add3A_614 = arith.addi %mul3A_400, %add3A_613 : i32
    %dma_wait3A_615 = arith.constant 0 : i32
    %dma_wait3A_616 = tpu.memref_slice %arg11[%add3A_614, %dma_wait3A_615] : memref<10000x64xbf16, #tpu.memory_space<vmem_shared>> -> memref<25x64xbf16, #tpu.memory_space<vmem_shared>>
    %dma_wait3A_617 = arith.constant 0 : i32
    %dma_wait3A_618 = tpu.memref_slice %arg11[%add3A_614, %dma_wait3A_617] : memref<10000x64xbf16, #tpu.memory_space<vmem_shared>> -> memref<25x64xbf16, #tpu.memory_space<vmem_shared>>
    tpu.wait_dma2 semaphore(%arg14 : memref<!tpu.dma_semaphore, #tpu.memory_space<semaphore_mem>>) src(%arg9 : memref<25x64xbf16, #tpu.memory_space<vmem>>) dst(%dma_wait3A_618 : memref<25x64xbf16, #tpu.memory_space<vmem_shared>>)
    %add3A_619 = arith.constant 125 : i32
    %add3A_620 = arith.addi %mul3A_400, %add3A_619 : i32
    %dma_wait3A_621 = arith.constant 0 : i32
    %dma_wait3A_622 = tpu.memref_slice %arg11[%add3A_620, %dma_wait3A_621] : memref<10000x64xbf16, #tpu.memory_space<vmem_shared>> -> memref<25x64xbf16, #tpu.memory_space<vmem_shared>>
    %dma_wait3A_623 = arith.constant 0 : i32
    %dma_wait3A_624 = tpu.memref_slice %arg11[%add3A_620, %dma_wait3A_623] : memref<10000x64xbf16, #tpu.memory_space<vmem_shared>> -> memref<25x64xbf16, #tpu.memory_space<vmem_shared>>
    tpu.wait_dma2 semaphore(%arg14 : memref<!tpu.dma_semaphore, #tpu.memory_space<semaphore_mem>>) src(%arg9 : memref<25x64xbf16, #tpu.memory_space<vmem>>) dst(%dma_wait3A_624 : memref<25x64xbf16, #tpu.memory_space<vmem_shared>>)
    %add3A_625 = arith.constant 150 : i32
    %add3A_626 = arith.addi %mul3A_400, %add3A_625 : i32
    %dma_wait3A_627 = arith.constant 0 : i32
    %dma_wait3A_628 = tpu.memref_slice %arg11[%add3A_626, %dma_wait3A_627] : memref<10000x64xbf16, #tpu.memory_space<vmem_shared>> -> memref<25x64xbf16, #tpu.memory_space<vmem_shared>>
    %dma_wait3A_629 = arith.constant 0 : i32
    %dma_wait3A_630 = tpu.memref_slice %arg11[%add3A_626, %dma_wait3A_629] : memref<10000x64xbf16, #tpu.memory_space<vmem_shared>> -> memref<25x64xbf16, #tpu.memory_space<vmem_shared>>
    tpu.wait_dma2 semaphore(%arg14 : memref<!tpu.dma_semaphore, #tpu.memory_space<semaphore_mem>>) src(%arg9 : memref<25x64xbf16, #tpu.memory_space<vmem>>) dst(%dma_wait3A_630 : memref<25x64xbf16, #tpu.memory_space<vmem_shared>>)
    %add3A_631 = arith.constant 175 : i32
    %add3A_632 = arith.addi %mul3A_400, %add3A_631 : i32
    %dma_wait3A_633 = arith.constant 0 : i32
    %dma_wait3A_634 = tpu.memref_slice %arg11[%add3A_632, %dma_wait3A_633] : memref<10000x64xbf16, #tpu.memory_space<vmem_shared>> -> memref<25x64xbf16, #tpu.memory_space<vmem_shared>>
    %dma_wait3A_635 = arith.constant 0 : i32
    %dma_wait3A_636 = tpu.memref_slice %arg11[%add3A_632, %dma_wait3A_635] : memref<10000x64xbf16, #tpu.memory_space<vmem_shared>> -> memref<25x64xbf16, #tpu.memory_space<vmem_shared>>
    tpu.wait_dma2 semaphore(%arg14 : memref<!tpu.dma_semaphore, #tpu.memory_space<semaphore_mem>>) src(%arg9 : memref<25x64xbf16, #tpu.memory_space<vmem>>) dst(%dma_wait3A_636 : memref<25x64xbf16, #tpu.memory_space<vmem_shared>>)
    %add3A_637 = arith.constant 200 : i32
    %add3A_638 = arith.addi %mul3A_400, %add3A_637 : i32
    %dma_wait3A_639 = arith.constant 0 : i32
    %dma_wait3A_640 = tpu.memref_slice %arg11[%add3A_638, %dma_wait3A_639] : memref<10000x64xbf16, #tpu.memory_space<vmem_shared>> -> memref<25x64xbf16, #tpu.memory_space<vmem_shared>>
    %dma_wait3A_641 = arith.constant 0 : i32
    %dma_wait3A_642 = tpu.memref_slice %arg11[%add3A_638, %dma_wait3A_641] : memref<10000x64xbf16, #tpu.memory_space<vmem_shared>> -> memref<25x64xbf16, #tpu.memory_space<vmem_shared>>
    tpu.wait_dma2 semaphore(%arg14 : memref<!tpu.dma_semaphore, #tpu.memory_space<semaphore_mem>>) src(%arg9 : memref<25x64xbf16, #tpu.memory_space<vmem>>) dst(%dma_wait3A_642 : memref<25x64xbf16, #tpu.memory_space<vmem_shared>>)
    %add3A_643 = arith.constant 225 : i32
    %add3A_644 = arith.addi %mul3A_400, %add3A_643 : i32
    %dma_wait3A_645 = arith.constant 0 : i32
    %dma_wait3A_646 = tpu.memref_slice %arg11[%add3A_644, %dma_wait3A_645] : memref<10000x64xbf16, #tpu.memory_space<vmem_shared>> -> memref<25x64xbf16, #tpu.memory_space<vmem_shared>>
    %dma_wait3A_647 = arith.constant 0 : i32
    %dma_wait3A_648 = tpu.memref_slice %arg11[%add3A_644, %dma_wait3A_647] : memref<10000x64xbf16, #tpu.memory_space<vmem_shared>> -> memref<25x64xbf16, #tpu.memory_space<vmem_shared>>
    tpu.wait_dma2 semaphore(%arg14 : memref<!tpu.dma_semaphore, #tpu.memory_space<semaphore_mem>>) src(%arg9 : memref<25x64xbf16, #tpu.memory_space<vmem>>) dst(%dma_wait3A_648 : memref<25x64xbf16, #tpu.memory_space<vmem_shared>>)
    %add3A_649 = arith.constant 250 : i32
    %add3A_650 = arith.addi %mul3A_400, %add3A_649 : i32
    %dma_wait3A_651 = arith.constant 0 : i32
    %dma_wait3A_652 = tpu.memref_slice %arg11[%add3A_650, %dma_wait3A_651] : memref<10000x64xbf16, #tpu.memory_space<vmem_shared>> -> memref<25x64xbf16, #tpu.memory_space<vmem_shared>>
    %dma_wait3A_653 = arith.constant 0 : i32
    %dma_wait3A_654 = tpu.memref_slice %arg11[%add3A_650, %dma_wait3A_653] : memref<10000x64xbf16, #tpu.memory_space<vmem_shared>> -> memref<25x64xbf16, #tpu.memory_space<vmem_shared>>
    tpu.wait_dma2 semaphore(%arg14 : memref<!tpu.dma_semaphore, #tpu.memory_space<semaphore_mem>>) src(%arg9 : memref<25x64xbf16, #tpu.memory_space<vmem>>) dst(%dma_wait3A_654 : memref<25x64xbf16, #tpu.memory_space<vmem_shared>>)
    %add3A_655 = arith.constant 275 : i32
    %add3A_656 = arith.addi %mul3A_400, %add3A_655 : i32
    %dma_wait3A_657 = arith.constant 0 : i32
    %dma_wait3A_658 = tpu.memref_slice %arg11[%add3A_656, %dma_wait3A_657] : memref<10000x64xbf16, #tpu.memory_space<vmem_shared>> -> memref<25x64xbf16, #tpu.memory_space<vmem_shared>>
    %dma_wait3A_659 = arith.constant 0 : i32
    %dma_wait3A_660 = tpu.memref_slice %arg11[%add3A_656, %dma_wait3A_659] : memref<10000x64xbf16, #tpu.memory_space<vmem_shared>> -> memref<25x64xbf16, #tpu.memory_space<vmem_shared>>
    tpu.wait_dma2 semaphore(%arg14 : memref<!tpu.dma_semaphore, #tpu.memory_space<semaphore_mem>>) src(%arg9 : memref<25x64xbf16, #tpu.memory_space<vmem>>) dst(%dma_wait3A_660 : memref<25x64xbf16, #tpu.memory_space<vmem_shared>>)
    %add3A_661 = arith.constant 300 : i32
    %add3A_662 = arith.addi %mul3A_400, %add3A_661 : i32
    %dma_wait3A_663 = arith.constant 0 : i32
    %dma_wait3A_664 = tpu.memref_slice %arg11[%add3A_662, %dma_wait3A_663] : memref<10000x64xbf16, #tpu.memory_space<vmem_shared>> -> memref<25x64xbf16, #tpu.memory_space<vmem_shared>>
    %dma_wait3A_665 = arith.constant 0 : i32
    %dma_wait3A_666 = tpu.memref_slice %arg11[%add3A_662, %dma_wait3A_665] : memref<10000x64xbf16, #tpu.memory_space<vmem_shared>> -> memref<25x64xbf16, #tpu.memory_space<vmem_shared>>
    tpu.wait_dma2 semaphore(%arg14 : memref<!tpu.dma_semaphore, #tpu.memory_space<semaphore_mem>>) src(%arg9 : memref<25x64xbf16, #tpu.memory_space<vmem>>) dst(%dma_wait3A_666 : memref<25x64xbf16, #tpu.memory_space<vmem_shared>>)
    %add3A_667 = arith.constant 325 : i32
    %add3A_668 = arith.addi %mul3A_400, %add3A_667 : i32
    %dma_wait3A_669 = arith.constant 0 : i32
    %dma_wait3A_670 = tpu.memref_slice %arg11[%add3A_668, %dma_wait3A_669] : memref<10000x64xbf16, #tpu.memory_space<vmem_shared>> -> memref<25x64xbf16, #tpu.memory_space<vmem_shared>>
    %dma_wait3A_671 = arith.constant 0 : i32
    %dma_wait3A_672 = tpu.memref_slice %arg11[%add3A_668, %dma_wait3A_671] : memref<10000x64xbf16, #tpu.memory_space<vmem_shared>> -> memref<25x64xbf16, #tpu.memory_space<vmem_shared>>
    tpu.wait_dma2 semaphore(%arg14 : memref<!tpu.dma_semaphore, #tpu.memory_space<semaphore_mem>>) src(%arg9 : memref<25x64xbf16, #tpu.memory_space<vmem>>) dst(%dma_wait3A_672 : memref<25x64xbf16, #tpu.memory_space<vmem_shared>>)
    %add3A_673 = arith.constant 350 : i32
    %add3A_674 = arith.addi %mul3A_400, %add3A_673 : i32
    %dma_wait3A_675 = arith.constant 0 : i32
    %dma_wait3A_676 = tpu.memref_slice %arg11[%add3A_674, %dma_wait3A_675] : memref<10000x64xbf16, #tpu.memory_space<vmem_shared>> -> memref<25x64xbf16, #tpu.memory_space<vmem_shared>>
    %dma_wait3A_677 = arith.constant 0 : i32
    %dma_wait3A_678 = tpu.memref_slice %arg11[%add3A_674, %dma_wait3A_677] : memref<10000x64xbf16, #tpu.memory_space<vmem_shared>> -> memref<25x64xbf16, #tpu.memory_space<vmem_shared>>
    tpu.wait_dma2 semaphore(%arg14 : memref<!tpu.dma_semaphore, #tpu.memory_space<semaphore_mem>>) src(%arg9 : memref<25x64xbf16, #tpu.memory_space<vmem>>) dst(%dma_wait3A_678 : memref<25x64xbf16, #tpu.memory_space<vmem_shared>>)
    %add3A_679 = arith.constant 375 : i32
    %add3A_680 = arith.addi %mul3A_400, %add3A_679 : i32
    %dma_wait3A_681 = arith.constant 0 : i32
    %dma_wait3A_682 = tpu.memref_slice %arg11[%add3A_680, %dma_wait3A_681] : memref<10000x64xbf16, #tpu.memory_space<vmem_shared>> -> memref<25x64xbf16, #tpu.memory_space<vmem_shared>>
    %dma_wait3A_683 = arith.constant 0 : i32
    %dma_wait3A_684 = tpu.memref_slice %arg11[%add3A_680, %dma_wait3A_683] : memref<10000x64xbf16, #tpu.memory_space<vmem_shared>> -> memref<25x64xbf16, #tpu.memory_space<vmem_shared>>
    tpu.wait_dma2 semaphore(%arg14 : memref<!tpu.dma_semaphore, #tpu.memory_space<semaphore_mem>>) src(%arg9 : memref<25x64xbf16, #tpu.memory_space<vmem>>) dst(%dma_wait3A_684 : memref<25x64xbf16, #tpu.memory_space<vmem_shared>>)
    %add3A_685 = arith.constant 400 : i32
    %add3A_686 = arith.addi %mul3A_400, %add3A_685 : i32
    %dma_wait3A_687 = arith.constant 0 : i32
    %dma_wait3A_688 = tpu.memref_slice %arg11[%add3A_686, %dma_wait3A_687] : memref<10000x64xbf16, #tpu.memory_space<vmem_shared>> -> memref<25x64xbf16, #tpu.memory_space<vmem_shared>>
    %dma_wait3A_689 = arith.constant 0 : i32
    %dma_wait3A_690 = tpu.memref_slice %arg11[%add3A_686, %dma_wait3A_689] : memref<10000x64xbf16, #tpu.memory_space<vmem_shared>> -> memref<25x64xbf16, #tpu.memory_space<vmem_shared>>
    tpu.wait_dma2 semaphore(%arg14 : memref<!tpu.dma_semaphore, #tpu.memory_space<semaphore_mem>>) src(%arg9 : memref<25x64xbf16, #tpu.memory_space<vmem>>) dst(%dma_wait3A_690 : memref<25x64xbf16, #tpu.memory_space<vmem_shared>>)
    %add3A_691 = arith.constant 425 : i32
    %add3A_692 = arith.addi %mul3A_400, %add3A_691 : i32
    %dma_wait3A_693 = arith.constant 0 : i32
    %dma_wait3A_694 = tpu.memref_slice %arg11[%add3A_692, %dma_wait3A_693] : memref<10000x64xbf16, #tpu.memory_space<vmem_shared>> -> memref<25x64xbf16, #tpu.memory_space<vmem_shared>>
    %dma_wait3A_695 = arith.constant 0 : i32
    %dma_wait3A_696 = tpu.memref_slice %arg11[%add3A_692, %dma_wait3A_695] : memref<10000x64xbf16, #tpu.memory_space<vmem_shared>> -> memref<25x64xbf16, #tpu.memory_space<vmem_shared>>
    tpu.wait_dma2 semaphore(%arg14 : memref<!tpu.dma_semaphore, #tpu.memory_space<semaphore_mem>>) src(%arg9 : memref<25x64xbf16, #tpu.memory_space<vmem>>) dst(%dma_wait3A_696 : memref<25x64xbf16, #tpu.memory_space<vmem_shared>>)
    %add3A_697 = arith.constant 450 : i32
    %add3A_698 = arith.addi %mul3A_400, %add3A_697 : i32
    %dma_wait3A_699 = arith.constant 0 : i32
    %dma_wait3A_700 = tpu.memref_slice %arg11[%add3A_698, %dma_wait3A_699] : memref<10000x64xbf16, #tpu.memory_space<vmem_shared>> -> memref<25x64xbf16, #tpu.memory_space<vmem_shared>>
    %dma_wait3A_701 = arith.constant 0 : i32
    %dma_wait3A_702 = tpu.memref_slice %arg11[%add3A_698, %dma_wait3A_701] : memref<10000x64xbf16, #tpu.memory_space<vmem_shared>> -> memref<25x64xbf16, #tpu.memory_space<vmem_shared>>
    tpu.wait_dma2 semaphore(%arg14 : memref<!tpu.dma_semaphore, #tpu.memory_space<semaphore_mem>>) src(%arg9 : memref<25x64xbf16, #tpu.memory_space<vmem>>) dst(%dma_wait3A_702 : memref<25x64xbf16, #tpu.memory_space<vmem_shared>>)
    %add3A_703 = arith.constant 475 : i32
    %add3A_704 = arith.addi %mul3A_400, %add3A_703 : i32
    %dma_wait3A_705 = arith.constant 0 : i32
    %dma_wait3A_706 = tpu.memref_slice %arg11[%add3A_704, %dma_wait3A_705] : memref<10000x64xbf16, #tpu.memory_space<vmem_shared>> -> memref<25x64xbf16, #tpu.memory_space<vmem_shared>>
    %dma_wait3A_707 = arith.constant 0 : i32
    %dma_wait3A_708 = tpu.memref_slice %arg11[%add3A_704, %dma_wait3A_707] : memref<10000x64xbf16, #tpu.memory_space<vmem_shared>> -> memref<25x64xbf16, #tpu.memory_space<vmem_shared>>
    tpu.wait_dma2 semaphore(%arg14 : memref<!tpu.dma_semaphore, #tpu.memory_space<semaphore_mem>>) src(%arg9 : memref<25x64xbf16, #tpu.memory_space<vmem>>) dst(%dma_wait3A_708 : memref<25x64xbf16, #tpu.memory_space<vmem_shared>>)
    %add3A_709 = arith.constant 500 : i32
    %add3A_710 = arith.addi %mul3A_400, %add3A_709 : i32
    %dma_wait3A_711 = arith.constant 0 : i32
    %dma_wait3A_712 = tpu.memref_slice %arg11[%add3A_710, %dma_wait3A_711] : memref<10000x64xbf16, #tpu.memory_space<vmem_shared>> -> memref<25x64xbf16, #tpu.memory_space<vmem_shared>>
    %dma_wait3A_713 = arith.constant 0 : i32
    %dma_wait3A_714 = tpu.memref_slice %arg11[%add3A_710, %dma_wait3A_713] : memref<10000x64xbf16, #tpu.memory_space<vmem_shared>> -> memref<25x64xbf16, #tpu.memory_space<vmem_shared>>
    tpu.wait_dma2 semaphore(%arg14 : memref<!tpu.dma_semaphore, #tpu.memory_space<semaphore_mem>>) src(%arg9 : memref<25x64xbf16, #tpu.memory_space<vmem>>) dst(%dma_wait3A_714 : memref<25x64xbf16, #tpu.memory_space<vmem_shared>>)
    %add3A_715 = arith.constant 525 : i32
    %add3A_716 = arith.addi %mul3A_400, %add3A_715 : i32
    %dma_wait3A_717 = arith.constant 0 : i32
    %dma_wait3A_718 = tpu.memref_slice %arg11[%add3A_716, %dma_wait3A_717] : memref<10000x64xbf16, #tpu.memory_space<vmem_shared>> -> memref<25x64xbf16, #tpu.memory_space<vmem_shared>>
    %dma_wait3A_719 = arith.constant 0 : i32
    %dma_wait3A_720 = tpu.memref_slice %arg11[%add3A_716, %dma_wait3A_719] : memref<10000x64xbf16, #tpu.memory_space<vmem_shared>> -> memref<25x64xbf16, #tpu.memory_space<vmem_shared>>
    tpu.wait_dma2 semaphore(%arg14 : memref<!tpu.dma_semaphore, #tpu.memory_space<semaphore_mem>>) src(%arg9 : memref<25x64xbf16, #tpu.memory_space<vmem>>) dst(%dma_wait3A_720 : memref<25x64xbf16, #tpu.memory_space<vmem_shared>>)
    %add3A_721 = arith.constant 550 : i32
    %add3A_722 = arith.addi %mul3A_400, %add3A_721 : i32
    %dma_wait3A_723 = arith.constant 0 : i32
    %dma_wait3A_724 = tpu.memref_slice %arg11[%add3A_722, %dma_wait3A_723] : memref<10000x64xbf16, #tpu.memory_space<vmem_shared>> -> memref<25x64xbf16, #tpu.memory_space<vmem_shared>>
    %dma_wait3A_725 = arith.constant 0 : i32
    %dma_wait3A_726 = tpu.memref_slice %arg11[%add3A_722, %dma_wait3A_725] : memref<10000x64xbf16, #tpu.memory_space<vmem_shared>> -> memref<25x64xbf16, #tpu.memory_space<vmem_shared>>
    tpu.wait_dma2 semaphore(%arg14 : memref<!tpu.dma_semaphore, #tpu.memory_space<semaphore_mem>>) src(%arg9 : memref<25x64xbf16, #tpu.memory_space<vmem>>) dst(%dma_wait3A_726 : memref<25x64xbf16, #tpu.memory_space<vmem_shared>>)
    %add3A_727 = arith.constant 575 : i32
    %add3A_728 = arith.addi %mul3A_400, %add3A_727 : i32
    %dma_wait3A_729 = arith.constant 0 : i32
    %dma_wait3A_730 = tpu.memref_slice %arg11[%add3A_728, %dma_wait3A_729] : memref<10000x64xbf16, #tpu.memory_space<vmem_shared>> -> memref<25x64xbf16, #tpu.memory_space<vmem_shared>>
    %dma_wait3A_731 = arith.constant 0 : i32
    %dma_wait3A_732 = tpu.memref_slice %arg11[%add3A_728, %dma_wait3A_731] : memref<10000x64xbf16, #tpu.memory_space<vmem_shared>> -> memref<25x64xbf16, #tpu.memory_space<vmem_shared>>
    tpu.wait_dma2 semaphore(%arg14 : memref<!tpu.dma_semaphore, #tpu.memory_space<semaphore_mem>>) src(%arg9 : memref<25x64xbf16, #tpu.memory_space<vmem>>) dst(%dma_wait3A_732 : memref<25x64xbf16, #tpu.memory_space<vmem_shared>>)
    %add3A_733 = arith.constant 600 : i32
    %add3A_734 = arith.addi %mul3A_400, %add3A_733 : i32
    %dma_wait3A_735 = arith.constant 0 : i32
    %dma_wait3A_736 = tpu.memref_slice %arg11[%add3A_734, %dma_wait3A_735] : memref<10000x64xbf16, #tpu.memory_space<vmem_shared>> -> memref<25x64xbf16, #tpu.memory_space<vmem_shared>>
    %dma_wait3A_737 = arith.constant 0 : i32
    %dma_wait3A_738 = tpu.memref_slice %arg11[%add3A_734, %dma_wait3A_737] : memref<10000x64xbf16, #tpu.memory_space<vmem_shared>> -> memref<25x64xbf16, #tpu.memory_space<vmem_shared>>
    tpu.wait_dma2 semaphore(%arg14 : memref<!tpu.dma_semaphore, #tpu.memory_space<semaphore_mem>>) src(%arg9 : memref<25x64xbf16, #tpu.memory_space<vmem>>) dst(%dma_wait3A_738 : memref<25x64xbf16, #tpu.memory_space<vmem_shared>>)
    %dma_wait3A_739 = arith.constant 0 : i32
    %dma_wait3A_740 = tpu.memref_slice %arg10[%mul3A_400, %dma_wait3A_739] : memref<10000x64xbf16, #tpu.memory_space<vmem_shared>> -> memref<625x64xbf16, #tpu.memory_space<vmem_shared>>
    %dma_wait3A_741 = arith.constant 0 : i32
    %dma_wait3A_742 = tpu.memref_slice %arg2[%mul3A_400, %dma_wait3A_741] : memref<10000x64xbf16, #tpu.memory_space<hbm>> -> memref<625x64xbf16, #tpu.memory_space<hbm>>
    tpu.wait_dma2 semaphore(%arg15 : memref<!tpu.dma_semaphore, #tpu.memory_space<semaphore_mem>>) src(%dma_wait3A_742 : memref<625x64xbf16, #tpu.memory_space<hbm>>) dst(%dma_wait3A_740 : memref<625x64xbf16, #tpu.memory_space<vmem_shared>>)
    %dma_wait3A_743 = arith.constant 0 : i32
    %dma_wait3A_744 = arith.constant 0 : i32
    %dma_wait3A_745 = arith.constant 0 : i32
    %dma_wait3A_746 = tpu.memref_slice %arg5[%dma_wait3A_744, %dma_wait3A_745] : memref<79x128xi32, #tpu.memory_space<vmem>> -> memref<78x128xi32, #tpu.memory_space<vmem>>
    %dma_wait3A_747 = arith.constant 0 : i32
    %dma_wait3A_748 = tpu.memref_slice %arg3[%dma_wait3A_743, %add3A_560, %dma_wait3A_747] : memref<2x2500x128xi32, #tpu.memory_space<hbm>> -> memref<1x78x128xi32, #tpu.memory_space<hbm>>
    %dma_wait3A_749 = tpu.memref_squeeze %dma_wait3A_748 : memref<1x78x128xi32, #tpu.memory_space<hbm>> -> memref<78x128xi32, #tpu.memory_space<hbm>>
    %dma_wait3A_750 = arith.constant 0 : i32
    %dma_wait3A_751 = arith.constant 0 : i32
    %dma_wait3A_752 = tpu.memref_slice %arg5[%dma_wait3A_750, %dma_wait3A_751] : memref<79x128xi32, #tpu.memory_space<vmem>> -> memref<78x128xi32, #tpu.memory_space<vmem>>
    %dma_wait3A_753 = arith.constant 0 : i32
    %dma_wait3A_754 = tpu.memref_slice %arg3[%dma_wait3A_743, %add3A_560, %dma_wait3A_753] : memref<2x2500x128xi32, #tpu.memory_space<hbm>> -> memref<1x78x128xi32, #tpu.memory_space<hbm>>
    %dma_wait3A_755 = tpu.memref_squeeze %dma_wait3A_754 : memref<1x78x128xi32, #tpu.memory_space<hbm>> -> memref<78x128xi32, #tpu.memory_space<hbm>>
    tpu.wait_dma2 semaphore(%arg12 : memref<!tpu.dma_semaphore, #tpu.memory_space<semaphore_mem>>) src(%dma_wait3A_755 : memref<78x128xi32, #tpu.memory_space<hbm>>) dst(%dma_wait3A_752 : memref<78x128xi32, #tpu.memory_space<vmem>>)
    %dma_wait3A_756 = arith.constant 1 : i32
    %dma_wait3A_757 = arith.constant 0 : i32
    %dma_wait3A_758 = arith.constant 0 : i32
    %dma_wait3A_759 = tpu.memref_slice %arg6[%dma_wait3A_757, %dma_wait3A_758] : memref<79x128xi32, #tpu.memory_space<vmem>> -> memref<78x128xi32, #tpu.memory_space<vmem>>
    %dma_wait3A_760 = arith.constant 0 : i32
    %dma_wait3A_761 = tpu.memref_slice %arg3[%dma_wait3A_756, %add3A_560, %dma_wait3A_760] : memref<2x2500x128xi32, #tpu.memory_space<hbm>> -> memref<1x78x128xi32, #tpu.memory_space<hbm>>
    %dma_wait3A_762 = tpu.memref_squeeze %dma_wait3A_761 : memref<1x78x128xi32, #tpu.memory_space<hbm>> -> memref<78x128xi32, #tpu.memory_space<hbm>>
    %dma_wait3A_763 = arith.constant 0 : i32
    %dma_wait3A_764 = arith.constant 0 : i32
    %dma_wait3A_765 = tpu.memref_slice %arg6[%dma_wait3A_763, %dma_wait3A_764] : memref<79x128xi32, #tpu.memory_space<vmem>> -> memref<78x128xi32, #tpu.memory_space<vmem>>
    %dma_wait3A_766 = arith.constant 0 : i32
    %dma_wait3A_767 = tpu.memref_slice %arg3[%dma_wait3A_756, %add3A_560, %dma_wait3A_766] : memref<2x2500x128xi32, #tpu.memory_space<hbm>> -> memref<1x78x128xi32, #tpu.memory_space<hbm>>
    %dma_wait3A_768 = tpu.memref_squeeze %dma_wait3A_767 : memref<1x78x128xi32, #tpu.memory_space<hbm>> -> memref<78x128xi32, #tpu.memory_space<hbm>>
    tpu.wait_dma2 semaphore(%arg13 : memref<!tpu.dma_semaphore, #tpu.memory_space<semaphore_mem>>) src(%dma_wait3A_768 : memref<78x128xi32, #tpu.memory_space<hbm>>) dst(%dma_wait3A_765 : memref<78x128xi32, #tpu.memory_space<vmem>>)
    %eq3A_769 = arith.constant 1 : i32
    %eq3A_770 = arith.cmpi eq, %convert_element_type3A, %eq3A_769 : i32
    %convert_element_type3A_771 = arith.extui %eq3A_770 : i1 to i32
    %cond3A_772 = arith.constant 0 : i32
    %cond3A_773 = arith.cmpi ne, %convert_element_type3A_771, %cond3A_772 : i32
    scf.if %cond3A_773 {
      %add3A_828 = arith.constant 78 : i32
      %add3A_829 = arith.addi %add3A_560, %add3A_828 : i32
      %dma_wait3A_830 = arith.constant 0 : i32
      %dma_wait3A_831 = arith.constant 78 : i32
      %dma_wait3A_832 = arith.constant 0 : i32
      %dma_wait3A_833 = tpu.memref_slice %arg5[%dma_wait3A_831, %dma_wait3A_832] : memref<79x128xi32, #tpu.memory_space<vmem>> -> memref<1x128xi32, #tpu.memory_space<vmem>>
      %dma_wait3A_834 = arith.constant 0 : i32
      %dma_wait3A_835 = tpu.memref_slice %arg3[%dma_wait3A_830, %add3A_829, %dma_wait3A_834] : memref<2x2500x128xi32, #tpu.memory_space<hbm>> -> memref<1x1x128xi32, #tpu.memory_space<hbm>>
      %dma_wait3A_836 = tpu.memref_squeeze %dma_wait3A_835 : memref<1x1x128xi32, #tpu.memory_space<hbm>> -> memref<1x128xi32, #tpu.memory_space<hbm>>
      %dma_wait3A_837 = arith.constant 78 : i32
      %dma_wait3A_838 = arith.constant 0 : i32
      %dma_wait3A_839 = tpu.memref_slice %arg5[%dma_wait3A_837, %dma_wait3A_838] : memref<79x128xi32, #tpu.memory_space<vmem>> -> memref<1x128xi32, #tpu.memory_space<vmem>>
      %dma_wait3A_840 = arith.constant 0 : i32
      %dma_wait3A_841 = tpu.memref_slice %arg3[%dma_wait3A_830, %add3A_829, %dma_wait3A_840] : memref<2x2500x128xi32, #tpu.memory_space<hbm>> -> memref<1x1x128xi32, #tpu.memory_space<hbm>>
      %dma_wait3A_842 = tpu.memref_squeeze %dma_wait3A_841 : memref<1x1x128xi32, #tpu.memory_space<hbm>> -> memref<1x128xi32, #tpu.memory_space<hbm>>
      tpu.wait_dma2 semaphore(%arg12 : memref<!tpu.dma_semaphore, #tpu.memory_space<semaphore_mem>>) src(%dma_wait3A_842 : memref<1x128xi32, #tpu.memory_space<hbm>>) dst(%dma_wait3A_839 : memref<1x128xi32, #tpu.memory_space<vmem>>)
      %add3A_843 = arith.constant 78 : i32
      %add3A_844 = arith.addi %add3A_560, %add3A_843 : i32
      %dma_wait3A_845 = arith.constant 1 : i32
      %dma_wait3A_846 = arith.constant 78 : i32
      %dma_wait3A_847 = arith.constant 0 : i32
      %dma_wait3A_848 = tpu.memref_slice %arg6[%dma_wait3A_846, %dma_wait3A_847] : memref<79x128xi32, #tpu.memory_space<vmem>> -> memref<1x128xi32, #tpu.memory_space<vmem>>
      %dma_wait3A_849 = arith.constant 0 : i32
      %dma_wait3A_850 = tpu.memref_slice %arg3[%dma_wait3A_845, %add3A_844, %dma_wait3A_849] : memref<2x2500x128xi32, #tpu.memory_space<hbm>> -> memref<1x1x128xi32, #tpu.memory_space<hbm>>
      %dma_wait3A_851 = tpu.memref_squeeze %dma_wait3A_850 : memref<1x1x128xi32, #tpu.memory_space<hbm>> -> memref<1x128xi32, #tpu.memory_space<hbm>>
      %dma_wait3A_852 = arith.constant 78 : i32
      %dma_wait3A_853 = arith.constant 0 : i32
      %dma_wait3A_854 = tpu.memref_slice %arg6[%dma_wait3A_852, %dma_wait3A_853] : memref<79x128xi32, #tpu.memory_space<vmem>> -> memref<1x128xi32, #tpu.memory_space<vmem>>
      %dma_wait3A_855 = arith.constant 0 : i32
      %dma_wait3A_856 = tpu.memref_slice %arg3[%dma_wait3A_845, %add3A_844, %dma_wait3A_855] : memref<2x2500x128xi32, #tpu.memory_space<hbm>> -> memref<1x1x128xi32, #tpu.memory_space<hbm>>
      %dma_wait3A_857 = tpu.memref_squeeze %dma_wait3A_856 : memref<1x1x128xi32, #tpu.memory_space<hbm>> -> memref<1x128xi32, #tpu.memory_space<hbm>>
      tpu.wait_dma2 semaphore(%arg13 : memref<!tpu.dma_semaphore, #tpu.memory_space<semaphore_mem>>) src(%dma_wait3A_857 : memref<1x128xi32, #tpu.memory_space<hbm>>) dst(%dma_wait3A_854 : memref<1x128xi32, #tpu.memory_space<vmem>>)
    } else {
    }
    %barrier3A = arith.constant 0 : index
    tpu.barrier barrier_id(%barrier3A)
    %dma_start3A_774 = arith.constant 0 : i32
    %dma_start3A_775 = arith.constant 0 : i32
    %dma_start3A_776 = tpu.memref_slice %arg5[%dma_start3A_774, %dma_start3A_775] : memref<79x128xi32, #tpu.memory_space<vmem>> -> memref<1x128xi32, #tpu.memory_space<vmem>>
    %dma_start3A_777 = tpu.memref_squeeze %dma_start3A_776 : memref<1x128xi32, #tpu.memory_space<vmem>> -> memref<128xi32, #tpu.memory_space<vmem>>
    %dma_start3A_778 = arith.constant 0 : i32
    %dma_start3A_779 = arith.constant 0 : i32
    %dma_start3A_780 = tpu.memref_slice %arg10[%dma_start3A_778, %dma_start3A_779] : memref<10000x64xbf16, #tpu.memory_space<vmem_shared>> -> memref<10000x64xbf16, #tpu.memory_space<vmem_shared>>
    tpu.enqueue_indirect_dma source(%dma_start3A_780 : memref<10000x64xbf16, #tpu.memory_space<vmem_shared>>) target(%arg7 : memref<128x64xbf16, #tpu.memory_space<vmem>>) offsets(%dma_start3A_777 : memref<128xi32, #tpu.memory_space<vmem>>) semaphore(%arg12 : memref<!tpu.dma_semaphore, #tpu.memory_space<semaphore_mem>>)
    %jit3A = arith.constant 2 : i32
    %div3A = arith.divsi %add3A_556, %jit3A : i32
    %sign3A = arith.constant 0 : i32
    %sign3A_781 = arith.cmpi sgt, %add3A_556, %sign3A : i32
    %sign3A_782 = arith.extui %sign3A_781 : i1 to i32
    %sign3A_783 = arith.constant 0 : i32
    %sign3A_784 = arith.cmpi slt, %add3A_556, %sign3A_783 : i32
    %sign3A_785 = arith.extui %sign3A_784 : i1 to i32
    %sign3A_786 = arith.subi %sign3A_782, %sign3A_785 : i32
    %sign3A_787 = arith.constant 0 : i32
    %sign3A_788 = arith.cmpi sgt, %jit3A, %sign3A_787 : i32
    %sign3A_789 = arith.extui %sign3A_788 : i1 to i32
    %sign3A_790 = arith.constant 0 : i32
    %sign3A_791 = arith.cmpi slt, %jit3A, %sign3A_790 : i32
    %sign3A_792 = arith.extui %sign3A_791 : i1 to i32
    %sign3A_793 = arith.subi %sign3A_789, %sign3A_792 : i32
    %ne3A = arith.cmpi ne, %sign3A_786, %sign3A_793 : i32
    %rem3A = arith.remsi %add3A_556, %jit3A : i32
    %ne3A_794 = arith.constant 0 : i32
    %ne3A_795 = arith.cmpi ne, %rem3A, %ne3A_794 : i32
    %and3A = arith.andi %ne3A, %ne3A_795 : i1
    %sub3A = arith.constant 1 : i32
    %sub3A_796 = arith.subi %div3A, %sub3A : i32
    %select_n3A = arith.select %and3A, %sub3A_796, %div3A : i32
    %while3A = arith.constant 0 : i32
    %while3A_797 = arith.constant 0 : i32
    %while3A_798 = arith.subi %select_n3A, %while3A_797 : i32
    %while3A_799 = arith.addi %while3A_797, %while3A_798 : i32
    %while3A_800 = arith.constant 1 : i32
    %while3A_801 = arith.divsi %while3A_798, %while3A_800 : i32
    %while3A_802 = arith.muli %while3A_801, %while3A_800 : i32
    %while3A_803 = arith.addi %while3A_797, %while3A_802 : i32
    %while3A_804 = arith.constant 1 : i32
    scf.for %while3A_828 = %while3A_797 to %while3A_803 step %while3A_804  : i32 {
      %mul3A_829 = arith.constant 2 : i32
      %mul3A_830 = arith.muli %mul3A_829, %while3A_828 : i32
      %add3A_831 = arith.constant 1 : i32
      %add3A_832 = arith.addi %mul3A_830, %add3A_831 : i32
      %lt3A_833 = arith.cmpi slt, %add3A_832, %add3A_556 : i32
      %convert_element_type3A_834 = arith.extui %lt3A_833 : i1 to i32
      %cond3A_835 = arith.constant 0 : i32
      %cond3A_836 = arith.cmpi ne, %convert_element_type3A_834, %cond3A_835 : i32
      scf.if %cond3A_836 {
        %add3A_857 = arith.constant 1 : i32
        %add3A_858 = arith.addi %mul3A_830, %add3A_857 : i32
        %dma_start3A_859 = arith.constant 0 : i32
        %dma_start3A_860 = tpu.memref_slice %arg5[%add3A_858, %dma_start3A_859] : memref<79x128xi32, #tpu.memory_space<vmem>> -> memref<1x128xi32, #tpu.memory_space<vmem>>
        %dma_start3A_861 = tpu.memref_squeeze %dma_start3A_860 : memref<1x128xi32, #tpu.memory_space<vmem>> -> memref<128xi32, #tpu.memory_space<vmem>>
        %dma_start3A_862 = arith.constant 0 : i32
        %dma_start3A_863 = arith.constant 0 : i32
        %dma_start3A_864 = tpu.memref_slice %arg10[%dma_start3A_862, %dma_start3A_863] : memref<10000x64xbf16, #tpu.memory_space<vmem_shared>> -> memref<10000x64xbf16, #tpu.memory_space<vmem_shared>>
        tpu.enqueue_indirect_dma source(%dma_start3A_864 : memref<10000x64xbf16, #tpu.memory_space<vmem_shared>>) target(%arg8 : memref<128x64xbf16, #tpu.memory_space<vmem>>) offsets(%dma_start3A_861 : memref<128xi32, #tpu.memory_space<vmem>>) semaphore(%arg13 : memref<!tpu.dma_semaphore, #tpu.memory_space<semaphore_mem>>)
      } else {
      }
      %dma_wait3A_837 = arith.constant 0 : i32
      %dma_wait3A_838 = tpu.memref_slice %arg5[%mul3A_830, %dma_wait3A_837] : memref<79x128xi32, #tpu.memory_space<vmem>> -> memref<1x128xi32, #tpu.memory_space<vmem>>
      %dma_wait3A_839 = tpu.memref_squeeze %dma_wait3A_838 : memref<1x128xi32, #tpu.memory_space<vmem>> -> memref<128xi32, #tpu.memory_space<vmem>>
      %dma_wait3A_840 = arith.constant 0 : i32
      %dma_wait3A_841 = arith.constant 0 : i32
      %dma_wait3A_842 = tpu.memref_slice %arg10[%dma_wait3A_840, %dma_wait3A_841] : memref<10000x64xbf16, #tpu.memory_space<vmem_shared>> -> memref<10000x64xbf16, #tpu.memory_space<vmem_shared>>
      tpu.wait_indirect_dma semaphore(%arg12 : memref<!tpu.dma_semaphore, #tpu.memory_space<semaphore_mem>>) src(%dma_wait3A_842 : memref<10000x64xbf16, #tpu.memory_space<vmem_shared>>) dst(%arg7 : memref<128x64xbf16, #tpu.memory_space<vmem>>)
      "tpu.region"() ({
        %run_scoped3A = tpu.sem_alloc : memref<!tpu.dma_semaphore, #tpu.memory_space<semaphore_mem>>
        %dma_start3A_857 = arith.constant 0 : i32
        %dma_start3A_858 = tpu.memref_slice %arg6[%mul3A_830, %dma_start3A_857] : memref<79x128xi32, #tpu.memory_space<vmem>> -> memref<1x128xi32, #tpu.memory_space<vmem>>
        %dma_start3A_859 = tpu.memref_squeeze %dma_start3A_858 : memref<1x128xi32, #tpu.memory_space<vmem>> -> memref<128xi32, #tpu.memory_space<vmem>>
        %dma_start3A_860 = arith.constant 0 : i32
        %dma_start3A_861 = arith.constant 0 : i32
        %dma_start3A_862 = tpu.memref_slice %arg11[%dma_start3A_860, %dma_start3A_861] : memref<10000x64xbf16, #tpu.memory_space<vmem_shared>> -> memref<10000x64xbf16, #tpu.memory_space<vmem_shared>>
        tpu.enqueue_indirect_dma source(%arg7 : memref<128x64xbf16, #tpu.memory_space<vmem>>) target(%dma_start3A_862 : memref<10000x64xbf16, #tpu.memory_space<vmem_shared>>) offsets(%dma_start3A_859 : memref<128xi32, #tpu.memory_space<vmem>>) semaphore(%run_scoped3A : memref<!tpu.dma_semaphore, #tpu.memory_space<semaphore_mem>>) {add = true}
        %dma_wait3A_863 = arith.constant 0 : i32
        %dma_wait3A_864 = tpu.memref_slice %arg6[%mul3A_830, %dma_wait3A_863] : memref<79x128xi32, #tpu.memory_space<vmem>> -> memref<1x128xi32, #tpu.memory_space<vmem>>
        %dma_wait3A_865 = tpu.memref_squeeze %dma_wait3A_864 : memref<1x128xi32, #tpu.memory_space<vmem>> -> memref<128xi32, #tpu.memory_space<vmem>>
        %dma_wait3A_866 = arith.constant 0 : i32
        %dma_wait3A_867 = arith.constant 0 : i32
        %dma_wait3A_868 = tpu.memref_slice %arg11[%dma_wait3A_866, %dma_wait3A_867] : memref<10000x64xbf16, #tpu.memory_space<vmem_shared>> -> memref<10000x64xbf16, #tpu.memory_space<vmem_shared>>
        tpu.wait_indirect_dma semaphore(%run_scoped3A : memref<!tpu.dma_semaphore, #tpu.memory_space<semaphore_mem>>) src(%arg7 : memref<128x64xbf16, #tpu.memory_space<vmem>>) dst(%dma_wait3A_868 : memref<10000x64xbf16, #tpu.memory_space<vmem_shared>>)
        tpu.yield
      }) : () -> ()
      %add3A_843 = arith.constant 1 : i32
      %add3A_844 = arith.addi %mul3A_830, %add3A_843 : i32
      %add3A_845 = arith.constant 1 : i32
      %add3A_846 = arith.addi %add3A_844, %add3A_845 : i32
      %lt3A_847 = arith.cmpi slt, %add3A_846, %add3A_556 : i32
      %convert_element_type3A_848 = arith.extui %lt3A_847 : i1 to i32
      %cond3A_849 = arith.constant 0 : i32
      %cond3A_850 = arith.cmpi ne, %convert_element_type3A_848, %cond3A_849 : i32
      scf.if %cond3A_850 {
        %add3A_857 = arith.constant 1 : i32
        %add3A_858 = arith.addi %add3A_844, %add3A_857 : i32
        %dma_start3A_859 = arith.constant 0 : i32
        %dma_start3A_860 = tpu.memref_slice %arg5[%add3A_858, %dma_start3A_859] : memref<79x128xi32, #tpu.memory_space<vmem>> -> memref<1x128xi32, #tpu.memory_space<vmem>>
        %dma_start3A_861 = tpu.memref_squeeze %dma_start3A_860 : memref<1x128xi32, #tpu.memory_space<vmem>> -> memref<128xi32, #tpu.memory_space<vmem>>
        %dma_start3A_862 = arith.constant 0 : i32
        %dma_start3A_863 = arith.constant 0 : i32
        %dma_start3A_864 = tpu.memref_slice %arg10[%dma_start3A_862, %dma_start3A_863] : memref<10000x64xbf16, #tpu.memory_space<vmem_shared>> -> memref<10000x64xbf16, #tpu.memory_space<vmem_shared>>
        tpu.enqueue_indirect_dma source(%dma_start3A_864 : memref<10000x64xbf16, #tpu.memory_space<vmem_shared>>) target(%arg7 : memref<128x64xbf16, #tpu.memory_space<vmem>>) offsets(%dma_start3A_861 : memref<128xi32, #tpu.memory_space<vmem>>) semaphore(%arg12 : memref<!tpu.dma_semaphore, #tpu.memory_space<semaphore_mem>>)
      } else {
      }
      %dma_wait3A_851 = arith.constant 0 : i32
      %dma_wait3A_852 = tpu.memref_slice %arg5[%add3A_844, %dma_wait3A_851] : memref<79x128xi32, #tpu.memory_space<vmem>> -> memref<1x128xi32, #tpu.memory_space<vmem>>
      %dma_wait3A_853 = tpu.memref_squeeze %dma_wait3A_852 : memref<1x128xi32, #tpu.memory_space<vmem>> -> memref<128xi32, #tpu.memory_space<vmem>>
      %dma_wait3A_854 = arith.constant 0 : i32
      %dma_wait3A_855 = arith.constant 0 : i32
      %dma_wait3A_856 = tpu.memref_slice %arg10[%dma_wait3A_854, %dma_wait3A_855] : memref<10000x64xbf16, #tpu.memory_space<vmem_shared>> -> memref<10000x64xbf16, #tpu.memory_space<vmem_shared>>
      tpu.wait_indirect_dma semaphore(%arg13 : memref<!tpu.dma_semaphore, #tpu.memory_space<semaphore_mem>>) src(%dma_wait3A_856 : memref<10000x64xbf16, #tpu.memory_space<vmem_shared>>) dst(%arg8 : memref<128x64xbf16, #tpu.memory_space<vmem>>)
      "tpu.region"() ({
        %run_scoped3A = tpu.sem_alloc : memref<!tpu.dma_semaphore, #tpu.memory_space<semaphore_mem>>
        %dma_start3A_857 = arith.constant 0 : i32
        %dma_start3A_858 = tpu.memref_slice %arg6[%add3A_844, %dma_start3A_857] : memref<79x128xi32, #tpu.memory_space<vmem>> -> memref<1x128xi32, #tpu.memory_space<vmem>>
        %dma_start3A_859 = tpu.memref_squeeze %dma_start3A_858 : memref<1x128xi32, #tpu.memory_space<vmem>> -> memref<128xi32, #tpu.memory_space<vmem>>
        %dma_start3A_860 = arith.constant 0 : i32
        %dma_start3A_861 = arith.constant 0 : i32
        %dma_start3A_862 = tpu.memref_slice %arg11[%dma_start3A_860, %dma_start3A_861] : memref<10000x64xbf16, #tpu.memory_space<vmem_shared>> -> memref<10000x64xbf16, #tpu.memory_space<vmem_shared>>
        tpu.enqueue_indirect_dma source(%arg8 : memref<128x64xbf16, #tpu.memory_space<vmem>>) target(%dma_start3A_862 : memref<10000x64xbf16, #tpu.memory_space<vmem_shared>>) offsets(%dma_start3A_859 : memref<128xi32, #tpu.memory_space<vmem>>) semaphore(%run_scoped3A : memref<!tpu.dma_semaphore, #tpu.memory_space<semaphore_mem>>) {add = true}
        %dma_wait3A_863 = arith.constant 0 : i32
        %dma_wait3A_864 = tpu.memref_slice %arg6[%add3A_844, %dma_wait3A_863] : memref<79x128xi32, #tpu.memory_space<vmem>> -> memref<1x128xi32, #tpu.memory_space<vmem>>
        %dma_wait3A_865 = tpu.memref_squeeze %dma_wait3A_864 : memref<1x128xi32, #tpu.memory_space<vmem>> -> memref<128xi32, #tpu.memory_space<vmem>>
        %dma_wait3A_866 = arith.constant 0 : i32
        %dma_wait3A_867 = arith.constant 0 : i32
        %dma_wait3A_868 = tpu.memref_slice %arg11[%dma_wait3A_866, %dma_wait3A_867] : memref<10000x64xbf16, #tpu.memory_space<vmem_shared>> -> memref<10000x64xbf16, #tpu.memory_space<vmem_shared>>
        tpu.wait_indirect_dma semaphore(%run_scoped3A : memref<!tpu.dma_semaphore, #tpu.memory_space<semaphore_mem>>) src(%arg8 : memref<128x64xbf16, #tpu.memory_space<vmem>>) dst(%dma_wait3A_868 : memref<10000x64xbf16, #tpu.memory_space<vmem_shared>>)
        tpu.yield
      }) : () -> ()
    }
    %while3A_805 = arith.constant 1 : i32
    scf.for %while3A_828 = %while3A_803 to %while3A_799 step %while3A_805  : i32 {
      %mul3A_829 = arith.constant 2 : i32
      %mul3A_830 = arith.muli %mul3A_829, %while3A_828 : i32
      %add3A_831 = arith.constant 1 : i32
      %add3A_832 = arith.addi %mul3A_830, %add3A_831 : i32
      %lt3A_833 = arith.cmpi slt, %add3A_832, %add3A_556 : i32
      %convert_element_type3A_834 = arith.extui %lt3A_833 : i1 to i32
      %cond3A_835 = arith.constant 0 : i32
      %cond3A_836 = arith.cmpi ne, %convert_element_type3A_834, %cond3A_835 : i32
      scf.if %cond3A_836 {
        %add3A_857 = arith.constant 1 : i32
        %add3A_858 = arith.addi %mul3A_830, %add3A_857 : i32
        %dma_start3A_859 = arith.constant 0 : i32
        %dma_start3A_860 = tpu.memref_slice %arg5[%add3A_858, %dma_start3A_859] : memref<79x128xi32, #tpu.memory_space<vmem>> -> memref<1x128xi32, #tpu.memory_space<vmem>>
        %dma_start3A_861 = tpu.memref_squeeze %dma_start3A_860 : memref<1x128xi32, #tpu.memory_space<vmem>> -> memref<128xi32, #tpu.memory_space<vmem>>
        %dma_start3A_862 = arith.constant 0 : i32
        %dma_start3A_863 = arith.constant 0 : i32
        %dma_start3A_864 = tpu.memref_slice %arg10[%dma_start3A_862, %dma_start3A_863] : memref<10000x64xbf16, #tpu.memory_space<vmem_shared>> -> memref<10000x64xbf16, #tpu.memory_space<vmem_shared>>
        tpu.enqueue_indirect_dma source(%dma_start3A_864 : memref<10000x64xbf16, #tpu.memory_space<vmem_shared>>) target(%arg8 : memref<128x64xbf16, #tpu.memory_space<vmem>>) offsets(%dma_start3A_861 : memref<128xi32, #tpu.memory_space<vmem>>) semaphore(%arg13 : memref<!tpu.dma_semaphore, #tpu.memory_space<semaphore_mem>>)
      } else {
      }
      %dma_wait3A_837 = arith.constant 0 : i32
      %dma_wait3A_838 = tpu.memref_slice %arg5[%mul3A_830, %dma_wait3A_837] : memref<79x128xi32, #tpu.memory_space<vmem>> -> memref<1x128xi32, #tpu.memory_space<vmem>>
      %dma_wait3A_839 = tpu.memref_squeeze %dma_wait3A_838 : memref<1x128xi32, #tpu.memory_space<vmem>> -> memref<128xi32, #tpu.memory_space<vmem>>
      %dma_wait3A_840 = arith.constant 0 : i32
      %dma_wait3A_841 = arith.constant 0 : i32
      %dma_wait3A_842 = tpu.memref_slice %arg10[%dma_wait3A_840, %dma_wait3A_841] : memref<10000x64xbf16, #tpu.memory_space<vmem_shared>> -> memref<10000x64xbf16, #tpu.memory_space<vmem_shared>>
      tpu.wait_indirect_dma semaphore(%arg12 : memref<!tpu.dma_semaphore, #tpu.memory_space<semaphore_mem>>) src(%dma_wait3A_842 : memref<10000x64xbf16, #tpu.memory_space<vmem_shared>>) dst(%arg7 : memref<128x64xbf16, #tpu.memory_space<vmem>>)
      "tpu.region"() ({
        %run_scoped3A = tpu.sem_alloc : memref<!tpu.dma_semaphore, #tpu.memory_space<semaphore_mem>>
        %dma_start3A_857 = arith.constant 0 : i32
        %dma_start3A_858 = tpu.memref_slice %arg6[%mul3A_830, %dma_start3A_857] : memref<79x128xi32, #tpu.memory_space<vmem>> -> memref<1x128xi32, #tpu.memory_space<vmem>>
        %dma_start3A_859 = tpu.memref_squeeze %dma_start3A_858 : memref<1x128xi32, #tpu.memory_space<vmem>> -> memref<128xi32, #tpu.memory_space<vmem>>
        %dma_start3A_860 = arith.constant 0 : i32
        %dma_start3A_861 = arith.constant 0 : i32
        %dma_start3A_862 = tpu.memref_slice %arg11[%dma_start3A_860, %dma_start3A_861] : memref<10000x64xbf16, #tpu.memory_space<vmem_shared>> -> memref<10000x64xbf16, #tpu.memory_space<vmem_shared>>
        tpu.enqueue_indirect_dma source(%arg7 : memref<128x64xbf16, #tpu.memory_space<vmem>>) target(%dma_start3A_862 : memref<10000x64xbf16, #tpu.memory_space<vmem_shared>>) offsets(%dma_start3A_859 : memref<128xi32, #tpu.memory_space<vmem>>) semaphore(%run_scoped3A : memref<!tpu.dma_semaphore, #tpu.memory_space<semaphore_mem>>) {add = true}
        %dma_wait3A_863 = arith.constant 0 : i32
        %dma_wait3A_864 = tpu.memref_slice %arg6[%mul3A_830, %dma_wait3A_863] : memref<79x128xi32, #tpu.memory_space<vmem>> -> memref<1x128xi32, #tpu.memory_space<vmem>>
        %dma_wait3A_865 = tpu.memref_squeeze %dma_wait3A_864 : memref<1x128xi32, #tpu.memory_space<vmem>> -> memref<128xi32, #tpu.memory_space<vmem>>
        %dma_wait3A_866 = arith.constant 0 : i32
        %dma_wait3A_867 = arith.constant 0 : i32
        %dma_wait3A_868 = tpu.memref_slice %arg11[%dma_wait3A_866, %dma_wait3A_867] : memref<10000x64xbf16, #tpu.memory_space<vmem_shared>> -> memref<10000x64xbf16, #tpu.memory_space<vmem_shared>>
        tpu.wait_indirect_dma semaphore(%run_scoped3A : memref<!tpu.dma_semaphore, #tpu.memory_space<semaphore_mem>>) src(%arg7 : memref<128x64xbf16, #tpu.memory_space<vmem>>) dst(%dma_wait3A_868 : memref<10000x64xbf16, #tpu.memory_space<vmem_shared>>)
        tpu.yield
      }) : () -> ()
      %add3A_843 = arith.constant 1 : i32
      %add3A_844 = arith.addi %mul3A_830, %add3A_843 : i32
      %add3A_845 = arith.constant 1 : i32
      %add3A_846 = arith.addi %add3A_844, %add3A_845 : i32
      %lt3A_847 = arith.cmpi slt, %add3A_846, %add3A_556 : i32
      %convert_element_type3A_848 = arith.extui %lt3A_847 : i1 to i32
      %cond3A_849 = arith.constant 0 : i32
      %cond3A_850 = arith.cmpi ne, %convert_element_type3A_848, %cond3A_849 : i32
      scf.if %cond3A_850 {
        %add3A_857 = arith.constant 1 : i32
        %add3A_858 = arith.addi %add3A_844, %add3A_857 : i32
        %dma_start3A_859 = arith.constant 0 : i32
        %dma_start3A_860 = tpu.memref_slice %arg5[%add3A_858, %dma_start3A_859] : memref<79x128xi32, #tpu.memory_space<vmem>> -> memref<1x128xi32, #tpu.memory_space<vmem>>
        %dma_start3A_861 = tpu.memref_squeeze %dma_start3A_860 : memref<1x128xi32, #tpu.memory_space<vmem>> -> memref<128xi32, #tpu.memory_space<vmem>>
        %dma_start3A_862 = arith.constant 0 : i32
        %dma_start3A_863 = arith.constant 0 : i32
        %dma_start3A_864 = tpu.memref_slice %arg10[%dma_start3A_862, %dma_start3A_863] : memref<10000x64xbf16, #tpu.memory_space<vmem_shared>> -> memref<10000x64xbf16, #tpu.memory_space<vmem_shared>>
        tpu.enqueue_indirect_dma source(%dma_start3A_864 : memref<10000x64xbf16, #tpu.memory_space<vmem_shared>>) target(%arg7 : memref<128x64xbf16, #tpu.memory_space<vmem>>) offsets(%dma_start3A_861 : memref<128xi32, #tpu.memory_space<vmem>>) semaphore(%arg12 : memref<!tpu.dma_semaphore, #tpu.memory_space<semaphore_mem>>)
      } else {
      }
      %dma_wait3A_851 = arith.constant 0 : i32
      %dma_wait3A_852 = tpu.memref_slice %arg5[%add3A_844, %dma_wait3A_851] : memref<79x128xi32, #tpu.memory_space<vmem>> -> memref<1x128xi32, #tpu.memory_space<vmem>>
      %dma_wait3A_853 = tpu.memref_squeeze %dma_wait3A_852 : memref<1x128xi32, #tpu.memory_space<vmem>> -> memref<128xi32, #tpu.memory_space<vmem>>
      %dma_wait3A_854 = arith.constant 0 : i32
      %dma_wait3A_855 = arith.constant 0 : i32
      %dma_wait3A_856 = tpu.memref_slice %arg10[%dma_wait3A_854, %dma_wait3A_855] : memref<10000x64xbf16, #tpu.memory_space<vmem_shared>> -> memref<10000x64xbf16, #tpu.memory_space<vmem_shared>>
      tpu.wait_indirect_dma semaphore(%arg13 : memref<!tpu.dma_semaphore, #tpu.memory_space<semaphore_mem>>) src(%dma_wait3A_856 : memref<10000x64xbf16, #tpu.memory_space<vmem_shared>>) dst(%arg8 : memref<128x64xbf16, #tpu.memory_space<vmem>>)
      "tpu.region"() ({
        %run_scoped3A = tpu.sem_alloc : memref<!tpu.dma_semaphore, #tpu.memory_space<semaphore_mem>>
        %dma_start3A_857 = arith.constant 0 : i32
        %dma_start3A_858 = tpu.memref_slice %arg6[%add3A_844, %dma_start3A_857] : memref<79x128xi32, #tpu.memory_space<vmem>> -> memref<1x128xi32, #tpu.memory_space<vmem>>
        %dma_start3A_859 = tpu.memref_squeeze %dma_start3A_858 : memref<1x128xi32, #tpu.memory_space<vmem>> -> memref<128xi32, #tpu.memory_space<vmem>>
        %dma_start3A_860 = arith.constant 0 : i32
        %dma_start3A_861 = arith.constant 0 : i32
        %dma_start3A_862 = tpu.memref_slice %arg11[%dma_start3A_860, %dma_start3A_861] : memref<10000x64xbf16, #tpu.memory_space<vmem_shared>> -> memref<10000x64xbf16, #tpu.memory_space<vmem_shared>>
        tpu.enqueue_indirect_dma source(%arg8 : memref<128x64xbf16, #tpu.memory_space<vmem>>) target(%dma_start3A_862 : memref<10000x64xbf16, #tpu.memory_space<vmem_shared>>) offsets(%dma_start3A_859 : memref<128xi32, #tpu.memory_space<vmem>>) semaphore(%run_scoped3A : memref<!tpu.dma_semaphore, #tpu.memory_space<semaphore_mem>>) {add = true}
        %dma_wait3A_863 = arith.constant 0 : i32
        %dma_wait3A_864 = tpu.memref_slice %arg6[%add3A_844, %dma_wait3A_863] : memref<79x128xi32, #tpu.memory_space<vmem>> -> memref<1x128xi32, #tpu.memory_space<vmem>>
        %dma_wait3A_865 = tpu.memref_squeeze %dma_wait3A_864 : memref<1x128xi32, #tpu.memory_space<vmem>> -> memref<128xi32, #tpu.memory_space<vmem>>
        %dma_wait3A_866 = arith.constant 0 : i32
        %dma_wait3A_867 = arith.constant 0 : i32
        %dma_wait3A_868 = tpu.memref_slice %arg11[%dma_wait3A_866, %dma_wait3A_867] : memref<10000x64xbf16, #tpu.memory_space<vmem_shared>> -> memref<10000x64xbf16, #tpu.memory_space<vmem_shared>>
        tpu.wait_indirect_dma semaphore(%run_scoped3A : memref<!tpu.dma_semaphore, #tpu.memory_space<semaphore_mem>>) src(%arg8 : memref<128x64xbf16, #tpu.memory_space<vmem>>) dst(%dma_wait3A_868 : memref<10000x64xbf16, #tpu.memory_space<vmem_shared>>)
        tpu.yield
      }) : () -> ()
    }
    %jit3A_806 = arith.constant 2 : i32
    %eq3A_807 = arith.constant 0 : i32
    %eq3A_808 = arith.cmpi eq, %jit3A_806, %eq3A_807 : i32
    %jit3A_809 = arith.constant 1 : i32
    %select_n3A_810 = arith.select %eq3A_808, %jit3A_809, %jit3A_806 : i32
    %rem3A_811 = arith.remsi %add3A_556, %select_n3A_810 : i32
    %ne3A_812 = arith.constant 0 : i32
    %ne3A_813 = arith.cmpi ne, %rem3A_811, %ne3A_812 : i32
    %lt3A_814 = arith.constant 0 : i32
    %lt3A_815 = arith.cmpi slt, %rem3A_811, %lt3A_814 : i32
    %lt3A_816 = arith.constant 0 : i32
    %lt3A_817 = arith.cmpi slt, %select_n3A_810, %lt3A_816 : i32
    %ne3A_818 = arith.xori %lt3A_815, %lt3A_817 : i1
    %and3A_819 = arith.andi %ne3A_818, %ne3A_813 : i1
    %add3A_820 = arith.addi %rem3A_811, %select_n3A_810 : i32
    %select_n3A_821 = arith.select %and3A_819, %add3A_820, %rem3A_811 : i32
    %eq3A_822 = arith.constant 1 : i32
    %eq3A_823 = arith.cmpi eq, %select_n3A_821, %eq3A_822 : i32
    %convert_element_type3A_824 = arith.extui %eq3A_823 : i1 to i32
    %cond3A_825 = arith.constant 0 : i32
    %cond3A_826 = arith.cmpi ne, %convert_element_type3A_824, %cond3A_825 : i32
    scf.if %cond3A_826 {
      %sub3A_828 = arith.constant 1 : i32
      %sub3A_829 = arith.subi %add3A_556, %sub3A_828 : i32
      %add3A_830 = arith.constant 1 : i32
      %add3A_831 = arith.addi %sub3A_829, %add3A_830 : i32
      %lt3A_832 = arith.cmpi slt, %add3A_831, %add3A_556 : i32
      %convert_element_type3A_833 = arith.extui %lt3A_832 : i1 to i32
      %cond3A_834 = arith.constant 0 : i32
      %cond3A_835 = arith.cmpi ne, %convert_element_type3A_833, %cond3A_834 : i32
      scf.if %cond3A_835 {
        %add3A_842 = arith.constant 1 : i32
        %add3A_843 = arith.addi %sub3A_829, %add3A_842 : i32
        %dma_start3A_844 = arith.constant 0 : i32
        %dma_start3A_845 = tpu.memref_slice %arg5[%add3A_843, %dma_start3A_844] : memref<79x128xi32, #tpu.memory_space<vmem>> -> memref<1x128xi32, #tpu.memory_space<vmem>>
        %dma_start3A_846 = tpu.memref_squeeze %dma_start3A_845 : memref<1x128xi32, #tpu.memory_space<vmem>> -> memref<128xi32, #tpu.memory_space<vmem>>
        %dma_start3A_847 = arith.constant 0 : i32
        %dma_start3A_848 = arith.constant 0 : i32
        %dma_start3A_849 = tpu.memref_slice %arg10[%dma_start3A_847, %dma_start3A_848] : memref<10000x64xbf16, #tpu.memory_space<vmem_shared>> -> memref<10000x64xbf16, #tpu.memory_space<vmem_shared>>
        tpu.enqueue_indirect_dma source(%dma_start3A_849 : memref<10000x64xbf16, #tpu.memory_space<vmem_shared>>) target(%arg8 : memref<128x64xbf16, #tpu.memory_space<vmem>>) offsets(%dma_start3A_846 : memref<128xi32, #tpu.memory_space<vmem>>) semaphore(%arg13 : memref<!tpu.dma_semaphore, #tpu.memory_space<semaphore_mem>>)
      } else {
      }
      %dma_wait3A_836 = arith.constant 0 : i32
      %dma_wait3A_837 = tpu.memref_slice %arg5[%sub3A_829, %dma_wait3A_836] : memref<79x128xi32, #tpu.memory_space<vmem>> -> memref<1x128xi32, #tpu.memory_space<vmem>>
      %dma_wait3A_838 = tpu.memref_squeeze %dma_wait3A_837 : memref<1x128xi32, #tpu.memory_space<vmem>> -> memref<128xi32, #tpu.memory_space<vmem>>
      %dma_wait3A_839 = arith.constant 0 : i32
      %dma_wait3A_840 = arith.constant 0 : i32
      %dma_wait3A_841 = tpu.memref_slice %arg10[%dma_wait3A_839, %dma_wait3A_840] : memref<10000x64xbf16, #tpu.memory_space<vmem_shared>> -> memref<10000x64xbf16, #tpu.memory_space<vmem_shared>>
      tpu.wait_indirect_dma semaphore(%arg12 : memref<!tpu.dma_semaphore, #tpu.memory_space<semaphore_mem>>) src(%dma_wait3A_841 : memref<10000x64xbf16, #tpu.memory_space<vmem_shared>>) dst(%arg7 : memref<128x64xbf16, #tpu.memory_space<vmem>>)
      "tpu.region"() ({
        %run_scoped3A = tpu.sem_alloc : memref<!tpu.dma_semaphore, #tpu.memory_space<semaphore_mem>>
        %dma_start3A_842 = arith.constant 0 : i32
        %dma_start3A_843 = tpu.memref_slice %arg6[%sub3A_829, %dma_start3A_842] : memref<79x128xi32, #tpu.memory_space<vmem>> -> memref<1x128xi32, #tpu.memory_space<vmem>>
        %dma_start3A_844 = tpu.memref_squeeze %dma_start3A_843 : memref<1x128xi32, #tpu.memory_space<vmem>> -> memref<128xi32, #tpu.memory_space<vmem>>
        %dma_start3A_845 = arith.constant 0 : i32
        %dma_start3A_846 = arith.constant 0 : i32
        %dma_start3A_847 = tpu.memref_slice %arg11[%dma_start3A_845, %dma_start3A_846] : memref<10000x64xbf16, #tpu.memory_space<vmem_shared>> -> memref<10000x64xbf16, #tpu.memory_space<vmem_shared>>
        tpu.enqueue_indirect_dma source(%arg7 : memref<128x64xbf16, #tpu.memory_space<vmem>>) target(%dma_start3A_847 : memref<10000x64xbf16, #tpu.memory_space<vmem_shared>>) offsets(%dma_start3A_844 : memref<128xi32, #tpu.memory_space<vmem>>) semaphore(%run_scoped3A : memref<!tpu.dma_semaphore, #tpu.memory_space<semaphore_mem>>) {add = true}
        %dma_wait3A_848 = arith.constant 0 : i32
        %dma_wait3A_849 = tpu.memref_slice %arg6[%sub3A_829, %dma_wait3A_848] : memref<79x128xi32, #tpu.memory_space<vmem>> -> memref<1x128xi32, #tpu.memory_space<vmem>>
        %dma_wait3A_850 = tpu.memref_squeeze %dma_wait3A_849 : memref<1x128xi32, #tpu.memory_space<vmem>> -> memref<128xi32, #tpu.memory_space<vmem>>
        %dma_wait3A_851 = arith.constant 0 : i32
        %dma_wait3A_852 = arith.constant 0 : i32
        %dma_wait3A_853 = tpu.memref_slice %arg11[%dma_wait3A_851, %dma_wait3A_852] : memref<10000x64xbf16, #tpu.memory_space<vmem_shared>> -> memref<10000x64xbf16, #tpu.memory_space<vmem_shared>>
        tpu.wait_indirect_dma semaphore(%run_scoped3A : memref<!tpu.dma_semaphore, #tpu.memory_space<semaphore_mem>>) src(%arg7 : memref<128x64xbf16, #tpu.memory_space<vmem>>) dst(%dma_wait3A_853 : memref<10000x64xbf16, #tpu.memory_space<vmem_shared>>)
        tpu.yield
      }) : () -> ()
    } else {
    }
    %barrier3A_827 = arith.constant 0 : index
    tpu.barrier barrier_id(%barrier3A_827)
    "tpu.region"() ({
      %run_scoped3A = tpu.sem_alloc : memref<!tpu.dma_semaphore, #tpu.memory_space<semaphore_mem>>
      %dma_start3A_828 = arith.constant 0 : i32
      %dma_start3A_829 = tpu.memref_slice %arg4[%arg0, %mul3A_400, %dma_start3A_828] : memref<2x10000x64xbf16, #tpu.memory_space<hbm>> -> memref<1x625x64xbf16, #tpu.memory_space<hbm>>
      %dma_start3A_830 = tpu.memref_squeeze %dma_start3A_829 : memref<1x625x64xbf16, #tpu.memory_space<hbm>> -> memref<625x64xbf16, #tpu.memory_space<hbm>>
      %dma_start3A_831 = arith.constant 0 : i32
      %dma_start3A_832 = tpu.memref_slice %arg11[%mul3A_400, %dma_start3A_831] : memref<10000x64xbf16, #tpu.memory_space<vmem_shared>> -> memref<625x64xbf16, #tpu.memory_space<vmem_shared>>
      tpu.enqueue_dma source(%dma_start3A_832 : memref<625x64xbf16, #tpu.memory_space<vmem_shared>>) target(%dma_start3A_830 : memref<625x64xbf16, #tpu.memory_space<hbm>>) target_semaphore(%run_scoped3A : memref<!tpu.dma_semaphore, #tpu.memory_space<semaphore_mem>>)
      %dma_wait3A_833 = arith.constant 0 : i32
      %dma_wait3A_834 = tpu.memref_slice %arg4[%arg0, %mul3A_400, %dma_wait3A_833] : memref<2x10000x64xbf16, #tpu.memory_space<hbm>> -> memref<1x625x64xbf16, #tpu.memory_space<hbm>>
      %dma_wait3A_835 = tpu.memref_squeeze %dma_wait3A_834 : memref<1x625x64xbf16, #tpu.memory_space<hbm>> -> memref<625x64xbf16, #tpu.memory_space<hbm>>
      %dma_wait3A_836 = arith.constant 0 : i32
      %dma_wait3A_837 = tpu.memref_slice %arg11[%mul3A_400, %dma_wait3A_836] : memref<10000x64xbf16, #tpu.memory_space<vmem_shared>> -> memref<625x64xbf16, #tpu.memory_space<vmem_shared>>
      tpu.wait_dma2 semaphore(%run_scoped3A : memref<!tpu.dma_semaphore, #tpu.memory_space<semaphore_mem>>) src(%dma_wait3A_837 : memref<625x64xbf16, #tpu.memory_space<vmem_shared>>) dst(%dma_wait3A_835 : memref<625x64xbf16, #tpu.memory_space<hbm>>)
      tpu.yield
    }) : () -> ()
    return
  }
}

module attributes {stable_mosaic.version = 14 : i64} {
  func.func @_mm_packed_body(%arg0: i32, %arg1: memref<1000x128xf32, #tpu.memory_space<vmem>>, %arg2: memref<1000x128xf32, #tpu.memory_space<vmem>>, %arg3: memref<128x64xf32, #tpu.memory_space<vmem>>, %arg4: memref<1000x128xbf16, #tpu.memory_space<vmem>>) attributes {dimension_semantics = [#tpu.dimension_semantics<arbitrary>], iteration_bounds = array<i64: 5>, scalar_prefetch = 0 : i64, scratch_operands = 0 : i64, tpu.core_type = #tpu.core_type<tc>, window_params = [{transform_indices = @transform_0, window_bounds = array<i64: 1000, 128>}, {transform_indices = @transform_1, window_bounds = array<i64: 1000, 128>}, {pipeline_mode = #tpu.pipeline_mode<synchronous>, transform_indices = @transform_2, window_bounds = array<i64: 128, 64>}, {transform_indices = @transform_3, window_bounds = array<i64: 1000, 128>}]} {
    %get3A = arith.constant 0 : index
    %get3A_0 = arith.constant 0 : index
    %get3A_1 = vector.load %arg1[%get3A, %get3A_0] : memref<1000x128xf32, #tpu.memory_space<vmem>>, vector<1000x128xf32>
    %get3A_2 = arith.constant 0 : index
    %get3A_3 = arith.constant 0 : index
    %get3A_4 = vector.load %arg3[%get3A_2, %get3A_3] : memref<128x64xf32, #tpu.memory_space<vmem>>, vector<128x64xf32>
    %dot_general3A = arith.constant dense<0.000000e+00> : vector<1000x64xf32>
    %dot_general3A_5 = tpu.matmul %get3A_1, %get3A_4, %dot_general3A {dimension_numbers = #tpu.dot_dimension_numbers<[1], [0], [0], [1], [0, 0, 1, 1], [], []>, transpose_lhs_hint = false} : vector<1000x128xf32>, vector<128x64xf32>, vector<1000x64xf32> -> vector<1000x64xf32>
    %convert_element_type3A = arith.truncf %dot_general3A_5 : vector<1000x64xf32> to vector<1000x64xbf16>
    %swap3A = arith.constant 0 : index
    %swap3A_6 = arith.constant 0 : index
    %swap3A_7 = vector.load %arg4[%swap3A, %swap3A_6] : memref<1000x128xbf16, #tpu.memory_space<vmem>>, vector<1000x64xbf16>
    tpu.vector_store %arg4[%swap3A, %swap3A_6], %convert_element_type3A {strides = array<i32>} : memref<1000x128xbf16, #tpu.memory_space<vmem>>, vector<1000x64xbf16>,
    %get3A_8 = arith.constant 0 : index
    %get3A_9 = arith.constant 0 : index
    %get3A_10 = vector.load %arg2[%get3A_8, %get3A_9] : memref<1000x128xf32, #tpu.memory_space<vmem>>, vector<1000x128xf32>
    %get3A_11 = arith.constant 0 : index
    %get3A_12 = arith.constant 0 : index
    %get3A_13 = vector.load %arg3[%get3A_11, %get3A_12] : memref<128x64xf32, #tpu.memory_space<vmem>>, vector<128x64xf32>
    %dot_general3A_14 = arith.constant dense<0.000000e+00> : vector<1000x64xf32>
    %dot_general3A_15 = tpu.matmul %get3A_10, %get3A_13, %dot_general3A_14 {dimension_numbers = #tpu.dot_dimension_numbers<[1], [0], [0], [1], [0, 0, 1, 1], [], []>, transpose_lhs_hint = false} : vector<1000x128xf32>, vector<128x64xf32>, vector<1000x64xf32> -> vector<1000x64xf32>
    %convert_element_type3A_16 = arith.truncf %dot_general3A_15 : vector<1000x64xf32> to vector<1000x64xbf16>
    %swap3A_17 = arith.constant 0 : index
    %swap3A_18 = arith.constant 64 : index
    %swap3A_19 = vector.load %arg4[%swap3A_17, %swap3A_18] : memref<1000x128xbf16, #tpu.memory_space<vmem>>, vector<1000x64xbf16>
    tpu.vector_store %arg4[%swap3A_17, %swap3A_18], %convert_element_type3A_16 {strides = array<i32>} : memref<1000x128xbf16, #tpu.memory_space<vmem>>, vector<1000x64xbf16>,
    return
  }
  func.func @transform_0(%arg0: i32) -> (i32, i32) {
    %c0_i32 = arith.constant 0 : i32
    %c0_i32_0 = arith.constant 0 : i32
    return %arg0, %c0_i32 : i32, i32
  }
  func.func @transform_1(%arg0: i32) -> (i32, i32) {
    %add3A = arith.constant 5 : i32
    %add3A_0 = arith.addi %arg0, %add3A : i32
    %c0_i32 = arith.constant 0 : i32
    %c0_i32_1 = arith.constant 0 : i32
    return %add3A_0, %c0_i32 : i32, i32
  }
  func.func @transform_2(%arg0: i32) -> (i32, i32) {
    %c0_i32 = arith.constant 0 : i32
    %c0_i32_0 = arith.constant 0 : i32
    %c0_i32_1 = arith.constant 0 : i32
    return %c0_i32, %c0_i32_0 : i32, i32
  }
  func.func @transform_3(%arg0: i32) -> (i32, i32) {
    %c0_i32 = arith.constant 0 : i32
    %c0_i32_0 = arith.constant 0 : i32
    return %arg0, %c0_i32 : i32, i32
  }
}

module attributes {stable_mosaic.version = 14 : i64} {
  func.func @_block_packed_body(%arg0: i32, %arg1: memref<5000x128xbf16, #tpu.memory_space<vmem>>, %arg2: memref<2x5000x128xbf16, #tpu.memory_space<vmem>>, %arg3: memref<1x128xf32, #tpu.memory_space<vmem>>, %arg4: memref<1x128xf32, #tpu.memory_space<vmem>>, %arg5: memref<128x128xf32, #tpu.memory_space<vmem>>, %arg6: memref<1x128xf32, #tpu.memory_space<vmem>>, %arg7: memref<1x128xf32, #tpu.memory_space<vmem>>, %arg8: memref<1x128xf32, #tpu.memory_space<vmem>>, %arg9: memref<128x128xf32, #tpu.memory_space<vmem>>, %arg10: memref<128x128xf32, #tpu.memory_space<vmem>>, %arg11: memref<2500x128xbf16, #tpu.memory_space<vmem>>) attributes {dimension_semantics = [#tpu.dimension_semantics<arbitrary>], iteration_bounds = array<i64: 1>, scalar_prefetch = 0 : i64, scratch_operands = 0 : i64, tpu.core_type = #tpu.core_type<tc>, window_params = [{pipeline_mode = #tpu.pipeline_mode<synchronous>, transform_indices = @transform_0, window_bounds = array<i64: 5000, 128>}, {pipeline_mode = #tpu.pipeline_mode<synchronous>, transform_indices = @transform_1, window_bounds = array<i64: 2, 5000, 128>}, {pipeline_mode = #tpu.pipeline_mode<synchronous>, transform_indices = @transform_2, window_bounds = array<i64: 1, 128>}, {pipeline_mode = #tpu.pipeline_mode<synchronous>, transform_indices = @transform_3, window_bounds = array<i64: 1, 128>}, {pipeline_mode = #tpu.pipeline_mode<synchronous>, transform_indices = @transform_4, window_bounds = array<i64: 128, 128>}, {pipeline_mode = #tpu.pipeline_mode<synchronous>, transform_indices = @transform_5, window_bounds = array<i64: 1, 128>}, {pipeline_mode = #tpu.pipeline_mode<synchronous>, transform_indices = @transform_6, window_bounds = array<i64: 1, 128>}, {pipeline_mode = #tpu.pipeline_mode<synchronous>, transform_indices = @transform_7, window_bounds = array<i64: 1, 128>}, {pipeline_mode = #tpu.pipeline_mode<synchronous>, transform_indices = @transform_8, window_bounds = array<i64: 128, 128>}, {pipeline_mode = #tpu.pipeline_mode<synchronous>, transform_indices = @transform_9, window_bounds = array<i64: 128, 128>}, {pipeline_mode = #tpu.pipeline_mode<synchronous>, transform_indices = @transform_10, window_bounds = array<i64: 2500, 128>}]} {
    %get3A = arith.constant 0 : index
    %get3A_0 = arith.constant 0 : index
    %get3A_1 = arith.constant 0 : index
    %get3A_2 = vector.load %arg2[%get3A, %get3A_0, %get3A_1] : memref<2x5000x128xbf16, #tpu.memory_space<vmem>>, vector<1x5000x128xbf16>
    %get3A_3 = vector.shape_cast %get3A_2 : vector<1x5000x128xbf16> to vector<5000x128xbf16>
    %convert_element_type3A = arith.extf %get3A_3 : vector<5000x128xbf16> to vector<5000x128xf32>
    %get3A_4 = arith.constant 1 : index
    %get3A_5 = arith.constant 0 : index
    %get3A_6 = arith.constant 0 : index
    %get3A_7 = vector.load %arg2[%get3A_4, %get3A_5, %get3A_6] : memref<2x5000x128xbf16, #tpu.memory_space<vmem>>, vector<1x5000x128xbf16>
    %get3A_8 = vector.shape_cast %get3A_7 : vector<1x5000x128xbf16> to vector<5000x128xbf16>
    %convert_element_type3A_9 = arith.extf %get3A_8 : vector<5000x128xbf16> to vector<5000x128xf32>
    %add3A = arith.addf %convert_element_type3A, %convert_element_type3A_9 : vector<5000x128xf32>
    %get3A_10 = arith.constant 0 : index
    %get3A_11 = arith.constant 0 : index
    %get3A_12 = vector.load %arg3[%get3A_10, %get3A_11] : memref<1x128xf32, #tpu.memory_space<vmem>>, vector<1x128xf32>
    %get3A_13 = arith.constant 0 : index
    %get3A_14 = arith.constant 0 : index
    %get3A_15 = vector.load %arg1[%get3A_13, %get3A_14] : memref<5000x128xbf16, #tpu.memory_space<vmem>>, vector<5000x128xbf16>
    %convert_element_type3A_16 = arith.extf %get3A_15 : vector<5000x128xbf16> to vector<5000x128xf32>
    %mul3A = vector.broadcast %get3A_12 : vector<1x128xf32> to vector<5000x128xf32>
    %mul3A_17 = arith.mulf %mul3A, %convert_element_type3A_16 : vector<5000x128xf32>
    %add3A_18 = arith.addf %mul3A_17, %add3A : vector<5000x128xf32>
    %get3A_19 = arith.constant 0 : index
    %get3A_20 = arith.constant 0 : index
    %get3A_21 = vector.load %arg4[%get3A_19, %get3A_20] : memref<1x128xf32, #tpu.memory_space<vmem>>, vector<1x128xf32>
    %add3A_22 = vector.broadcast %get3A_21 : vector<1x128xf32> to vector<5000x128xf32>
    %add3A_23 = arith.addf %add3A_18, %add3A_22 : vector<5000x128xf32>
    %max3A = arith.constant 0.000000e+00 : f32
    %max3A_24 = vector.broadcast %max3A : f32 to vector<5000x128xf32>
    %max3A_25 = arith.maximumf %add3A_23, %max3A_24 : vector<5000x128xf32>
    %get3A_26 = arith.constant 0 : index
    %get3A_27 = arith.constant 0 : index
    %get3A_28 = vector.load %arg5[%get3A_26, %get3A_27] : memref<128x128xf32, #tpu.memory_space<vmem>>, vector<128x128xf32>
    %dot_general3A = arith.constant dense<0.000000e+00> : vector<5000x128xf32>
    %dot_general3A_29 = tpu.matmul %max3A_25, %get3A_28, %dot_general3A {dimension_numbers = #tpu.dot_dimension_numbers<[1], [0], [0], [1], [0, 0, 1, 1], [], []>, transpose_lhs_hint = false} : vector<5000x128xf32>, vector<128x128xf32>, vector<5000x128xf32> -> vector<5000x128xf32>
    %get3A_30 = arith.constant 0 : index
    %get3A_31 = arith.constant 0 : index
    %get3A_32 = vector.load %arg6[%get3A_30, %get3A_31] : memref<1x128xf32, #tpu.memory_space<vmem>>, vector<1x128xf32>
    %add3A_33 = vector.broadcast %get3A_32 : vector<1x128xf32> to vector<5000x128xf32>
    %add3A_34 = arith.addf %dot_general3A_29, %add3A_33 : vector<5000x128xf32>
    %get3A_35 = arith.constant 0 : index
    %get3A_36 = arith.constant 0 : index
    %get3A_37 = vector.load %arg7[%get3A_35, %get3A_36] : memref<1x128xf32, #tpu.memory_space<vmem>>, vector<1x128xf32>
    %mul3A_38 = vector.broadcast %get3A_37 : vector<1x128xf32> to vector<5000x128xf32>
    %mul3A_39 = arith.mulf %mul3A_38, %add3A_34 : vector<5000x128xf32>
    %get3A_40 = arith.constant 0 : index
    %get3A_41 = arith.constant 0 : index
    %get3A_42 = vector.load %arg8[%get3A_40, %get3A_41] : memref<1x128xf32, #tpu.memory_space<vmem>>, vector<1x128xf32>
    %add3A_43 = vector.broadcast %get3A_42 : vector<1x128xf32> to vector<5000x128xf32>
    %add3A_44 = arith.addf %mul3A_39, %add3A_43 : vector<5000x128xf32>
    %max3A_45 = arith.constant 0.000000e+00 : f32
    %max3A_46 = vector.broadcast %max3A_45 : f32 to vector<5000x128xf32>
    %max3A_47 = arith.maximumf %add3A_44, %max3A_46 : vector<5000x128xf32>
    %slice3A = vector.extract_strided_slice %max3A_47 {offsets = [0, 0], sizes = [2500, 128], strides = [1, 1]} : vector<5000x128xf32> to vector<2500x128xf32>
    %get3A_48 = arith.constant 0 : index
    %get3A_49 = arith.constant 0 : index
    %get3A_50 = vector.load %arg9[%get3A_48, %get3A_49] : memref<128x128xf32, #tpu.memory_space<vmem>>, vector<128x128xf32>
    %dot_general3A_51 = arith.constant dense<0.000000e+00> : vector<2500x128xf32>
    %dot_general3A_52 = tpu.matmul %slice3A, %get3A_50, %dot_general3A_51 {dimension_numbers = #tpu.dot_dimension_numbers<[1], [0], [0], [1], [0, 0, 1, 1], [], []>, transpose_lhs_hint = false} : vector<2500x128xf32>, vector<128x128xf32>, vector<2500x128xf32> -> vector<2500x128xf32>
    %slice3A_53 = vector.extract_strided_slice %max3A_47 {offsets = [2500, 0], sizes = [2500, 128], strides = [1, 1]} : vector<5000x128xf32> to vector<2500x128xf32>
    %get3A_54 = arith.constant 0 : index
    %get3A_55 = arith.constant 0 : index
    %get3A_56 = vector.load %arg10[%get3A_54, %get3A_55] : memref<128x128xf32, #tpu.memory_space<vmem>>, vector<128x128xf32>
    %dot_general3A_57 = arith.constant dense<0.000000e+00> : vector<2500x128xf32>
    %dot_general3A_58 = tpu.matmul %slice3A_53, %get3A_56, %dot_general3A_57 {dimension_numbers = #tpu.dot_dimension_numbers<[1], [0], [0], [1], [0, 0, 1, 1], [], []>, transpose_lhs_hint = false} : vector<2500x128xf32>, vector<128x128xf32>, vector<2500x128xf32> -> vector<2500x128xf32>
    %add3A_59 = arith.addf %dot_general3A_52, %dot_general3A_58 : vector<2500x128xf32>
    %convert_element_type3A_60 = arith.truncf %add3A_59 : vector<2500x128xf32> to vector<2500x128xbf16>
    %swap3A = arith.constant 0 : index
    %swap3A_61 = arith.constant 0 : index
    %swap3A_62 = vector.load %arg11[%swap3A, %swap3A_61] : memref<2500x128xbf16, #tpu.memory_space<vmem>>, vector<2500x128xbf16>
    tpu.vector_store %arg11[%swap3A, %swap3A_61], %convert_element_type3A_60 {strides = array<i32>} : memref<2500x128xbf16, #tpu.memory_space<vmem>>, vector<2500x128xbf16>,
    return
  }
  func.func @transform_0(%arg0: i32) -> (i32, i32) {
    %c0_i32 = arith.constant 0 : i32
    %c0_i32_0 = arith.constant 0 : i32
    %c0_i32_1 = arith.constant 0 : i32
    return %c0_i32, %c0_i32_0 : i32, i32
  }
  func.func @transform_1(%arg0: i32) -> (i32, i32, i32) {
    %c0_i32 = arith.constant 0 : i32
    %c0_i32_0 = arith.constant 0 : i32
    %c0_i32_1 = arith.constant 0 : i32
    %c0_i32_2 = arith.constant 0 : i32
    return %c0_i32, %c0_i32_0, %c0_i32_1 : i32, i32, i32
  }
  func.func @transform_2(%arg0: i32) -> (i32, i32) {
    %c0_i32 = arith.constant 0 : i32
    %c0_i32_0 = arith.constant 0 : i32
    %c0_i32_1 = arith.constant 0 : i32
    return %c0_i32, %c0_i32_0 : i32, i32
  }
  func.func @transform_3(%arg0: i32) -> (i32, i32) {
    %c0_i32 = arith.constant 0 : i32
    %c0_i32_0 = arith.constant 0 : i32
    %c0_i32_1 = arith.constant 0 : i32
    return %c0_i32, %c0_i32_0 : i32, i32
  }
  func.func @transform_4(%arg0: i32) -> (i32, i32) {
    %c0_i32 = arith.constant 0 : i32
    %c0_i32_0 = arith.constant 0 : i32
    %c0_i32_1 = arith.constant 0 : i32
    return %c0_i32, %c0_i32_0 : i32, i32
  }
  func.func @transform_5(%arg0: i32) -> (i32, i32) {
    %c0_i32 = arith.constant 0 : i32
    %c0_i32_0 = arith.constant 0 : i32
    %c0_i32_1 = arith.constant 0 : i32
    return %c0_i32, %c0_i32_0 : i32, i32
  }
  func.func @transform_6(%arg0: i32) -> (i32, i32) {
    %c0_i32 = arith.constant 0 : i32
    %c0_i32_0 = arith.constant 0 : i32
    %c0_i32_1 = arith.constant 0 : i32
    return %c0_i32, %c0_i32_0 : i32, i32
  }
  func.func @transform_7(%arg0: i32) -> (i32, i32) {
    %c0_i32 = arith.constant 0 : i32
    %c0_i32_0 = arith.constant 0 : i32
    %c0_i32_1 = arith.constant 0 : i32
    return %c0_i32, %c0_i32_0 : i32, i32
  }
  func.func @transform_8(%arg0: i32) -> (i32, i32) {
    %c0_i32 = arith.constant 0 : i32
    %c0_i32_0 = arith.constant 0 : i32
    %c0_i32_1 = arith.constant 0 : i32
    return %c0_i32, %c0_i32_0 : i32, i32
  }
  func.func @transform_9(%arg0: i32) -> (i32, i32) {
    %c0_i32 = arith.constant 0 : i32
    %c0_i32_0 = arith.constant 0 : i32
    %c0_i32_1 = arith.constant 0 : i32
    return %c0_i32, %c0_i32_0 : i32, i32
  }
  func.func @transform_10(%arg0: i32) -> (i32, i32) {
    %c0_i32 = arith.constant 0 : i32
    %c0_i32_0 = arith.constant 0 : i32
    %c0_i32_1 = arith.constant 0 : i32
    return %c0_i32, %c0_i32_0 : i32, i32
  }
}

module attributes {stable_mosaic.version = 14 : i64} {
  func.func @_final_packed_body(%arg0: i32, %arg1: memref<2500x128xbf16, #tpu.memory_space<vmem>>, %arg2: memref<2x2500x128xbf16, #tpu.memory_space<vmem>>, %arg3: memref<1x128xf32, #tpu.memory_space<vmem>>, %arg4: memref<1x128xf32, #tpu.memory_space<vmem>>, %arg5: memref<32x32xf32, #tpu.memory_space<vmem>>, %arg6: memref<1x32xf32, #tpu.memory_space<vmem>>, %arg7: memref<1x32xf32, #tpu.memory_space<vmem>>, %arg8: memref<1x32xf32, #tpu.memory_space<vmem>>, %arg9: memref<1x32xf32, #tpu.memory_space<vmem>>) attributes {dimension_semantics = [#tpu.dimension_semantics<arbitrary>], iteration_bounds = array<i64: 1>, scalar_prefetch = 0 : i64, scratch_operands = 0 : i64, tpu.core_type = #tpu.core_type<tc>, window_params = [{pipeline_mode = #tpu.pipeline_mode<synchronous>, transform_indices = @transform_0, window_bounds = array<i64: 2500, 128>}, {pipeline_mode = #tpu.pipeline_mode<synchronous>, transform_indices = @transform_1, window_bounds = array<i64: 2, 2500, 128>}, {pipeline_mode = #tpu.pipeline_mode<synchronous>, transform_indices = @transform_2, window_bounds = array<i64: 1, 128>}, {pipeline_mode = #tpu.pipeline_mode<synchronous>, transform_indices = @transform_3, window_bounds = array<i64: 1, 128>}, {pipeline_mode = #tpu.pipeline_mode<synchronous>, transform_indices = @transform_4, window_bounds = array<i64: 32, 32>}, {pipeline_mode = #tpu.pipeline_mode<synchronous>, transform_indices = @transform_5, window_bounds = array<i64: 1, 32>}, {pipeline_mode = #tpu.pipeline_mode<synchronous>, transform_indices = @transform_6, window_bounds = array<i64: 1, 32>}, {pipeline_mode = #tpu.pipeline_mode<synchronous>, transform_indices = @transform_7, window_bounds = array<i64: 1, 32>}, {pipeline_mode = #tpu.pipeline_mode<synchronous>, transform_indices = @transform_8, window_bounds = array<i64: 1, 32>}]} {
    %get3A = arith.constant 0 : index
    %get3A_0 = arith.constant 0 : index
    %get3A_1 = arith.constant 0 : index
    %get3A_2 = vector.load %arg2[%get3A, %get3A_0, %get3A_1] : memref<2x2500x128xbf16, #tpu.memory_space<vmem>>, vector<1x2500x128xbf16>
    %get3A_3 = vector.shape_cast %get3A_2 : vector<1x2500x128xbf16> to vector<2500x128xbf16>
    %convert_element_type3A = arith.extf %get3A_3 : vector<2500x128xbf16> to vector<2500x128xf32>
    %get3A_4 = arith.constant 1 : index
    %get3A_5 = arith.constant 0 : index
    %get3A_6 = arith.constant 0 : index
    %get3A_7 = vector.load %arg2[%get3A_4, %get3A_5, %get3A_6] : memref<2x2500x128xbf16, #tpu.memory_space<vmem>>, vector<1x2500x128xbf16>
    %get3A_8 = vector.shape_cast %get3A_7 : vector<1x2500x128xbf16> to vector<2500x128xbf16>
    %convert_element_type3A_9 = arith.extf %get3A_8 : vector<2500x128xbf16> to vector<2500x128xf32>
    %add3A = arith.addf %convert_element_type3A, %convert_element_type3A_9 : vector<2500x128xf32>
    %get3A_10 = arith.constant 0 : index
    %get3A_11 = arith.constant 0 : index
    %get3A_12 = vector.load %arg3[%get3A_10, %get3A_11] : memref<1x128xf32, #tpu.memory_space<vmem>>, vector<1x128xf32>
    %get3A_13 = arith.constant 0 : index
    %get3A_14 = arith.constant 0 : index
    %get3A_15 = vector.load %arg1[%get3A_13, %get3A_14] : memref<2500x128xbf16, #tpu.memory_space<vmem>>, vector<2500x128xbf16>
    %convert_element_type3A_16 = arith.extf %get3A_15 : vector<2500x128xbf16> to vector<2500x128xf32>
    %mul3A = vector.broadcast %get3A_12 : vector<1x128xf32> to vector<2500x128xf32>
    %mul3A_17 = arith.mulf %mul3A, %convert_element_type3A_16 : vector<2500x128xf32>
    %add3A_18 = arith.addf %mul3A_17, %add3A : vector<2500x128xf32>
    %get3A_19 = arith.constant 0 : index
    %get3A_20 = arith.constant 0 : index
    %get3A_21 = vector.load %arg4[%get3A_19, %get3A_20] : memref<1x128xf32, #tpu.memory_space<vmem>>, vector<1x128xf32>
    %add3A_22 = vector.broadcast %get3A_21 : vector<1x128xf32> to vector<2500x128xf32>
    %add3A_23 = arith.addf %add3A_18, %add3A_22 : vector<2500x128xf32>
    %max3A = arith.constant 0.000000e+00 : f32
    %max3A_24 = vector.broadcast %max3A : f32 to vector<2500x128xf32>
    %max3A_25 = arith.maximumf %add3A_23, %max3A_24 : vector<2500x128xf32>
    %reduce_sum3A = arith.constant dense<0.000000e+00> : vector<128xf32>
    %reduce_sum3A_26 = vector.multi_reduction <add>, %max3A_25, %reduce_sum3A [0] : vector<2500x128xf32> to vector<128xf32>
    %broadcast_in_dim3A = vector.shape_cast %reduce_sum3A_26 : vector<128xf32> to vector<1x128xf32>
    %slice3A = vector.extract_strided_slice %broadcast_in_dim3A {offsets = [0, 0], sizes = [1, 32], strides = [1, 1]} : vector<1x128xf32> to vector<1x32xf32>
    %slice3A_27 = vector.extract_strided_slice %broadcast_in_dim3A {offsets = [0, 32], sizes = [1, 32], strides = [1, 1]} : vector<1x128xf32> to vector<1x32xf32>
    %add3A_28 = arith.addf %slice3A, %slice3A_27 : vector<1x32xf32>
    %slice3A_29 = vector.extract_strided_slice %broadcast_in_dim3A {offsets = [0, 64], sizes = [1, 32], strides = [1, 1]} : vector<1x128xf32> to vector<1x32xf32>
    %add3A_30 = arith.addf %add3A_28, %slice3A_29 : vector<1x32xf32>
    %slice3A_31 = vector.extract_strided_slice %broadcast_in_dim3A {offsets = [0, 96], sizes = [1, 32], strides = [1, 1]} : vector<1x128xf32> to vector<1x32xf32>
    %add3A_32 = arith.addf %add3A_30, %slice3A_31 : vector<1x32xf32>
    %mul3A_33 = arith.constant 9.99999974E-5 : f32
    %mul3A_34 = vector.broadcast %mul3A_33 : f32 to vector<1x32xf32>
    %mul3A_35 = arith.mulf %add3A_32, %mul3A_34 : vector<1x32xf32>
    %get3A_36 = arith.constant 0 : index
    %get3A_37 = arith.constant 0 : index
    %get3A_38 = vector.load %arg5[%get3A_36, %get3A_37] : memref<32x32xf32, #tpu.memory_space<vmem>>, vector<32x32xf32>
    %dot_general3A = arith.constant dense<0.000000e+00> : vector<1x32xf32>
    %dot_general3A_39 = tpu.matmul %mul3A_35, %get3A_38, %dot_general3A {dimension_numbers = #tpu.dot_dimension_numbers<[1], [0], [0], [1], [0, 0, 1, 1], [], []>, transpose_lhs_hint = false} : vector<1x32xf32>, vector<32x32xf32>, vector<1x32xf32> -> vector<1x32xf32>
    %get3A_40 = arith.constant 0 : index
    %get3A_41 = arith.constant 0 : index
    %get3A_42 = vector.load %arg7[%get3A_40, %get3A_41] : memref<1x32xf32, #tpu.memory_space<vmem>>, vector<1x32xf32>
    %get3A_43 = arith.constant 0 : index
    %get3A_44 = arith.constant 0 : index
    %get3A_45 = vector.load %arg6[%get3A_43, %get3A_44] : memref<1x32xf32, #tpu.memory_space<vmem>>, vector<1x32xf32>
    %add3A_46 = arith.addf %dot_general3A_39, %get3A_45 : vector<1x32xf32>
    %mul3A_47 = arith.mulf %get3A_42, %add3A_46 : vector<1x32xf32>
    %get3A_48 = arith.constant 0 : index
    %get3A_49 = arith.constant 0 : index
    %get3A_50 = vector.load %arg8[%get3A_48, %get3A_49] : memref<1x32xf32, #tpu.memory_space<vmem>>, vector<1x32xf32>
    %add3A_51 = arith.addf %mul3A_47, %get3A_50 : vector<1x32xf32>
    %swap3A = arith.constant 0 : index
    %swap3A_52 = arith.constant 0 : index
    %swap3A_53 = vector.load %arg9[%swap3A, %swap3A_52] : memref<1x32xf32, #tpu.memory_space<vmem>>, vector<1x32xf32>
    tpu.vector_store %arg9[%swap3A, %swap3A_52], %add3A_51 {strides = array<i32>} : memref<1x32xf32, #tpu.memory_space<vmem>>, vector<1x32xf32>,
    return
  }
  func.func @transform_0(%arg0: i32) -> (i32, i32) {
    %c0_i32 = arith.constant 0 : i32
    %c0_i32_0 = arith.constant 0 : i32
    %c0_i32_1 = arith.constant 0 : i32
    return %c0_i32, %c0_i32_0 : i32, i32
  }
  func.func @transform_1(%arg0: i32) -> (i32, i32, i32) {
    %c0_i32 = arith.constant 0 : i32
    %c0_i32_0 = arith.constant 0 : i32
    %c0_i32_1 = arith.constant 0 : i32
    %c0_i32_2 = arith.constant 0 : i32
    return %c0_i32, %c0_i32_0, %c0_i32_1 : i32, i32, i32
  }
  func.func @transform_2(%arg0: i32) -> (i32, i32) {
    %c0_i32 = arith.constant 0 : i32
    %c0_i32_0 = arith.constant 0 : i32
    %c0_i32_1 = arith.constant 0 : i32
    return %c0_i32, %c0_i32_0 : i32, i32
  }
  func.func @transform_3(%arg0: i32) -> (i32, i32) {
    %c0_i32 = arith.constant 0 : i32
    %c0_i32_0 = arith.constant 0 : i32
    %c0_i32_1 = arith.constant 0 : i32
    return %c0_i32, %c0_i32_0 : i32, i32
  }
  func.func @transform_4(%arg0: i32) -> (i32, i32) {
    %c0_i32 = arith.constant 0 : i32
    %c0_i32_0 = arith.constant 0 : i32
    %c0_i32_1 = arith.constant 0 : i32
    return %c0_i32, %c0_i32_0 : i32, i32
  }
  func.func @transform_5(%arg0: i32) -> (i32, i32) {
    %c0_i32 = arith.constant 0 : i32
    %c0_i32_0 = arith.constant 0 : i32
    %c0_i32_1 = arith.constant 0 : i32
    return %c0_i32, %c0_i32_0 : i32, i32
  }
  func.func @transform_6(%arg0: i32) -> (i32, i32) {
    %c0_i32 = arith.constant 0 : i32
    %c0_i32_0 = arith.constant 0 : i32
    %c0_i32_1 = arith.constant 0 : i32
    return %c0_i32, %c0_i32_0 : i32, i32
  }
  func.func @transform_7(%arg0: i32) -> (i32, i32) {
    %c0_i32 = arith.constant 0 : i32
    %c0_i32_0 = arith.constant 0 : i32
    %c0_i32_1 = arith.constant 0 : i32
    return %c0_i32, %c0_i32_0 : i32, i32
  }
  func.func @transform_8(%arg0: i32) -> (i32, i32) {
    %c0_i32 = arith.constant 0 : i32
    %c0_i32_0 = arith.constant 0 : i32
    %c0_i32_1 = arith.constant 0 : i32
    return %c0_i32, %c0_i32_0 : i32, i32
  }
}

</mosaic_0001>

<sc_bundles>
// kernel: kernel.10.cloned.1.call-start
scs
__scs_entry_jumppad:
0x0: {  	(pc) =	sbr.rel $0x88, $3  }
0x1: {  	(tag) =	ssettag $0x0;
	lr =	simm.s32 $0x1  }
0x2: {  	[smem:$0x3F91] =	sst lr;
	_ =	strace $0xD0000000  }
0x3: {  	_ = 	snop  }
0x4: {  	_ = 	snop  }
0x5: {  	_ = 	snop  }
0x6: {  	_ = 	snop  }
0x7: {  	_ = 	snop  }
__scs_overlays_trampoline_lowered:
0x8: {  	[smem:$0x3FA0] =	sst s0  }
0x9: {  	[smem:$0x3FA1] =	sst s1  }
0xa: {  	[smem:$0x3FA2] =	sst s2  }
0xb: {  	[smem:$0x3FA3] =	sst s3  }
0xc: {  	[smem:$0x3FA4] =	sst s4  }
0xd: {  	[smem:$0x3FA5] =	sst s5  }
0xe: {  	[smem:$0x3FA6] =	sst s6  }
0xf: {  	[smem:$0x3FA7] =	sst s7  }
0x10: {  	[smem:$0x3FA8] =	sst s8  }
0x11: {  	[smem:$0x3FA9] =	sst s9;
	s0 =	simm.s32 @!p0 $0x0  }
0x12: {  	s1 =	sld [smem:$0x3F8F];
	s0 =	simm.s32 @p0 $0x1  }
0x13: {  	[smem:$0x3FAA] =	sst s0;
	s0 =	simm.s32 @!p1 $0x0  }
0x14: {  	s2 =	sld [smem:$0x3F8E];
	s0 =	simm.s32 @p1 $0x1  }
0x15: {  	[smem:$0x3FAB] =	sst s0;
	s0 =	simm.s32 @!p2 $0x0  }
0x16: {  	s3 =	sld [smem:$0x3FDB];
	s0 =	simm.s32 @p2 $0x1  }
0x17: {  	s4 =	simm.s32 $0x1BF5;
	[smem:$0x3FAD] =	sst s0  }
0x18: {  	s0 =	sld [smem:$0x3F90];
	_ =	swait.ge [sflag:s4], $0x0  }
0x19: {  	s7 =	sld [smem:$0x3F91]  }
0x1a: {  	s8 =	sadd.s32 $0xFFFFE003, lr  }
0x1b: {  	s9 =	sadd.s32 $0xFFFFFEF7, lr;
	s5 =	simm.s32 $0xFFFFFFFF;
	p2 =	slt.u32 s8, $0xFFFFF086  }
0x1c: {  	p1 =	slt.u32 s9, $0xF7A;
	s5 =	simm.s32 @!p2 $0x0  }
0x1d: {  	s5 =	simm.s32 @p1 $0x1;
	p0 =	seq.s32 s7, s2  }
0x1e: {  	s7 =	smul.u32 @!p0 $0xF7A, s2;
	p2 =	seq.s32 @!p0 s5, $0x0  }
0x1f: {  	s9 =	smul.u32 $0xF7A, s1;
	s8 =	simm.s32 @!p0 $0x1BF5;
	p2 =	por !p2, p0  }
0x20: {  	[sflag:s8] =	ssyncset.s32 @!p0 $0xFFFFF086;
	s6 =	sadd.s32 @!p0 s3, s7;
	s7 =	simm.s32 @!p0 $0x108  }
0x21: {  	s3 =	sadd.s32 s3, s9;
	s6 =	sadd.s32 @!p0 $0x88, s6;
	s7 =	simm.s32 @p2 $0x1082  }
0x22: {  	[simem:s7], [sflag:s8] =	dma.local @!p0 [hbm:s6], $0xF7A  }
0x23: {  	s9 =	sor.u32 $0xD0000000, s2;
	s6 =	simm.s32 $0x108;
	_ =	swait.ge @!p0 [sflag:s8], $0x0  }
0x24: {  	s3 =	sadd.s32 $0x88, s3;
	s6 =	simm.s32 @!p1 $0x1082;
	[sflag:s4] =	ssyncset.s32 $0xFFFFF086  }
0x25: {  	[simem:s6], [sflag:s4] =	dma.local [hbm:s3], $0xF7A  }
0x26: {  	[smem:$0x3F91] =	sst s1;
	(tag) =	ssettag s2;
	_ =	strace s9  }
0x27: {  	s1 =	sld [smem:$0x3FA1]  }
0x28: {  	s2 =	sld [smem:$0x3FA2]  }
0x29: {  	s4 =	sld [smem:$0x3FA4]  }
0x2a: {  	p0 =	seq.s32 s5, $0x0;
	s5 =	sld [smem:$0x3FA5]  }
0x2b: {  	s6 =	sld [smem:$0x3FA6]  }
0x2c: {  	s7 =	sld [smem:$0x3FA7]  }
0x2d: {  	s3 =	simm.s32 $0x108;
	s8 =	sld [smem:$0x3FA8]  }
0x2e: {  	s3 =	simm.s32 @!p0 $0x1082;
	s9 =	sld [smem:$0x3FA9]  }
0x2f: {  	lr =	sadd.s32 s0, s3;
	s0 =	sld [smem:$0x3FA0]  }
0x30: {  	s3 =	sld [smem:$0x3FA3]  }
0x31: {  	[smem:$0x3FAC] =	sst s10  }
0x32: {  	s10 =	sld [smem:$0x3FAA];
	_ =	sdelay $0x3  }
0x33: {  	p0 =	seq.s32 s10, $0x1;
	s10 =	sld [smem:$0x3FAC];
	_ =	sdelay $0x3  }
0x34: {  	[smem:$0x3FAC] =	sst s10  }
0x35: {  	s10 =	sld [smem:$0x3FAB];
	_ =	sdelay $0x3  }
0x36: {  	p1 =	seq.s32 s10, $0x1;
	s10 =	sld [smem:$0x3FAC];
	_ =	sdelay $0x3  }
0x37: {  	[smem:$0x3FAC] =	sst s10  }
0x38: {  	s10 =	sld [smem:$0x3FAD]  }
0x39: {  	_ = 	snop;
	(pc) =	sbr.ind lr, $3  }
0x3a: {  	_ = 	snop  }
0x3b: {  	_ = 	snop  }
0x3c: {  	p2 =	seq.s32 s10, $0x1;
	s10 =	sld [smem:$0x3FAC]  }
0x3d: {  	_ =	shalt  }
0x3e: {  	_ =	shalt  }
0x3f: {  	_ =	shalt  }
0x40: {  	_ =	shalt  }
0x41: {  	_ =	shalt  }
0x42: {  	_ =	shalt  }
0x43: {  	_ =	shalt  }
0x44: {  	_ =	shalt  }
0x45: {  	_ =	shalt  }
0x46: {  	_ =	shalt  }
0x47: {  	_ =	shalt  }
0x48: {  	_ =	shalt  }
0x49: {  	_ =	shalt  }
0x4a: {  	_ =	shalt  }
0x4b: {  	_ =	shalt  }
0x4c: {  	_ =	shalt  }
0x4d: {  	_ =	shalt  }
0x4e: {  	_ =	shalt  }
0x4f: {  	_ =	shalt  }
0x50: {  	_ =	shalt  }
0x51: {  	_ =	shalt  }
0x52: {  	_ =	shalt  }
0x53: {  	_ =	shalt  }
0x54: {  	_ =	shalt  }
0x55: {  	_ =	shalt  }
0x56: {  	_ =	shalt  }
0x57: {  	_ =	shalt  }
0x58: {  	_ =	shalt  }
0x59: {  	_ =	shalt  }
0x5a: {  	_ =	shalt  }
0x5b: {  	_ =	shalt  }
0x5c: {  	_ =	shalt  }
0x5d: {  	_ =	shalt  }
0x5e: {  	_ =	shalt  }
0x5f: {  	_ =	shalt  }
0x60: {  	_ =	shalt  }
0x61: {  	_ =	shalt  }
0x62: {  	_ =	shalt  }
0x63: {  	_ =	shalt  }
0x64: {  	_ =	shalt  }
0x65: {  	_ =	shalt  }
0x66: {  	_ =	shalt  }
0x67: {  	_ =	shalt  }
0x68: {  	_ =	shalt  }
0x69: {  	_ =	shalt  }
0x6a: {  	_ =	shalt  }
0x6b: {  	_ =	shalt  }
0x6c: {  	_ =	shalt  }
0x6d: {  	_ =	shalt  }
0x6e: {  	_ =	shalt  }
0x6f: {  	_ =	shalt  }
0x70: {  	_ =	shalt  }
0x71: {  	_ =	shalt  }
0x72: {  	_ =	shalt  }
0x73: {  	_ =	shalt  }
0x74: {  	_ =	shalt  }
0x75: {  	_ =	shalt  }
0x76: {  	_ =	shalt  }
0x77: {  	_ =	shalt  }
0x78: {  	_ =	shalt  }
0x79: {  	_ =	shalt  }
0x7a: {  	_ =	shalt  }
0x7b: {  	_ =	shalt  }
0x7c: {  	_ =	shalt  }
0x7d: {  	_ =	shalt  }
0x7e: {  	_ =	shalt  }
0x7f: {  	_ =	shalt  }
0x80: {  	_ =	shalt  }
0x81: {  	_ =	shalt  }
0x82: {  	_ =	shalt  }
0x83: {  	_ =	shalt  }
0x84: {  	_ =	shalt  }
0x85: {  	_ =	shalt  }
0x86: {  	_ =	shalt  }
0x87: {  	_ =	shalt  }
.Lfunc_end0:
.L_simem_size_0:
called_computation.1_lowered:
.L_overlay_start_0:
0x88: {  	s2 =	sld [smem:$0x3FD9]  }
0x89: {  	s3 =	sld [smem:$0x3FFE];
	_ =	sdelay $0x1  }
0x8a: {  	s1 =	srdreg.scid  }
0x8b: {  	s0 =	sand.u32 $0x1, s1  }
0x8c: {  	s16 =	sshll.u32 s0, $0xA;
	s2 =	sadd.s32 s3, s2  }
0x8d: {  	s2 =	sadd.s32 s2, s16  }
0x8e: {  	[smem:$0x3FB8] =	sst s2  }
0x8f: {  	_ = 	snop  }
0x90: {  	(tm) =	ssettm $0x1  }
0x91: {  	s17 =	sld [smem:$0x3FFB];
	_ =	sdelay $0x3  }
0x92: {  	_ =	strace s17  }
0x93: {  	s2 =	sld [smem:$0x3FFC];
	_ =	sdelay $0x3  }
0x94: {  	_ =	strace s2  }
0x95: {  	s2 =	sld [smem:$0x3FFD];
	_ =	sdelay $0x3  }
0x96: {  	_ =	strace s2  }
0x97: {  	_ =	strace $0x8FFFFFFF  }
0x98: {  	s18 =	sld [smem:$0x3FDB];
	_ =	sdelay $0x1  }
0x99: {  	s19 =	simm.s32 $_scs_section_size  }
0x9a: {  	s4 =	simm.s32 $_size__tile_overlayer_lowered;
	s5 =	simm.s32 $_tile_overlayer_lowered  }
0x9b: {  	s22 =	simm.s32 $0x1BFF;
	s21 =	sshll.u32 s5, $0x1;
	s2 =	sadd.s32 s19, s18  }
0x9c: {  	s6 =	simm.s32 $0x0;
	s20 =	sshll.u32 s4, $0x1;
	s4 =	sadd.s32 s21, s2  }
0x9d: {  	[timem:s6], [sflag:s22] =	dma.local [hbm:s4], s20  }
0x9e: {  	_ =	swait.ge [sflag:s22], s20  }
0x9f: {  	s3 =	ssub.s32 $0x0, s20;
	[sflag:s22] =	ssyncset.done $0x0  }
0xa0: {  	[sflag:s22] =	ssyncadd.s32 s3;
	_ =	sdelay $0x1  }
0xa1: {  	s23 =	simm.s32 $0x1B8B  }
0xa2: {  	_ =	swait.ge [sflag:s23], $0x1  }
0xa3: {  	[sflag:s23] =	ssyncset.done $0x0  }
0xa4: {  	s25 =	simm.s32 $0x1B8E;
	s24 =	sld [smem:$0x3FFE];
	[sflag:s23] =	ssyncadd.s32 $0xFFFFFFFF  }
0xa5: {  	s26 =	simm.s32 $execute0_lowered;
	[smem:$0x3FD2] =	sst s25  }
0xa6: {  	s4 =	sshll.u32 s26, $0x1;
	_ =	strace $0x80000049;
	[dreg:$0x1] =	wrdreg $0xFFFFFFFF  }
0xa7: {  	s28 =	simm.s32 $_size_execute0_lowered;
	s2 =	sadd.s32 s2, s4;
	[dreg:$0x0] =	wrdreg $0x0  }
0xa8: {  	s4 =	sshll.u32 s28, $0x1;
	[dreg:$0x2] =	wrdreg s2  }
0xa9: {  	[dreg:$0x3] =	wrdreg s4  }
0xaa: {  	[dreg:$0x4] =	wrdreg $0xC0  }
0xab: {  	_ =	task [dreg:s6], $0x5FFFF  }
0xac: {  	[dreg:$0x1] =	wrdreg $0xFFFFFFFF  }
0xad: {  	[dreg:$0x0] =	wrdreg $0x60  }
0xae: {  	[dreg:$0x2] =	wrdreg s24  }
0xaf: {  	[dreg:$0x3] =	wrdreg $0x87A00  }
0xb0: {  	[dreg:$0x4] =	wrdreg $0x60900  }
0xb1: {  	[dreg:$0x5] =	wrdreg $0x9  }
0xb2: {  	_ =	task.clear_ibuf [dreg:s6], $0x6FFFF;
	_ =	strace $0x90000049  }
0xb3: {  	s29 =	simm.s32 $0x9;
	_ =	strace $0x8000004B  }
0xb4: {  	_ =	swait.ge [sflag:s29], $0x1  }
0xb5: {  	[sflag:s29] =	ssyncadd.s32 $0xFFFFFFFF  }
0xb6: {  	_ =	strace $0x9000004B  }
0xb7: {  	_ =	sfence  }
0xb8: {  	s30 =	sld [smem:$0x0];
	_ =	sdelay $0x2  }
0xb9: {  	s31 =	sshll.u32 s1, $0xD;
	s1 =	sshrl.u32 s1, $0x2  }
0xba: {  	s3 =	sand.u32 $0x4000, s31;
	s1 =	sadd.s32 s1, s30  }
0xbb: {  	s0 =	sor.u32 s3, s0;
	s1 =	sshll.u32 s1, $0x11  }
0xbc: {  	s0 =	sor.u32 s1, s0  }
0xbd: {  	s0 =	sadd.s32 $0x8F2B, s0  }
0xbe: {  	[sflag:s0] =	ssyncadd.remote.s32 $0x1  }
0xbf: {  	_ =	sfence.sel $0xFFFF  }
0xc0: {  	[dreg:$0x0] =	wrdreg $0xFFFFFFFF;
	(pc) =	sbr.abs _section_cstart, $3  }
0xc1: {  	[dreg:$0x1] =	wrdreg $0xFFFFFFFF  }
0xc2: {  	_ =	task.clear_ibuf [dreg:s6], $0x2FFFF;
	_ =	strace $0x9FFFFFFF  }
0xc3: {  	(tm) =	ssettm $0x7FFFFFFF  }
tec
execute0_lowered:
.L_overlay_start_1:
0x0: {  	(tag) =	ssettag $0x1  }
0x1: {  	s14 =	stileid.u32;
	s1 =	srdreg.scid  }
0x2: {  	s1 =	sand.u32 $0x1, s1;
	s4 =	sshll.u32 s14, $0x1  }
0x3: {  	s7 =	smul.u32 $0x4E20, s14;
	s5 =	sor.u32 s1, s4  }
0x4: {  	s6 =	smul.u32 $0x4E, s5  }
0x5: {  	s0 =	rddreg [dreg:$0x0];
	s19 =	smul.u32 $0x4E200, s1;
	s5 =	smin.u32 s5, $0x4  }
0x6: {  	s2 =	rddreg [dreg:$0x1];
	s9 =	smul.u32 $0x9C40, s14;
	s5 =	sadd.s32 s5, s6  }
0x7: {  	s3 =	rddreg [dreg:$0x2];
	s20 =	sadd.s32 s7, s19;
	s5 =	sshll.u32 s5, $0x4  }
0x8: {  	s21 =	sshrl.u32 s9, $0x2;
	s10 =	sadd.s32 s5, s0;
	s5 =	sshrl.u32 s20, $0x4  }
0x9: {  	s4 =	simm.s32 $0x0;
	s9 =	sadd.s32 s5, s0;
	s5 =	sadd.s32 s21, s2  }
0xa: {  	[smem:$0x7FF] =	sst s4;
	s23 =	sadd.s32 $0x190, s5  }
0xb: {  	_ =	strace $0x8000004A;
	s24 =	sadd.s32 $0x320, s5;
	[dreg:$0x4] =	wrdreg s23  }
0xc: {  	s25 =	sadd.s32 $0x4B0, s5;
	[dreg:$0x5] =	wrdreg s24  }
0xd: {  	s26 =	sadd.s32 $0x640, s5;
	[dreg:$0x6] =	wrdreg s25  }
0xe: {  	s13 =	simm.s32 $0x4F;
	s28 =	sadd.s32 $0x7D0, s5;
	[dreg:$0x7] =	wrdreg s26  }
0xf: {  	p1 =	slt.u32 s14, $0x2;
	s29 =	sadd.s32 $0x960, s5;
	[dreg:$0x8] =	wrdreg s28  }
0x10: {  	s8 =	sshrl.u32 s7, $0x4;
	s30 =	sadd.s32 $0xAF0, s5;
	[dreg:$0x9] =	wrdreg s29  }
0x11: {  	s8 =	sadd.s32 s8, s0;
	s6 =	sadd.s32 $0xC80, s5;
	[dreg:$0xa] =	wrdreg s30  }
0x12: {  	s0 =	sshrl.u32 s7, $0x1;
	s7 =	sadd.s32 $0xE10, s5;
	[dreg:$0xb] =	wrdreg s6  }
0x13: {  	s1 =	ssub.s32 $0x2, s1;
	s12 =	sadd.s32 $0xFA0, s5;
	[dreg:$0xc] =	wrdreg s7  }
0x14: {  	s13 =	simm.s32 @!p1 $0x4E;
	s15 =	sadd.s32 $0x1130, s5;
	[dreg:$0xd] =	wrdreg s12  }
0x15: {  	s22 =	sshrl.u32 s1, $0x1;
	s16 =	sadd.s32 $0x12C0, s5;
	[dreg:$0xe] =	wrdreg s15  }
0x16: {  	s17 =	sand.u32 $0x1, s13;
	s18 =	sadd.s32 $0x15E0, s5;
	[dreg:$0xf] =	wrdreg s16  }
0x17: {  	s11 =	ssub.s32 s1, s22;
	s19 =	sadd.s32 $0x1770, s5;
	[dreg:$0x11] =	wrdreg s18  }
0x18: {  	p0 =	seq.s32 s17, $0x0;
	s20 =	sadd.s32 $0x1900, s5;
	[dreg:$0x12] =	wrdreg s19  }
0x19: {  	s17 =	simm.s32 $0x4;
	s21 =	sadd.s32 $0x1A90, s5;
	[dreg:$0x13] =	wrdreg s20  }
0x1a: {  	s22 =	sadd.s32 $0x1C20, s5;
	s31 =	sadd.s32 s0, s2;
	[dreg:$0x14] =	wrdreg s21  }
0x1b: {  	s9 =	sadd.s32 $0x7600, s9;
	s6 =	sadd.s32 $0x1450, s5;
	[dreg:$0x15] =	wrdreg s22  }
0x1c: {  	s23 =	sadd.s32 $0x1DB0, s5;
	s24 =	sadd.s32 $0x1F40, s5;
	s25 =	sadd.s32 $0x20D0, s5  }
0x1d: {  	s26 =	sadd.s32 $0x2260, s5;
	s28 =	sadd.s32 $0x23F0, s5;
	[dreg:$0x10] =	wrdreg s6  }
0x1e: {  	s29 =	sadd.s32 $0x2580, s5;
	s12 =	sadd.s32 s0, s3;
	[dreg:$0x16] =	wrdreg s23  }
0x1f: {  	s30 =	sadd.s32 $0x2600, s8;
	s0 =	sadd.s32 $0x33800, s10;
	[dreg:$0x17] =	wrdreg s24  }
0x20: {  	s5 =	sadd.s32 $0x3D440, s10;
	s7 =	sadd.s32 $0x3D920, s10;
	[dreg:$0x18] =	wrdreg s25  }
0x21: {  	s8 =	simm.s32 $0x4E80;
	s15 =	simm.s32 $0x5F00;
	[dreg:$0x19] =	wrdreg s26  }
0x22: {  	s16 =	simm.s32 $0x3;
	s18 =	simm.s32 $0x1;
	[dreg:$0x1a] =	wrdreg s28  }
0x23: {  	s19 =	simm.s32 $0x2;
	s20 =	simm.s32 $0x4F00;
	[dreg:$0x1b] =	wrdreg s29  }
0x24: {  	s21 =	simm.s32 $0x80;
	s22 =	simm.s32 $0x5700;
	[dreg:$0x1c] =	wrdreg s30  }
0x25: {  	s6 =	sadd.s32 $0x33CE0, s10;
	s8 =	simm.s32 @!p1 $0x4E00;
	s10 =	smax.u32 s11, $0x1  }
0x26: {  	p1 =	sgt.u32 s14, $0x1;
	s11 =	sshrl.u32 s12, $0x3;
	s12 =	sshll.u32 s14, $0x6  }
0x27: {  	v0 =	vimm.bf16 $0.0e+00;
	s23 =	simm.s32 $0x5;
	s24 =	simm.s32 $0x0;
	s14 =	sor.u32 $0x1C04, s12  }
.LBB2_1:
0x28: {  	[tilespmem:$0x5F00] =	vst v0  }
0x29: {  	[tilespmem:$0x5F10] =	vst v0  }
0x2a: {  	[tilespmem:$0x5F20] =	vst v0  }
0x2b: {  	[tilespmem:$0x5F30] =	vst v0  }
0x2c: {  	[tilespmem:$0x5F40] =	vst v0  }
0x2d: {  	[tilespmem:$0x5F50] =	vst v0  }
0x2e: {  	[tilespmem:$0x5F60] =	vst v0  }
0x2f: {  	[tilespmem:$0x5F70] =	vst v0  }
0x30: {  	[tilespmem:$0x5F80] =	vst v0  }
0x31: {  	[tilespmem:$0x5F90] =	vst v0  }
0x32: {  	[tilespmem:$0x5FA0] =	vst v0  }
0x33: {  	[tilespmem:$0x5FB0] =	vst v0  }
0x34: {  	[tilespmem:$0x5FC0] =	vst v0  }
0x35: {  	[tilespmem:$0x5FD0] =	vst v0  }
0x36: {  	[tilespmem:$0x5FE0] =	vst v0  }
0x37: {  	[tilespmem:$0x5FF0] =	vst v0  }
0x38: {  	[tilespmem:$0x6000] =	vst v0  }
0x39: {  	[tilespmem:$0x6010] =	vst v0  }
0x3a: {  	[tilespmem:$0x6020] =	vst v0  }
0x3b: {  	[tilespmem:$0x6030] =	vst v0  }
0x3c: {  	[tilespmem:$0x6040] =	vst v0  }
0x3d: {  	[tilespmem:$0x6050] =	vst v0  }
0x3e: {  	[tilespmem:$0x6060] =	vst v0  }
0x3f: {  	[tilespmem:$0x6070] =	vst v0  }
0x40: {  	[tilespmem:$0x6080] =	vst v0;
	s1 =	rddreg [dreg:$0x4]  }
0x41: {  	[spmem:s31] =	stream.linear.scatter [tilespmem:s15], [sflag:$0x3], $0x190, $0x38;
	[tilespmem:$0xAEB0] =	vst v63  }
0x42: {  	s26 =	rddreg [dreg:$0x5]  }
0x43: {  	[spmem:s1] =	stream.linear.scatter [tilespmem:s15], [sflag:$0x3], $0x190, $0x38;
	[tilespmem:$0xAEB0] =	vst v63  }
0x44: {  	s29 =	rddreg [dreg:$0x6]  }
0x45: {  	[spmem:s26] =	stream.linear.scatter [tilespmem:s15], [sflag:$0x3], $0x190, $0x38;
	[tilespmem:$0xAEB0] =	vst v63  }
0x46: {  	s30 =	rddreg [dreg:$0x7]  }
0x47: {  	[spmem:s29] =	stream.linear.scatter [tilespmem:s15], [sflag:$0x3], $0x190, $0x38;
	[tilespmem:$0xAEB0] =	vst v63  }
0x48: {  	s25 =	rddreg [dreg:$0x8]  }
0x49: {  	[spmem:s30] =	stream.linear.scatter [tilespmem:s15], [sflag:$0x3], $0x190, $0x38;
	[tilespmem:$0xAEB0] =	vst v63  }
0x4a: {  	s26 =	rddreg [dreg:$0x9]  }
0x4b: {  	[spmem:s25] =	stream.linear.scatter [tilespmem:s15], [sflag:$0x3], $0x190, $0x38;
	[tilespmem:$0xAEB0] =	vst v63  }
0x4c: {  	s29 =	rddreg [dreg:$0xa]  }
0x4d: {  	[spmem:s26] =	stream.linear.scatter [tilespmem:s15], [sflag:$0x3], $0x190, $0x38;
	[tilespmem:$0xAEB0] =	vst v63  }
0x4e: {  	s30 =	rddreg [dreg:$0xb]  }
0x4f: {  	[spmem:s29] =	stream.linear.scatter [tilespmem:s15], [sflag:$0x3], $0x190, $0x38;
	[tilespmem:$0xAEB0] =	vst v63  }
0x50: {  	s25 =	rddreg [dreg:$0xc]  }
0x51: {  	[spmem:s30] =	stream.linear.scatter [tilespmem:s15], [sflag:$0x3], $0x190, $0x38;
	[tilespmem:$0xAEB0] =	vst v63  }
0x52: {  	s26 =	rddreg [dreg:$0xd]  }
0x53: {  	[spmem:s25] =	stream.linear.scatter [tilespmem:s15], [sflag:$0x3], $0x190, $0x38;
	[tilespmem:$0xAEB0] =	vst v63  }
0x54: {  	s29 =	rddreg [dreg:$0xe]  }
0x55: {  	[spmem:s26] =	stream.linear.scatter [tilespmem:s15], [sflag:$0x3], $0x190, $0x38;
	[tilespmem:$0xAEB0] =	vst v63  }
0x56: {  	s30 =	rddreg [dreg:$0xf]  }
0x57: {  	[spmem:s29] =	stream.linear.scatter [tilespmem:s15], [sflag:$0x3], $0x190, $0x38;
	[tilespmem:$0xAEB0] =	vst v63  }
0x58: {  	s25 =	rddreg [dreg:$0x10]  }
0x59: {  	[spmem:s30] =	stream.linear.scatter [tilespmem:s15], [sflag:$0x3], $0x190, $0x38;
	[tilespmem:$0xAEB0] =	vst v63  }
0x5a: {  	s26 =	rddreg [dreg:$0x11]  }
0x5b: {  	[spmem:s25] =	stream.linear.scatter [tilespmem:s15], [sflag:$0x3], $0x190, $0x38;
	[tilespmem:$0xAEB0] =	vst v63  }
0x5c: {  	s29 =	rddreg [dreg:$0x12]  }
0x5d: {  	[spmem:s26] =	stream.linear.scatter [tilespmem:s15], [sflag:$0x3], $0x190, $0x38;
	[tilespmem:$0xAEB0] =	vst v63  }
0x5e: {  	s30 =	rddreg [dreg:$0x13]  }
0x5f: {  	[spmem:s29] =	stream.linear.scatter [tilespmem:s15], [sflag:$0x3], $0x190, $0x38;
	[tilespmem:$0xAEB0] =	vst v63  }
0x60: {  	s25 =	rddreg [dreg:$0x14]  }
0x61: {  	[spmem:s30] =	stream.linear.scatter [tilespmem:s15], [sflag:$0x3], $0x190, $0x38;
	[tilespmem:$0xAEB0] =	vst v63  }
0x62: {  	s26 =	rddreg [dreg:$0x15]  }
0x63: {  	[spmem:s25] =	stream.linear.scatter [tilespmem:s15], [sflag:$0x3], $0x190, $0x38;
	[tilespmem:$0xAEB0] =	vst v63  }
0x64: {  	s29 =	rddreg [dreg:$0x16]  }
0x65: {  	[spmem:s26] =	stream.linear.scatter [tilespmem:s15], [sflag:$0x3], $0x190, $0x38;
	[tilespmem:$0xAEB0] =	vst v63  }
0x66: {  	s30 =	rddreg [dreg:$0x17]  }
0x67: {  	[spmem:s29] =	stream.linear.scatter [tilespmem:s15], [sflag:$0x3], $0x190, $0x38;
	[tilespmem:$0xAEB0] =	vst v63  }
0x68: {  	s25 =	rddreg [dreg:$0x18]  }
0x69: {  	[spmem:s30] =	stream.linear.scatter [tilespmem:s15], [sflag:$0x3], $0x190, $0x38;
	[tilespmem:$0xAEB0] =	vst v63  }
0x6a: {  	s26 =	rddreg [dreg:$0x19]  }
0x6b: {  	[spmem:s25] =	stream.linear.scatter [tilespmem:s15], [sflag:$0x3], $0x190, $0x38;
	[tilespmem:$0xAEB0] =	vst v63  }
0x6c: {  	s29 =	rddreg [dreg:$0x1a]  }
0x6d: {  	[spmem:s26] =	stream.linear.scatter [tilespmem:s15], [sflag:$0x3], $0x190, $0x38;
	[tilespmem:$0xAEB0] =	vst v63  }
0x6e: {  	s30 =	rddreg [dreg:$0x1b]  }
0x6f: {  	[spmem:s29] =	stream.linear.scatter [tilespmem:s15], [sflag:$0x3], $0x190, $0x38;
	[tilespmem:$0xAEB0] =	vst v63  }
0x70: {  	s25 =	rddreg [dreg:$0x1c]  }
0x71: {  	[spmem:s30] =	stream.linear.scatter [tilespmem:s15], [sflag:$0x3], $0x190, $0x38;
	[tilespmem:$0xAEB0] =	vst v63  }
0x72: {  	[spmem:s11], [sflag:s14] =	dma.local [hbm:s25], $0x4E2  }
0x73: {  	[tilespmem:s4], [sflag:$0x1] =	stream.linear.gather [hbm4b:s0+s4], $0x2700, $0x38;
	[tilespmem:$0xAEB0] =	vst v63  }
0x74: {  	s26 =	simm.s32 $0x2780  }
0x75: {  	[tilespmem:s26], [sflag:$0x2] =	stream.linear.gather [hbm4b:s5+s4], $0x2700, $0x38;
	[tilespmem:$0xAEB0] =	vst v63  }
0x76: {  	s25 =	simm.s32 @!p1 $0x0;
	s26 =	simm.s32 @!p1 $0x2700  }
0x77: {  	[tilespmem:s26], [sflag:$0x1] =	stream.linear.gather @!p1 [hbm4b:s6+s25], $0x80, $0x38;
	[tilespmem:$0xAEB0] =	vst v63  }
0x78: {  	s26 =	simm.s32 @!p1 $0x4E80  }
0x79: {  	[tilespmem:s26], [sflag:$0x2] =	stream.linear.gather @!p1 [hbm4b:s7+s25], $0x80, $0x38;
	[tilespmem:$0xAEB0] =	vst v63  }
0x7a: {  	_ =	swait.ge [sflag:s16], $0x190  }
0x7b: {  	[sflag:s16] =	ssyncset.done $0x0  }
0x7c: {  	[sflag:s16] =	ssyncadd.s32 $0xFFFFFE70  }
0x7d: {  	_ =	swait.ge [sflag:s16], $0x190  }
0x7e: {  	[sflag:s16] =	ssyncset.done $0x0  }
0x7f: {  	[sflag:s16] =	ssyncadd.s32 $0xFFFFFE70  }
0x80: {  	_ =	swait.ge [sflag:s16], $0x190  }
0x81: {  	[sflag:s16] =	ssyncset.done $0x0  }
0x82: {  	[sflag:s16] =	ssyncadd.s32 $0xFFFFFE70  }
0x83: {  	_ =	swait.ge [sflag:s16], $0x190  }
0x84: {  	[sflag:s16] =	ssyncset.done $0x0  }
0x85: {  	[sflag:s16] =	ssyncadd.s32 $0xFFFFFE70  }
0x86: {  	_ =	swait.ge [sflag:s16], $0x190  }
0x87: {  	[sflag:s16] =	ssyncset.done $0x0  }
0x88: {  	[sflag:s16] =	ssyncadd.s32 $0xFFFFFE70  }
0x89: {  	_ =	swait.ge [sflag:s16], $0x190  }
0x8a: {  	[sflag:s16] =	ssyncset.done $0x0  }
0x8b: {  	[sflag:s16] =	ssyncadd.s32 $0xFFFFFE70  }
0x8c: {  	_ =	swait.ge [sflag:s16], $0x190  }
0x8d: {  	[sflag:s16] =	ssyncset.done $0x0  }
0x8e: {  	[sflag:s16] =	ssyncadd.s32 $0xFFFFFE70  }
0x8f: {  	_ =	swait.ge [sflag:s16], $0x190  }
0x90: {  	[sflag:s16] =	ssyncset.done $0x0  }
0x91: {  	[sflag:s16] =	ssyncadd.s32 $0xFFFFFE70  }
0x92: {  	_ =	swait.ge [sflag:s16], $0x190  }
0x93: {  	[sflag:s16] =	ssyncset.done $0x0  }
0x94: {  	[sflag:s16] =	ssyncadd.s32 $0xFFFFFE70  }
0x95: {  	_ =	swait.ge [sflag:s16], $0x190  }
0x96: {  	[sflag:s16] =	ssyncset.done $0x0  }
0x97: {  	[sflag:s16] =	ssyncadd.s32 $0xFFFFFE70  }
0x98: {  	_ =	swait.ge [sflag:s16], $0x190  }
0x99: {  	[sflag:s16] =	ssyncset.done $0x0  }
0x9a: {  	[sflag:s16] =	ssyncadd.s32 $0xFFFFFE70  }
0x9b: {  	_ =	swait.ge [sflag:s16], $0x190  }
0x9c: {  	[sflag:s16] =	ssyncset.done $0x0  }
0x9d: {  	[sflag:s16] =	ssyncadd.s32 $0xFFFFFE70  }
0x9e: {  	_ =	swait.ge [sflag:s16], $0x190  }
0x9f: {  	[sflag:s16] =	ssyncset.done $0x0  }
0xa0: {  	[sflag:s16] =	ssyncadd.s32 $0xFFFFFE70  }
0xa1: {  	_ =	swait.ge [sflag:s16], $0x190  }
0xa2: {  	[sflag:s16] =	ssyncset.done $0x0  }
0xa3: {  	[sflag:s16] =	ssyncadd.s32 $0xFFFFFE70  }
0xa4: {  	_ =	swait.ge [sflag:s16], $0x190  }
0xa5: {  	[sflag:s16] =	ssyncset.done $0x0  }
0xa6: {  	[sflag:s16] =	ssyncadd.s32 $0xFFFFFE70  }
0xa7: {  	_ =	swait.ge [sflag:s16], $0x190  }
0xa8: {  	[sflag:s16] =	ssyncset.done $0x0  }
0xa9: {  	[sflag:s16] =	ssyncadd.s32 $0xFFFFFE70  }
0xaa: {  	_ =	swait.ge [sflag:s16], $0x190  }
0xab: {  	[sflag:s16] =	ssyncset.done $0x0  }
0xac: {  	[sflag:s16] =	ssyncadd.s32 $0xFFFFFE70  }
0xad: {  	_ =	swait.ge [sflag:s16], $0x190  }
0xae: {  	[sflag:s16] =	ssyncset.done $0x0  }
0xaf: {  	[sflag:s16] =	ssyncadd.s32 $0xFFFFFE70  }
0xb0: {  	_ =	swait.ge [sflag:s16], $0x190  }
0xb1: {  	[sflag:s16] =	ssyncset.done $0x0  }
0xb2: {  	[sflag:s16] =	ssyncadd.s32 $0xFFFFFE70  }
0xb3: {  	_ =	swait.ge [sflag:s16], $0x190  }
0xb4: {  	[sflag:s16] =	ssyncset.done $0x0  }
0xb5: {  	[sflag:s16] =	ssyncadd.s32 $0xFFFFFE70  }
0xb6: {  	_ =	swait.ge [sflag:s16], $0x190  }
0xb7: {  	[sflag:s16] =	ssyncset.done $0x0  }
0xb8: {  	[sflag:s16] =	ssyncadd.s32 $0xFFFFFE70  }
0xb9: {  	_ =	swait.ge [sflag:s16], $0x190  }
0xba: {  	[sflag:s16] =	ssyncset.done $0x0  }
0xbb: {  	[sflag:s16] =	ssyncadd.s32 $0xFFFFFE70  }
0xbc: {  	_ =	swait.ge [sflag:s16], $0x190  }
0xbd: {  	[sflag:s16] =	ssyncset.done $0x0  }
0xbe: {  	[sflag:s16] =	ssyncadd.s32 $0xFFFFFE70  }
0xbf: {  	_ =	swait.ge [sflag:s16], $0x190  }
0xc0: {  	[sflag:s16] =	ssyncset.done $0x0  }
0xc1: {  	[sflag:s16] =	ssyncadd.s32 $0xFFFFFE70  }
0xc2: {  	_ =	swait.ge [sflag:s16], $0x190  }
0xc3: {  	[sflag:s16] =	ssyncset.done $0x0  }
0xc4: {  	[sflag:s16] =	ssyncadd.s32 $0xFFFFFE70  }
0xc5: {  	_ =	swait.ge [sflag:s17], $0x4E2  }
0xc6: {  	[sflag:s17] =	ssyncset.done $0x0  }
0xc7: {  	[sflag:s17] =	ssyncadd.s32 $0xFFFFFB1E  }
0xc8: {  	_ =	swait.ge [sflag:s18], $0x2700  }
0xc9: {  	[sflag:s18] =	ssyncset.done $0x0  }
0xca: {  	[sflag:s18] =	ssyncadd.s32 $0xFFFFD900  }
0xcb: {  	_ =	swait.ge [sflag:s19], $0x2700  }
0xcc: {  	[sflag:s19] =	ssyncset.done $0x0  }
0xcd: {  	s25 =	simm.s32 @!p1 $0x1;
	[sflag:s19] =	ssyncadd.s32 $0xFFFFD900  }
0xce: {  	_ =	swait.ge @!p1 [sflag:s25], $0x80  }
0xcf: {  	[sflag:s25] =	ssyncset.done @!p1 $0x0  }
0xd0: {  	[sflag:s25] =	ssyncadd.s32 @!p1 $0xFFFFFF80;
	s25 =	simm.s32 @!p1 $0x2  }
0xd1: {  	_ =	swait.ge @!p1 [sflag:s25], $0x80  }
0xd2: {  	[sflag:s25] =	ssyncset.done @!p1 $0x0  }
0xd3: {  	[sflag:s25] =	ssyncadd.s32 @!p1 $0xFFFFFF80  }
0xd4: {  	[bflag:$0x0] =	sbarrier.arrive $0xFFFF  }
0xd5: {  	[tilespmem:s20], [sflag:$0x1] =	stream.indirect.gather [spmem:s3], $0x10, s4, s21, $0xb8;
	[tilespmem:$0xAEB0] =	vst v63  }
0xd6: {  	_ = 	snop  }
0xd7: {  	[tilespmem:s22], [sflag:$0x2] =	stream.indirect.gather [spmem:s3], $0x10, s21, s21, $0xb8;
	[tilespmem:$0xAEB0] =	vst v63  }
0xd8: {  	_ =	swait.ge [sflag:s18], $0x800  }
0xd9: {  	[sflag:s18] =	ssyncset.done $0x0  }
0xda: {  	s29 =	simm.s32 $0x2780;
	[sflag:s18] =	ssyncadd.s32 $0xFFFFF800  }
0xdb: {  	[spmem:s2] =	stream.indirect.scatter.add.bf16 [tilespmem:s20], [sflag:$0x5], $0x10, s29, s21, $0xb8;
	[tilespmem:$0xAEB0] =	vst v63  }
0xdc: {  	p2 =	sle.u32 s13, $0x2;
	_ =	swait.ge [sflag:s23], $0x800  }
0xdd: {  	s28 =	simm.s32 @!p2 $0x4F00;
	[sflag:s23] =	ssyncset.done $0x0  }
0xde: {  	s26 =	simm.s32 @!p2 $0x80;
	s25 =	simm.s32 @!p2 $0x100;
	[sflag:s23] =	ssyncadd.s32 $0xFFFFF800  }
0xdf: {  	[tilespmem:s28], [sflag:$0x1] =	stream.indirect.gather @!p2 [spmem:s3], $0x10, s25, s26, $0xb8;
	[tilespmem:$0xAEB0] =	vst v63  }
0xe0: {  	_ =	swait.ge [sflag:s19], $0x800  }
0xe1: {  	[sflag:s19] =	ssyncset.done $0x0  }
0xe2: {  	s30 =	simm.s32 $0x2800;
	s25 =	simm.s32 $0x4;
	[sflag:s19] =	ssyncadd.s32 $0xFFFFF800  }
0xe3: {  	[spmem:s2] =	stream.indirect.scatter.add.bf16 [tilespmem:s22], [sflag:$0x5], $0x10, s30, s21, $0xb8;
	[tilespmem:$0xAEB0] =	vst v63  }
0xe4: {  	s26 =	simm.s32 $0x2900;
	s28 =	simm.s32 $0x80;
	_ =	swait.ge [sflag:s23], $0x800  }
.LBB2_2:
0xe5: {  	[sflag:s23] =	ssyncset.done $0x0  }
0xe6: {  	s28 =	sadd.s32 $0x100, s28;
	s29 =	smov.u32 s25;
	s25 =	sadd.s32 $0x2, s25  }
0xe7: {  	p2 =	sne.s32 s25, $0x50;
	[sflag:s23] =	ssyncadd.s32 $0xFFFFF800  }
0xe8: {  	[tilespmem:s22], [sflag:$0x2] =	stream.indirect.gather [spmem:s3], $0x10, s28, s21, $0xb8;
	[tilespmem:$0xAEB0] =	vst v63  }
0xe9: {  	_ =	swait.ge [sflag:s18], $0x800  }
0xea: {  	s30 =	sadd.s32 $0xFFFFFF80, s26;
	[sflag:s18] =	ssyncset.done $0x0  }
0xeb: {  	[sflag:s18] =	ssyncadd.s32 $0xFFFFF800  }
0xec: {  	[spmem:s2] =	stream.indirect.scatter.add.bf16 [tilespmem:s20], [sflag:$0x5], $0x10, s30, s21, $0xb8;
	[tilespmem:$0xAEB0] =	vst v63  }
0xed: {  	p3 =	sge.u32 s29, s13;
	_ =	swait.ge [sflag:s23], $0x800  }
0xee: {  	s29 =	sadd.s32 @!p3 $0x80, s28;
	s30 =	simm.s32 @!p3 $0x80;
	[sflag:s23] =	ssyncset.done $0x0  }
0xef: {  	s1 =	simm.s32 @!p3 $0x4F00;
	[sflag:s23] =	ssyncadd.s32 $0xFFFFF800  }
0xf0: {  	[tilespmem:s1], [sflag:$0x1] =	stream.indirect.gather @!p3 [spmem:s3], $0x10, s29, s30, $0xb8;
	[tilespmem:$0xAEB0] =	vst v63  }
.Ltmp0:
0xf1: {  	_ =	swait.ge [sflag:s19], $0x800;
	(pc) =	sbr.rel @p2 .LBB2_2-.Ltmp0, $4  }
0xf2: {  	[sflag:s19] =	ssyncset.done $0x0  }
0xf3: {  	[sflag:s19] =	ssyncadd.s32 $0xFFFFF800  }
0xf4: {  	[spmem:s2] =	stream.indirect.scatter.add.bf16 [tilespmem:s22], [sflag:$0x5], $0x10, s26, s21, $0xb8;
	[tilespmem:$0xAEB0] =	vst v63  }
0xf5: {  	s26 =	sadd.s32 $0x100, s26;
	_ =	swait.ge [sflag:s23], $0x800  }
0xf6: {  	[sflag:s23] =	ssyncset.done $0x0  }
0xf7: {  	s1 =	simm.s32 @!p0 $0x1;
	[sflag:s23] =	ssyncadd.s32 $0xFFFFF800  }
0xf8: {  	_ =	swait.ge @!p0 [sflag:s1], $0x800  }
0xf9: {  	[sflag:s1] =	ssyncset.done @!p0 $0x0  }
0xfa: {  	s25 =	simm.s32 @!p0 $0x4F00;
	[sflag:s1] =	ssyncadd.s32 @!p0 $0xFFFFF800;
	s1 =	simm.s32 @!p0 $0x80  }
0xfb: {  	[spmem:s2] =	stream.indirect.scatter.add.bf16 @!p0 [tilespmem:s25], [sflag:$0x5], $0x10, s8, s1, $0xb8;
	[tilespmem:$0xAEB0] =	vst v63  }
0xfc: {  	s1 =	simm.s32 @!p0 $0x5  }
0xfd: {  	_ =	swait.ge @!p0 [sflag:s1], $0x800  }
0xfe: {  	s24 =	sadd.s32 $0x1, s24;
	[sflag:s1] =	ssyncset.done @!p0 $0x0  }
0xff: {  	s29 =	sor.u32 $0x1C05, s12;
	p2 =	sne.s32 s24, s10;
	[sflag:s1] =	ssyncadd.s32 @!p0 $0xFFFFF800  }
.Ltmp1:
0x100: {  	s30 =	sshrl.u32 s31, $0x3;
	[bflag:$0x0] =	sbarrier.arrive $0xFFFF;
	(pc) =	sbr.rel @p2 .LBB2_1-.Ltmp1, $4  }
0x101: {  	[hbm:s9], [sflag:s29] =	dma.local [spmem:s30], $0x4E2  }
0x102: {  	_ =	swait.ge [sflag:s23], $0x4E2  }
0x103: {  	[sflag:s23] =	ssyncset.done $0x0  }
0x104: {  	[sflag:s23] =	ssyncadd.s32 $0xFFFFFB1E  }
0x105: {  	_ =	sfence.sel $0x180000  }
0x106: {  	[bflag:$0x0] =	sbarrier.arrive $0xFFFF  }
0x107: {  	_ =	strace $0x9000004A  }
0x108: {  	s0 =	stileid.u32;
	[bflag:$0x2] =	sbarrier.arrive $0xFFFF  }
0x109: {  	p0 =	sne.s32 s0, $0x0;
	s0 =	rddreg [dreg:$0x3]  }
0x10a: {  	s0 =	sadd.s32 @!p0 $0x100000, s0  }
0x10b: {  	[sflag:s0] =	ssyncadd.tile.s32 @!p0 $0x1;
	_ =	shalt  }
.Lfunc_end2:
_tile_overlayer_lowered:
.L_overlay_start_2:
0x10c: {  	(tag) =	ssettag $0x2  }
0x10d: {  	s0 =	rddreg [dreg:$0x0];
	s2 =	stileid.u32  }
0x10e: {  	s1 =	rddreg [dreg:$0x1];
	p0 =	sne.s32 s2, $0x0  }
0x10f: {  	s3 =	rddreg [dreg:$0x2];
	[bflag:$0x3] =	sbarrier.arrive $0xFFFF;
	s2 =	simm.s32 @!p0 $0x1C05  }
0x110: {  	[timem:s3], [sflag:s2] =	dma.local @!p0 [hbm:s0], s1  }
0x111: {  	s0 =	simm.s32 @!p0 $0x5  }
0x112: {  	_ =	swait.ge @!p0 [sflag:s0], s1  }
0x113: {  	s1 =	ssub.s32 @!p0 $0x0, s1;
	[sflag:s0] =	ssyncset.done @!p0 $0x0  }
0x114: {  	[sflag:s0] =	ssyncadd.s32 @!p0 s1  }
0x115: {  	[bflag:$0x3] =	sbarrier.arrive $0xFFFF  }
0x116: {  	_ =	shalt  }

// kernel: kernel.7.cloned.1.call-start
scs
__scs_entry_jumppad:
0x0: {  	(pc) =	sbr.rel $0x88, $3  }
0x1: {  	(tag) =	ssettag $0x0;
	lr =	simm.s32 $0x1  }
0x2: {  	[smem:$0x3F91] =	sst lr;
	_ =	strace $0xD0000000  }
0x3: {  	_ = 	snop  }
0x4: {  	_ = 	snop  }
0x5: {  	_ = 	snop  }
0x6: {  	_ = 	snop  }
0x7: {  	_ = 	snop  }
__scs_overlays_trampoline_lowered:
0x8: {  	[smem:$0x3FA0] =	sst s0  }
0x9: {  	[smem:$0x3FA1] =	sst s1  }
0xa: {  	[smem:$0x3FA2] =	sst s2  }
0xb: {  	[smem:$0x3FA3] =	sst s3  }
0xc: {  	[smem:$0x3FA4] =	sst s4  }
0xd: {  	[smem:$0x3FA5] =	sst s5  }
0xe: {  	[smem:$0x3FA6] =	sst s6  }
0xf: {  	[smem:$0x3FA7] =	sst s7  }
0x10: {  	[smem:$0x3FA8] =	sst s8  }
0x11: {  	[smem:$0x3FA9] =	sst s9;
	s0 =	simm.s32 @!p0 $0x0  }
0x12: {  	s1 =	sld [smem:$0x3F8F];
	s0 =	simm.s32 @p0 $0x1  }
0x13: {  	[smem:$0x3FAA] =	sst s0;
	s0 =	simm.s32 @!p1 $0x0  }
0x14: {  	s2 =	sld [smem:$0x3F8E];
	s0 =	simm.s32 @p1 $0x1  }
0x15: {  	[smem:$0x3FAB] =	sst s0;
	s0 =	simm.s32 @!p2 $0x0  }
0x16: {  	s3 =	sld [smem:$0x3FDB];
	s0 =	simm.s32 @p2 $0x1  }
0x17: {  	s4 =	simm.s32 $0x1BF5;
	[smem:$0x3FAD] =	sst s0  }
0x18: {  	s0 =	sld [smem:$0x3F90];
	_ =	swait.ge [sflag:s4], $0x0  }
0x19: {  	s7 =	sld [smem:$0x3F91]  }
0x1a: {  	s8 =	sadd.s32 $0xFFFFE003, lr  }
0x1b: {  	s9 =	sadd.s32 $0xFFFFFEF7, lr;
	s5 =	simm.s32 $0xFFFFFFFF;
	p2 =	slt.u32 s8, $0xFFFFF086  }
0x1c: {  	p1 =	slt.u32 s9, $0xF7A;
	s5 =	simm.s32 @!p2 $0x0  }
0x1d: {  	s5 =	simm.s32 @p1 $0x1;
	p0 =	seq.s32 s7, s2  }
0x1e: {  	s7 =	smul.u32 @!p0 $0xF7A, s2;
	p2 =	seq.s32 @!p0 s5, $0x0  }
0x1f: {  	s9 =	smul.u32 $0xF7A, s1;
	s8 =	simm.s32 @!p0 $0x1BF5;
	p2 =	por !p2, p0  }
0x20: {  	[sflag:s8] =	ssyncset.s32 @!p0 $0xFFFFF086;
	s6 =	sadd.s32 @!p0 s3, s7;
	s7 =	simm.s32 @!p0 $0x108  }
0x21: {  	s3 =	sadd.s32 s3, s9;
	s6 =	sadd.s32 @!p0 $0x88, s6;
	s7 =	simm.s32 @p2 $0x1082  }
0x22: {  	[simem:s7], [sflag:s8] =	dma.local @!p0 [hbm:s6], $0xF7A  }
0x23: {  	s9 =	sor.u32 $0xD0000000, s2;
	s6 =	simm.s32 $0x108;
	_ =	swait.ge @!p0 [sflag:s8], $0x0  }
0x24: {  	s3 =	sadd.s32 $0x88, s3;
	s6 =	simm.s32 @!p1 $0x1082;
	[sflag:s4] =	ssyncset.s32 $0xFFFFF086  }
0x25: {  	[simem:s6], [sflag:s4] =	dma.local [hbm:s3], $0xF7A  }
0x26: {  	[smem:$0x3F91] =	sst s1;
	(tag) =	ssettag s2;
	_ =	strace s9  }
0x27: {  	s1 =	sld [smem:$0x3FA1]  }
0x28: {  	s2 =	sld [smem:$0x3FA2]  }
0x29: {  	s4 =	sld [smem:$0x3FA4]  }
0x2a: {  	p0 =	seq.s32 s5, $0x0;
	s5 =	sld [smem:$0x3FA5]  }
0x2b: {  	s6 =	sld [smem:$0x3FA6]  }
0x2c: {  	s7 =	sld [smem:$0x3FA7]  }
0x2d: {  	s3 =	simm.s32 $0x108;
	s8 =	sld [smem:$0x3FA8]  }
0x2e: {  	s3 =	simm.s32 @!p0 $0x1082;
	s9 =	sld [smem:$0x3FA9]  }
0x2f: {  	lr =	sadd.s32 s0, s3;
	s0 =	sld [smem:$0x3FA0]  }
0x30: {  	s3 =	sld [smem:$0x3FA3]  }
0x31: {  	[smem:$0x3FAC] =	sst s10  }
0x32: {  	s10 =	sld [smem:$0x3FAA];
	_ =	sdelay $0x3  }
0x33: {  	p0 =	seq.s32 s10, $0x1;
	s10 =	sld [smem:$0x3FAC];
	_ =	sdelay $0x3  }
0x34: {  	[smem:$0x3FAC] =	sst s10  }
0x35: {  	s10 =	sld [smem:$0x3FAB];
	_ =	sdelay $0x3  }
0x36: {  	p1 =	seq.s32 s10, $0x1;
	s10 =	sld [smem:$0x3FAC];
	_ =	sdelay $0x3  }
0x37: {  	[smem:$0x3FAC] =	sst s10  }
0x38: {  	s10 =	sld [smem:$0x3FAD]  }
0x39: {  	_ = 	snop;
	(pc) =	sbr.ind lr, $3  }
0x3a: {  	_ = 	snop  }
0x3b: {  	_ = 	snop  }
0x3c: {  	p2 =	seq.s32 s10, $0x1;
	s10 =	sld [smem:$0x3FAC]  }
0x3d: {  	_ =	shalt  }
0x3e: {  	_ =	shalt  }
0x3f: {  	_ =	shalt  }
0x40: {  	_ =	shalt  }
0x41: {  	_ =	shalt  }
0x42: {  	_ =	shalt  }
0x43: {  	_ =	shalt  }
0x44: {  	_ =	shalt  }
0x45: {  	_ =	shalt  }
0x46: {  	_ =	shalt  }
0x47: {  	_ =	shalt  }
0x48: {  	_ =	shalt  }
0x49: {  	_ =	shalt  }
0x4a: {  	_ =	shalt  }
0x4b: {  	_ =	shalt  }
0x4c: {  	_ =	shalt  }
0x4d: {  	_ =	shalt  }
0x4e: {  	_ =	shalt  }
0x4f: {  	_ =	shalt  }
0x50: {  	_ =	shalt  }
0x51: {  	_ =	shalt  }
0x52: {  	_ =	shalt  }
0x53: {  	_ =	shalt  }
0x54: {  	_ =	shalt  }
0x55: {  	_ =	shalt  }
0x56: {  	_ =	shalt  }
0x57: {  	_ =	shalt  }
0x58: {  	_ =	shalt  }
0x59: {  	_ =	shalt  }
0x5a: {  	_ =	shalt  }
0x5b: {  	_ =	shalt  }
0x5c: {  	_ =	shalt  }
0x5d: {  	_ =	shalt  }
0x5e: {  	_ =	shalt  }
0x5f: {  	_ =	shalt  }
0x60: {  	_ =	shalt  }
0x61: {  	_ =	shalt  }
0x62: {  	_ =	shalt  }
0x63: {  	_ =	shalt  }
0x64: {  	_ =	shalt  }
0x65: {  	_ =	shalt  }
0x66: {  	_ =	shalt  }
0x67: {  	_ =	shalt  }
0x68: {  	_ =	shalt  }
0x69: {  	_ =	shalt  }
0x6a: {  	_ =	shalt  }
0x6b: {  	_ =	shalt  }
0x6c: {  	_ =	shalt  }
0x6d: {  	_ =	shalt  }
0x6e: {  	_ =	shalt  }
0x6f: {  	_ =	shalt  }
0x70: {  	_ =	shalt  }
0x71: {  	_ =	shalt  }
0x72: {  	_ =	shalt  }
0x73: {  	_ =	shalt  }
0x74: {  	_ =	shalt  }
0x75: {  	_ =	shalt  }
0x76: {  	_ =	shalt  }
0x77: {  	_ =	shalt  }
0x78: {  	_ =	shalt  }
0x79: {  	_ =	shalt  }
0x7a: {  	_ =	shalt  }
0x7b: {  	_ =	shalt  }
0x7c: {  	_ =	shalt  }
0x7d: {  	_ =	shalt  }
0x7e: {  	_ =	shalt  }
0x7f: {  	_ =	shalt  }
0x80: {  	_ =	shalt  }
0x81: {  	_ =	shalt  }
0x82: {  	_ =	shalt  }
0x83: {  	_ =	shalt  }
0x84: {  	_ =	shalt  }
0x85: {  	_ =	shalt  }
0x86: {  	_ =	shalt  }
0x87: {  	_ =	shalt  }
.Lfunc_end0:
.L_simem_size_0:
called_computation_lowered:
.L_overlay_start_0:
0x88: {  	s2 =	sld [smem:$0x3FD9]  }
0x89: {  	s3 =	sld [smem:$0x3FFE];
	_ =	sdelay $0x1  }
0x8a: {  	s1 =	srdreg.scid  }
0x8b: {  	s0 =	sand.u32 $0x1, s1  }
0x8c: {  	s16 =	sshll.u32 s0, $0xA;
	s2 =	sadd.s32 s3, s2  }
0x8d: {  	s2 =	sadd.s32 s2, s16  }
0x8e: {  	[smem:$0x3FB8] =	sst s2  }
0x8f: {  	_ = 	snop  }
0x90: {  	(tm) =	ssettm $0x1  }
0x91: {  	s17 =	sld [smem:$0x3FFB];
	_ =	sdelay $0x3  }
0x92: {  	_ =	strace s17  }
0x93: {  	s2 =	sld [smem:$0x3FFC];
	_ =	sdelay $0x3  }
0x94: {  	_ =	strace s2  }
0x95: {  	s2 =	sld [smem:$0x3FFD];
	_ =	sdelay $0x3  }
0x96: {  	_ =	strace s2  }
0x97: {  	_ =	strace $0x8FFFFFFF  }
0x98: {  	s18 =	sld [smem:$0x3FDB];
	_ =	sdelay $0x1  }
0x99: {  	s19 =	simm.s32 $_scs_section_size  }
0x9a: {  	s4 =	simm.s32 $_size__tile_overlayer_lowered;
	s5 =	simm.s32 $_tile_overlayer_lowered  }
0x9b: {  	s22 =	simm.s32 $0x1BFF;
	s21 =	sshll.u32 s5, $0x1;
	s2 =	sadd.s32 s19, s18  }
0x9c: {  	s6 =	simm.s32 $0x0;
	s20 =	sshll.u32 s4, $0x1;
	s4 =	sadd.s32 s21, s2  }
0x9d: {  	[timem:s6], [sflag:s22] =	dma.local [hbm:s4], s20  }
0x9e: {  	_ =	swait.ge [sflag:s22], s20  }
0x9f: {  	s3 =	ssub.s32 $0x0, s20;
	[sflag:s22] =	ssyncset.done $0x0  }
0xa0: {  	[sflag:s22] =	ssyncadd.s32 s3;
	_ =	sdelay $0x1  }
0xa1: {  	s23 =	simm.s32 $0x1B8B  }
0xa2: {  	_ =	swait.ge [sflag:s23], $0x1  }
0xa3: {  	[sflag:s23] =	ssyncset.done $0x0  }
0xa4: {  	s25 =	simm.s32 $0x1B8E;
	s24 =	sld [smem:$0x3FFE];
	[sflag:s23] =	ssyncadd.s32 $0xFFFFFFFF  }
0xa5: {  	s26 =	simm.s32 $execute0_lowered;
	[smem:$0x3FD2] =	sst s25  }
0xa6: {  	s4 =	sshll.u32 s26, $0x1;
	_ =	strace $0x80000046;
	[dreg:$0x1] =	wrdreg $0xFFFFFFFF  }
0xa7: {  	s28 =	simm.s32 $_size_execute0_lowered;
	s2 =	sadd.s32 s2, s4;
	[dreg:$0x0] =	wrdreg $0x0  }
0xa8: {  	s4 =	sshll.u32 s28, $0x1;
	[dreg:$0x2] =	wrdreg s2  }
0xa9: {  	[dreg:$0x3] =	wrdreg s4  }
0xaa: {  	[dreg:$0x4] =	wrdreg $0xC0  }
0xab: {  	_ =	task [dreg:s6], $0x5FFFF  }
0xac: {  	[dreg:$0x1] =	wrdreg $0xFFFFFFFF  }
0xad: {  	[dreg:$0x0] =	wrdreg $0x60  }
0xae: {  	[dreg:$0x2] =	wrdreg s24  }
0xaf: {  	[dreg:$0x3] =	wrdreg $0xC0400  }
0xb0: {  	[dreg:$0x4] =	wrdreg $0x72200  }
0xb1: {  	[dreg:$0x5] =	wrdreg $0x9  }
0xb2: {  	_ =	task.clear_ibuf [dreg:s6], $0x6FFFF;
	_ =	strace $0x90000046  }
0xb3: {  	s29 =	simm.s32 $0x9;
	_ =	strace $0x80000048  }
0xb4: {  	_ =	swait.ge [sflag:s29], $0x1  }
0xb5: {  	[sflag:s29] =	ssyncadd.s32 $0xFFFFFFFF  }
0xb6: {  	_ =	strace $0x90000048  }
0xb7: {  	_ =	sfence  }
0xb8: {  	s30 =	sld [smem:$0x0];
	_ =	sdelay $0x2  }
0xb9: {  	s31 =	sshll.u32 s1, $0xD;
	s1 =	sshrl.u32 s1, $0x2  }
0xba: {  	s3 =	sand.u32 $0x4000, s31;
	s1 =	sadd.s32 s1, s30  }
0xbb: {  	s0 =	sor.u32 s3, s0;
	s1 =	sshll.u32 s1, $0x11  }
0xbc: {  	s0 =	sor.u32 s1, s0  }
0xbd: {  	s0 =	sadd.s32 $0x8F2B, s0  }
0xbe: {  	[sflag:s0] =	ssyncadd.remote.s32 $0x1  }
0xbf: {  	_ =	sfence.sel $0xFFFF  }
0xc0: {  	[dreg:$0x0] =	wrdreg $0xFFFFFFFF;
	(pc) =	sbr.abs _section_cstart, $3  }
0xc1: {  	[dreg:$0x1] =	wrdreg $0xFFFFFFFF  }
0xc2: {  	_ =	task.clear_ibuf [dreg:s6], $0x2FFFF;
	_ =	strace $0x9FFFFFFF  }
0xc3: {  	(tm) =	ssettm $0x7FFFFFFF  }
tec
execute0_lowered:
.L_overlay_start_1:
0x0: {  	(tag) =	ssettag $0x1  }
0x1: {  	s14 =	stileid.u32;
	s1 =	srdreg.scid  }
0x2: {  	s1 =	sand.u32 $0x1, s1;
	s4 =	sshll.u32 s14, $0x1  }
0x3: {  	s7 =	smul.u32 $0x9C40, s14;
	s5 =	sor.u32 s1, s4  }
0x4: {  	s6 =	smul.u32 $0x4E, s5  }
0x5: {  	s0 =	rddreg [dreg:$0x0];
	s19 =	smul.u32 $0x9C400, s1;
	s5 =	smin.u32 s5, $0x4  }
0x6: {  	s2 =	rddreg [dreg:$0x1];
	s9 =	smul.u32 $0x13880, s14;
	s5 =	sadd.s32 s5, s6  }
0x7: {  	s3 =	rddreg [dreg:$0x2];
	s20 =	sadd.s32 s7, s19;
	s5 =	sshll.u32 s5, $0x4  }
0x8: {  	s21 =	sshrl.u32 s9, $0x2;
	s10 =	sadd.s32 s5, s0;
	s5 =	sshrl.u32 s20, $0x4  }
0x9: {  	s4 =	simm.s32 $0x0;
	s9 =	sadd.s32 s5, s0;
	s5 =	sadd.s32 s21, s2  }
0xa: {  	[smem:$0x7FF] =	sst s4;
	s23 =	sadd.s32 $0x320, s5  }
0xb: {  	_ =	strace $0x80000047;
	s24 =	sadd.s32 $0x640, s5;
	[dreg:$0x4] =	wrdreg s23  }
0xc: {  	s25 =	sadd.s32 $0x960, s5;
	[dreg:$0x5] =	wrdreg s24  }
0xd: {  	s26 =	sadd.s32 $0xC80, s5;
	[dreg:$0x6] =	wrdreg s25  }
0xe: {  	s13 =	simm.s32 $0x4F;
	s28 =	sadd.s32 $0xFA0, s5;
	[dreg:$0x7] =	wrdreg s26  }
0xf: {  	p1 =	slt.u32 s14, $0x2;
	s29 =	sadd.s32 $0x12C0, s5;
	[dreg:$0x8] =	wrdreg s28  }
0x10: {  	s8 =	sshrl.u32 s7, $0x4;
	s30 =	sadd.s32 $0x15E0, s5;
	[dreg:$0x9] =	wrdreg s29  }
0x11: {  	s8 =	sadd.s32 s8, s0;
	s6 =	sadd.s32 $0x1900, s5;
	[dreg:$0xa] =	wrdreg s30  }
0x12: {  	s0 =	sshrl.u32 s7, $0x1;
	s7 =	sadd.s32 $0x1C20, s5;
	[dreg:$0xb] =	wrdreg s6  }
0x13: {  	s1 =	ssub.s32 $0x2, s1;
	s12 =	sadd.s32 $0x1F40, s5;
	[dreg:$0xc] =	wrdreg s7  }
0x14: {  	s13 =	simm.s32 @!p1 $0x4E;
	s15 =	sadd.s32 $0x2260, s5;
	[dreg:$0xd] =	wrdreg s12  }
0x15: {  	s22 =	sshrl.u32 s1, $0x1;
	s16 =	sadd.s32 $0x2580, s5;
	[dreg:$0xe] =	wrdreg s15  }
0x16: {  	s17 =	sand.u32 $0x1, s13;
	s18 =	sadd.s32 $0x2BC0, s5;
	[dreg:$0xf] =	wrdreg s16  }
0x17: {  	s11 =	ssub.s32 s1, s22;
	s19 =	sadd.s32 $0x2EE0, s5;
	[dreg:$0x11] =	wrdreg s18  }
0x18: {  	p0 =	seq.s32 s17, $0x0;
	s20 =	sadd.s32 $0x3200, s5;
	[dreg:$0x12] =	wrdreg s19  }
0x19: {  	s17 =	simm.s32 $0x4;
	s21 =	sadd.s32 $0x3520, s5;
	[dreg:$0x13] =	wrdreg s20  }
0x1a: {  	s22 =	sadd.s32 $0x3840, s5;
	s31 =	sadd.s32 s0, s2;
	[dreg:$0x14] =	wrdreg s21  }
0x1b: {  	s9 =	sadd.s32 $0x1FE00, s9;
	s6 =	sadd.s32 $0x28A0, s5;
	[dreg:$0x15] =	wrdreg s22  }
0x1c: {  	s23 =	sadd.s32 $0x3B60, s5;
	s24 =	sadd.s32 $0x3E80, s5;
	s25 =	sadd.s32 $0x41A0, s5  }
0x1d: {  	s26 =	sadd.s32 $0x44C0, s5;
	s28 =	sadd.s32 $0x47E0, s5;
	[dreg:$0x10] =	wrdreg s6  }
0x1e: {  	s29 =	sadd.s32 $0x4B00, s5;
	s12 =	sadd.s32 s0, s3;
	[dreg:$0x16] =	wrdreg s23  }
0x1f: {  	s30 =	sadd.s32 $0x16000, s8;
	s0 =	sadd.s32 $0x2600, s10;
	[dreg:$0x17] =	wrdreg s24  }
0x20: {  	s5 =	sadd.s32 $0xC240, s10;
	s7 =	sadd.s32 $0xC720, s10;
	[dreg:$0x18] =	wrdreg s25  }
0x21: {  	s8 =	simm.s32 $0x4E80;
	s15 =	simm.s32 $0x6F00;
	[dreg:$0x19] =	wrdreg s26  }
0x22: {  	s16 =	simm.s32 $0x3;
	s18 =	simm.s32 $0x1;
	[dreg:$0x1a] =	wrdreg s28  }
0x23: {  	s19 =	simm.s32 $0x2;
	s20 =	simm.s32 $0x4F00;
	[dreg:$0x1b] =	wrdreg s29  }
0x24: {  	s21 =	simm.s32 $0x80;
	s22 =	simm.s32 $0x5F00;
	[dreg:$0x1c] =	wrdreg s30  }
0x25: {  	s6 =	sadd.s32 $0x2AE0, s10;
	s8 =	simm.s32 @!p1 $0x4E00;
	s10 =	smax.u32 s11, $0x1  }
0x26: {  	p1 =	sgt.u32 s14, $0x1;
	s11 =	sshrl.u32 s12, $0x3;
	s12 =	sshll.u32 s14, $0x6  }
0x27: {  	v0 =	vimm.bf16 $0.0e+00;
	s23 =	simm.s32 $0x5;
	s24 =	simm.s32 $0x0;
	s14 =	sor.u32 $0x1C04, s12  }
.LBB2_1:
0x28: {  	[tilespmem:$0x6F00] =	vst v0  }
0x29: {  	[tilespmem:$0x6F10] =	vst v0  }
0x2a: {  	[tilespmem:$0x6F20] =	vst v0  }
0x2b: {  	[tilespmem:$0x6F30] =	vst v0  }
0x2c: {  	[tilespmem:$0x6F40] =	vst v0  }
0x2d: {  	[tilespmem:$0x6F50] =	vst v0  }
0x2e: {  	[tilespmem:$0x6F60] =	vst v0  }
0x2f: {  	[tilespmem:$0x6F70] =	vst v0  }
0x30: {  	[tilespmem:$0x6F80] =	vst v0  }
0x31: {  	[tilespmem:$0x6F90] =	vst v0  }
0x32: {  	[tilespmem:$0x6FA0] =	vst v0  }
0x33: {  	[tilespmem:$0x6FB0] =	vst v0  }
0x34: {  	[tilespmem:$0x6FC0] =	vst v0  }
0x35: {  	[tilespmem:$0x6FD0] =	vst v0  }
0x36: {  	[tilespmem:$0x6FE0] =	vst v0  }
0x37: {  	[tilespmem:$0x6FF0] =	vst v0  }
0x38: {  	[tilespmem:$0x7000] =	vst v0  }
0x39: {  	[tilespmem:$0x7010] =	vst v0  }
0x3a: {  	[tilespmem:$0x7020] =	vst v0  }
0x3b: {  	[tilespmem:$0x7030] =	vst v0  }
0x3c: {  	[tilespmem:$0x7040] =	vst v0  }
0x3d: {  	[tilespmem:$0x7050] =	vst v0  }
0x3e: {  	[tilespmem:$0x7060] =	vst v0  }
0x3f: {  	[tilespmem:$0x7070] =	vst v0  }
0x40: {  	[tilespmem:$0x7080] =	vst v0  }
0x41: {  	[tilespmem:$0x7090] =	vst v0  }
0x42: {  	[tilespmem:$0x70A0] =	vst v0  }
0x43: {  	[tilespmem:$0x70B0] =	vst v0  }
0x44: {  	[tilespmem:$0x70C0] =	vst v0  }
0x45: {  	[tilespmem:$0x70D0] =	vst v0  }
0x46: {  	[tilespmem:$0x70E0] =	vst v0  }
0x47: {  	[tilespmem:$0x70F0] =	vst v0  }
0x48: {  	[tilespmem:$0x7100] =	vst v0  }
0x49: {  	[tilespmem:$0x7110] =	vst v0  }
0x4a: {  	[tilespmem:$0x7120] =	vst v0  }
0x4b: {  	[tilespmem:$0x7130] =	vst v0  }
0x4c: {  	[tilespmem:$0x7140] =	vst v0  }
0x4d: {  	[tilespmem:$0x7150] =	vst v0  }
0x4e: {  	[tilespmem:$0x7160] =	vst v0  }
0x4f: {  	[tilespmem:$0x7170] =	vst v0  }
0x50: {  	[tilespmem:$0x7180] =	vst v0  }
0x51: {  	[tilespmem:$0x7190] =	vst v0  }
0x52: {  	[tilespmem:$0x71A0] =	vst v0  }
0x53: {  	[tilespmem:$0x71B0] =	vst v0  }
0x54: {  	[tilespmem:$0x71C0] =	vst v0  }
0x55: {  	[tilespmem:$0x71D0] =	vst v0  }
0x56: {  	[tilespmem:$0x71E0] =	vst v0  }
0x57: {  	[tilespmem:$0x71F0] =	vst v0  }
0x58: {  	[tilespmem:$0x7200] =	vst v0  }
0x59: {  	[tilespmem:$0x7210] =	vst v0;
	s1 =	rddreg [dreg:$0x4]  }
0x5a: {  	[spmem:s31] =	stream.linear.scatter [tilespmem:s15], [sflag:$0x3], $0x320, $0x38;
	[tilespmem:$0x10E60] =	vst v63  }
0x5b: {  	s26 =	rddreg [dreg:$0x5]  }
0x5c: {  	[spmem:s1] =	stream.linear.scatter [tilespmem:s15], [sflag:$0x3], $0x320, $0x38;
	[tilespmem:$0x10E60] =	vst v63  }
0x5d: {  	s29 =	rddreg [dreg:$0x6]  }
0x5e: {  	[spmem:s26] =	stream.linear.scatter [tilespmem:s15], [sflag:$0x3], $0x320, $0x38;
	[tilespmem:$0x10E60] =	vst v63  }
0x5f: {  	s30 =	rddreg [dreg:$0x7]  }
0x60: {  	[spmem:s29] =	stream.linear.scatter [tilespmem:s15], [sflag:$0x3], $0x320, $0x38;
	[tilespmem:$0x10E60] =	vst v63  }
0x61: {  	s25 =	rddreg [dreg:$0x8]  }
0x62: {  	[spmem:s30] =	stream.linear.scatter [tilespmem:s15], [sflag:$0x3], $0x320, $0x38;
	[tilespmem:$0x10E60] =	vst v63  }
0x63: {  	s26 =	rddreg [dreg:$0x9]  }
0x64: {  	[spmem:s25] =	stream.linear.scatter [tilespmem:s15], [sflag:$0x3], $0x320, $0x38;
	[tilespmem:$0x10E60] =	vst v63  }
0x65: {  	s29 =	rddreg [dreg:$0xa]  }
0x66: {  	[spmem:s26] =	stream.linear.scatter [tilespmem:s15], [sflag:$0x3], $0x320, $0x38;
	[tilespmem:$0x10E60] =	vst v63  }
0x67: {  	s30 =	rddreg [dreg:$0xb]  }
0x68: {  	[spmem:s29] =	stream.linear.scatter [tilespmem:s15], [sflag:$0x3], $0x320, $0x38;
	[tilespmem:$0x10E60] =	vst v63  }
0x69: {  	s25 =	rddreg [dreg:$0xc]  }
0x6a: {  	[spmem:s30] =	stream.linear.scatter [tilespmem:s15], [sflag:$0x3], $0x320, $0x38;
	[tilespmem:$0x10E60] =	vst v63  }
0x6b: {  	s26 =	rddreg [dreg:$0xd]  }
0x6c: {  	[spmem:s25] =	stream.linear.scatter [tilespmem:s15], [sflag:$0x3], $0x320, $0x38;
	[tilespmem:$0x10E60] =	vst v63  }
0x6d: {  	s29 =	rddreg [dreg:$0xe]  }
0x6e: {  	[spmem:s26] =	stream.linear.scatter [tilespmem:s15], [sflag:$0x3], $0x320, $0x38;
	[tilespmem:$0x10E60] =	vst v63  }
0x6f: {  	s30 =	rddreg [dreg:$0xf]  }
0x70: {  	[spmem:s29] =	stream.linear.scatter [tilespmem:s15], [sflag:$0x3], $0x320, $0x38;
	[tilespmem:$0x10E60] =	vst v63  }
0x71: {  	s25 =	rddreg [dreg:$0x10]  }
0x72: {  	[spmem:s30] =	stream.linear.scatter [tilespmem:s15], [sflag:$0x3], $0x320, $0x38;
	[tilespmem:$0x10E60] =	vst v63  }
0x73: {  	s26 =	rddreg [dreg:$0x11]  }
0x74: {  	[spmem:s25] =	stream.linear.scatter [tilespmem:s15], [sflag:$0x3], $0x320, $0x38;
	[tilespmem:$0x10E60] =	vst v63  }
0x75: {  	s29 =	rddreg [dreg:$0x12]  }
0x76: {  	[spmem:s26] =	stream.linear.scatter [tilespmem:s15], [sflag:$0x3], $0x320, $0x38;
	[tilespmem:$0x10E60] =	vst v63  }
0x77: {  	s30 =	rddreg [dreg:$0x13]  }
0x78: {  	[spmem:s29] =	stream.linear.scatter [tilespmem:s15], [sflag:$0x3], $0x320, $0x38;
	[tilespmem:$0x10E60] =	vst v63  }
0x79: {  	s25 =	rddreg [dreg:$0x14]  }
0x7a: {  	[spmem:s30] =	stream.linear.scatter [tilespmem:s15], [sflag:$0x3], $0x320, $0x38;
	[tilespmem:$0x10E60] =	vst v63  }
0x7b: {  	s26 =	rddreg [dreg:$0x15]  }
0x7c: {  	[spmem:s25] =	stream.linear.scatter [tilespmem:s15], [sflag:$0x3], $0x320, $0x38;
	[tilespmem:$0x10E60] =	vst v63  }
0x7d: {  	s29 =	rddreg [dreg:$0x16]  }
0x7e: {  	[spmem:s26] =	stream.linear.scatter [tilespmem:s15], [sflag:$0x3], $0x320, $0x38;
	[tilespmem:$0x10E60] =	vst v63  }
0x7f: {  	s30 =	rddreg [dreg:$0x17]  }
0x80: {  	[spmem:s29] =	stream.linear.scatter [tilespmem:s15], [sflag:$0x3], $0x320, $0x38;
	[tilespmem:$0x10E60] =	vst v63  }
0x81: {  	s25 =	rddreg [dreg:$0x18]  }
0x82: {  	[spmem:s30] =	stream.linear.scatter [tilespmem:s15], [sflag:$0x3], $0x320, $0x38;
	[tilespmem:$0x10E60] =	vst v63  }
0x83: {  	s26 =	rddreg [dreg:$0x19]  }
0x84: {  	[spmem:s25] =	stream.linear.scatter [tilespmem:s15], [sflag:$0x3], $0x320, $0x38;
	[tilespmem:$0x10E60] =	vst v63  }
0x85: {  	s29 =	rddreg [dreg:$0x1a]  }
0x86: {  	[spmem:s26] =	stream.linear.scatter [tilespmem:s15], [sflag:$0x3], $0x320, $0x38;
	[tilespmem:$0x10E60] =	vst v63  }
0x87: {  	s30 =	rddreg [dreg:$0x1b]  }
0x88: {  	[spmem:s29] =	stream.linear.scatter [tilespmem:s15], [sflag:$0x3], $0x320, $0x38;
	[tilespmem:$0x10E60] =	vst v63  }
0x89: {  	s25 =	rddreg [dreg:$0x1c]  }
0x8a: {  	[spmem:s30] =	stream.linear.scatter [tilespmem:s15], [sflag:$0x3], $0x320, $0x38;
	[tilespmem:$0x10E60] =	vst v63  }
0x8b: {  	[spmem:s11], [sflag:s14] =	dma.local [hbm:s25], $0x9C4  }
0x8c: {  	[tilespmem:s4], [sflag:$0x1] =	stream.linear.gather [hbm4b:s0+s4], $0x2700, $0x38;
	[tilespmem:$0x10E60] =	vst v63  }
0x8d: {  	s26 =	simm.s32 $0x2780  }
0x8e: {  	[tilespmem:s26], [sflag:$0x2] =	stream.linear.gather [hbm4b:s5+s4], $0x2700, $0x38;
	[tilespmem:$0x10E60] =	vst v63  }
0x8f: {  	s25 =	simm.s32 @!p1 $0x0;
	s26 =	simm.s32 @!p1 $0x2700  }
0x90: {  	[tilespmem:s26], [sflag:$0x1] =	stream.linear.gather @!p1 [hbm4b:s6+s25], $0x80, $0x38;
	[tilespmem:$0x10E60] =	vst v63  }
0x91: {  	s26 =	simm.s32 @!p1 $0x4E80  }
0x92: {  	[tilespmem:s26], [sflag:$0x2] =	stream.linear.gather @!p1 [hbm4b:s7+s25], $0x80, $0x38;
	[tilespmem:$0x10E60] =	vst v63  }
0x93: {  	_ =	swait.ge [sflag:s16], $0x320  }
0x94: {  	[sflag:s16] =	ssyncset.done $0x0  }
0x95: {  	[sflag:s16] =	ssyncadd.s32 $0xFFFFFCE0  }
0x96: {  	_ =	swait.ge [sflag:s16], $0x320  }
0x97: {  	[sflag:s16] =	ssyncset.done $0x0  }
0x98: {  	[sflag:s16] =	ssyncadd.s32 $0xFFFFFCE0  }
0x99: {  	_ =	swait.ge [sflag:s16], $0x320  }
0x9a: {  	[sflag:s16] =	ssyncset.done $0x0  }
0x9b: {  	[sflag:s16] =	ssyncadd.s32 $0xFFFFFCE0  }
0x9c: {  	_ =	swait.ge [sflag:s16], $0x320  }
0x9d: {  	[sflag:s16] =	ssyncset.done $0x0  }
0x9e: {  	[sflag:s16] =	ssyncadd.s32 $0xFFFFFCE0  }
0x9f: {  	_ =	swait.ge [sflag:s16], $0x320  }
0xa0: {  	[sflag:s16] =	ssyncset.done $0x0  }
0xa1: {  	[sflag:s16] =	ssyncadd.s32 $0xFFFFFCE0  }
0xa2: {  	_ =	swait.ge [sflag:s16], $0x320  }
0xa3: {  	[sflag:s16] =	ssyncset.done $0x0  }
0xa4: {  	[sflag:s16] =	ssyncadd.s32 $0xFFFFFCE0  }
0xa5: {  	_ =	swait.ge [sflag:s16], $0x320  }
0xa6: {  	[sflag:s16] =	ssyncset.done $0x0  }
0xa7: {  	[sflag:s16] =	ssyncadd.s32 $0xFFFFFCE0  }
0xa8: {  	_ =	swait.ge [sflag:s16], $0x320  }
0xa9: {  	[sflag:s16] =	ssyncset.done $0x0  }
0xaa: {  	[sflag:s16] =	ssyncadd.s32 $0xFFFFFCE0  }
0xab: {  	_ =	swait.ge [sflag:s16], $0x320  }
0xac: {  	[sflag:s16] =	ssyncset.done $0x0  }
0xad: {  	[sflag:s16] =	ssyncadd.s32 $0xFFFFFCE0  }
0xae: {  	_ =	swait.ge [sflag:s16], $0x320  }
0xaf: {  	[sflag:s16] =	ssyncset.done $0x0  }
0xb0: {  	[sflag:s16] =	ssyncadd.s32 $0xFFFFFCE0  }
0xb1: {  	_ =	swait.ge [sflag:s16], $0x320  }
0xb2: {  	[sflag:s16] =	ssyncset.done $0x0  }
0xb3: {  	[sflag:s16] =	ssyncadd.s32 $0xFFFFFCE0  }
0xb4: {  	_ =	swait.ge [sflag:s16], $0x320  }
0xb5: {  	[sflag:s16] =	ssyncset.done $0x0  }
0xb6: {  	[sflag:s16] =	ssyncadd.s32 $0xFFFFFCE0  }
0xb7: {  	_ =	swait.ge [sflag:s16], $0x320  }
0xb8: {  	[sflag:s16] =	ssyncset.done $0x0  }
0xb9: {  	[sflag:s16] =	ssyncadd.s32 $0xFFFFFCE0  }
0xba: {  	_ =	swait.ge [sflag:s16], $0x320  }
0xbb: {  	[sflag:s16] =	ssyncset.done $0x0  }
0xbc: {  	[sflag:s16] =	ssyncadd.s32 $0xFFFFFCE0  }
0xbd: {  	_ =	swait.ge [sflag:s16], $0x320  }
0xbe: {  	[sflag:s16] =	ssyncset.done $0x0  }
0xbf: {  	[sflag:s16] =	ssyncadd.s32 $0xFFFFFCE0  }
0xc0: {  	_ =	swait.ge [sflag:s16], $0x320  }
0xc1: {  	[sflag:s16] =	ssyncset.done $0x0  }
0xc2: {  	[sflag:s16] =	ssyncadd.s32 $0xFFFFFCE0  }
0xc3: {  	_ =	swait.ge [sflag:s16], $0x320  }
0xc4: {  	[sflag:s16] =	ssyncset.done $0x0  }
0xc5: {  	[sflag:s16] =	ssyncadd.s32 $0xFFFFFCE0  }
0xc6: {  	_ =	swait.ge [sflag:s16], $0x320  }
0xc7: {  	[sflag:s16] =	ssyncset.done $0x0  }
0xc8: {  	[sflag:s16] =	ssyncadd.s32 $0xFFFFFCE0  }
0xc9: {  	_ =	swait.ge [sflag:s16], $0x320  }
0xca: {  	[sflag:s16] =	ssyncset.done $0x0  }
0xcb: {  	[sflag:s16] =	ssyncadd.s32 $0xFFFFFCE0  }
0xcc: {  	_ =	swait.ge [sflag:s16], $0x320  }
0xcd: {  	[sflag:s16] =	ssyncset.done $0x0  }
0xce: {  	[sflag:s16] =	ssyncadd.s32 $0xFFFFFCE0  }
0xcf: {  	_ =	swait.ge [sflag:s16], $0x320  }
0xd0: {  	[sflag:s16] =	ssyncset.done $0x0  }
0xd1: {  	[sflag:s16] =	ssyncadd.s32 $0xFFFFFCE0  }
0xd2: {  	_ =	swait.ge [sflag:s16], $0x320  }
0xd3: {  	[sflag:s16] =	ssyncset.done $0x0  }
0xd4: {  	[sflag:s16] =	ssyncadd.s32 $0xFFFFFCE0  }
0xd5: {  	_ =	swait.ge [sflag:s16], $0x320  }
0xd6: {  	[sflag:s16] =	ssyncset.done $0x0  }
0xd7: {  	[sflag:s16] =	ssyncadd.s32 $0xFFFFFCE0  }
0xd8: {  	_ =	swait.ge [sflag:s16], $0x320  }
0xd9: {  	[sflag:s16] =	ssyncset.done $0x0  }
0xda: {  	[sflag:s16] =	ssyncadd.s32 $0xFFFFFCE0  }
0xdb: {  	_ =	swait.ge [sflag:s16], $0x320  }
0xdc: {  	[sflag:s16] =	ssyncset.done $0x0  }
0xdd: {  	[sflag:s16] =	ssyncadd.s32 $0xFFFFFCE0  }
0xde: {  	_ =	swait.ge [sflag:s17], $0x9C4  }
0xdf: {  	[sflag:s17] =	ssyncset.done $0x0  }
0xe0: {  	[sflag:s17] =	ssyncadd.s32 $0xFFFFF63C  }
0xe1: {  	_ =	swait.ge [sflag:s18], $0x2700  }
0xe2: {  	[sflag:s18] =	ssyncset.done $0x0  }
0xe3: {  	[sflag:s18] =	ssyncadd.s32 $0xFFFFD900  }
0xe4: {  	_ =	swait.ge [sflag:s19], $0x2700  }
0xe5: {  	[sflag:s19] =	ssyncset.done $0x0  }
0xe6: {  	s25 =	simm.s32 @!p1 $0x1;
	[sflag:s19] =	ssyncadd.s32 $0xFFFFD900  }
0xe7: {  	_ =	swait.ge @!p1 [sflag:s25], $0x80  }
0xe8: {  	[sflag:s25] =	ssyncset.done @!p1 $0x0  }
0xe9: {  	[sflag:s25] =	ssyncadd.s32 @!p1 $0xFFFFFF80;
	s25 =	simm.s32 @!p1 $0x2  }
0xea: {  	_ =	swait.ge @!p1 [sflag:s25], $0x80  }
0xeb: {  	[sflag:s25] =	ssyncset.done @!p1 $0x0  }
0xec: {  	[sflag:s25] =	ssyncadd.s32 @!p1 $0xFFFFFF80  }
0xed: {  	[bflag:$0x0] =	sbarrier.arrive $0xFFFF  }
0xee: {  	[tilespmem:s20], [sflag:$0x1] =	stream.indirect.gather [spmem:s3], $0x20, s4, s21, $0xb8;
	[tilespmem:$0x10E60] =	vst v63  }
0xef: {  	_ = 	snop  }
0xf0: {  	[tilespmem:s22], [sflag:$0x2] =	stream.indirect.gather [spmem:s3], $0x20, s21, s21, $0xb8;
	[tilespmem:$0x10E60] =	vst v63  }
0xf1: {  	_ =	swait.ge [sflag:s18], $0x1000  }
0xf2: {  	[sflag:s18] =	ssyncset.done $0x0  }
0xf3: {  	s29 =	simm.s32 $0x2780;
	[sflag:s18] =	ssyncadd.s32 $0xFFFFF000  }
0xf4: {  	[spmem:s2] =	stream.indirect.scatter.add.bf16 [tilespmem:s20], [sflag:$0x5], $0x20, s29, s21, $0xb8;
	[tilespmem:$0x10E60] =	vst v63  }
0xf5: {  	p2 =	sle.u32 s13, $0x2;
	_ =	swait.ge [sflag:s23], $0x1000  }
0xf6: {  	s28 =	simm.s32 @!p2 $0x4F00;
	[sflag:s23] =	ssyncset.done $0x0  }
0xf7: {  	s26 =	simm.s32 @!p2 $0x80;
	s25 =	simm.s32 @!p2 $0x100;
	[sflag:s23] =	ssyncadd.s32 $0xFFFFF000  }
0xf8: {  	[tilespmem:s28], [sflag:$0x1] =	stream.indirect.gather @!p2 [spmem:s3], $0x20, s25, s26, $0xb8;
	[tilespmem:$0x10E60] =	vst v63  }
0xf9: {  	_ =	swait.ge [sflag:s19], $0x1000  }
0xfa: {  	[sflag:s19] =	ssyncset.done $0x0  }
0xfb: {  	s30 =	simm.s32 $0x2800;
	s25 =	simm.s32 $0x4;
	[sflag:s19] =	ssyncadd.s32 $0xFFFFF000  }
0xfc: {  	[spmem:s2] =	stream.indirect.scatter.add.bf16 [tilespmem:s22], [sflag:$0x5], $0x20, s30, s21, $0xb8;
	[tilespmem:$0x10E60] =	vst v63  }
0xfd: {  	s26 =	simm.s32 $0x2900;
	s28 =	simm.s32 $0x80;
	_ =	swait.ge [sflag:s23], $0x1000  }
.LBB2_2:
0xfe: {  	[sflag:s23] =	ssyncset.done $0x0  }
0xff: {  	s28 =	sadd.s32 $0x100, s28;
	s29 =	smov.u32 s25;
	s25 =	sadd.s32 $0x2, s25  }
0x100: {  	p2 =	sne.s32 s25, $0x50;
	[sflag:s23] =	ssyncadd.s32 $0xFFFFF000  }
0x101: {  	[tilespmem:s22], [sflag:$0x2] =	stream.indirect.gather [spmem:s3], $0x20, s28, s21, $0xb8;
	[tilespmem:$0x10E60] =	vst v63  }
0x102: {  	_ =	swait.ge [sflag:s18], $0x1000  }
0x103: {  	s30 =	sadd.s32 $0xFFFFFF80, s26;
	[sflag:s18] =	ssyncset.done $0x0  }
0x104: {  	[sflag:s18] =	ssyncadd.s32 $0xFFFFF000  }
0x105: {  	[spmem:s2] =	stream.indirect.scatter.add.bf16 [tilespmem:s20], [sflag:$0x5], $0x20, s30, s21, $0xb8;
	[tilespmem:$0x10E60] =	vst v63  }
0x106: {  	p3 =	sge.u32 s29, s13;
	_ =	swait.ge [sflag:s23], $0x1000  }
0x107: {  	s29 =	sadd.s32 @!p3 $0x80, s28;
	s30 =	simm.s32 @!p3 $0x80;
	[sflag:s23] =	ssyncset.done $0x0  }
0x108: {  	s1 =	simm.s32 @!p3 $0x4F00;
	[sflag:s23] =	ssyncadd.s32 $0xFFFFF000  }
0x109: {  	[tilespmem:s1], [sflag:$0x1] =	stream.indirect.gather @!p3 [spmem:s3], $0x20, s29, s30, $0xb8;
	[tilespmem:$0x10E60] =	vst v63  }
.Ltmp0:
0x10a: {  	_ =	swait.ge [sflag:s19], $0x1000;
	(pc) =	sbr.rel @p2 .LBB2_2-.Ltmp0, $4  }
0x10b: {  	[sflag:s19] =	ssyncset.done $0x0  }
0x10c: {  	[sflag:s19] =	ssyncadd.s32 $0xFFFFF000  }
0x10d: {  	[spmem:s2] =	stream.indirect.scatter.add.bf16 [tilespmem:s22], [sflag:$0x5], $0x20, s26, s21, $0xb8;
	[tilespmem:$0x10E60] =	vst v63  }
0x10e: {  	s26 =	sadd.s32 $0x100, s26;
	_ =	swait.ge [sflag:s23], $0x1000  }
0x10f: {  	[sflag:s23] =	ssyncset.done $0x0  }
0x110: {  	s1 =	simm.s32 @!p0 $0x1;
	[sflag:s23] =	ssyncadd.s32 $0xFFFFF000  }
0x111: {  	_ =	swait.ge @!p0 [sflag:s1], $0x1000  }
0x112: {  	[sflag:s1] =	ssyncset.done @!p0 $0x0  }
0x113: {  	s25 =	simm.s32 @!p0 $0x4F00;
	[sflag:s1] =	ssyncadd.s32 @!p0 $0xFFFFF000;
	s1 =	simm.s32 @!p0 $0x80  }
0x114: {  	[spmem:s2] =	stream.indirect.scatter.add.bf16 @!p0 [tilespmem:s25], [sflag:$0x5], $0x20, s8, s1, $0xb8;
	[tilespmem:$0x10E60] =	vst v63  }
0x115: {  	s1 =	simm.s32 @!p0 $0x5  }
0x116: {  	_ =	swait.ge @!p0 [sflag:s1], $0x1000  }
0x117: {  	s24 =	sadd.s32 $0x1, s24;
	[sflag:s1] =	ssyncset.done @!p0 $0x0  }
0x118: {  	s29 =	sor.u32 $0x1C05, s12;
	p2 =	sne.s32 s24, s10;
	[sflag:s1] =	ssyncadd.s32 @!p0 $0xFFFFF000  }
.Ltmp1:
0x119: {  	s30 =	sshrl.u32 s31, $0x3;
	[bflag:$0x0] =	sbarrier.arrive $0xFFFF;
	(pc) =	sbr.rel @p2 .LBB2_1-.Ltmp1, $4  }
0x11a: {  	[hbm:s9], [sflag:s29] =	dma.local [spmem:s30], $0x9C4  }
0x11b: {  	_ =	swait.ge [sflag:s23], $0x9C4  }
0x11c: {  	[sflag:s23] =	ssyncset.done $0x0  }
0x11d: {  	[sflag:s23] =	ssyncadd.s32 $0xFFFFF63C  }
0x11e: {  	_ =	sfence.sel $0x180000  }
0x11f: {  	[bflag:$0x0] =	sbarrier.arrive $0xFFFF  }
0x120: {  	_ =	strace $0x90000047  }
0x121: {  	s0 =	stileid.u32;
	[bflag:$0x2] =	sbarrier.arrive $0xFFFF  }
0x122: {  	p0 =	sne.s32 s0, $0x0;
	s0 =	rddreg [dreg:$0x3]  }
0x123: {  	s0 =	sadd.s32 @!p0 $0x100000, s0  }
0x124: {  	[sflag:s0] =	ssyncadd.tile.s32 @!p0 $0x1;
	_ =	shalt  }
.Lfunc_end2:
_tile_overlayer_lowered:
.L_overlay_start_2:
0x125: {  	(tag) =	ssettag $0x2  }
0x126: {  	s0 =	rddreg [dreg:$0x0];
	s2 =	stileid.u32  }
0x127: {  	s1 =	rddreg [dreg:$0x1];
	p0 =	sne.s32 s2, $0x0  }
0x128: {  	s3 =	rddreg [dreg:$0x2];
	[bflag:$0x3] =	sbarrier.arrive $0xFFFF;
	s2 =	simm.s32 @!p0 $0x1C05  }
0x129: {  	[timem:s3], [sflag:s2] =	dma.local @!p0 [hbm:s0], s1  }
0x12a: {  	s0 =	simm.s32 @!p0 $0x5  }
0x12b: {  	_ =	swait.ge @!p0 [sflag:s0], s1  }
0x12c: {  	s1 =	ssub.s32 @!p0 $0x0, s1;
	[sflag:s0] =	ssyncset.done @!p0 $0x0  }
0x12d: {  	[sflag:s0] =	ssyncadd.s32 @!p0 s1  }
0x12e: {  	[bflag:$0x3] =	sbarrier.arrive $0xFFFF  }
0x12f: {  	_ =	shalt  }

</sc_bundles>
